<compile_context>
chip_gen: v7x
topology: tpu7x:2x2x1
jax: 0.10.2.dev20260603
libtpu: 0.0.44.dev20260713+nightly
codegen_flags: <defaults>
</compile_context>

<pallas_src>
import functools

import jax
import jax.numpy as jnp
from jax import lax
from jax.experimental import pallas as pl
from jax.experimental.pallas import tpu as pltpu
from jax.experimental.pallas import tpu_sc as plsc

NF = 26
VOCAB = 1000
ED = 64
NCONT = 13
BATCH = 4096
EPS = 1e-5

NC, NS, L = 2, 16, 16
NW = NC * NS
ROWS_W = BATCH // NW
STEP = ROWS_W
HALF = NF // 2

BT = 256
D_FEAT = NF * ED
KT = D_FEAT // 128


def _gather_body(tab_hbm, idx_hbm, out_hbm, idxv, rows, gsem, osem):
    wid = lax.axis_index("s") * NC + lax.axis_index("c")
    pltpu.sync_copy(idx_hbm.at[wid], idxv)
    for f in range(NF):
        for g in range(STEP // L):
            c = g * L
            idxv[f, pl.ds(c, L)] = idxv[f, pl.ds(c, L)] + (f * VOCAB)
    row0 = wid * ROWS_W
    for h in range(2):
        gathers = [
            pltpu.async_copy(
                tab_hbm.at[idxv.at[h * HALF + t]],
                rows.at[pl.ds(t * STEP, STEP)],
                gsem,
            )
            for t in range(HALF)
        ]
        outs = []
        for t in range(HALF):
            f = h * HALF + t
            gathers[t].wait()
            outs.append(
                pltpu.async_copy(
                    rows.at[pl.ds(t * STEP, STEP)],
                    out_hbm.at[f // 2, pl.ds(row0, ROWS_W),
                               pl.ds((f % 2) * ED, ED)],
                    osem,
                )
            )
        for cp in outs:
            cp.wait()


def _sc_gather(tab, idx3):
    mesh = plsc.VectorSubcoreMesh(
        core_axis_name="c", subcore_axis_name="s", num_cores=NC, num_subcores=NS
    )
    f = pl.kernel(
        _gather_body,
        out_type=jax.ShapeDtypeStruct((KT, BATCH, 128), jnp.float32),
        mesh=mesh,
        scratch_types=[
            pltpu.VMEM((NF, STEP), jnp.int32),
            pltpu.VMEM((HALF * STEP, ED), jnp.float32),
            pltpu.SemaphoreType.DMA,
            pltpu.SemaphoreType.DMA,
        ],
        compiler_params=pltpu.CompilerParams(use_tc_tiling_on_sc=False),
    )
    return f(tab, idx3)


def _mlp_body(
    xf, xc, g0, be0, w1f, w1c, b1, g1, be1, w2, b2, g2, be2, w3, b3, g3, be3,
    wout, bout, out
):
    inv = 1.0 / jnp.sqrt(jnp.float32(1.0) + EPS)
    dot = functools.partial(lax.dot_general, preferred_element_type=jnp.float32)
    ct = (((1,), (1,)), ((), ()))
    bf = jnp.bfloat16
    xcb = ((xc[...] * inv) * g0[...] + be0[...]).astype(bf)
    x2 = jnp.concatenate([xf[c] for c in range(KT)], axis=1).astype(bf)
    h = dot(x2, w1f[...], ct) + dot(xcb, w1c[...], ct)
    h = jnp.maximum(h + b1[...], 0.0)
    h = ((h * inv) * g1[...] + be1[...]).astype(bf)
    h = jnp.maximum(dot(h, w2[...], ct) + b2[...], 0.0)
    h = ((h * inv) * g2[...] + be2[...]).astype(bf)
    h = jnp.maximum(dot(h, w3[...], ct) + b3[...], 0.0)
    h = ((h * inv) * g3[...] + be3[...]).astype(bf)
    out[...] = dot(wout[...], h, ct) + bout[0]


def _row(v):
    return v.reshape(1, -1)


def _full_spec(a):
    return pl.BlockSpec(a.shape, lambda i: tuple(0 for _ in a.shape))


def kernel(x_categories_tensor101, x_continuous_tensor101, emb_tables, bn0_gamma,
           bn0_beta, W1, b1, g1, be1, W2, b2, g2, be2, W3, b3, g3, be3, Wout, bout):
    bf = jnp.bfloat16
    tab = emb_tables.reshape(NF * VOCAB, ED)
    idx3 = (
        x_categories_tensor101.astype(jnp.int32)
        .reshape(NW, ROWS_W, NF)
        .transpose(0, 2, 1)
    )
    xf = _sc_gather(tab, idx3)
    xc = x_continuous_tensor101
    w1f = W1[:, :D_FEAT].astype(bf)
    params = [
        _row(bn0_gamma), _row(bn0_beta),
        w1f, W1[:, D_FEAT:].astype(bf),
        _row(b1), _row(g1), _row(be1),
        W2.astype(bf), _row(b2), _row(g2), _row(be2),
        W3.astype(bf), _row(b3), _row(g3), _row(be3),
        Wout.astype(bf),
    ]
    out = pl.pallas_call(
        _mlp_body,
        grid=(BATCH // BT,),
        in_specs=[
            pl.BlockSpec((KT, BT, 128), lambda i: (0, i, 0)),
            pl.BlockSpec((BT, NCONT), lambda i: (i, 0)),
        ] + [_full_spec(p) for p in params]
          + [pl.BlockSpec(memory_space=pltpu.SMEM)],
        out_specs=pl.BlockSpec((1, BT), lambda i: (0, i)),
        out_shape=jax.ShapeDtypeStruct((1, BATCH), jnp.float32),
    )(xf, xc, *params, bout)
    return out.reshape(BATCH, 1)

# --- scband reference (transcript-rebuilt; emitter-appended) ---
"""Pipeline reference for scband-tabular-regression-model101-20959440405195 (READ-ONLY COPY).

The authoritative reference and input builder live on the scoring server;
editing this copy changes nothing except your own understanding.
"""

import jax, jax.numpy as jnp
import numpy as np

NF = 26
VOCAB = 1000
ED = 64
NCONT = 13
BATCH = 4096
EPS = 1e-5


def setup_inputs(seed: int = 0):
    key = jax.random.key(seed)
    ks = jax.random.split(key, 24)
    d_in = NF * ED + NCONT
    inp = {}
    inp["x_categories_tensor101"] = jax.random.randint(ks[0], (BATCH, NF), 0, VOCAB)
    inp["x_continuous_tensor101"] = jax.random.normal(ks[1], (BATCH, NCONT), dtype=jnp.float32)
    inp["emb_tables"] = jax.random.normal(ks[2], (NF, VOCAB, ED), dtype=jnp.float32) * 0.05
    inp["bn0_gamma"] = jnp.ones((NCONT,), dtype=jnp.float32)
    inp["bn0_beta"] = jnp.zeros((NCONT,), dtype=jnp.float32)
    dims = [d_in, 1024, 512, 256]
    for i in range(3):
        inp["W%d" % (i + 1)] = jax.random.normal(ks[3 + 2 * i], (dims[i + 1], dims[i]), dtype=jnp.float32) * (1.0 / np.sqrt(dims[i]))
        inp["b%d" % (i + 1)] = jnp.zeros((dims[i + 1],), dtype=jnp.float32)
        inp["g%d" % (i + 1)] = jnp.ones((dims[i + 1],), dtype=jnp.float32)
        inp["be%d" % (i + 1)] = jnp.zeros((dims[i + 1],), dtype=jnp.float32)
    inp["Wout"] = jax.random.normal(ks[10], (1, 256), dtype=jnp.float32) * (1.0 / np.sqrt(256))
    inp["bout"] = jnp.zeros((1,), dtype=jnp.float32)
    return inp


def _bn_eval(x, gamma, beta):
    # eval-mode BatchNorm1d: running_mean=0, running_var=1
    return (x / jnp.sqrt(1.0 + EPS)) * gamma + beta


def reference(x_categories_tensor101, x_continuous_tensor101, emb_tables, bn0_gamma, bn0_beta, W1, b1, g1, be1, W2, b2, g2, be2, W3, b3, g3, be3, Wout, bout):
    # per-field embedding lookup: emb_tables[field, idx] -> [B, NF, ED]
    emb = emb_tables[jnp.arange(NF)[None, :], x_categories_tensor101]
    x_feat = emb.reshape(emb.shape[0], NF * ED)
    # dropout is identity in eval mode
    xc = _bn_eval(x_continuous_tensor101, bn0_gamma, bn0_beta)
    x = jnp.concatenate([x_feat, xc], axis=1)
    for W, b, g, be in ((W1, b1, g1, be1), (W2, b2, g2, be2), (W3, b3, g3, be3)):
        x = jax.nn.relu(x @ W.T + b)
        x = _bn_eval(x, g, be)
    return x @ Wout.T + bout

if __name__ == "__main__":
    import jax
    _d = setup_inputs()
    print(jax.jit(kernel)(*tuple(_d.values())))

</pallas_src>

<mosaic_0001>
#map = affine_map<(d0, d1) -> (0, 0)>
#map1 = affine_map<(d0, d1) -> (0, 0, 0)>
module attributes {stable_mosaic.version = 14 : i64} {
  func.func @_gather_body(%arg0: i32, %arg1: i32, %arg2: memref<26000x64xf32, #tpu.memory_space<hbm>>, %arg3: memref<32x26x128xi32, #tpu.memory_space<hbm>>, %arg4: memref<13x4096x128xf32, #tpu.memory_space<hbm>>, %arg5: memref<26x128xi32, #tpu.memory_space<vmem>>, %arg6: memref<1664x64xf32, #tpu.memory_space<vmem>>, %arg7: memref<!tpu.dma_semaphore, #tpu.memory_space<semaphore_mem>>, %arg8: memref<!tpu.dma_semaphore, #tpu.memory_space<semaphore_mem>>) attributes {dimension_semantics = [#tpu.dimension_semantics<core_parallel>, #tpu.dimension_semantics<subcore_parallel>], iteration_bounds = array<i64: 2, 16>, scalar_prefetch = 0 : i64, scratch_operands = 4 : i64, tpu.core_type = #tpu.core_type<sc_vector_subcore>, window_params = [{transform_indices = #map}, {transform_indices = #map1}, {transform_indices = #map1}]} {
    %mul3A = arith.constant 2 : i32
    %mul3A_0 = arith.muli %arg1, %mul3A : i32
    %add3A = arith.addi %mul3A_0, %arg0 : i32
    "tpu.region"() ({
      %run_scoped3A = tpu.sem_alloc : memref<!tpu.dma_semaphore, #tpu.memory_space<semaphore_mem>>
      %dma_start3A_4107 = arith.constant 0 : i32
      %dma_start3A_4108 = arith.constant 0 : i32
      %dma_start3A_4109 = tpu.memref_slice %arg3[%add3A, %dma_start3A_4107, %dma_start3A_4108] : memref<32x26x128xi32, #tpu.memory_space<hbm>> -> memref<1x26x128xi32, #tpu.memory_space<hbm>>
      %dma_start3A_4110 = tpu.memref_squeeze %dma_start3A_4109 : memref<1x26x128xi32, #tpu.memory_space<hbm>> -> memref<26x128xi32, #tpu.memory_space<hbm>>
      %dma_start3A_4111 = arith.constant 0 : i32
      %dma_start3A_4112 = arith.constant 0 : i32
      %dma_start3A_4113 = tpu.memref_slice %arg3[%add3A, %dma_start3A_4111, %dma_start3A_4112] : memref<32x26x128xi32, #tpu.memory_space<hbm>> -> memref<1x26x128xi32, #tpu.memory_space<hbm>>
      %dma_start3A_4114 = tpu.memref_squeeze %dma_start3A_4113 : memref<1x26x128xi32, #tpu.memory_space<hbm>> -> memref<26x128xi32, #tpu.memory_space<hbm>>
      tpu.enqueue_dma source(%dma_start3A_4114 : memref<26x128xi32, #tpu.memory_space<hbm>>) target(%arg5 : memref<26x128xi32, #tpu.memory_space<vmem>>) target_semaphore(%run_scoped3A : memref<!tpu.dma_semaphore, #tpu.memory_space<semaphore_mem>>)
      %dma_wait3A_4115 = arith.constant 0 : i32
      %dma_wait3A_4116 = arith.constant 0 : i32
      %dma_wait3A_4117 = tpu.memref_slice %arg3[%add3A, %dma_wait3A_4115, %dma_wait3A_4116] : memref<32x26x128xi32, #tpu.memory_space<hbm>> -> memref<1x26x128xi32, #tpu.memory_space<hbm>>
      %dma_wait3A_4118 = tpu.memref_squeeze %dma_wait3A_4117 : memref<1x26x128xi32, #tpu.memory_space<hbm>> -> memref<26x128xi32, #tpu.memory_space<hbm>>
      %dma_wait3A_4119 = arith.constant 0 : i32
      %dma_wait3A_4120 = arith.constant 0 : i32
      %dma_wait3A_4121 = tpu.memref_slice %arg3[%add3A, %dma_wait3A_4119, %dma_wait3A_4120] : memref<32x26x128xi32, #tpu.memory_space<hbm>> -> memref<1x26x128xi32, #tpu.memory_space<hbm>>
      %dma_wait3A_4122 = tpu.memref_squeeze %dma_wait3A_4121 : memref<1x26x128xi32, #tpu.memory_space<hbm>> -> memref<26x128xi32, #tpu.memory_space<hbm>>
      tpu.wait_dma2 semaphore(%run_scoped3A : memref<!tpu.dma_semaphore, #tpu.memory_space<semaphore_mem>>) src(%dma_wait3A_4122 : memref<26x128xi32, #tpu.memory_space<hbm>>) dst(%arg5 : memref<26x128xi32, #tpu.memory_space<vmem>>)
      tpu.yield
    }) : () -> ()
    %get3A = arith.constant 0 : i32
    %get3A_1 = arith.index_cast %get3A : i32 to index
    %get3A_2 = arith.constant 0 : index
    %get3A_3 = tpu.vector_load %arg5[%get3A_1, %get3A_2] {strides = array<i32>} : memref<26x128xi32, #tpu.memory_space<vmem>>, vector<1x16xi32>,
    %get3A_4 = vector.shape_cast %get3A_3 : vector<1x16xi32> to vector<16xi32>
    %add3A_5 = arith.constant 0 : i32
    %add3A_6 = vector.broadcast %add3A_5 : i32 to vector<16xi32>
    %add3A_7 = arith.addi %get3A_4, %add3A_6 : vector<16xi32>
    %swap3A = arith.constant 0 : i32
    %swap3A_8 = arith.index_cast %swap3A : i32 to index
    %swap3A_9 = arith.constant 0 : index
    %swap3A_10 = tpu.vector_load %arg5[%swap3A_8, %swap3A_9] {strides = array<i32>} : memref<26x128xi32, #tpu.memory_space<vmem>>, vector<1x16xi32>,
    %swap3A_11 = vector.shape_cast %swap3A_10 : vector<1x16xi32> to vector<16xi32>
    %swap3A_12 = vector.shape_cast %add3A_7 : vector<16xi32> to vector<1x16xi32>
    tpu.vector_store %arg5[%swap3A_8, %swap3A_9], %swap3A_12 {strides = array<i32>} : memref<26x128xi32, #tpu.memory_space<vmem>>, vector<1x16xi32>,
    %get3A_13 = arith.constant 0 : i32
    %get3A_14 = arith.index_cast %get3A_13 : i32 to index
    %get3A_15 = arith.constant 16 : index
    %get3A_16 = tpu.vector_load %arg5[%get3A_14, %get3A_15] {strides = array<i32>} : memref<26x128xi32, #tpu.memory_space<vmem>>, vector<1x16xi32>,
    %get3A_17 = vector.shape_cast %get3A_16 : vector<1x16xi32> to vector<16xi32>
    %add3A_18 = arith.constant 0 : i32
    %add3A_19 = vector.broadcast %add3A_18 : i32 to vector<16xi32>
    %add3A_20 = arith.addi %get3A_17, %add3A_19 : vector<16xi32>
    %swap3A_21 = arith.constant 0 : i32
    %swap3A_22 = arith.index_cast %swap3A_21 : i32 to index
    %swap3A_23 = arith.constant 16 : index
    %swap3A_24 = tpu.vector_load %arg5[%swap3A_22, %swap3A_23] {strides = array<i32>} : memref<26x128xi32, #tpu.memory_space<vmem>>, vector<1x16xi32>,
    %swap3A_25 = vector.shape_cast %swap3A_24 : vector<1x16xi32> to vector<16xi32>
    %swap3A_26 = vector.shape_cast %add3A_20 : vector<16xi32> to vector<1x16xi32>
    tpu.vector_store %arg5[%swap3A_22, %swap3A_23], %swap3A_26 {strides = array<i32>} : memref<26x128xi32, #tpu.memory_space<vmem>>, vector<1x16xi32>,
    %get3A_27 = arith.constant 0 : i32
    %get3A_28 = arith.index_cast %get3A_27 : i32 to index
    %get3A_29 = arith.constant 32 : index
    %get3A_30 = tpu.vector_load %arg5[%get3A_28, %get3A_29] {strides = array<i32>} : memref<26x128xi32, #tpu.memory_space<vmem>>, vector<1x16xi32>,
    %get3A_31 = vector.shape_cast %get3A_30 : vector<1x16xi32> to vector<16xi32>
    %add3A_32 = arith.constant 0 : i32
    %add3A_33 = vector.broadcast %add3A_32 : i32 to vector<16xi32>
    %add3A_34 = arith.addi %get3A_31, %add3A_33 : vector<16xi32>
    %swap3A_35 = arith.constant 0 : i32
    %swap3A_36 = arith.index_cast %swap3A_35 : i32 to index
    %swap3A_37 = arith.constant 32 : index
    %swap3A_38 = tpu.vector_load %arg5[%swap3A_36, %swap3A_37] {strides = array<i32>} : memref<26x128xi32, #tpu.memory_space<vmem>>, vector<1x16xi32>,
    %swap3A_39 = vector.shape_cast %swap3A_38 : vector<1x16xi32> to vector<16xi32>
    %swap3A_40 = vector.shape_cast %add3A_34 : vector<16xi32> to vector<1x16xi32>
    tpu.vector_store %arg5[%swap3A_36, %swap3A_37], %swap3A_40 {strides = array<i32>} : memref<26x128xi32, #tpu.memory_space<vmem>>, vector<1x16xi32>,
    %get3A_41 = arith.constant 0 : i32
    %get3A_42 = arith.index_cast %get3A_41 : i32 to index
    %get3A_43 = arith.constant 48 : index
    %get3A_44 = tpu.vector_load %arg5[%get3A_42, %get3A_43] {strides = array<i32>} : memref<26x128xi32, #tpu.memory_space<vmem>>, vector<1x16xi32>,
    %get3A_45 = vector.shape_cast %get3A_44 : vector<1x16xi32> to vector<16xi32>
    %add3A_46 = arith.constant 0 : i32
    %add3A_47 = vector.broadcast %add3A_46 : i32 to vector<16xi32>
    %add3A_48 = arith.addi %get3A_45, %add3A_47 : vector<16xi32>
    %swap3A_49 = arith.constant 0 : i32
    %swap3A_50 = arith.index_cast %swap3A_49 : i32 to index
    %swap3A_51 = arith.constant 48 : index
    %swap3A_52 = tpu.vector_load %arg5[%swap3A_50, %swap3A_51] {strides = array<i32>} : memref<26x128xi32, #tpu.memory_space<vmem>>, vector<1x16xi32>,
    %swap3A_53 = vector.shape_cast %swap3A_52 : vector<1x16xi32> to vector<16xi32>
    %swap3A_54 = vector.shape_cast %add3A_48 : vector<16xi32> to vector<1x16xi32>
    tpu.vector_store %arg5[%swap3A_50, %swap3A_51], %swap3A_54 {strides = array<i32>} : memref<26x128xi32, #tpu.memory_space<vmem>>, vector<1x16xi32>,
    %get3A_55 = arith.constant 0 : i32
    %get3A_56 = arith.index_cast %get3A_55 : i32 to index
    %get3A_57 = arith.constant 64 : index
    %get3A_58 = tpu.vector_load %arg5[%get3A_56, %get3A_57] {strides = array<i32>} : memref<26x128xi32, #tpu.memory_space<vmem>>, vector<1x16xi32>,
    %get3A_59 = vector.shape_cast %get3A_58 : vector<1x16xi32> to vector<16xi32>
    %add3A_60 = arith.constant 0 : i32
    %add3A_61 = vector.broadcast %add3A_60 : i32 to vector<16xi32>
    %add3A_62 = arith.addi %get3A_59, %add3A_61 : vector<16xi32>
    %swap3A_63 = arith.constant 0 : i32
    %swap3A_64 = arith.index_cast %swap3A_63 : i32 to index
    %swap3A_65 = arith.constant 64 : index
    %swap3A_66 = tpu.vector_load %arg5[%swap3A_64, %swap3A_65] {strides = array<i32>} : memref<26x128xi32, #tpu.memory_space<vmem>>, vector<1x16xi32>,
    %swap3A_67 = vector.shape_cast %swap3A_66 : vector<1x16xi32> to vector<16xi32>
    %swap3A_68 = vector.shape_cast %add3A_62 : vector<16xi32> to vector<1x16xi32>
    tpu.vector_store %arg5[%swap3A_64, %swap3A_65], %swap3A_68 {strides = array<i32>} : memref<26x128xi32, #tpu.memory_space<vmem>>, vector<1x16xi32>,
    %get3A_69 = arith.constant 0 : i32
    %get3A_70 = arith.index_cast %get3A_69 : i32 to index
    %get3A_71 = arith.constant 80 : index
    %get3A_72 = tpu.vector_load %arg5[%get3A_70, %get3A_71] {strides = array<i32>} : memref<26x128xi32, #tpu.memory_space<vmem>>, vector<1x16xi32>,
    %get3A_73 = vector.shape_cast %get3A_72 : vector<1x16xi32> to vector<16xi32>
    %add3A_74 = arith.constant 0 : i32
    %add3A_75 = vector.broadcast %add3A_74 : i32 to vector<16xi32>
    %add3A_76 = arith.addi %get3A_73, %add3A_75 : vector<16xi32>
    %swap3A_77 = arith.constant 0 : i32
    %swap3A_78 = arith.index_cast %swap3A_77 : i32 to index
    %swap3A_79 = arith.constant 80 : index
    %swap3A_80 = tpu.vector_load %arg5[%swap3A_78, %swap3A_79] {strides = array<i32>} : memref<26x128xi32, #tpu.memory_space<vmem>>, vector<1x16xi32>,
    %swap3A_81 = vector.shape_cast %swap3A_80 : vector<1x16xi32> to vector<16xi32>
    %swap3A_82 = vector.shape_cast %add3A_76 : vector<16xi32> to vector<1x16xi32>
    tpu.vector_store %arg5[%swap3A_78, %swap3A_79], %swap3A_82 {strides = array<i32>} : memref<26x128xi32, #tpu.memory_space<vmem>>, vector<1x16xi32>,
    %get3A_83 = arith.constant 0 : i32
    %get3A_84 = arith.index_cast %get3A_83 : i32 to index
    %get3A_85 = arith.constant 96 : index
    %get3A_86 = tpu.vector_load %arg5[%get3A_84, %get3A_85] {strides = array<i32>} : memref<26x128xi32, #tpu.memory_space<vmem>>, vector<1x16xi32>,
    %get3A_87 = vector.shape_cast %get3A_86 : vector<1x16xi32> to vector<16xi32>
    %add3A_88 = arith.constant 0 : i32
    %add3A_89 = vector.broadcast %add3A_88 : i32 to vector<16xi32>
    %add3A_90 = arith.addi %get3A_87, %add3A_89 : vector<16xi32>
    %swap3A_91 = arith.constant 0 : i32
    %swap3A_92 = arith.index_cast %swap3A_91 : i32 to index
    %swap3A_93 = arith.constant 96 : index
    %swap3A_94 = tpu.vector_load %arg5[%swap3A_92, %swap3A_93] {strides = array<i32>} : memref<26x128xi32, #tpu.memory_space<vmem>>, vector<1x16xi32>,
    %swap3A_95 = vector.shape_cast %swap3A_94 : vector<1x16xi32> to vector<16xi32>
    %swap3A_96 = vector.shape_cast %add3A_90 : vector<16xi32> to vector<1x16xi32>
    tpu.vector_store %arg5[%swap3A_92, %swap3A_93], %swap3A_96 {strides = array<i32>} : memref<26x128xi32, #tpu.memory_space<vmem>>, vector<1x16xi32>,
    %get3A_97 = arith.constant 0 : i32
    %get3A_98 = arith.index_cast %get3A_97 : i32 to index
    %get3A_99 = arith.constant 112 : index
    %get3A_100 = tpu.vector_load %arg5[%get3A_98, %get3A_99] {strides = array<i32>} : memref<26x128xi32, #tpu.memory_space<vmem>>, vector<1x16xi32>,
    %get3A_101 = vector.shape_cast %get3A_100 : vector<1x16xi32> to vector<16xi32>
    %add3A_102 = arith.constant 0 : i32
    %add3A_103 = vector.broadcast %add3A_102 : i32 to vector<16xi32>
    %add3A_104 = arith.addi %get3A_101, %add3A_103 : vector<16xi32>
    %swap3A_105 = arith.constant 0 : i32
    %swap3A_106 = arith.index_cast %swap3A_105 : i32 to index
    %swap3A_107 = arith.constant 112 : index
    %swap3A_108 = tpu.vector_load %arg5[%swap3A_106, %swap3A_107] {strides = array<i32>} : memref<26x128xi32, #tpu.memory_space<vmem>>, vector<1x16xi32>,
    %swap3A_109 = vector.shape_cast %swap3A_108 : vector<1x16xi32> to vector<16xi32>
    %swap3A_110 = vector.shape_cast %add3A_104 : vector<16xi32> to vector<1x16xi32>
    tpu.vector_store %arg5[%swap3A_106, %swap3A_107], %swap3A_110 {strides = array<i32>} : memref<26x128xi32, #tpu.memory_space<vmem>>, vector<1x16xi32>,
    %get3A_111 = arith.constant 1 : i32
    %get3A_112 = arith.index_cast %get3A_111 : i32 to index
    %get3A_113 = arith.constant 0 : index
    %get3A_114 = tpu.vector_load %arg5[%get3A_112, %get3A_113] {strides = array<i32>} : memref<26x128xi32, #tpu.memory_space<vmem>>, vector<1x16xi32>,
    %get3A_115 = vector.shape_cast %get3A_114 : vector<1x16xi32> to vector<16xi32>
    %add3A_116 = arith.constant 1000 : i32
    %add3A_117 = vector.broadcast %add3A_116 : i32 to vector<16xi32>
    %add3A_118 = arith.addi %get3A_115, %add3A_117 : vector<16xi32>
    %swap3A_119 = arith.constant 1 : i32
    %swap3A_120 = arith.index_cast %swap3A_119 : i32 to index
    %swap3A_121 = arith.constant 0 : index
    %swap3A_122 = tpu.vector_load %arg5[%swap3A_120, %swap3A_121] {strides = array<i32>} : memref<26x128xi32, #tpu.memory_space<vmem>>, vector<1x16xi32>,
    %swap3A_123 = vector.shape_cast %swap3A_122 : vector<1x16xi32> to vector<16xi32>
    %swap3A_124 = vector.shape_cast %add3A_118 : vector<16xi32> to vector<1x16xi32>
    tpu.vector_store %arg5[%swap3A_120, %swap3A_121], %swap3A_124 {strides = array<i32>} : memref<26x128xi32, #tpu.memory_space<vmem>>, vector<1x16xi32>,
    %get3A_125 = arith.constant 1 : i32
    %get3A_126 = arith.index_cast %get3A_125 : i32 to index
    %get3A_127 = arith.constant 16 : index
    %get3A_128 = tpu.vector_load %arg5[%get3A_126, %get3A_127] {strides = array<i32>} : memref<26x128xi32, #tpu.memory_space<vmem>>, vector<1x16xi32>,
    %get3A_129 = vector.shape_cast %get3A_128 : vector<1x16xi32> to vector<16xi32>
    %add3A_130 = arith.constant 1000 : i32
    %add3A_131 = vector.broadcast %add3A_130 : i32 to vector<16xi32>
    %add3A_132 = arith.addi %get3A_129, %add3A_131 : vector<16xi32>
    %swap3A_133 = arith.constant 1 : i32
    %swap3A_134 = arith.index_cast %swap3A_133 : i32 to index
    %swap3A_135 = arith.constant 16 : index
    %swap3A_136 = tpu.vector_load %arg5[%swap3A_134, %swap3A_135] {strides = array<i32>} : memref<26x128xi32, #tpu.memory_space<vmem>>, vector<1x16xi32>,
    %swap3A_137 = vector.shape_cast %swap3A_136 : vector<1x16xi32> to vector<16xi32>
    %swap3A_138 = vector.shape_cast %add3A_132 : vector<16xi32> to vector<1x16xi32>
    tpu.vector_store %arg5[%swap3A_134, %swap3A_135], %swap3A_138 {strides = array<i32>} : memref<26x128xi32, #tpu.memory_space<vmem>>, vector<1x16xi32>,
    %get3A_139 = arith.constant 1 : i32
    %get3A_140 = arith.index_cast %get3A_139 : i32 to index
    %get3A_141 = arith.constant 32 : index
    %get3A_142 = tpu.vector_load %arg5[%get3A_140, %get3A_141] {strides = array<i32>} : memref<26x128xi32, #tpu.memory_space<vmem>>, vector<1x16xi32>,
    %get3A_143 = vector.shape_cast %get3A_142 : vector<1x16xi32> to vector<16xi32>
    %add3A_144 = arith.constant 1000 : i32
    %add3A_145 = vector.broadcast %add3A_144 : i32 to vector<16xi32>
    %add3A_146 = arith.addi %get3A_143, %add3A_145 : vector<16xi32>
    %swap3A_147 = arith.constant 1 : i32
    %swap3A_148 = arith.index_cast %swap3A_147 : i32 to index
    %swap3A_149 = arith.constant 32 : index
    %swap3A_150 = tpu.vector_load %arg5[%swap3A_148, %swap3A_149] {strides = array<i32>} : memref<26x128xi32, #tpu.memory_space<vmem>>, vector<1x16xi32>,
    %swap3A_151 = vector.shape_cast %swap3A_150 : vector<1x16xi32> to vector<16xi32>
    %swap3A_152 = vector.shape_cast %add3A_146 : vector<16xi32> to vector<1x16xi32>
    tpu.vector_store %arg5[%swap3A_148, %swap3A_149], %swap3A_152 {strides = array<i32>} : memref<26x128xi32, #tpu.memory_space<vmem>>, vector<1x16xi32>,
    %get3A_153 = arith.constant 1 : i32
    %get3A_154 = arith.index_cast %get3A_153 : i32 to index
    %get3A_155 = arith.constant 48 : index
    %get3A_156 = tpu.vector_load %arg5[%get3A_154, %get3A_155] {strides = array<i32>} : memref<26x128xi32, #tpu.memory_space<vmem>>, vector<1x16xi32>,
    %get3A_157 = vector.shape_cast %get3A_156 : vector<1x16xi32> to vector<16xi32>
    %add3A_158 = arith.constant 1000 : i32
    %add3A_159 = vector.broadcast %add3A_158 : i32 to vector<16xi32>
    %add3A_160 = arith.addi %get3A_157, %add3A_159 : vector<16xi32>
    %swap3A_161 = arith.constant 1 : i32
    %swap3A_162 = arith.index_cast %swap3A_161 : i32 to index
    %swap3A_163 = arith.constant 48 : index
    %swap3A_164 = tpu.vector_load %arg5[%swap3A_162, %swap3A_163] {strides = array<i32>} : memref<26x128xi32, #tpu.memory_space<vmem>>, vector<1x16xi32>,
    %swap3A_165 = vector.shape_cast %swap3A_164 : vector<1x16xi32> to vector<16xi32>
    %swap3A_166 = vector.shape_cast %add3A_160 : vector<16xi32> to vector<1x16xi32>
    tpu.vector_store %arg5[%swap3A_162, %swap3A_163], %swap3A_166 {strides = array<i32>} : memref<26x128xi32, #tpu.memory_space<vmem>>, vector<1x16xi32>,
    %get3A_167 = arith.constant 1 : i32
    %get3A_168 = arith.index_cast %get3A_167 : i32 to index
    %get3A_169 = arith.constant 64 : index
    %get3A_170 = tpu.vector_load %arg5[%get3A_168, %get3A_169] {strides = array<i32>} : memref<26x128xi32, #tpu.memory_space<vmem>>, vector<1x16xi32>,
    %get3A_171 = vector.shape_cast %get3A_170 : vector<1x16xi32> to vector<16xi32>
    %add3A_172 = arith.constant 1000 : i32
    %add3A_173 = vector.broadcast %add3A_172 : i32 to vector<16xi32>
    %add3A_174 = arith.addi %get3A_171, %add3A_173 : vector<16xi32>
    %swap3A_175 = arith.constant 1 : i32
    %swap3A_176 = arith.index_cast %swap3A_175 : i32 to index
    %swap3A_177 = arith.constant 64 : index
    %swap3A_178 = tpu.vector_load %arg5[%swap3A_176, %swap3A_177] {strides = array<i32>} : memref<26x128xi32, #tpu.memory_space<vmem>>, vector<1x16xi32>,
    %swap3A_179 = vector.shape_cast %swap3A_178 : vector<1x16xi32> to vector<16xi32>
    %swap3A_180 = vector.shape_cast %add3A_174 : vector<16xi32> to vector<1x16xi32>
    tpu.vector_store %arg5[%swap3A_176, %swap3A_177], %swap3A_180 {strides = array<i32>} : memref<26x128xi32, #tpu.memory_space<vmem>>, vector<1x16xi32>,
    %get3A_181 = arith.constant 1 : i32
    %get3A_182 = arith.index_cast %get3A_181 : i32 to index
    %get3A_183 = arith.constant 80 : index
    %get3A_184 = tpu.vector_load %arg5[%get3A_182, %get3A_183] {strides = array<i32>} : memref<26x128xi32, #tpu.memory_space<vmem>>, vector<1x16xi32>,
    %get3A_185 = vector.shape_cast %get3A_184 : vector<1x16xi32> to vector<16xi32>
    %add3A_186 = arith.constant 1000 : i32
    %add3A_187 = vector.broadcast %add3A_186 : i32 to vector<16xi32>
    %add3A_188 = arith.addi %get3A_185, %add3A_187 : vector<16xi32>
    %swap3A_189 = arith.constant 1 : i32
    %swap3A_190 = arith.index_cast %swap3A_189 : i32 to index
    %swap3A_191 = arith.constant 80 : index
    %swap3A_192 = tpu.vector_load %arg5[%swap3A_190, %swap3A_191] {strides = array<i32>} : memref<26x128xi32, #tpu.memory_space<vmem>>, vector<1x16xi32>,
    %swap3A_193 = vector.shape_cast %swap3A_192 : vector<1x16xi32> to vector<16xi32>
    %swap3A_194 = vector.shape_cast %add3A_188 : vector<16xi32> to vector<1x16xi32>
    tpu.vector_store %arg5[%swap3A_190, %swap3A_191], %swap3A_194 {strides = array<i32>} : memref<26x128xi32, #tpu.memory_space<vmem>>, vector<1x16xi32>,
    %get3A_195 = arith.constant 1 : i32
    %get3A_196 = arith.index_cast %get3A_195 : i32 to index
    %get3A_197 = arith.constant 96 : index
    %get3A_198 = tpu.vector_load %arg5[%get3A_196, %get3A_197] {strides = array<i32>} : memref<26x128xi32, #tpu.memory_space<vmem>>, vector<1x16xi32>,
    %get3A_199 = vector.shape_cast %get3A_198 : vector<1x16xi32> to vector<16xi32>
    %add3A_200 = arith.constant 1000 : i32
    %add3A_201 = vector.broadcast %add3A_200 : i32 to vector<16xi32>
    %add3A_202 = arith.addi %get3A_199, %add3A_201 : vector<16xi32>
    %swap3A_203 = arith.constant 1 : i32
    %swap3A_204 = arith.index_cast %swap3A_203 : i32 to index
    %swap3A_205 = arith.constant 96 : index
    %swap3A_206 = tpu.vector_load %arg5[%swap3A_204, %swap3A_205] {strides = array<i32>} : memref<26x128xi32, #tpu.memory_space<vmem>>, vector<1x16xi32>,
    %swap3A_207 = vector.shape_cast %swap3A_206 : vector<1x16xi32> to vector<16xi32>
    %swap3A_208 = vector.shape_cast %add3A_202 : vector<16xi32> to vector<1x16xi32>
    tpu.vector_store %arg5[%swap3A_204, %swap3A_205], %swap3A_208 {strides = array<i32>} : memref<26x128xi32, #tpu.memory_space<vmem>>, vector<1x16xi32>,
    %get3A_209 = arith.constant 1 : i32
    %get3A_210 = arith.index_cast %get3A_209 : i32 to index
    %get3A_211 = arith.constant 112 : index
    %get3A_212 = tpu.vector_load %arg5[%get3A_210, %get3A_211] {strides = array<i32>} : memref<26x128xi32, #tpu.memory_space<vmem>>, vector<1x16xi32>,
    %get3A_213 = vector.shape_cast %get3A_212 : vector<1x16xi32> to vector<16xi32>
    %add3A_214 = arith.constant 1000 : i32
    %add3A_215 = vector.broadcast %add3A_214 : i32 to vector<16xi32>
    %add3A_216 = arith.addi %get3A_213, %add3A_215 : vector<16xi32>
    %swap3A_217 = arith.constant 1 : i32
    %swap3A_218 = arith.index_cast %swap3A_217 : i32 to index
    %swap3A_219 = arith.constant 112 : index
    %swap3A_220 = tpu.vector_load %arg5[%swap3A_218, %swap3A_219] {strides = array<i32>} : memref<26x128xi32, #tpu.memory_space<vmem>>, vector<1x16xi32>,
    %swap3A_221 = vector.shape_cast %swap3A_220 : vector<1x16xi32> to vector<16xi32>
    %swap3A_222 = vector.shape_cast %add3A_216 : vector<16xi32> to vector<1x16xi32>
    tpu.vector_store %arg5[%swap3A_218, %swap3A_219], %swap3A_222 {strides = array<i32>} : memref<26x128xi32, #tpu.memory_space<vmem>>, vector<1x16xi32>,
    %get3A_223 = arith.constant 2 : i32
    %get3A_224 = arith.index_cast %get3A_223 : i32 to index
    %get3A_225 = arith.constant 0 : index
    %get3A_226 = tpu.vector_load %arg5[%get3A_224, %get3A_225] {strides = array<i32>} : memref<26x128xi32, #tpu.memory_space<vmem>>, vector<1x16xi32>,
    %get3A_227 = vector.shape_cast %get3A_226 : vector<1x16xi32> to vector<16xi32>
    %add3A_228 = arith.constant 2000 : i32
    %add3A_229 = vector.broadcast %add3A_228 : i32 to vector<16xi32>
    %add3A_230 = arith.addi %get3A_227, %add3A_229 : vector<16xi32>
    %swap3A_231 = arith.constant 2 : i32
    %swap3A_232 = arith.index_cast %swap3A_231 : i32 to index
    %swap3A_233 = arith.constant 0 : index
    %swap3A_234 = tpu.vector_load %arg5[%swap3A_232, %swap3A_233] {strides = array<i32>} : memref<26x128xi32, #tpu.memory_space<vmem>>, vector<1x16xi32>,
    %swap3A_235 = vector.shape_cast %swap3A_234 : vector<1x16xi32> to vector<16xi32>
    %swap3A_236 = vector.shape_cast %add3A_230 : vector<16xi32> to vector<1x16xi32>
    tpu.vector_store %arg5[%swap3A_232, %swap3A_233], %swap3A_236 {strides = array<i32>} : memref<26x128xi32, #tpu.memory_space<vmem>>, vector<1x16xi32>,
    %get3A_237 = arith.constant 2 : i32
    %get3A_238 = arith.index_cast %get3A_237 : i32 to index
    %get3A_239 = arith.constant 16 : index
    %get3A_240 = tpu.vector_load %arg5[%get3A_238, %get3A_239] {strides = array<i32>} : memref<26x128xi32, #tpu.memory_space<vmem>>, vector<1x16xi32>,
    %get3A_241 = vector.shape_cast %get3A_240 : vector<1x16xi32> to vector<16xi32>
    %add3A_242 = arith.constant 2000 : i32
    %add3A_243 = vector.broadcast %add3A_242 : i32 to vector<16xi32>
    %add3A_244 = arith.addi %get3A_241, %add3A_243 : vector<16xi32>
    %swap3A_245 = arith.constant 2 : i32
    %swap3A_246 = arith.index_cast %swap3A_245 : i32 to index
    %swap3A_247 = arith.constant 16 : index
    %swap3A_248 = tpu.vector_load %arg5[%swap3A_246, %swap3A_247] {strides = array<i32>} : memref<26x128xi32, #tpu.memory_space<vmem>>, vector<1x16xi32>,
    %swap3A_249 = vector.shape_cast %swap3A_248 : vector<1x16xi32> to vector<16xi32>
    %swap3A_250 = vector.shape_cast %add3A_244 : vector<16xi32> to vector<1x16xi32>
    tpu.vector_store %arg5[%swap3A_246, %swap3A_247], %swap3A_250 {strides = array<i32>} : memref<26x128xi32, #tpu.memory_space<vmem>>, vector<1x16xi32>,
    %get3A_251 = arith.constant 2 : i32
    %get3A_252 = arith.index_cast %get3A_251 : i32 to index
    %get3A_253 = arith.constant 32 : index
    %get3A_254 = tpu.vector_load %arg5[%get3A_252, %get3A_253] {strides = array<i32>} : memref<26x128xi32, #tpu.memory_space<vmem>>, vector<1x16xi32>,
    %get3A_255 = vector.shape_cast %get3A_254 : vector<1x16xi32> to vector<16xi32>
    %add3A_256 = arith.constant 2000 : i32
    %add3A_257 = vector.broadcast %add3A_256 : i32 to vector<16xi32>
    %add3A_258 = arith.addi %get3A_255, %add3A_257 : vector<16xi32>
    %swap3A_259 = arith.constant 2 : i32
    %swap3A_260 = arith.index_cast %swap3A_259 : i32 to index
    %swap3A_261 = arith.constant 32 : index
    %swap3A_262 = tpu.vector_load %arg5[%swap3A_260, %swap3A_261] {strides = array<i32>} : memref<26x128xi32, #tpu.memory_space<vmem>>, vector<1x16xi32>,
    %swap3A_263 = vector.shape_cast %swap3A_262 : vector<1x16xi32> to vector<16xi32>
    %swap3A_264 = vector.shape_cast %add3A_258 : vector<16xi32> to vector<1x16xi32>
    tpu.vector_store %arg5[%swap3A_260, %swap3A_261], %swap3A_264 {strides = array<i32>} : memref<26x128xi32, #tpu.memory_space<vmem>>, vector<1x16xi32>,
    %get3A_265 = arith.constant 2 : i32
    %get3A_266 = arith.index_cast %get3A_265 : i32 to index
    %get3A_267 = arith.constant 48 : index
    %get3A_268 = tpu.vector_load %arg5[%get3A_266, %get3A_267] {strides = array<i32>} : memref<26x128xi32, #tpu.memory_space<vmem>>, vector<1x16xi32>,
    %get3A_269 = vector.shape_cast %get3A_268 : vector<1x16xi32> to vector<16xi32>
    %add3A_270 = arith.constant 2000 : i32
    %add3A_271 = vector.broadcast %add3A_270 : i32 to vector<16xi32>
    %add3A_272 = arith.addi %get3A_269, %add3A_271 : vector<16xi32>
    %swap3A_273 = arith.constant 2 : i32
    %swap3A_274 = arith.index_cast %swap3A_273 : i32 to index
    %swap3A_275 = arith.constant 48 : index
    %swap3A_276 = tpu.vector_load %arg5[%swap3A_274, %swap3A_275] {strides = array<i32>} : memref<26x128xi32, #tpu.memory_space<vmem>>, vector<1x16xi32>,
    %swap3A_277 = vector.shape_cast %swap3A_276 : vector<1x16xi32> to vector<16xi32>
    %swap3A_278 = vector.shape_cast %add3A_272 : vector<16xi32> to vector<1x16xi32>
    tpu.vector_store %arg5[%swap3A_274, %swap3A_275], %swap3A_278 {strides = array<i32>} : memref<26x128xi32, #tpu.memory_space<vmem>>, vector<1x16xi32>,
    %get3A_279 = arith.constant 2 : i32
    %get3A_280 = arith.index_cast %get3A_279 : i32 to index
    %get3A_281 = arith.constant 64 : index
    %get3A_282 = tpu.vector_load %arg5[%get3A_280, %get3A_281] {strides = array<i32>} : memref<26x128xi32, #tpu.memory_space<vmem>>, vector<1x16xi32>,
    %get3A_283 = vector.shape_cast %get3A_282 : vector<1x16xi32> to vector<16xi32>
    %add3A_284 = arith.constant 2000 : i32
    %add3A_285 = vector.broadcast %add3A_284 : i32 to vector<16xi32>
    %add3A_286 = arith.addi %get3A_283, %add3A_285 : vector<16xi32>
    %swap3A_287 = arith.constant 2 : i32
    %swap3A_288 = arith.index_cast %swap3A_287 : i32 to index
    %swap3A_289 = arith.constant 64 : index
    %swap3A_290 = tpu.vector_load %arg5[%swap3A_288, %swap3A_289] {strides = array<i32>} : memref<26x128xi32, #tpu.memory_space<vmem>>, vector<1x16xi32>,
    %swap3A_291 = vector.shape_cast %swap3A_290 : vector<1x16xi32> to vector<16xi32>
    %swap3A_292 = vector.shape_cast %add3A_286 : vector<16xi32> to vector<1x16xi32>
    tpu.vector_store %arg5[%swap3A_288, %swap3A_289], %swap3A_292 {strides = array<i32>} : memref<26x128xi32, #tpu.memory_space<vmem>>, vector<1x16xi32>,
    %get3A_293 = arith.constant 2 : i32
    %get3A_294 = arith.index_cast %get3A_293 : i32 to index
    %get3A_295 = arith.constant 80 : index
    %get3A_296 = tpu.vector_load %arg5[%get3A_294, %get3A_295] {strides = array<i32>} : memref<26x128xi32, #tpu.memory_space<vmem>>, vector<1x16xi32>,
    %get3A_297 = vector.shape_cast %get3A_296 : vector<1x16xi32> to vector<16xi32>
    %add3A_298 = arith.constant 2000 : i32
    %add3A_299 = vector.broadcast %add3A_298 : i32 to vector<16xi32>
    %add3A_300 = arith.addi %get3A_297, %add3A_299 : vector<16xi32>
    %swap3A_301 = arith.constant 2 : i32
    %swap3A_302 = arith.index_cast %swap3A_301 : i32 to index
    %swap3A_303 = arith.constant 80 : index
    %swap3A_304 = tpu.vector_load %arg5[%swap3A_302, %swap3A_303] {strides = array<i32>} : memref<26x128xi32, #tpu.memory_space<vmem>>, vector<1x16xi32>,
    %swap3A_305 = vector.shape_cast %swap3A_304 : vector<1x16xi32> to vector<16xi32>
    %swap3A_306 = vector.shape_cast %add3A_300 : vector<16xi32> to vector<1x16xi32>
    tpu.vector_store %arg5[%swap3A_302, %swap3A_303], %swap3A_306 {strides = array<i32>} : memref<26x128xi32, #tpu.memory_space<vmem>>, vector<1x16xi32>,
    %get3A_307 = arith.constant 2 : i32
    %get3A_308 = arith.index_cast %get3A_307 : i32 to index
    %get3A_309 = arith.constant 96 : index
    %get3A_310 = tpu.vector_load %arg5[%get3A_308, %get3A_309] {strides = array<i32>} : memref<26x128xi32, #tpu.memory_space<vmem>>, vector<1x16xi32>,
    %get3A_311 = vector.shape_cast %get3A_310 : vector<1x16xi32> to vector<16xi32>
    %add3A_312 = arith.constant 2000 : i32
    %add3A_313 = vector.broadcast %add3A_312 : i32 to vector<16xi32>
    %add3A_314 = arith.addi %get3A_311, %add3A_313 : vector<16xi32>
    %swap3A_315 = arith.constant 2 : i32
    %swap3A_316 = arith.index_cast %swap3A_315 : i32 to index
    %swap3A_317 = arith.constant 96 : index
    %swap3A_318 = tpu.vector_load %arg5[%swap3A_316, %swap3A_317] {strides = array<i32>} : memref<26x128xi32, #tpu.memory_space<vmem>>, vector<1x16xi32>,
    %swap3A_319 = vector.shape_cast %swap3A_318 : vector<1x16xi32> to vector<16xi32>
    %swap3A_320 = vector.shape_cast %add3A_314 : vector<16xi32> to vector<1x16xi32>
    tpu.vector_store %arg5[%swap3A_316, %swap3A_317], %swap3A_320 {strides = array<i32>} : memref<26x128xi32, #tpu.memory_space<vmem>>, vector<1x16xi32>,
    %get3A_321 = arith.constant 2 : i32
    %get3A_322 = arith.index_cast %get3A_321 : i32 to index
    %get3A_323 = arith.constant 112 : index
    %get3A_324 = tpu.vector_load %arg5[%get3A_322, %get3A_323] {strides = array<i32>} : memref<26x128xi32, #tpu.memory_space<vmem>>, vector<1x16xi32>,
    %get3A_325 = vector.shape_cast %get3A_324 : vector<1x16xi32> to vector<16xi32>
    %add3A_326 = arith.constant 2000 : i32
    %add3A_327 = vector.broadcast %add3A_326 : i32 to vector<16xi32>
    %add3A_328 = arith.addi %get3A_325, %add3A_327 : vector<16xi32>
    %swap3A_329 = arith.constant 2 : i32
    %swap3A_330 = arith.index_cast %swap3A_329 : i32 to index
    %swap3A_331 = arith.constant 112 : index
    %swap3A_332 = tpu.vector_load %arg5[%swap3A_330, %swap3A_331] {strides = array<i32>} : memref<26x128xi32, #tpu.memory_space<vmem>>, vector<1x16xi32>,
    %swap3A_333 = vector.shape_cast %swap3A_332 : vector<1x16xi32> to vector<16xi32>
    %swap3A_334 = vector.shape_cast %add3A_328 : vector<16xi32> to vector<1x16xi32>
    tpu.vector_store %arg5[%swap3A_330, %swap3A_331], %swap3A_334 {strides = array<i32>} : memref<26x128xi32, #tpu.memory_space<vmem>>, vector<1x16xi32>,
    %get3A_335 = arith.constant 3 : i32
    %get3A_336 = arith.index_cast %get3A_335 : i32 to index
    %get3A_337 = arith.constant 0 : index
    %get3A_338 = tpu.vector_load %arg5[%get3A_336, %get3A_337] {strides = array<i32>} : memref<26x128xi32, #tpu.memory_space<vmem>>, vector<1x16xi32>,
    %get3A_339 = vector.shape_cast %get3A_338 : vector<1x16xi32> to vector<16xi32>
    %add3A_340 = arith.constant 3000 : i32
    %add3A_341 = vector.broadcast %add3A_340 : i32 to vector<16xi32>
    %add3A_342 = arith.addi %get3A_339, %add3A_341 : vector<16xi32>
    %swap3A_343 = arith.constant 3 : i32
    %swap3A_344 = arith.index_cast %swap3A_343 : i32 to index
    %swap3A_345 = arith.constant 0 : index
    %swap3A_346 = tpu.vector_load %arg5[%swap3A_344, %swap3A_345] {strides = array<i32>} : memref<26x128xi32, #tpu.memory_space<vmem>>, vector<1x16xi32>,
    %swap3A_347 = vector.shape_cast %swap3A_346 : vector<1x16xi32> to vector<16xi32>
    %swap3A_348 = vector.shape_cast %add3A_342 : vector<16xi32> to vector<1x16xi32>
    tpu.vector_store %arg5[%swap3A_344, %swap3A_345], %swap3A_348 {strides = array<i32>} : memref<26x128xi32, #tpu.memory_space<vmem>>, vector<1x16xi32>,
    %get3A_349 = arith.constant 3 : i32
    %get3A_350 = arith.index_cast %get3A_349 : i32 to index
    %get3A_351 = arith.constant 16 : index
    %get3A_352 = tpu.vector_load %arg5[%get3A_350, %get3A_351] {strides = array<i32>} : memref<26x128xi32, #tpu.memory_space<vmem>>, vector<1x16xi32>,
    %get3A_353 = vector.shape_cast %get3A_352 : vector<1x16xi32> to vector<16xi32>
    %add3A_354 = arith.constant 3000 : i32
    %add3A_355 = vector.broadcast %add3A_354 : i32 to vector<16xi32>
    %add3A_356 = arith.addi %get3A_353, %add3A_355 : vector<16xi32>
    %swap3A_357 = arith.constant 3 : i32
    %swap3A_358 = arith.index_cast %swap3A_357 : i32 to index
    %swap3A_359 = arith.constant 16 : index
    %swap3A_360 = tpu.vector_load %arg5[%swap3A_358, %swap3A_359] {strides = array<i32>} : memref<26x128xi32, #tpu.memory_space<vmem>>, vector<1x16xi32>,
    %swap3A_361 = vector.shape_cast %swap3A_360 : vector<1x16xi32> to vector<16xi32>
    %swap3A_362 = vector.shape_cast %add3A_356 : vector<16xi32> to vector<1x16xi32>
    tpu.vector_store %arg5[%swap3A_358, %swap3A_359], %swap3A_362 {strides = array<i32>} : memref<26x128xi32, #tpu.memory_space<vmem>>, vector<1x16xi32>,
    %get3A_363 = arith.constant 3 : i32
    %get3A_364 = arith.index_cast %get3A_363 : i32 to index
    %get3A_365 = arith.constant 32 : index
    %get3A_366 = tpu.vector_load %arg5[%get3A_364, %get3A_365] {strides = array<i32>} : memref<26x128xi32, #tpu.memory_space<vmem>>, vector<1x16xi32>,
    %get3A_367 = vector.shape_cast %get3A_366 : vector<1x16xi32> to vector<16xi32>
    %add3A_368 = arith.constant 3000 : i32
    %add3A_369 = vector.broadcast %add3A_368 : i32 to vector<16xi32>
    %add3A_370 = arith.addi %get3A_367, %add3A_369 : vector<16xi32>
    %swap3A_371 = arith.constant 3 : i32
    %swap3A_372 = arith.index_cast %swap3A_371 : i32 to index
    %swap3A_373 = arith.constant 32 : index
    %swap3A_374 = tpu.vector_load %arg5[%swap3A_372, %swap3A_373] {strides = array<i32>} : memref<26x128xi32, #tpu.memory_space<vmem>>, vector<1x16xi32>,
    %swap3A_375 = vector.shape_cast %swap3A_374 : vector<1x16xi32> to vector<16xi32>
    %swap3A_376 = vector.shape_cast %add3A_370 : vector<16xi32> to vector<1x16xi32>
    tpu.vector_store %arg5[%swap3A_372, %swap3A_373], %swap3A_376 {strides = array<i32>} : memref<26x128xi32, #tpu.memory_space<vmem>>, vector<1x16xi32>,
    %get3A_377 = arith.constant 3 : i32
    %get3A_378 = arith.index_cast %get3A_377 : i32 to index
    %get3A_379 = arith.constant 48 : index
    %get3A_380 = tpu.vector_load %arg5[%get3A_378, %get3A_379] {strides = array<i32>} : memref<26x128xi32, #tpu.memory_space<vmem>>, vector<1x16xi32>,
    %get3A_381 = vector.shape_cast %get3A_380 : vector<1x16xi32> to vector<16xi32>
    %add3A_382 = arith.constant 3000 : i32
    %add3A_383 = vector.broadcast %add3A_382 : i32 to vector<16xi32>
    %add3A_384 = arith.addi %get3A_381, %add3A_383 : vector<16xi32>
    %swap3A_385 = arith.constant 3 : i32
    %swap3A_386 = arith.index_cast %swap3A_385 : i32 to index
    %swap3A_387 = arith.constant 48 : index
    %swap3A_388 = tpu.vector_load %arg5[%swap3A_386, %swap3A_387] {strides = array<i32>} : memref<26x128xi32, #tpu.memory_space<vmem>>, vector<1x16xi32>,
    %swap3A_389 = vector.shape_cast %swap3A_388 : vector<1x16xi32> to vector<16xi32>
    %swap3A_390 = vector.shape_cast %add3A_384 : vector<16xi32> to vector<1x16xi32>
    tpu.vector_store %arg5[%swap3A_386, %swap3A_387], %swap3A_390 {strides = array<i32>} : memref<26x128xi32, #tpu.memory_space<vmem>>, vector<1x16xi32>,
    %get3A_391 = arith.constant 3 : i32
    %get3A_392 = arith.index_cast %get3A_391 : i32 to index
    %get3A_393 = arith.constant 64 : index
    %get3A_394 = tpu.vector_load %arg5[%get3A_392, %get3A_393] {strides = array<i32>} : memref<26x128xi32, #tpu.memory_space<vmem>>, vector<1x16xi32>,
    %get3A_395 = vector.shape_cast %get3A_394 : vector<1x16xi32> to vector<16xi32>
    %add3A_396 = arith.constant 3000 : i32
    %add3A_397 = vector.broadcast %add3A_396 : i32 to vector<16xi32>
    %add3A_398 = arith.addi %get3A_395, %add3A_397 : vector<16xi32>
    %swap3A_399 = arith.constant 3 : i32
    %swap3A_400 = arith.index_cast %swap3A_399 : i32 to index
    %swap3A_401 = arith.constant 64 : index
    %swap3A_402 = tpu.vector_load %arg5[%swap3A_400, %swap3A_401] {strides = array<i32>} : memref<26x128xi32, #tpu.memory_space<vmem>>, vector<1x16xi32>,
    %swap3A_403 = vector.shape_cast %swap3A_402 : vector<1x16xi32> to vector<16xi32>
    %swap3A_404 = vector.shape_cast %add3A_398 : vector<16xi32> to vector<1x16xi32>
    tpu.vector_store %arg5[%swap3A_400, %swap3A_401], %swap3A_404 {strides = array<i32>} : memref<26x128xi32, #tpu.memory_space<vmem>>, vector<1x16xi32>,
    %get3A_405 = arith.constant 3 : i32
    %get3A_406 = arith.index_cast %get3A_405 : i32 to index
    %get3A_407 = arith.constant 80 : index
    %get3A_408 = tpu.vector_load %arg5[%get3A_406, %get3A_407] {strides = array<i32>} : memref<26x128xi32, #tpu.memory_space<vmem>>, vector<1x16xi32>,
    %get3A_409 = vector.shape_cast %get3A_408 : vector<1x16xi32> to vector<16xi32>
    %add3A_410 = arith.constant 3000 : i32
    %add3A_411 = vector.broadcast %add3A_410 : i32 to vector<16xi32>
    %add3A_412 = arith.addi %get3A_409, %add3A_411 : vector<16xi32>
    %swap3A_413 = arith.constant 3 : i32
    %swap3A_414 = arith.index_cast %swap3A_413 : i32 to index
    %swap3A_415 = arith.constant 80 : index
    %swap3A_416 = tpu.vector_load %arg5[%swap3A_414, %swap3A_415] {strides = array<i32>} : memref<26x128xi32, #tpu.memory_space<vmem>>, vector<1x16xi32>,
    %swap3A_417 = vector.shape_cast %swap3A_416 : vector<1x16xi32> to vector<16xi32>
    %swap3A_418 = vector.shape_cast %add3A_412 : vector<16xi32> to vector<1x16xi32>
    tpu.vector_store %arg5[%swap3A_414, %swap3A_415], %swap3A_418 {strides = array<i32>} : memref<26x128xi32, #tpu.memory_space<vmem>>, vector<1x16xi32>,
    %get3A_419 = arith.constant 3 : i32
    %get3A_420 = arith.index_cast %get3A_419 : i32 to index
    %get3A_421 = arith.constant 96 : index
    %get3A_422 = tpu.vector_load %arg5[%get3A_420, %get3A_421] {strides = array<i32>} : memref<26x128xi32, #tpu.memory_space<vmem>>, vector<1x16xi32>,
    %get3A_423 = vector.shape_cast %get3A_422 : vector<1x16xi32> to vector<16xi32>
    %add3A_424 = arith.constant 3000 : i32
    %add3A_425 = vector.broadcast %add3A_424 : i32 to vector<16xi32>
    %add3A_426 = arith.addi %get3A_423, %add3A_425 : vector<16xi32>
    %swap3A_427 = arith.constant 3 : i32
    %swap3A_428 = arith.index_cast %swap3A_427 : i32 to index
    %swap3A_429 = arith.constant 96 : index
    %swap3A_430 = tpu.vector_load %arg5[%swap3A_428, %swap3A_429] {strides = array<i32>} : memref<26x128xi32, #tpu.memory_space<vmem>>, vector<1x16xi32>,
    %swap3A_431 = vector.shape_cast %swap3A_430 : vector<1x16xi32> to vector<16xi32>
    %swap3A_432 = vector.shape_cast %add3A_426 : vector<16xi32> to vector<1x16xi32>
    tpu.vector_store %arg5[%swap3A_428, %swap3A_429], %swap3A_432 {strides = array<i32>} : memref<26x128xi32, #tpu.memory_space<vmem>>, vector<1x16xi32>,
    %get3A_433 = arith.constant 3 : i32
    %get3A_434 = arith.index_cast %get3A_433 : i32 to index
    %get3A_435 = arith.constant 112 : index
    %get3A_436 = tpu.vector_load %arg5[%get3A_434, %get3A_435] {strides = array<i32>} : memref<26x128xi32, #tpu.memory_space<vmem>>, vector<1x16xi32>,
    %get3A_437 = vector.shape_cast %get3A_436 : vector<1x16xi32> to vector<16xi32>
    %add3A_438 = arith.constant 3000 : i32
    %add3A_439 = vector.broadcast %add3A_438 : i32 to vector<16xi32>
    %add3A_440 = arith.addi %get3A_437, %add3A_439 : vector<16xi32>
    %swap3A_441 = arith.constant 3 : i32
    %swap3A_442 = arith.index_cast %swap3A_441 : i32 to index
    %swap3A_443 = arith.constant 112 : index
    %swap3A_444 = tpu.vector_load %arg5[%swap3A_442, %swap3A_443] {strides = array<i32>} : memref<26x128xi32, #tpu.memory_space<vmem>>, vector<1x16xi32>,
    %swap3A_445 = vector.shape_cast %swap3A_444 : vector<1x16xi32> to vector<16xi32>
    %swap3A_446 = vector.shape_cast %add3A_440 : vector<16xi32> to vector<1x16xi32>
    tpu.vector_store %arg5[%swap3A_442, %swap3A_443], %swap3A_446 {strides = array<i32>} : memref<26x128xi32, #tpu.memory_space<vmem>>, vector<1x16xi32>,
    %get3A_447 = arith.constant 4 : i32
    %get3A_448 = arith.index_cast %get3A_447 : i32 to index
    %get3A_449 = arith.constant 0 : index
    %get3A_450 = tpu.vector_load %arg5[%get3A_448, %get3A_449] {strides = array<i32>} : memref<26x128xi32, #tpu.memory_space<vmem>>, vector<1x16xi32>,
    %get3A_451 = vector.shape_cast %get3A_450 : vector<1x16xi32> to vector<16xi32>
    %add3A_452 = arith.constant 4000 : i32
    %add3A_453 = vector.broadcast %add3A_452 : i32 to vector<16xi32>
    %add3A_454 = arith.addi %get3A_451, %add3A_453 : vector<16xi32>
    %swap3A_455 = arith.constant 4 : i32
    %swap3A_456 = arith.index_cast %swap3A_455 : i32 to index
    %swap3A_457 = arith.constant 0 : index
    %swap3A_458 = tpu.vector_load %arg5[%swap3A_456, %swap3A_457] {strides = array<i32>} : memref<26x128xi32, #tpu.memory_space<vmem>>, vector<1x16xi32>,
    %swap3A_459 = vector.shape_cast %swap3A_458 : vector<1x16xi32> to vector<16xi32>
    %swap3A_460 = vector.shape_cast %add3A_454 : vector<16xi32> to vector<1x16xi32>
    tpu.vector_store %arg5[%swap3A_456, %swap3A_457], %swap3A_460 {strides = array<i32>} : memref<26x128xi32, #tpu.memory_space<vmem>>, vector<1x16xi32>,
    %get3A_461 = arith.constant 4 : i32
    %get3A_462 = arith.index_cast %get3A_461 : i32 to index
    %get3A_463 = arith.constant 16 : index
    %get3A_464 = tpu.vector_load %arg5[%get3A_462, %get3A_463] {strides = array<i32>} : memref<26x128xi32, #tpu.memory_space<vmem>>, vector<1x16xi32>,
    %get3A_465 = vector.shape_cast %get3A_464 : vector<1x16xi32> to vector<16xi32>
    %add3A_466 = arith.constant 4000 : i32
    %add3A_467 = vector.broadcast %add3A_466 : i32 to vector<16xi32>
    %add3A_468 = arith.addi %get3A_465, %add3A_467 : vector<16xi32>
    %swap3A_469 = arith.constant 4 : i32
    %swap3A_470 = arith.index_cast %swap3A_469 : i32 to index
    %swap3A_471 = arith.constant 16 : index
    %swap3A_472 = tpu.vector_load %arg5[%swap3A_470, %swap3A_471] {strides = array<i32>} : memref<26x128xi32, #tpu.memory_space<vmem>>, vector<1x16xi32>,
    %swap3A_473 = vector.shape_cast %swap3A_472 : vector<1x16xi32> to vector<16xi32>
    %swap3A_474 = vector.shape_cast %add3A_468 : vector<16xi32> to vector<1x16xi32>
    tpu.vector_store %arg5[%swap3A_470, %swap3A_471], %swap3A_474 {strides = array<i32>} : memref<26x128xi32, #tpu.memory_space<vmem>>, vector<1x16xi32>,
    %get3A_475 = arith.constant 4 : i32
    %get3A_476 = arith.index_cast %get3A_475 : i32 to index
    %get3A_477 = arith.constant 32 : index
    %get3A_478 = tpu.vector_load %arg5[%get3A_476, %get3A_477] {strides = array<i32>} : memref<26x128xi32, #tpu.memory_space<vmem>>, vector<1x16xi32>,
    %get3A_479 = vector.shape_cast %get3A_478 : vector<1x16xi32> to vector<16xi32>
    %add3A_480 = arith.constant 4000 : i32
    %add3A_481 = vector.broadcast %add3A_480 : i32 to vector<16xi32>
    %add3A_482 = arith.addi %get3A_479, %add3A_481 : vector<16xi32>
    %swap3A_483 = arith.constant 4 : i32
    %swap3A_484 = arith.index_cast %swap3A_483 : i32 to index
    %swap3A_485 = arith.constant 32 : index
    %swap3A_486 = tpu.vector_load %arg5[%swap3A_484, %swap3A_485] {strides = array<i32>} : memref<26x128xi32, #tpu.memory_space<vmem>>, vector<1x16xi32>,
    %swap3A_487 = vector.shape_cast %swap3A_486 : vector<1x16xi32> to vector<16xi32>
    %swap3A_488 = vector.shape_cast %add3A_482 : vector<16xi32> to vector<1x16xi32>
    tpu.vector_store %arg5[%swap3A_484, %swap3A_485], %swap3A_488 {strides = array<i32>} : memref<26x128xi32, #tpu.memory_space<vmem>>, vector<1x16xi32>,
    %get3A_489 = arith.constant 4 : i32
    %get3A_490 = arith.index_cast %get3A_489 : i32 to index
    %get3A_491 = arith.constant 48 : index
    %get3A_492 = tpu.vector_load %arg5[%get3A_490, %get3A_491] {strides = array<i32>} : memref<26x128xi32, #tpu.memory_space<vmem>>, vector<1x16xi32>,
    %get3A_493 = vector.shape_cast %get3A_492 : vector<1x16xi32> to vector<16xi32>
    %add3A_494 = arith.constant 4000 : i32
    %add3A_495 = vector.broadcast %add3A_494 : i32 to vector<16xi32>
    %add3A_496 = arith.addi %get3A_493, %add3A_495 : vector<16xi32>
    %swap3A_497 = arith.constant 4 : i32
    %swap3A_498 = arith.index_cast %swap3A_497 : i32 to index
    %swap3A_499 = arith.constant 48 : index
    %swap3A_500 = tpu.vector_load %arg5[%swap3A_498, %swap3A_499] {strides = array<i32>} : memref<26x128xi32, #tpu.memory_space<vmem>>, vector<1x16xi32>,
    %swap3A_501 = vector.shape_cast %swap3A_500 : vector<1x16xi32> to vector<16xi32>
    %swap3A_502 = vector.shape_cast %add3A_496 : vector<16xi32> to vector<1x16xi32>
    tpu.vector_store %arg5[%swap3A_498, %swap3A_499], %swap3A_502 {strides = array<i32>} : memref<26x128xi32, #tpu.memory_space<vmem>>, vector<1x16xi32>,
    %get3A_503 = arith.constant 4 : i32
    %get3A_504 = arith.index_cast %get3A_503 : i32 to index
    %get3A_505 = arith.constant 64 : index
    %get3A_506 = tpu.vector_load %arg5[%get3A_504, %get3A_505] {strides = array<i32>} : memref<26x128xi32, #tpu.memory_space<vmem>>, vector<1x16xi32>,
    %get3A_507 = vector.shape_cast %get3A_506 : vector<1x16xi32> to vector<16xi32>
    %add3A_508 = arith.constant 4000 : i32
    %add3A_509 = vector.broadcast %add3A_508 : i32 to vector<16xi32>
    %add3A_510 = arith.addi %get3A_507, %add3A_509 : vector<16xi32>
    %swap3A_511 = arith.constant 4 : i32
    %swap3A_512 = arith.index_cast %swap3A_511 : i32 to index
    %swap3A_513 = arith.constant 64 : index
    %swap3A_514 = tpu.vector_load %arg5[%swap3A_512, %swap3A_513] {strides = array<i32>} : memref<26x128xi32, #tpu.memory_space<vmem>>, vector<1x16xi32>,
    %swap3A_515 = vector.shape_cast %swap3A_514 : vector<1x16xi32> to vector<16xi32>
    %swap3A_516 = vector.shape_cast %add3A_510 : vector<16xi32> to vector<1x16xi32>
    tpu.vector_store %arg5[%swap3A_512, %swap3A_513], %swap3A_516 {strides = array<i32>} : memref<26x128xi32, #tpu.memory_space<vmem>>, vector<1x16xi32>,
    %get3A_517 = arith.constant 4 : i32
    %get3A_518 = arith.index_cast %get3A_517 : i32 to index
    %get3A_519 = arith.constant 80 : index
    %get3A_520 = tpu.vector_load %arg5[%get3A_518, %get3A_519] {strides = array<i32>} : memref<26x128xi32, #tpu.memory_space<vmem>>, vector<1x16xi32>,
    %get3A_521 = vector.shape_cast %get3A_520 : vector<1x16xi32> to vector<16xi32>
    %add3A_522 = arith.constant 4000 : i32
    %add3A_523 = vector.broadcast %add3A_522 : i32 to vector<16xi32>
    %add3A_524 = arith.addi %get3A_521, %add3A_523 : vector<16xi32>
    %swap3A_525 = arith.constant 4 : i32
    %swap3A_526 = arith.index_cast %swap3A_525 : i32 to index
    %swap3A_527 = arith.constant 80 : index
    %swap3A_528 = tpu.vector_load %arg5[%swap3A_526, %swap3A_527] {strides = array<i32>} : memref<26x128xi32, #tpu.memory_space<vmem>>, vector<1x16xi32>,
    %swap3A_529 = vector.shape_cast %swap3A_528 : vector<1x16xi32> to vector<16xi32>
    %swap3A_530 = vector.shape_cast %add3A_524 : vector<16xi32> to vector<1x16xi32>
    tpu.vector_store %arg5[%swap3A_526, %swap3A_527], %swap3A_530 {strides = array<i32>} : memref<26x128xi32, #tpu.memory_space<vmem>>, vector<1x16xi32>,
    %get3A_531 = arith.constant 4 : i32
    %get3A_532 = arith.index_cast %get3A_531 : i32 to index
    %get3A_533 = arith.constant 96 : index
    %get3A_534 = tpu.vector_load %arg5[%get3A_532, %get3A_533] {strides = array<i32>} : memref<26x128xi32, #tpu.memory_space<vmem>>, vector<1x16xi32>,
    %get3A_535 = vector.shape_cast %get3A_534 : vector<1x16xi32> to vector<16xi32>
    %add3A_536 = arith.constant 4000 : i32
    %add3A_537 = vector.broadcast %add3A_536 : i32 to vector<16xi32>
    %add3A_538 = arith.addi %get3A_535, %add3A_537 : vector<16xi32>
    %swap3A_539 = arith.constant 4 : i32
    %swap3A_540 = arith.index_cast %swap3A_539 : i32 to index
    %swap3A_541 = arith.constant 96 : index
    %swap3A_542 = tpu.vector_load %arg5[%swap3A_540, %swap3A_541] {strides = array<i32>} : memref<26x128xi32, #tpu.memory_space<vmem>>, vector<1x16xi32>,
    %swap3A_543 = vector.shape_cast %swap3A_542 : vector<1x16xi32> to vector<16xi32>
    %swap3A_544 = vector.shape_cast %add3A_538 : vector<16xi32> to vector<1x16xi32>
    tpu.vector_store %arg5[%swap3A_540, %swap3A_541], %swap3A_544 {strides = array<i32>} : memref<26x128xi32, #tpu.memory_space<vmem>>, vector<1x16xi32>,
    %get3A_545 = arith.constant 4 : i32
    %get3A_546 = arith.index_cast %get3A_545 : i32 to index
    %get3A_547 = arith.constant 112 : index
    %get3A_548 = tpu.vector_load %arg5[%get3A_546, %get3A_547] {strides = array<i32>} : memref<26x128xi32, #tpu.memory_space<vmem>>, vector<1x16xi32>,
    %get3A_549 = vector.shape_cast %get3A_548 : vector<1x16xi32> to vector<16xi32>
    %add3A_550 = arith.constant 4000 : i32
    %add3A_551 = vector.broadcast %add3A_550 : i32 to vector<16xi32>
    %add3A_552 = arith.addi %get3A_549, %add3A_551 : vector<16xi32>
    %swap3A_553 = arith.constant 4 : i32
    %swap3A_554 = arith.index_cast %swap3A_553 : i32 to index
    %swap3A_555 = arith.constant 112 : index
    %swap3A_556 = tpu.vector_load %arg5[%swap3A_554, %swap3A_555] {strides = array<i32>} : memref<26x128xi32, #tpu.memory_space<vmem>>, vector<1x16xi32>,
    %swap3A_557 = vector.shape_cast %swap3A_556 : vector<1x16xi32> to vector<16xi32>
    %swap3A_558 = vector.shape_cast %add3A_552 : vector<16xi32> to vector<1x16xi32>
    tpu.vector_store %arg5[%swap3A_554, %swap3A_555], %swap3A_558 {strides = array<i32>} : memref<26x128xi32, #tpu.memory_space<vmem>>, vector<1x16xi32>,
    %get3A_559 = arith.constant 5 : i32
    %get3A_560 = arith.index_cast %get3A_559 : i32 to index
    %get3A_561 = arith.constant 0 : index
    %get3A_562 = tpu.vector_load %arg5[%get3A_560, %get3A_561] {strides = array<i32>} : memref<26x128xi32, #tpu.memory_space<vmem>>, vector<1x16xi32>,
    %get3A_563 = vector.shape_cast %get3A_562 : vector<1x16xi32> to vector<16xi32>
    %add3A_564 = arith.constant 5000 : i32
    %add3A_565 = vector.broadcast %add3A_564 : i32 to vector<16xi32>
    %add3A_566 = arith.addi %get3A_563, %add3A_565 : vector<16xi32>
    %swap3A_567 = arith.constant 5 : i32
    %swap3A_568 = arith.index_cast %swap3A_567 : i32 to index
    %swap3A_569 = arith.constant 0 : index
    %swap3A_570 = tpu.vector_load %arg5[%swap3A_568, %swap3A_569] {strides = array<i32>} : memref<26x128xi32, #tpu.memory_space<vmem>>, vector<1x16xi32>,
    %swap3A_571 = vector.shape_cast %swap3A_570 : vector<1x16xi32> to vector<16xi32>
    %swap3A_572 = vector.shape_cast %add3A_566 : vector<16xi32> to vector<1x16xi32>
    tpu.vector_store %arg5[%swap3A_568, %swap3A_569], %swap3A_572 {strides = array<i32>} : memref<26x128xi32, #tpu.memory_space<vmem>>, vector<1x16xi32>,
    %get3A_573 = arith.constant 5 : i32
    %get3A_574 = arith.index_cast %get3A_573 : i32 to index
    %get3A_575 = arith.constant 16 : index
    %get3A_576 = tpu.vector_load %arg5[%get3A_574, %get3A_575] {strides = array<i32>} : memref<26x128xi32, #tpu.memory_space<vmem>>, vector<1x16xi32>,
    %get3A_577 = vector.shape_cast %get3A_576 : vector<1x16xi32> to vector<16xi32>
    %add3A_578 = arith.constant 5000 : i32
    %add3A_579 = vector.broadcast %add3A_578 : i32 to vector<16xi32>
    %add3A_580 = arith.addi %get3A_577, %add3A_579 : vector<16xi32>
    %swap3A_581 = arith.constant 5 : i32
    %swap3A_582 = arith.index_cast %swap3A_581 : i32 to index
    %swap3A_583 = arith.constant 16 : index
    %swap3A_584 = tpu.vector_load %arg5[%swap3A_582, %swap3A_583] {strides = array<i32>} : memref<26x128xi32, #tpu.memory_space<vmem>>, vector<1x16xi32>,
    %swap3A_585 = vector.shape_cast %swap3A_584 : vector<1x16xi32> to vector<16xi32>
    %swap3A_586 = vector.shape_cast %add3A_580 : vector<16xi32> to vector<1x16xi32>
    tpu.vector_store %arg5[%swap3A_582, %swap3A_583], %swap3A_586 {strides = array<i32>} : memref<26x128xi32, #tpu.memory_space<vmem>>, vector<1x16xi32>,
    %get3A_587 = arith.constant 5 : i32
    %get3A_588 = arith.index_cast %get3A_587 : i32 to index
    %get3A_589 = arith.constant 32 : index
    %get3A_590 = tpu.vector_load %arg5[%get3A_588, %get3A_589] {strides = array<i32>} : memref<26x128xi32, #tpu.memory_space<vmem>>, vector<1x16xi32>,
    %get3A_591 = vector.shape_cast %get3A_590 : vector<1x16xi32> to vector<16xi32>
    %add3A_592 = arith.constant 5000 : i32
    %add3A_593 = vector.broadcast %add3A_592 : i32 to vector<16xi32>
    %add3A_594 = arith.addi %get3A_591, %add3A_593 : vector<16xi32>
    %swap3A_595 = arith.constant 5 : i32
    %swap3A_596 = arith.index_cast %swap3A_595 : i32 to index
    %swap3A_597 = arith.constant 32 : index
    %swap3A_598 = tpu.vector_load %arg5[%swap3A_596, %swap3A_597] {strides = array<i32>} : memref<26x128xi32, #tpu.memory_space<vmem>>, vector<1x16xi32>,
    %swap3A_599 = vector.shape_cast %swap3A_598 : vector<1x16xi32> to vector<16xi32>
    %swap3A_600 = vector.shape_cast %add3A_594 : vector<16xi32> to vector<1x16xi32>
    tpu.vector_store %arg5[%swap3A_596, %swap3A_597], %swap3A_600 {strides = array<i32>} : memref<26x128xi32, #tpu.memory_space<vmem>>, vector<1x16xi32>,
    %get3A_601 = arith.constant 5 : i32
    %get3A_602 = arith.index_cast %get3A_601 : i32 to index
    %get3A_603 = arith.constant 48 : index
    %get3A_604 = tpu.vector_load %arg5[%get3A_602, %get3A_603] {strides = array<i32>} : memref<26x128xi32, #tpu.memory_space<vmem>>, vector<1x16xi32>,
    %get3A_605 = vector.shape_cast %get3A_604 : vector<1x16xi32> to vector<16xi32>
    %add3A_606 = arith.constant 5000 : i32
    %add3A_607 = vector.broadcast %add3A_606 : i32 to vector<16xi32>
    %add3A_608 = arith.addi %get3A_605, %add3A_607 : vector<16xi32>
    %swap3A_609 = arith.constant 5 : i32
    %swap3A_610 = arith.index_cast %swap3A_609 : i32 to index
    %swap3A_611 = arith.constant 48 : index
    %swap3A_612 = tpu.vector_load %arg5[%swap3A_610, %swap3A_611] {strides = array<i32>} : memref<26x128xi32, #tpu.memory_space<vmem>>, vector<1x16xi32>,
    %swap3A_613 = vector.shape_cast %swap3A_612 : vector<1x16xi32> to vector<16xi32>
    %swap3A_614 = vector.shape_cast %add3A_608 : vector<16xi32> to vector<1x16xi32>
    tpu.vector_store %arg5[%swap3A_610, %swap3A_611], %swap3A_614 {strides = array<i32>} : memref<26x128xi32, #tpu.memory_space<vmem>>, vector<1x16xi32>,
    %get3A_615 = arith.constant 5 : i32
    %get3A_616 = arith.index_cast %get3A_615 : i32 to index
    %get3A_617 = arith.constant 64 : index
    %get3A_618 = tpu.vector_load %arg5[%get3A_616, %get3A_617] {strides = array<i32>} : memref<26x128xi32, #tpu.memory_space<vmem>>, vector<1x16xi32>,
    %get3A_619 = vector.shape_cast %get3A_618 : vector<1x16xi32> to vector<16xi32>
    %add3A_620 = arith.constant 5000 : i32
    %add3A_621 = vector.broadcast %add3A_620 : i32 to vector<16xi32>
    %add3A_622 = arith.addi %get3A_619, %add3A_621 : vector<16xi32>
    %swap3A_623 = arith.constant 5 : i32
    %swap3A_624 = arith.index_cast %swap3A_623 : i32 to index
    %swap3A_625 = arith.constant 64 : index
    %swap3A_626 = tpu.vector_load %arg5[%swap3A_624, %swap3A_625] {strides = array<i32>} : memref<26x128xi32, #tpu.memory_space<vmem>>, vector<1x16xi32>,
    %swap3A_627 = vector.shape_cast %swap3A_626 : vector<1x16xi32> to vector<16xi32>
    %swap3A_628 = vector.shape_cast %add3A_622 : vector<16xi32> to vector<1x16xi32>
    tpu.vector_store %arg5[%swap3A_624, %swap3A_625], %swap3A_628 {strides = array<i32>} : memref<26x128xi32, #tpu.memory_space<vmem>>, vector<1x16xi32>,
    %get3A_629 = arith.constant 5 : i32
    %get3A_630 = arith.index_cast %get3A_629 : i32 to index
    %get3A_631 = arith.constant 80 : index
    %get3A_632 = tpu.vector_load %arg5[%get3A_630, %get3A_631] {strides = array<i32>} : memref<26x128xi32, #tpu.memory_space<vmem>>, vector<1x16xi32>,
    %get3A_633 = vector.shape_cast %get3A_632 : vector<1x16xi32> to vector<16xi32>
    %add3A_634 = arith.constant 5000 : i32
    %add3A_635 = vector.broadcast %add3A_634 : i32 to vector<16xi32>
    %add3A_636 = arith.addi %get3A_633, %add3A_635 : vector<16xi32>
    %swap3A_637 = arith.constant 5 : i32
    %swap3A_638 = arith.index_cast %swap3A_637 : i32 to index
    %swap3A_639 = arith.constant 80 : index
    %swap3A_640 = tpu.vector_load %arg5[%swap3A_638, %swap3A_639] {strides = array<i32>} : memref<26x128xi32, #tpu.memory_space<vmem>>, vector<1x16xi32>,
    %swap3A_641 = vector.shape_cast %swap3A_640 : vector<1x16xi32> to vector<16xi32>
    %swap3A_642 = vector.shape_cast %add3A_636 : vector<16xi32> to vector<1x16xi32>
    tpu.vector_store %arg5[%swap3A_638, %swap3A_639], %swap3A_642 {strides = array<i32>} : memref<26x128xi32, #tpu.memory_space<vmem>>, vector<1x16xi32>,
    %get3A_643 = arith.constant 5 : i32
    %get3A_644 = arith.index_cast %get3A_643 : i32 to index
    %get3A_645 = arith.constant 96 : index
    %get3A_646 = tpu.vector_load %arg5[%get3A_644, %get3A_645] {strides = array<i32>} : memref<26x128xi32, #tpu.memory_space<vmem>>, vector<1x16xi32>,
    %get3A_647 = vector.shape_cast %get3A_646 : vector<1x16xi32> to vector<16xi32>
    %add3A_648 = arith.constant 5000 : i32
    %add3A_649 = vector.broadcast %add3A_648 : i32 to vector<16xi32>
    %add3A_650 = arith.addi %get3A_647, %add3A_649 : vector<16xi32>
    %swap3A_651 = arith.constant 5 : i32
    %swap3A_652 = arith.index_cast %swap3A_651 : i32 to index
    %swap3A_653 = arith.constant 96 : index
    %swap3A_654 = tpu.vector_load %arg5[%swap3A_652, %swap3A_653] {strides = array<i32>} : memref<26x128xi32, #tpu.memory_space<vmem>>, vector<1x16xi32>,
    %swap3A_655 = vector.shape_cast %swap3A_654 : vector<1x16xi32> to vector<16xi32>
    %swap3A_656 = vector.shape_cast %add3A_650 : vector<16xi32> to vector<1x16xi32>
    tpu.vector_store %arg5[%swap3A_652, %swap3A_653], %swap3A_656 {strides = array<i32>} : memref<26x128xi32, #tpu.memory_space<vmem>>, vector<1x16xi32>,
    %get3A_657 = arith.constant 5 : i32
    %get3A_658 = arith.index_cast %get3A_657 : i32 to index
    %get3A_659 = arith.constant 112 : index
    %get3A_660 = tpu.vector_load %arg5[%get3A_658, %get3A_659] {strides = array<i32>} : memref<26x128xi32, #tpu.memory_space<vmem>>, vector<1x16xi32>,
    %get3A_661 = vector.shape_cast %get3A_660 : vector<1x16xi32> to vector<16xi32>
    %add3A_662 = arith.constant 5000 : i32
    %add3A_663 = vector.broadcast %add3A_662 : i32 to vector<16xi32>
    %add3A_664 = arith.addi %get3A_661, %add3A_663 : vector<16xi32>
    %swap3A_665 = arith.constant 5 : i32
    %swap3A_666 = arith.index_cast %swap3A_665 : i32 to index
    %swap3A_667 = arith.constant 112 : index
    %swap3A_668 = tpu.vector_load %arg5[%swap3A_666, %swap3A_667] {strides = array<i32>} : memref<26x128xi32, #tpu.memory_space<vmem>>, vector<1x16xi32>,
    %swap3A_669 = vector.shape_cast %swap3A_668 : vector<1x16xi32> to vector<16xi32>
    %swap3A_670 = vector.shape_cast %add3A_664 : vector<16xi32> to vector<1x16xi32>
    tpu.vector_store %arg5[%swap3A_666, %swap3A_667], %swap3A_670 {strides = array<i32>} : memref<26x128xi32, #tpu.memory_space<vmem>>, vector<1x16xi32>,
    %get3A_671 = arith.constant 6 : i32
    %get3A_672 = arith.index_cast %get3A_671 : i32 to index
    %get3A_673 = arith.constant 0 : index
    %get3A_674 = tpu.vector_load %arg5[%get3A_672, %get3A_673] {strides = array<i32>} : memref<26x128xi32, #tpu.memory_space<vmem>>, vector<1x16xi32>,
    %get3A_675 = vector.shape_cast %get3A_674 : vector<1x16xi32> to vector<16xi32>
    %add3A_676 = arith.constant 6000 : i32
    %add3A_677 = vector.broadcast %add3A_676 : i32 to vector<16xi32>
    %add3A_678 = arith.addi %get3A_675, %add3A_677 : vector<16xi32>
    %swap3A_679 = arith.constant 6 : i32
    %swap3A_680 = arith.index_cast %swap3A_679 : i32 to index
    %swap3A_681 = arith.constant 0 : index
    %swap3A_682 = tpu.vector_load %arg5[%swap3A_680, %swap3A_681] {strides = array<i32>} : memref<26x128xi32, #tpu.memory_space<vmem>>, vector<1x16xi32>,
    %swap3A_683 = vector.shape_cast %swap3A_682 : vector<1x16xi32> to vector<16xi32>
    %swap3A_684 = vector.shape_cast %add3A_678 : vector<16xi32> to vector<1x16xi32>
    tpu.vector_store %arg5[%swap3A_680, %swap3A_681], %swap3A_684 {strides = array<i32>} : memref<26x128xi32, #tpu.memory_space<vmem>>, vector<1x16xi32>,
    %get3A_685 = arith.constant 6 : i32
    %get3A_686 = arith.index_cast %get3A_685 : i32 to index
    %get3A_687 = arith.constant 16 : index
    %get3A_688 = tpu.vector_load %arg5[%get3A_686, %get3A_687] {strides = array<i32>} : memref<26x128xi32, #tpu.memory_space<vmem>>, vector<1x16xi32>,
    %get3A_689 = vector.shape_cast %get3A_688 : vector<1x16xi32> to vector<16xi32>
    %add3A_690 = arith.constant 6000 : i32
    %add3A_691 = vector.broadcast %add3A_690 : i32 to vector<16xi32>
    %add3A_692 = arith.addi %get3A_689, %add3A_691 : vector<16xi32>
    %swap3A_693 = arith.constant 6 : i32
    %swap3A_694 = arith.index_cast %swap3A_693 : i32 to index
    %swap3A_695 = arith.constant 16 : index
    %swap3A_696 = tpu.vector_load %arg5[%swap3A_694, %swap3A_695] {strides = array<i32>} : memref<26x128xi32, #tpu.memory_space<vmem>>, vector<1x16xi32>,
    %swap3A_697 = vector.shape_cast %swap3A_696 : vector<1x16xi32> to vector<16xi32>
    %swap3A_698 = vector.shape_cast %add3A_692 : vector<16xi32> to vector<1x16xi32>
    tpu.vector_store %arg5[%swap3A_694, %swap3A_695], %swap3A_698 {strides = array<i32>} : memref<26x128xi32, #tpu.memory_space<vmem>>, vector<1x16xi32>,
    %get3A_699 = arith.constant 6 : i32
    %get3A_700 = arith.index_cast %get3A_699 : i32 to index
    %get3A_701 = arith.constant 32 : index
    %get3A_702 = tpu.vector_load %arg5[%get3A_700, %get3A_701] {strides = array<i32>} : memref<26x128xi32, #tpu.memory_space<vmem>>, vector<1x16xi32>,
    %get3A_703 = vector.shape_cast %get3A_702 : vector<1x16xi32> to vector<16xi32>
    %add3A_704 = arith.constant 6000 : i32
    %add3A_705 = vector.broadcast %add3A_704 : i32 to vector<16xi32>
    %add3A_706 = arith.addi %get3A_703, %add3A_705 : vector<16xi32>
    %swap3A_707 = arith.constant 6 : i32
    %swap3A_708 = arith.index_cast %swap3A_707 : i32 to index
    %swap3A_709 = arith.constant 32 : index
    %swap3A_710 = tpu.vector_load %arg5[%swap3A_708, %swap3A_709] {strides = array<i32>} : memref<26x128xi32, #tpu.memory_space<vmem>>, vector<1x16xi32>,
    %swap3A_711 = vector.shape_cast %swap3A_710 : vector<1x16xi32> to vector<16xi32>
    %swap3A_712 = vector.shape_cast %add3A_706 : vector<16xi32> to vector<1x16xi32>
    tpu.vector_store %arg5[%swap3A_708, %swap3A_709], %swap3A_712 {strides = array<i32>} : memref<26x128xi32, #tpu.memory_space<vmem>>, vector<1x16xi32>,
    %get3A_713 = arith.constant 6 : i32
    %get3A_714 = arith.index_cast %get3A_713 : i32 to index
    %get3A_715 = arith.constant 48 : index
    %get3A_716 = tpu.vector_load %arg5[%get3A_714, %get3A_715] {strides = array<i32>} : memref<26x128xi32, #tpu.memory_space<vmem>>, vector<1x16xi32>,
    %get3A_717 = vector.shape_cast %get3A_716 : vector<1x16xi32> to vector<16xi32>
    %add3A_718 = arith.constant 6000 : i32
    %add3A_719 = vector.broadcast %add3A_718 : i32 to vector<16xi32>
    %add3A_720 = arith.addi %get3A_717, %add3A_719 : vector<16xi32>
    %swap3A_721 = arith.constant 6 : i32
    %swap3A_722 = arith.index_cast %swap3A_721 : i32 to index
    %swap3A_723 = arith.constant 48 : index
    %swap3A_724 = tpu.vector_load %arg5[%swap3A_722, %swap3A_723] {strides = array<i32>} : memref<26x128xi32, #tpu.memory_space<vmem>>, vector<1x16xi32>,
    %swap3A_725 = vector.shape_cast %swap3A_724 : vector<1x16xi32> to vector<16xi32>
    %swap3A_726 = vector.shape_cast %add3A_720 : vector<16xi32> to vector<1x16xi32>
    tpu.vector_store %arg5[%swap3A_722, %swap3A_723], %swap3A_726 {strides = array<i32>} : memref<26x128xi32, #tpu.memory_space<vmem>>, vector<1x16xi32>,
    %get3A_727 = arith.constant 6 : i32
    %get3A_728 = arith.index_cast %get3A_727 : i32 to index
    %get3A_729 = arith.constant 64 : index
    %get3A_730 = tpu.vector_load %arg5[%get3A_728, %get3A_729] {strides = array<i32>} : memref<26x128xi32, #tpu.memory_space<vmem>>, vector<1x16xi32>,
    %get3A_731 = vector.shape_cast %get3A_730 : vector<1x16xi32> to vector<16xi32>
    %add3A_732 = arith.constant 6000 : i32
    %add3A_733 = vector.broadcast %add3A_732 : i32 to vector<16xi32>
    %add3A_734 = arith.addi %get3A_731, %add3A_733 : vector<16xi32>
    %swap3A_735 = arith.constant 6 : i32
    %swap3A_736 = arith.index_cast %swap3A_735 : i32 to index
    %swap3A_737 = arith.constant 64 : index
    %swap3A_738 = tpu.vector_load %arg5[%swap3A_736, %swap3A_737] {strides = array<i32>} : memref<26x128xi32, #tpu.memory_space<vmem>>, vector<1x16xi32>,
    %swap3A_739 = vector.shape_cast %swap3A_738 : vector<1x16xi32> to vector<16xi32>
    %swap3A_740 = vector.shape_cast %add3A_734 : vector<16xi32> to vector<1x16xi32>
    tpu.vector_store %arg5[%swap3A_736, %swap3A_737], %swap3A_740 {strides = array<i32>} : memref<26x128xi32, #tpu.memory_space<vmem>>, vector<1x16xi32>,
    %get3A_741 = arith.constant 6 : i32
    %get3A_742 = arith.index_cast %get3A_741 : i32 to index
    %get3A_743 = arith.constant 80 : index
    %get3A_744 = tpu.vector_load %arg5[%get3A_742, %get3A_743] {strides = array<i32>} : memref<26x128xi32, #tpu.memory_space<vmem>>, vector<1x16xi32>,
    %get3A_745 = vector.shape_cast %get3A_744 : vector<1x16xi32> to vector<16xi32>
    %add3A_746 = arith.constant 6000 : i32
    %add3A_747 = vector.broadcast %add3A_746 : i32 to vector<16xi32>
    %add3A_748 = arith.addi %get3A_745, %add3A_747 : vector<16xi32>
    %swap3A_749 = arith.constant 6 : i32
    %swap3A_750 = arith.index_cast %swap3A_749 : i32 to index
    %swap3A_751 = arith.constant 80 : index
    %swap3A_752 = tpu.vector_load %arg5[%swap3A_750, %swap3A_751] {strides = array<i32>} : memref<26x128xi32, #tpu.memory_space<vmem>>, vector<1x16xi32>,
    %swap3A_753 = vector.shape_cast %swap3A_752 : vector<1x16xi32> to vector<16xi32>
    %swap3A_754 = vector.shape_cast %add3A_748 : vector<16xi32> to vector<1x16xi32>
    tpu.vector_store %arg5[%swap3A_750, %swap3A_751], %swap3A_754 {strides = array<i32>} : memref<26x128xi32, #tpu.memory_space<vmem>>, vector<1x16xi32>,
    %get3A_755 = arith.constant 6 : i32
    %get3A_756 = arith.index_cast %get3A_755 : i32 to index
    %get3A_757 = arith.constant 96 : index
    %get3A_758 = tpu.vector_load %arg5[%get3A_756, %get3A_757] {strides = array<i32>} : memref<26x128xi32, #tpu.memory_space<vmem>>, vector<1x16xi32>,
    %get3A_759 = vector.shape_cast %get3A_758 : vector<1x16xi32> to vector<16xi32>
    %add3A_760 = arith.constant 6000 : i32
    %add3A_761 = vector.broadcast %add3A_760 : i32 to vector<16xi32>
    %add3A_762 = arith.addi %get3A_759, %add3A_761 : vector<16xi32>
    %swap3A_763 = arith.constant 6 : i32
    %swap3A_764 = arith.index_cast %swap3A_763 : i32 to index
    %swap3A_765 = arith.constant 96 : index
    %swap3A_766 = tpu.vector_load %arg5[%swap3A_764, %swap3A_765] {strides = array<i32>} : memref<26x128xi32, #tpu.memory_space<vmem>>, vector<1x16xi32>,
    %swap3A_767 = vector.shape_cast %swap3A_766 : vector<1x16xi32> to vector<16xi32>
    %swap3A_768 = vector.shape_cast %add3A_762 : vector<16xi32> to vector<1x16xi32>
    tpu.vector_store %arg5[%swap3A_764, %swap3A_765], %swap3A_768 {strides = array<i32>} : memref<26x128xi32, #tpu.memory_space<vmem>>, vector<1x16xi32>,
    %get3A_769 = arith.constant 6 : i32
    %get3A_770 = arith.index_cast %get3A_769 : i32 to index
    %get3A_771 = arith.constant 112 : index
    %get3A_772 = tpu.vector_load %arg5[%get3A_770, %get3A_771] {strides = array<i32>} : memref<26x128xi32, #tpu.memory_space<vmem>>, vector<1x16xi32>,
    %get3A_773 = vector.shape_cast %get3A_772 : vector<1x16xi32> to vector<16xi32>
    %add3A_774 = arith.constant 6000 : i32
    %add3A_775 = vector.broadcast %add3A_774 : i32 to vector<16xi32>
    %add3A_776 = arith.addi %get3A_773, %add3A_775 : vector<16xi32>
    %swap3A_777 = arith.constant 6 : i32
    %swap3A_778 = arith.index_cast %swap3A_777 : i32 to index
    %swap3A_779 = arith.constant 112 : index
    %swap3A_780 = tpu.vector_load %arg5[%swap3A_778, %swap3A_779] {strides = array<i32>} : memref<26x128xi32, #tpu.memory_space<vmem>>, vector<1x16xi32>,
    %swap3A_781 = vector.shape_cast %swap3A_780 : vector<1x16xi32> to vector<16xi32>
    %swap3A_782 = vector.shape_cast %add3A_776 : vector<16xi32> to vector<1x16xi32>
    tpu.vector_store %arg5[%swap3A_778, %swap3A_779], %swap3A_782 {strides = array<i32>} : memref<26x128xi32, #tpu.memory_space<vmem>>, vector<1x16xi32>,
    %get3A_783 = arith.constant 7 : i32
    %get3A_784 = arith.index_cast %get3A_783 : i32 to index
    %get3A_785 = arith.constant 0 : index
    %get3A_786 = tpu.vector_load %arg5[%get3A_784, %get3A_785] {strides = array<i32>} : memref<26x128xi32, #tpu.memory_space<vmem>>, vector<1x16xi32>,
    %get3A_787 = vector.shape_cast %get3A_786 : vector<1x16xi32> to vector<16xi32>
    %add3A_788 = arith.constant 7000 : i32
    %add3A_789 = vector.broadcast %add3A_788 : i32 to vector<16xi32>
    %add3A_790 = arith.addi %get3A_787, %add3A_789 : vector<16xi32>
    %swap3A_791 = arith.constant 7 : i32
    %swap3A_792 = arith.index_cast %swap3A_791 : i32 to index
    %swap3A_793 = arith.constant 0 : index
    %swap3A_794 = tpu.vector_load %arg5[%swap3A_792, %swap3A_793] {strides = array<i32>} : memref<26x128xi32, #tpu.memory_space<vmem>>, vector<1x16xi32>,
    %swap3A_795 = vector.shape_cast %swap3A_794 : vector<1x16xi32> to vector<16xi32>
    %swap3A_796 = vector.shape_cast %add3A_790 : vector<16xi32> to vector<1x16xi32>
    tpu.vector_store %arg5[%swap3A_792, %swap3A_793], %swap3A_796 {strides = array<i32>} : memref<26x128xi32, #tpu.memory_space<vmem>>, vector<1x16xi32>,
    %get3A_797 = arith.constant 7 : i32
    %get3A_798 = arith.index_cast %get3A_797 : i32 to index
    %get3A_799 = arith.constant 16 : index
    %get3A_800 = tpu.vector_load %arg5[%get3A_798, %get3A_799] {strides = array<i32>} : memref<26x128xi32, #tpu.memory_space<vmem>>, vector<1x16xi32>,
    %get3A_801 = vector.shape_cast %get3A_800 : vector<1x16xi32> to vector<16xi32>
    %add3A_802 = arith.constant 7000 : i32
    %add3A_803 = vector.broadcast %add3A_802 : i32 to vector<16xi32>
    %add3A_804 = arith.addi %get3A_801, %add3A_803 : vector<16xi32>
    %swap3A_805 = arith.constant 7 : i32
    %swap3A_806 = arith.index_cast %swap3A_805 : i32 to index
    %swap3A_807 = arith.constant 16 : index
    %swap3A_808 = tpu.vector_load %arg5[%swap3A_806, %swap3A_807] {strides = array<i32>} : memref<26x128xi32, #tpu.memory_space<vmem>>, vector<1x16xi32>,
    %swap3A_809 = vector.shape_cast %swap3A_808 : vector<1x16xi32> to vector<16xi32>
    %swap3A_810 = vector.shape_cast %add3A_804 : vector<16xi32> to vector<1x16xi32>
    tpu.vector_store %arg5[%swap3A_806, %swap3A_807], %swap3A_810 {strides = array<i32>} : memref<26x128xi32, #tpu.memory_space<vmem>>, vector<1x16xi32>,
    %get3A_811 = arith.constant 7 : i32
    %get3A_812 = arith.index_cast %get3A_811 : i32 to index
    %get3A_813 = arith.constant 32 : index
    %get3A_814 = tpu.vector_load %arg5[%get3A_812, %get3A_813] {strides = array<i32>} : memref<26x128xi32, #tpu.memory_space<vmem>>, vector<1x16xi32>,
    %get3A_815 = vector.shape_cast %get3A_814 : vector<1x16xi32> to vector<16xi32>
    %add3A_816 = arith.constant 7000 : i32
    %add3A_817 = vector.broadcast %add3A_816 : i32 to vector<16xi32>
    %add3A_818 = arith.addi %get3A_815, %add3A_817 : vector<16xi32>
    %swap3A_819 = arith.constant 7 : i32
    %swap3A_820 = arith.index_cast %swap3A_819 : i32 to index
    %swap3A_821 = arith.constant 32 : index
    %swap3A_822 = tpu.vector_load %arg5[%swap3A_820, %swap3A_821] {strides = array<i32>} : memref<26x128xi32, #tpu.memory_space<vmem>>, vector<1x16xi32>,
    %swap3A_823 = vector.shape_cast %swap3A_822 : vector<1x16xi32> to vector<16xi32>
    %swap3A_824 = vector.shape_cast %add3A_818 : vector<16xi32> to vector<1x16xi32>
    tpu.vector_store %arg5[%swap3A_820, %swap3A_821], %swap3A_824 {strides = array<i32>} : memref<26x128xi32, #tpu.memory_space<vmem>>, vector<1x16xi32>,
    %get3A_825 = arith.constant 7 : i32
    %get3A_826 = arith.index_cast %get3A_825 : i32 to index
    %get3A_827 = arith.constant 48 : index
    %get3A_828 = tpu.vector_load %arg5[%get3A_826, %get3A_827] {strides = array<i32>} : memref<26x128xi32, #tpu.memory_space<vmem>>, vector<1x16xi32>,
    %get3A_829 = vector.shape_cast %get3A_828 : vector<1x16xi32> to vector<16xi32>
    %add3A_830 = arith.constant 7000 : i32
    %add3A_831 = vector.broadcast %add3A_830 : i32 to vector<16xi32>
    %add3A_832 = arith.addi %get3A_829, %add3A_831 : vector<16xi32>
    %swap3A_833 = arith.constant 7 : i32
    %swap3A_834 = arith.index_cast %swap3A_833 : i32 to index
    %swap3A_835 = arith.constant 48 : index
    %swap3A_836 = tpu.vector_load %arg5[%swap3A_834, %swap3A_835] {strides = array<i32>} : memref<26x128xi32, #tpu.memory_space<vmem>>, vector<1x16xi32>,
    %swap3A_837 = vector.shape_cast %swap3A_836 : vector<1x16xi32> to vector<16xi32>
    %swap3A_838 = vector.shape_cast %add3A_832 : vector<16xi32> to vector<1x16xi32>
    tpu.vector_store %arg5[%swap3A_834, %swap3A_835], %swap3A_838 {strides = array<i32>} : memref<26x128xi32, #tpu.memory_space<vmem>>, vector<1x16xi32>,
    %get3A_839 = arith.constant 7 : i32
    %get3A_840 = arith.index_cast %get3A_839 : i32 to index
    %get3A_841 = arith.constant 64 : index
    %get3A_842 = tpu.vector_load %arg5[%get3A_840, %get3A_841] {strides = array<i32>} : memref<26x128xi32, #tpu.memory_space<vmem>>, vector<1x16xi32>,
    %get3A_843 = vector.shape_cast %get3A_842 : vector<1x16xi32> to vector<16xi32>
    %add3A_844 = arith.constant 7000 : i32
    %add3A_845 = vector.broadcast %add3A_844 : i32 to vector<16xi32>
    %add3A_846 = arith.addi %get3A_843, %add3A_845 : vector<16xi32>
    %swap3A_847 = arith.constant 7 : i32
    %swap3A_848 = arith.index_cast %swap3A_847 : i32 to index
    %swap3A_849 = arith.constant 64 : index
    %swap3A_850 = tpu.vector_load %arg5[%swap3A_848, %swap3A_849] {strides = array<i32>} : memref<26x128xi32, #tpu.memory_space<vmem>>, vector<1x16xi32>,
    %swap3A_851 = vector.shape_cast %swap3A_850 : vector<1x16xi32> to vector<16xi32>
    %swap3A_852 = vector.shape_cast %add3A_846 : vector<16xi32> to vector<1x16xi32>
    tpu.vector_store %arg5[%swap3A_848, %swap3A_849], %swap3A_852 {strides = array<i32>} : memref<26x128xi32, #tpu.memory_space<vmem>>, vector<1x16xi32>,
    %get3A_853 = arith.constant 7 : i32
    %get3A_854 = arith.index_cast %get3A_853 : i32 to index
    %get3A_855 = arith.constant 80 : index
    %get3A_856 = tpu.vector_load %arg5[%get3A_854, %get3A_855] {strides = array<i32>} : memref<26x128xi32, #tpu.memory_space<vmem>>, vector<1x16xi32>,
    %get3A_857 = vector.shape_cast %get3A_856 : vector<1x16xi32> to vector<16xi32>
    %add3A_858 = arith.constant 7000 : i32
    %add3A_859 = vector.broadcast %add3A_858 : i32 to vector<16xi32>
    %add3A_860 = arith.addi %get3A_857, %add3A_859 : vector<16xi32>
    %swap3A_861 = arith.constant 7 : i32
    %swap3A_862 = arith.index_cast %swap3A_861 : i32 to index
    %swap3A_863 = arith.constant 80 : index
    %swap3A_864 = tpu.vector_load %arg5[%swap3A_862, %swap3A_863] {strides = array<i32>} : memref<26x128xi32, #tpu.memory_space<vmem>>, vector<1x16xi32>,
    %swap3A_865 = vector.shape_cast %swap3A_864 : vector<1x16xi32> to vector<16xi32>
    %swap3A_866 = vector.shape_cast %add3A_860 : vector<16xi32> to vector<1x16xi32>
    tpu.vector_store %arg5[%swap3A_862, %swap3A_863], %swap3A_866 {strides = array<i32>} : memref<26x128xi32, #tpu.memory_space<vmem>>, vector<1x16xi32>,
    %get3A_867 = arith.constant 7 : i32
    %get3A_868 = arith.index_cast %get3A_867 : i32 to index
    %get3A_869 = arith.constant 96 : index
    %get3A_870 = tpu.vector_load %arg5[%get3A_868, %get3A_869] {strides = array<i32>} : memref<26x128xi32, #tpu.memory_space<vmem>>, vector<1x16xi32>,
    %get3A_871 = vector.shape_cast %get3A_870 : vector<1x16xi32> to vector<16xi32>
    %add3A_872 = arith.constant 7000 : i32
    %add3A_873 = vector.broadcast %add3A_872 : i32 to vector<16xi32>
    %add3A_874 = arith.addi %get3A_871, %add3A_873 : vector<16xi32>
    %swap3A_875 = arith.constant 7 : i32
    %swap3A_876 = arith.index_cast %swap3A_875 : i32 to index
    %swap3A_877 = arith.constant 96 : index
    %swap3A_878 = tpu.vector_load %arg5[%swap3A_876, %swap3A_877] {strides = array<i32>} : memref<26x128xi32, #tpu.memory_space<vmem>>, vector<1x16xi32>,
    %swap3A_879 = vector.shape_cast %swap3A_878 : vector<1x16xi32> to vector<16xi32>
    %swap3A_880 = vector.shape_cast %add3A_874 : vector<16xi32> to vector<1x16xi32>
    tpu.vector_store %arg5[%swap3A_876, %swap3A_877], %swap3A_880 {strides = array<i32>} : memref<26x128xi32, #tpu.memory_space<vmem>>, vector<1x16xi32>,
    %get3A_881 = arith.constant 7 : i32
    %get3A_882 = arith.index_cast %get3A_881 : i32 to index
    %get3A_883 = arith.constant 112 : index
    %get3A_884 = tpu.vector_load %arg5[%get3A_882, %get3A_883] {strides = array<i32>} : memref<26x128xi32, #tpu.memory_space<vmem>>, vector<1x16xi32>,
    %get3A_885 = vector.shape_cast %get3A_884 : vector<1x16xi32> to vector<16xi32>
    %add3A_886 = arith.constant 7000 : i32
    %add3A_887 = vector.broadcast %add3A_886 : i32 to vector<16xi32>
    %add3A_888 = arith.addi %get3A_885, %add3A_887 : vector<16xi32>
    %swap3A_889 = arith.constant 7 : i32
    %swap3A_890 = arith.index_cast %swap3A_889 : i32 to index
    %swap3A_891 = arith.constant 112 : index
    %swap3A_892 = tpu.vector_load %arg5[%swap3A_890, %swap3A_891] {strides = array<i32>} : memref<26x128xi32, #tpu.memory_space<vmem>>, vector<1x16xi32>,
    %swap3A_893 = vector.shape_cast %swap3A_892 : vector<1x16xi32> to vector<16xi32>
    %swap3A_894 = vector.shape_cast %add3A_888 : vector<16xi32> to vector<1x16xi32>
    tpu.vector_store %arg5[%swap3A_890, %swap3A_891], %swap3A_894 {strides = array<i32>} : memref<26x128xi32, #tpu.memory_space<vmem>>, vector<1x16xi32>,
    %get3A_895 = arith.constant 8 : i32
    %get3A_896 = arith.index_cast %get3A_895 : i32 to index
    %get3A_897 = arith.constant 0 : index
    %get3A_898 = tpu.vector_load %arg5[%get3A_896, %get3A_897] {strides = array<i32>} : memref<26x128xi32, #tpu.memory_space<vmem>>, vector<1x16xi32>,
    %get3A_899 = vector.shape_cast %get3A_898 : vector<1x16xi32> to vector<16xi32>
    %add3A_900 = arith.constant 8000 : i32
    %add3A_901 = vector.broadcast %add3A_900 : i32 to vector<16xi32>
    %add3A_902 = arith.addi %get3A_899, %add3A_901 : vector<16xi32>
    %swap3A_903 = arith.constant 8 : i32
    %swap3A_904 = arith.index_cast %swap3A_903 : i32 to index
    %swap3A_905 = arith.constant 0 : index
    %swap3A_906 = tpu.vector_load %arg5[%swap3A_904, %swap3A_905] {strides = array<i32>} : memref<26x128xi32, #tpu.memory_space<vmem>>, vector<1x16xi32>,
    %swap3A_907 = vector.shape_cast %swap3A_906 : vector<1x16xi32> to vector<16xi32>
    %swap3A_908 = vector.shape_cast %add3A_902 : vector<16xi32> to vector<1x16xi32>
    tpu.vector_store %arg5[%swap3A_904, %swap3A_905], %swap3A_908 {strides = array<i32>} : memref<26x128xi32, #tpu.memory_space<vmem>>, vector<1x16xi32>,
    %get3A_909 = arith.constant 8 : i32
    %get3A_910 = arith.index_cast %get3A_909 : i32 to index
    %get3A_911 = arith.constant 16 : index
    %get3A_912 = tpu.vector_load %arg5[%get3A_910, %get3A_911] {strides = array<i32>} : memref<26x128xi32, #tpu.memory_space<vmem>>, vector<1x16xi32>,
    %get3A_913 = vector.shape_cast %get3A_912 : vector<1x16xi32> to vector<16xi32>
    %add3A_914 = arith.constant 8000 : i32
    %add3A_915 = vector.broadcast %add3A_914 : i32 to vector<16xi32>
    %add3A_916 = arith.addi %get3A_913, %add3A_915 : vector<16xi32>
    %swap3A_917 = arith.constant 8 : i32
    %swap3A_918 = arith.index_cast %swap3A_917 : i32 to index
    %swap3A_919 = arith.constant 16 : index
    %swap3A_920 = tpu.vector_load %arg5[%swap3A_918, %swap3A_919] {strides = array<i32>} : memref<26x128xi32, #tpu.memory_space<vmem>>, vector<1x16xi32>,
    %swap3A_921 = vector.shape_cast %swap3A_920 : vector<1x16xi32> to vector<16xi32>
    %swap3A_922 = vector.shape_cast %add3A_916 : vector<16xi32> to vector<1x16xi32>
    tpu.vector_store %arg5[%swap3A_918, %swap3A_919], %swap3A_922 {strides = array<i32>} : memref<26x128xi32, #tpu.memory_space<vmem>>, vector<1x16xi32>,
    %get3A_923 = arith.constant 8 : i32
    %get3A_924 = arith.index_cast %get3A_923 : i32 to index
    %get3A_925 = arith.constant 32 : index
    %get3A_926 = tpu.vector_load %arg5[%get3A_924, %get3A_925] {strides = array<i32>} : memref<26x128xi32, #tpu.memory_space<vmem>>, vector<1x16xi32>,
    %get3A_927 = vector.shape_cast %get3A_926 : vector<1x16xi32> to vector<16xi32>
    %add3A_928 = arith.constant 8000 : i32
    %add3A_929 = vector.broadcast %add3A_928 : i32 to vector<16xi32>
    %add3A_930 = arith.addi %get3A_927, %add3A_929 : vector<16xi32>
    %swap3A_931 = arith.constant 8 : i32
    %swap3A_932 = arith.index_cast %swap3A_931 : i32 to index
    %swap3A_933 = arith.constant 32 : index
    %swap3A_934 = tpu.vector_load %arg5[%swap3A_932, %swap3A_933] {strides = array<i32>} : memref<26x128xi32, #tpu.memory_space<vmem>>, vector<1x16xi32>,
    %swap3A_935 = vector.shape_cast %swap3A_934 : vector<1x16xi32> to vector<16xi32>
    %swap3A_936 = vector.shape_cast %add3A_930 : vector<16xi32> to vector<1x16xi32>
    tpu.vector_store %arg5[%swap3A_932, %swap3A_933], %swap3A_936 {strides = array<i32>} : memref<26x128xi32, #tpu.memory_space<vmem>>, vector<1x16xi32>,
    %get3A_937 = arith.constant 8 : i32
    %get3A_938 = arith.index_cast %get3A_937 : i32 to index
    %get3A_939 = arith.constant 48 : index
    %get3A_940 = tpu.vector_load %arg5[%get3A_938, %get3A_939] {strides = array<i32>} : memref<26x128xi32, #tpu.memory_space<vmem>>, vector<1x16xi32>,
    %get3A_941 = vector.shape_cast %get3A_940 : vector<1x16xi32> to vector<16xi32>
    %add3A_942 = arith.constant 8000 : i32
    %add3A_943 = vector.broadcast %add3A_942 : i32 to vector<16xi32>
    %add3A_944 = arith.addi %get3A_941, %add3A_943 : vector<16xi32>
    %swap3A_945 = arith.constant 8 : i32
    %swap3A_946 = arith.index_cast %swap3A_945 : i32 to index
    %swap3A_947 = arith.constant 48 : index
    %swap3A_948 = tpu.vector_load %arg5[%swap3A_946, %swap3A_947] {strides = array<i32>} : memref<26x128xi32, #tpu.memory_space<vmem>>, vector<1x16xi32>,
    %swap3A_949 = vector.shape_cast %swap3A_948 : vector<1x16xi32> to vector<16xi32>
    %swap3A_950 = vector.shape_cast %add3A_944 : vector<16xi32> to vector<1x16xi32>
    tpu.vector_store %arg5[%swap3A_946, %swap3A_947], %swap3A_950 {strides = array<i32>} : memref<26x128xi32, #tpu.memory_space<vmem>>, vector<1x16xi32>,
    %get3A_951 = arith.constant 8 : i32
    %get3A_952 = arith.index_cast %get3A_951 : i32 to index
    %get3A_953 = arith.constant 64 : index
    %get3A_954 = tpu.vector_load %arg5[%get3A_952, %get3A_953] {strides = array<i32>} : memref<26x128xi32, #tpu.memory_space<vmem>>, vector<1x16xi32>,
    %get3A_955 = vector.shape_cast %get3A_954 : vector<1x16xi32> to vector<16xi32>
    %add3A_956 = arith.constant 8000 : i32
    %add3A_957 = vector.broadcast %add3A_956 : i32 to vector<16xi32>
    %add3A_958 = arith.addi %get3A_955, %add3A_957 : vector<16xi32>
    %swap3A_959 = arith.constant 8 : i32
    %swap3A_960 = arith.index_cast %swap3A_959 : i32 to index
    %swap3A_961 = arith.constant 64 : index
    %swap3A_962 = tpu.vector_load %arg5[%swap3A_960, %swap3A_961] {strides = array<i32>} : memref<26x128xi32, #tpu.memory_space<vmem>>, vector<1x16xi32>,
    %swap3A_963 = vector.shape_cast %swap3A_962 : vector<1x16xi32> to vector<16xi32>
    %swap3A_964 = vector.shape_cast %add3A_958 : vector<16xi32> to vector<1x16xi32>
    tpu.vector_store %arg5[%swap3A_960, %swap3A_961], %swap3A_964 {strides = array<i32>} : memref<26x128xi32, #tpu.memory_space<vmem>>, vector<1x16xi32>,
    %get3A_965 = arith.constant 8 : i32
    %get3A_966 = arith.index_cast %get3A_965 : i32 to index
    %get3A_967 = arith.constant 80 : index
    %get3A_968 = tpu.vector_load %arg5[%get3A_966, %get3A_967] {strides = array<i32>} : memref<26x128xi32, #tpu.memory_space<vmem>>, vector<1x16xi32>,
    %get3A_969 = vector.shape_cast %get3A_968 : vector<1x16xi32> to vector<16xi32>
    %add3A_970 = arith.constant 8000 : i32
    %add3A_971 = vector.broadcast %add3A_970 : i32 to vector<16xi32>
    %add3A_972 = arith.addi %get3A_969, %add3A_971 : vector<16xi32>
    %swap3A_973 = arith.constant 8 : i32
    %swap3A_974 = arith.index_cast %swap3A_973 : i32 to index
    %swap3A_975 = arith.constant 80 : index
    %swap3A_976 = tpu.vector_load %arg5[%swap3A_974, %swap3A_975] {strides = array<i32>} : memref<26x128xi32, #tpu.memory_space<vmem>>, vector<1x16xi32>,
    %swap3A_977 = vector.shape_cast %swap3A_976 : vector<1x16xi32> to vector<16xi32>
    %swap3A_978 = vector.shape_cast %add3A_972 : vector<16xi32> to vector<1x16xi32>
    tpu.vector_store %arg5[%swap3A_974, %swap3A_975], %swap3A_978 {strides = array<i32>} : memref<26x128xi32, #tpu.memory_space<vmem>>, vector<1x16xi32>,
    %get3A_979 = arith.constant 8 : i32
    %get3A_980 = arith.index_cast %get3A_979 : i32 to index
    %get3A_981 = arith.constant 96 : index
    %get3A_982 = tpu.vector_load %arg5[%get3A_980, %get3A_981] {strides = array<i32>} : memref<26x128xi32, #tpu.memory_space<vmem>>, vector<1x16xi32>,
    %get3A_983 = vector.shape_cast %get3A_982 : vector<1x16xi32> to vector<16xi32>
    %add3A_984 = arith.constant 8000 : i32
    %add3A_985 = vector.broadcast %add3A_984 : i32 to vector<16xi32>
    %add3A_986 = arith.addi %get3A_983, %add3A_985 : vector<16xi32>
    %swap3A_987 = arith.constant 8 : i32
    %swap3A_988 = arith.index_cast %swap3A_987 : i32 to index
    %swap3A_989 = arith.constant 96 : index
    %swap3A_990 = tpu.vector_load %arg5[%swap3A_988, %swap3A_989] {strides = array<i32>} : memref<26x128xi32, #tpu.memory_space<vmem>>, vector<1x16xi32>,
    %swap3A_991 = vector.shape_cast %swap3A_990 : vector<1x16xi32> to vector<16xi32>
    %swap3A_992 = vector.shape_cast %add3A_986 : vector<16xi32> to vector<1x16xi32>
    tpu.vector_store %arg5[%swap3A_988, %swap3A_989], %swap3A_992 {strides = array<i32>} : memref<26x128xi32, #tpu.memory_space<vmem>>, vector<1x16xi32>,
    %get3A_993 = arith.constant 8 : i32
    %get3A_994 = arith.index_cast %get3A_993 : i32 to index
    %get3A_995 = arith.constant 112 : index
    %get3A_996 = tpu.vector_load %arg5[%get3A_994, %get3A_995] {strides = array<i32>} : memref<26x128xi32, #tpu.memory_space<vmem>>, vector<1x16xi32>,
    %get3A_997 = vector.shape_cast %get3A_996 : vector<1x16xi32> to vector<16xi32>
    %add3A_998 = arith.constant 8000 : i32
    %add3A_999 = vector.broadcast %add3A_998 : i32 to vector<16xi32>
    %add3A_1000 = arith.addi %get3A_997, %add3A_999 : vector<16xi32>
    %swap3A_1001 = arith.constant 8 : i32
    %swap3A_1002 = arith.index_cast %swap3A_1001 : i32 to index
    %swap3A_1003 = arith.constant 112 : index
    %swap3A_1004 = tpu.vector_load %arg5[%swap3A_1002, %swap3A_1003] {strides = array<i32>} : memref<26x128xi32, #tpu.memory_space<vmem>>, vector<1x16xi32>,
    %swap3A_1005 = vector.shape_cast %swap3A_1004 : vector<1x16xi32> to vector<16xi32>
    %swap3A_1006 = vector.shape_cast %add3A_1000 : vector<16xi32> to vector<1x16xi32>
    tpu.vector_store %arg5[%swap3A_1002, %swap3A_1003], %swap3A_1006 {strides = array<i32>} : memref<26x128xi32, #tpu.memory_space<vmem>>, vector<1x16xi32>,
    %get3A_1007 = arith.constant 9 : i32
    %get3A_1008 = arith.index_cast %get3A_1007 : i32 to index
    %get3A_1009 = arith.constant 0 : index
    %get3A_1010 = tpu.vector_load %arg5[%get3A_1008, %get3A_1009] {strides = array<i32>} : memref<26x128xi32, #tpu.memory_space<vmem>>, vector<1x16xi32>,
    %get3A_1011 = vector.shape_cast %get3A_1010 : vector<1x16xi32> to vector<16xi32>
    %add3A_1012 = arith.constant 9000 : i32
    %add3A_1013 = vector.broadcast %add3A_1012 : i32 to vector<16xi32>
    %add3A_1014 = arith.addi %get3A_1011, %add3A_1013 : vector<16xi32>
    %swap3A_1015 = arith.constant 9 : i32
    %swap3A_1016 = arith.index_cast %swap3A_1015 : i32 to index
    %swap3A_1017 = arith.constant 0 : index
    %swap3A_1018 = tpu.vector_load %arg5[%swap3A_1016, %swap3A_1017] {strides = array<i32>} : memref<26x128xi32, #tpu.memory_space<vmem>>, vector<1x16xi32>,
    %swap3A_1019 = vector.shape_cast %swap3A_1018 : vector<1x16xi32> to vector<16xi32>
    %swap3A_1020 = vector.shape_cast %add3A_1014 : vector<16xi32> to vector<1x16xi32>
    tpu.vector_store %arg5[%swap3A_1016, %swap3A_1017], %swap3A_1020 {strides = array<i32>} : memref<26x128xi32, #tpu.memory_space<vmem>>, vector<1x16xi32>,
    %get3A_1021 = arith.constant 9 : i32
    %get3A_1022 = arith.index_cast %get3A_1021 : i32 to index
    %get3A_1023 = arith.constant 16 : index
    %get3A_1024 = tpu.vector_load %arg5[%get3A_1022, %get3A_1023] {strides = array<i32>} : memref<26x128xi32, #tpu.memory_space<vmem>>, vector<1x16xi32>,
    %get3A_1025 = vector.shape_cast %get3A_1024 : vector<1x16xi32> to vector<16xi32>
    %add3A_1026 = arith.constant 9000 : i32
    %add3A_1027 = vector.broadcast %add3A_1026 : i32 to vector<16xi32>
    %add3A_1028 = arith.addi %get3A_1025, %add3A_1027 : vector<16xi32>
    %swap3A_1029 = arith.constant 9 : i32
    %swap3A_1030 = arith.index_cast %swap3A_1029 : i32 to index
    %swap3A_1031 = arith.constant 16 : index
    %swap3A_1032 = tpu.vector_load %arg5[%swap3A_1030, %swap3A_1031] {strides = array<i32>} : memref<26x128xi32, #tpu.memory_space<vmem>>, vector<1x16xi32>,
    %swap3A_1033 = vector.shape_cast %swap3A_1032 : vector<1x16xi32> to vector<16xi32>
    %swap3A_1034 = vector.shape_cast %add3A_1028 : vector<16xi32> to vector<1x16xi32>
    tpu.vector_store %arg5[%swap3A_1030, %swap3A_1031], %swap3A_1034 {strides = array<i32>} : memref<26x128xi32, #tpu.memory_space<vmem>>, vector<1x16xi32>,
    %get3A_1035 = arith.constant 9 : i32
    %get3A_1036 = arith.index_cast %get3A_1035 : i32 to index
    %get3A_1037 = arith.constant 32 : index
    %get3A_1038 = tpu.vector_load %arg5[%get3A_1036, %get3A_1037] {strides = array<i32>} : memref<26x128xi32, #tpu.memory_space<vmem>>, vector<1x16xi32>,
    %get3A_1039 = vector.shape_cast %get3A_1038 : vector<1x16xi32> to vector<16xi32>
    %add3A_1040 = arith.constant 9000 : i32
    %add3A_1041 = vector.broadcast %add3A_1040 : i32 to vector<16xi32>
    %add3A_1042 = arith.addi %get3A_1039, %add3A_1041 : vector<16xi32>
    %swap3A_1043 = arith.constant 9 : i32
    %swap3A_1044 = arith.index_cast %swap3A_1043 : i32 to index
    %swap3A_1045 = arith.constant 32 : index
    %swap3A_1046 = tpu.vector_load %arg5[%swap3A_1044, %swap3A_1045] {strides = array<i32>} : memref<26x128xi32, #tpu.memory_space<vmem>>, vector<1x16xi32>,
    %swap3A_1047 = vector.shape_cast %swap3A_1046 : vector<1x16xi32> to vector<16xi32>
    %swap3A_1048 = vector.shape_cast %add3A_1042 : vector<16xi32> to vector<1x16xi32>
    tpu.vector_store %arg5[%swap3A_1044, %swap3A_1045], %swap3A_1048 {strides = array<i32>} : memref<26x128xi32, #tpu.memory_space<vmem>>, vector<1x16xi32>,
    %get3A_1049 = arith.constant 9 : i32
    %get3A_1050 = arith.index_cast %get3A_1049 : i32 to index
    %get3A_1051 = arith.constant 48 : index
    %get3A_1052 = tpu.vector_load %arg5[%get3A_1050, %get3A_1051] {strides = array<i32>} : memref<26x128xi32, #tpu.memory_space<vmem>>, vector<1x16xi32>,
    %get3A_1053 = vector.shape_cast %get3A_1052 : vector<1x16xi32> to vector<16xi32>
    %add3A_1054 = arith.constant 9000 : i32
    %add3A_1055 = vector.broadcast %add3A_1054 : i32 to vector<16xi32>
    %add3A_1056 = arith.addi %get3A_1053, %add3A_1055 : vector<16xi32>
    %swap3A_1057 = arith.constant 9 : i32
    %swap3A_1058 = arith.index_cast %swap3A_1057 : i32 to index
    %swap3A_1059 = arith.constant 48 : index
    %swap3A_1060 = tpu.vector_load %arg5[%swap3A_1058, %swap3A_1059] {strides = array<i32>} : memref<26x128xi32, #tpu.memory_space<vmem>>, vector<1x16xi32>,
    %swap3A_1061 = vector.shape_cast %swap3A_1060 : vector<1x16xi32> to vector<16xi32>
    %swap3A_1062 = vector.shape_cast %add3A_1056 : vector<16xi32> to vector<1x16xi32>
    tpu.vector_store %arg5[%swap3A_1058, %swap3A_1059], %swap3A_1062 {strides = array<i32>} : memref<26x128xi32, #tpu.memory_space<vmem>>, vector<1x16xi32>,
    %get3A_1063 = arith.constant 9 : i32
    %get3A_1064 = arith.index_cast %get3A_1063 : i32 to index
    %get3A_1065 = arith.constant 64 : index
    %get3A_1066 = tpu.vector_load %arg5[%get3A_1064, %get3A_1065] {strides = array<i32>} : memref<26x128xi32, #tpu.memory_space<vmem>>, vector<1x16xi32>,
    %get3A_1067 = vector.shape_cast %get3A_1066 : vector<1x16xi32> to vector<16xi32>
    %add3A_1068 = arith.constant 9000 : i32
    %add3A_1069 = vector.broadcast %add3A_1068 : i32 to vector<16xi32>
    %add3A_1070 = arith.addi %get3A_1067, %add3A_1069 : vector<16xi32>
    %swap3A_1071 = arith.constant 9 : i32
    %swap3A_1072 = arith.index_cast %swap3A_1071 : i32 to index
    %swap3A_1073 = arith.constant 64 : index
    %swap3A_1074 = tpu.vector_load %arg5[%swap3A_1072, %swap3A_1073] {strides = array<i32>} : memref<26x128xi32, #tpu.memory_space<vmem>>, vector<1x16xi32>,
    %swap3A_1075 = vector.shape_cast %swap3A_1074 : vector<1x16xi32> to vector<16xi32>
    %swap3A_1076 = vector.shape_cast %add3A_1070 : vector<16xi32> to vector<1x16xi32>
    tpu.vector_store %arg5[%swap3A_1072, %swap3A_1073], %swap3A_1076 {strides = array<i32>} : memref<26x128xi32, #tpu.memory_space<vmem>>, vector<1x16xi32>,
    %get3A_1077 = arith.constant 9 : i32
    %get3A_1078 = arith.index_cast %get3A_1077 : i32 to index
    %get3A_1079 = arith.constant 80 : index
    %get3A_1080 = tpu.vector_load %arg5[%get3A_1078, %get3A_1079] {strides = array<i32>} : memref<26x128xi32, #tpu.memory_space<vmem>>, vector<1x16xi32>,
    %get3A_1081 = vector.shape_cast %get3A_1080 : vector<1x16xi32> to vector<16xi32>
    %add3A_1082 = arith.constant 9000 : i32
    %add3A_1083 = vector.broadcast %add3A_1082 : i32 to vector<16xi32>
    %add3A_1084 = arith.addi %get3A_1081, %add3A_1083 : vector<16xi32>
    %swap3A_1085 = arith.constant 9 : i32
    %swap3A_1086 = arith.index_cast %swap3A_1085 : i32 to index
    %swap3A_1087 = arith.constant 80 : index
    %swap3A_1088 = tpu.vector_load %arg5[%swap3A_1086, %swap3A_1087] {strides = array<i32>} : memref<26x128xi32, #tpu.memory_space<vmem>>, vector<1x16xi32>,
    %swap3A_1089 = vector.shape_cast %swap3A_1088 : vector<1x16xi32> to vector<16xi32>
    %swap3A_1090 = vector.shape_cast %add3A_1084 : vector<16xi32> to vector<1x16xi32>
    tpu.vector_store %arg5[%swap3A_1086, %swap3A_1087], %swap3A_1090 {strides = array<i32>} : memref<26x128xi32, #tpu.memory_space<vmem>>, vector<1x16xi32>,
    %get3A_1091 = arith.constant 9 : i32
    %get3A_1092 = arith.index_cast %get3A_1091 : i32 to index
    %get3A_1093 = arith.constant 96 : index
    %get3A_1094 = tpu.vector_load %arg5[%get3A_1092, %get3A_1093] {strides = array<i32>} : memref<26x128xi32, #tpu.memory_space<vmem>>, vector<1x16xi32>,
    %get3A_1095 = vector.shape_cast %get3A_1094 : vector<1x16xi32> to vector<16xi32>
    %add3A_1096 = arith.constant 9000 : i32
    %add3A_1097 = vector.broadcast %add3A_1096 : i32 to vector<16xi32>
    %add3A_1098 = arith.addi %get3A_1095, %add3A_1097 : vector<16xi32>
    %swap3A_1099 = arith.constant 9 : i32
    %swap3A_1100 = arith.index_cast %swap3A_1099 : i32 to index
    %swap3A_1101 = arith.constant 96 : index
    %swap3A_1102 = tpu.vector_load %arg5[%swap3A_1100, %swap3A_1101] {strides = array<i32>} : memref<26x128xi32, #tpu.memory_space<vmem>>, vector<1x16xi32>,
    %swap3A_1103 = vector.shape_cast %swap3A_1102 : vector<1x16xi32> to vector<16xi32>
    %swap3A_1104 = vector.shape_cast %add3A_1098 : vector<16xi32> to vector<1x16xi32>
    tpu.vector_store %arg5[%swap3A_1100, %swap3A_1101], %swap3A_1104 {strides = array<i32>} : memref<26x128xi32, #tpu.memory_space<vmem>>, vector<1x16xi32>,
    %get3A_1105 = arith.constant 9 : i32
    %get3A_1106 = arith.index_cast %get3A_1105 : i32 to index
    %get3A_1107 = arith.constant 112 : index
    %get3A_1108 = tpu.vector_load %arg5[%get3A_1106, %get3A_1107] {strides = array<i32>} : memref<26x128xi32, #tpu.memory_space<vmem>>, vector<1x16xi32>,
    %get3A_1109 = vector.shape_cast %get3A_1108 : vector<1x16xi32> to vector<16xi32>
    %add3A_1110 = arith.constant 9000 : i32
    %add3A_1111 = vector.broadcast %add3A_1110 : i32 to vector<16xi32>
    %add3A_1112 = arith.addi %get3A_1109, %add3A_1111 : vector<16xi32>
    %swap3A_1113 = arith.constant 9 : i32
    %swap3A_1114 = arith.index_cast %swap3A_1113 : i32 to index
    %swap3A_1115 = arith.constant 112 : index
    %swap3A_1116 = tpu.vector_load %arg5[%swap3A_1114, %swap3A_1115] {strides = array<i32>} : memref<26x128xi32, #tpu.memory_space<vmem>>, vector<1x16xi32>,
    %swap3A_1117 = vector.shape_cast %swap3A_1116 : vector<1x16xi32> to vector<16xi32>
    %swap3A_1118 = vector.shape_cast %add3A_1112 : vector<16xi32> to vector<1x16xi32>
    tpu.vector_store %arg5[%swap3A_1114, %swap3A_1115], %swap3A_1118 {strides = array<i32>} : memref<26x128xi32, #tpu.memory_space<vmem>>, vector<1x16xi32>,
    %get3A_1119 = arith.constant 10 : i32
    %get3A_1120 = arith.index_cast %get3A_1119 : i32 to index
    %get3A_1121 = arith.constant 0 : index
    %get3A_1122 = tpu.vector_load %arg5[%get3A_1120, %get3A_1121] {strides = array<i32>} : memref<26x128xi32, #tpu.memory_space<vmem>>, vector<1x16xi32>,
    %get3A_1123 = vector.shape_cast %get3A_1122 : vector<1x16xi32> to vector<16xi32>
    %add3A_1124 = arith.constant 10000 : i32
    %add3A_1125 = vector.broadcast %add3A_1124 : i32 to vector<16xi32>
    %add3A_1126 = arith.addi %get3A_1123, %add3A_1125 : vector<16xi32>
    %swap3A_1127 = arith.constant 10 : i32
    %swap3A_1128 = arith.index_cast %swap3A_1127 : i32 to index
    %swap3A_1129 = arith.constant 0 : index
    %swap3A_1130 = tpu.vector_load %arg5[%swap3A_1128, %swap3A_1129] {strides = array<i32>} : memref<26x128xi32, #tpu.memory_space<vmem>>, vector<1x16xi32>,
    %swap3A_1131 = vector.shape_cast %swap3A_1130 : vector<1x16xi32> to vector<16xi32>
    %swap3A_1132 = vector.shape_cast %add3A_1126 : vector<16xi32> to vector<1x16xi32>
    tpu.vector_store %arg5[%swap3A_1128, %swap3A_1129], %swap3A_1132 {strides = array<i32>} : memref<26x128xi32, #tpu.memory_space<vmem>>, vector<1x16xi32>,
    %get3A_1133 = arith.constant 10 : i32
    %get3A_1134 = arith.index_cast %get3A_1133 : i32 to index
    %get3A_1135 = arith.constant 16 : index
    %get3A_1136 = tpu.vector_load %arg5[%get3A_1134, %get3A_1135] {strides = array<i32>} : memref<26x128xi32, #tpu.memory_space<vmem>>, vector<1x16xi32>,
    %get3A_1137 = vector.shape_cast %get3A_1136 : vector<1x16xi32> to vector<16xi32>
    %add3A_1138 = arith.constant 10000 : i32
    %add3A_1139 = vector.broadcast %add3A_1138 : i32 to vector<16xi32>
    %add3A_1140 = arith.addi %get3A_1137, %add3A_1139 : vector<16xi32>
    %swap3A_1141 = arith.constant 10 : i32
    %swap3A_1142 = arith.index_cast %swap3A_1141 : i32 to index
    %swap3A_1143 = arith.constant 16 : index
    %swap3A_1144 = tpu.vector_load %arg5[%swap3A_1142, %swap3A_1143] {strides = array<i32>} : memref<26x128xi32, #tpu.memory_space<vmem>>, vector<1x16xi32>,
    %swap3A_1145 = vector.shape_cast %swap3A_1144 : vector<1x16xi32> to vector<16xi32>
    %swap3A_1146 = vector.shape_cast %add3A_1140 : vector<16xi32> to vector<1x16xi32>
    tpu.vector_store %arg5[%swap3A_1142, %swap3A_1143], %swap3A_1146 {strides = array<i32>} : memref<26x128xi32, #tpu.memory_space<vmem>>, vector<1x16xi32>,
    %get3A_1147 = arith.constant 10 : i32
    %get3A_1148 = arith.index_cast %get3A_1147 : i32 to index
    %get3A_1149 = arith.constant 32 : index
    %get3A_1150 = tpu.vector_load %arg5[%get3A_1148, %get3A_1149] {strides = array<i32>} : memref<26x128xi32, #tpu.memory_space<vmem>>, vector<1x16xi32>,
    %get3A_1151 = vector.shape_cast %get3A_1150 : vector<1x16xi32> to vector<16xi32>
    %add3A_1152 = arith.constant 10000 : i32
    %add3A_1153 = vector.broadcast %add3A_1152 : i32 to vector<16xi32>
    %add3A_1154 = arith.addi %get3A_1151, %add3A_1153 : vector<16xi32>
    %swap3A_1155 = arith.constant 10 : i32
    %swap3A_1156 = arith.index_cast %swap3A_1155 : i32 to index
    %swap3A_1157 = arith.constant 32 : index
    %swap3A_1158 = tpu.vector_load %arg5[%swap3A_1156, %swap3A_1157] {strides = array<i32>} : memref<26x128xi32, #tpu.memory_space<vmem>>, vector<1x16xi32>,
    %swap3A_1159 = vector.shape_cast %swap3A_1158 : vector<1x16xi32> to vector<16xi32>
    %swap3A_1160 = vector.shape_cast %add3A_1154 : vector<16xi32> to vector<1x16xi32>
    tpu.vector_store %arg5[%swap3A_1156, %swap3A_1157], %swap3A_1160 {strides = array<i32>} : memref<26x128xi32, #tpu.memory_space<vmem>>, vector<1x16xi32>,
    %get3A_1161 = arith.constant 10 : i32
    %get3A_1162 = arith.index_cast %get3A_1161 : i32 to index
    %get3A_1163 = arith.constant 48 : index
    %get3A_1164 = tpu.vector_load %arg5[%get3A_1162, %get3A_1163] {strides = array<i32>} : memref<26x128xi32, #tpu.memory_space<vmem>>, vector<1x16xi32>,
    %get3A_1165 = vector.shape_cast %get3A_1164 : vector<1x16xi32> to vector<16xi32>
    %add3A_1166 = arith.constant 10000 : i32
    %add3A_1167 = vector.broadcast %add3A_1166 : i32 to vector<16xi32>
    %add3A_1168 = arith.addi %get3A_1165, %add3A_1167 : vector<16xi32>
    %swap3A_1169 = arith.constant 10 : i32
    %swap3A_1170 = arith.index_cast %swap3A_1169 : i32 to index
    %swap3A_1171 = arith.constant 48 : index
    %swap3A_1172 = tpu.vector_load %arg5[%swap3A_1170, %swap3A_1171] {strides = array<i32>} : memref<26x128xi32, #tpu.memory_space<vmem>>, vector<1x16xi32>,
    %swap3A_1173 = vector.shape_cast %swap3A_1172 : vector<1x16xi32> to vector<16xi32>
    %swap3A_1174 = vector.shape_cast %add3A_1168 : vector<16xi32> to vector<1x16xi32>
    tpu.vector_store %arg5[%swap3A_1170, %swap3A_1171], %swap3A_1174 {strides = array<i32>} : memref<26x128xi32, #tpu.memory_space<vmem>>, vector<1x16xi32>,
    %get3A_1175 = arith.constant 10 : i32
    %get3A_1176 = arith.index_cast %get3A_1175 : i32 to index
    %get3A_1177 = arith.constant 64 : index
    %get3A_1178 = tpu.vector_load %arg5[%get3A_1176, %get3A_1177] {strides = array<i32>} : memref<26x128xi32, #tpu.memory_space<vmem>>, vector<1x16xi32>,
    %get3A_1179 = vector.shape_cast %get3A_1178 : vector<1x16xi32> to vector<16xi32>
    %add3A_1180 = arith.constant 10000 : i32
    %add3A_1181 = vector.broadcast %add3A_1180 : i32 to vector<16xi32>
    %add3A_1182 = arith.addi %get3A_1179, %add3A_1181 : vector<16xi32>
    %swap3A_1183 = arith.constant 10 : i32
    %swap3A_1184 = arith.index_cast %swap3A_1183 : i32 to index
    %swap3A_1185 = arith.constant 64 : index
    %swap3A_1186 = tpu.vector_load %arg5[%swap3A_1184, %swap3A_1185] {strides = array<i32>} : memref<26x128xi32, #tpu.memory_space<vmem>>, vector<1x16xi32>,
    %swap3A_1187 = vector.shape_cast %swap3A_1186 : vector<1x16xi32> to vector<16xi32>
    %swap3A_1188 = vector.shape_cast %add3A_1182 : vector<16xi32> to vector<1x16xi32>
    tpu.vector_store %arg5[%swap3A_1184, %swap3A_1185], %swap3A_1188 {strides = array<i32>} : memref<26x128xi32, #tpu.memory_space<vmem>>, vector<1x16xi32>,
    %get3A_1189 = arith.constant 10 : i32
    %get3A_1190 = arith.index_cast %get3A_1189 : i32 to index
    %get3A_1191 = arith.constant 80 : index
    %get3A_1192 = tpu.vector_load %arg5[%get3A_1190, %get3A_1191] {strides = array<i32>} : memref<26x128xi32, #tpu.memory_space<vmem>>, vector<1x16xi32>,
    %get3A_1193 = vector.shape_cast %get3A_1192 : vector<1x16xi32> to vector<16xi32>
    %add3A_1194 = arith.constant 10000 : i32
    %add3A_1195 = vector.broadcast %add3A_1194 : i32 to vector<16xi32>
    %add3A_1196 = arith.addi %get3A_1193, %add3A_1195 : vector<16xi32>
    %swap3A_1197 = arith.constant 10 : i32
    %swap3A_1198 = arith.index_cast %swap3A_1197 : i32 to index
    %swap3A_1199 = arith.constant 80 : index
    %swap3A_1200 = tpu.vector_load %arg5[%swap3A_1198, %swap3A_1199] {strides = array<i32>} : memref<26x128xi32, #tpu.memory_space<vmem>>, vector<1x16xi32>,
    %swap3A_1201 = vector.shape_cast %swap3A_1200 : vector<1x16xi32> to vector<16xi32>
    %swap3A_1202 = vector.shape_cast %add3A_1196 : vector<16xi32> to vector<1x16xi32>
    tpu.vector_store %arg5[%swap3A_1198, %swap3A_1199], %swap3A_1202 {strides = array<i32>} : memref<26x128xi32, #tpu.memory_space<vmem>>, vector<1x16xi32>,
    %get3A_1203 = arith.constant 10 : i32
    %get3A_1204 = arith.index_cast %get3A_1203 : i32 to index
    %get3A_1205 = arith.constant 96 : index
    %get3A_1206 = tpu.vector_load %arg5[%get3A_1204, %get3A_1205] {strides = array<i32>} : memref<26x128xi32, #tpu.memory_space<vmem>>, vector<1x16xi32>,
    %get3A_1207 = vector.shape_cast %get3A_1206 : vector<1x16xi32> to vector<16xi32>
    %add3A_1208 = arith.constant 10000 : i32
    %add3A_1209 = vector.broadcast %add3A_1208 : i32 to vector<16xi32>
    %add3A_1210 = arith.addi %get3A_1207, %add3A_1209 : vector<16xi32>
    %swap3A_1211 = arith.constant 10 : i32
    %swap3A_1212 = arith.index_cast %swap3A_1211 : i32 to index
    %swap3A_1213 = arith.constant 96 : index
    %swap3A_1214 = tpu.vector_load %arg5[%swap3A_1212, %swap3A_1213] {strides = array<i32>} : memref<26x128xi32, #tpu.memory_space<vmem>>, vector<1x16xi32>,
    %swap3A_1215 = vector.shape_cast %swap3A_1214 : vector<1x16xi32> to vector<16xi32>
    %swap3A_1216 = vector.shape_cast %add3A_1210 : vector<16xi32> to vector<1x16xi32>
    tpu.vector_store %arg5[%swap3A_1212, %swap3A_1213], %swap3A_1216 {strides = array<i32>} : memref<26x128xi32, #tpu.memory_space<vmem>>, vector<1x16xi32>,
    %get3A_1217 = arith.constant 10 : i32
    %get3A_1218 = arith.index_cast %get3A_1217 : i32 to index
    %get3A_1219 = arith.constant 112 : index
    %get3A_1220 = tpu.vector_load %arg5[%get3A_1218, %get3A_1219] {strides = array<i32>} : memref<26x128xi32, #tpu.memory_space<vmem>>, vector<1x16xi32>,
    %get3A_1221 = vector.shape_cast %get3A_1220 : vector<1x16xi32> to vector<16xi32>
    %add3A_1222 = arith.constant 10000 : i32
    %add3A_1223 = vector.broadcast %add3A_1222 : i32 to vector<16xi32>
    %add3A_1224 = arith.addi %get3A_1221, %add3A_1223 : vector<16xi32>
    %swap3A_1225 = arith.constant 10 : i32
    %swap3A_1226 = arith.index_cast %swap3A_1225 : i32 to index
    %swap3A_1227 = arith.constant 112 : index
    %swap3A_1228 = tpu.vector_load %arg5[%swap3A_1226, %swap3A_1227] {strides = array<i32>} : memref<26x128xi32, #tpu.memory_space<vmem>>, vector<1x16xi32>,
    %swap3A_1229 = vector.shape_cast %swap3A_1228 : vector<1x16xi32> to vector<16xi32>
    %swap3A_1230 = vector.shape_cast %add3A_1224 : vector<16xi32> to vector<1x16xi32>
    tpu.vector_store %arg5[%swap3A_1226, %swap3A_1227], %swap3A_1230 {strides = array<i32>} : memref<26x128xi32, #tpu.memory_space<vmem>>, vector<1x16xi32>,
    %get3A_1231 = arith.constant 11 : i32
    %get3A_1232 = arith.index_cast %get3A_1231 : i32 to index
    %get3A_1233 = arith.constant 0 : index
    %get3A_1234 = tpu.vector_load %arg5[%get3A_1232, %get3A_1233] {strides = array<i32>} : memref<26x128xi32, #tpu.memory_space<vmem>>, vector<1x16xi32>,
    %get3A_1235 = vector.shape_cast %get3A_1234 : vector<1x16xi32> to vector<16xi32>
    %add3A_1236 = arith.constant 11000 : i32
    %add3A_1237 = vector.broadcast %add3A_1236 : i32 to vector<16xi32>
    %add3A_1238 = arith.addi %get3A_1235, %add3A_1237 : vector<16xi32>
    %swap3A_1239 = arith.constant 11 : i32
    %swap3A_1240 = arith.index_cast %swap3A_1239 : i32 to index
    %swap3A_1241 = arith.constant 0 : index
    %swap3A_1242 = tpu.vector_load %arg5[%swap3A_1240, %swap3A_1241] {strides = array<i32>} : memref<26x128xi32, #tpu.memory_space<vmem>>, vector<1x16xi32>,
    %swap3A_1243 = vector.shape_cast %swap3A_1242 : vector<1x16xi32> to vector<16xi32>
    %swap3A_1244 = vector.shape_cast %add3A_1238 : vector<16xi32> to vector<1x16xi32>
    tpu.vector_store %arg5[%swap3A_1240, %swap3A_1241], %swap3A_1244 {strides = array<i32>} : memref<26x128xi32, #tpu.memory_space<vmem>>, vector<1x16xi32>,
    %get3A_1245 = arith.constant 11 : i32
    %get3A_1246 = arith.index_cast %get3A_1245 : i32 to index
    %get3A_1247 = arith.constant 16 : index
    %get3A_1248 = tpu.vector_load %arg5[%get3A_1246, %get3A_1247] {strides = array<i32>} : memref<26x128xi32, #tpu.memory_space<vmem>>, vector<1x16xi32>,
    %get3A_1249 = vector.shape_cast %get3A_1248 : vector<1x16xi32> to vector<16xi32>
    %add3A_1250 = arith.constant 11000 : i32
    %add3A_1251 = vector.broadcast %add3A_1250 : i32 to vector<16xi32>
    %add3A_1252 = arith.addi %get3A_1249, %add3A_1251 : vector<16xi32>
    %swap3A_1253 = arith.constant 11 : i32
    %swap3A_1254 = arith.index_cast %swap3A_1253 : i32 to index
    %swap3A_1255 = arith.constant 16 : index
    %swap3A_1256 = tpu.vector_load %arg5[%swap3A_1254, %swap3A_1255] {strides = array<i32>} : memref<26x128xi32, #tpu.memory_space<vmem>>, vector<1x16xi32>,
    %swap3A_1257 = vector.shape_cast %swap3A_1256 : vector<1x16xi32> to vector<16xi32>
    %swap3A_1258 = vector.shape_cast %add3A_1252 : vector<16xi32> to vector<1x16xi32>
    tpu.vector_store %arg5[%swap3A_1254, %swap3A_1255], %swap3A_1258 {strides = array<i32>} : memref<26x128xi32, #tpu.memory_space<vmem>>, vector<1x16xi32>,
    %get3A_1259 = arith.constant 11 : i32
    %get3A_1260 = arith.index_cast %get3A_1259 : i32 to index
    %get3A_1261 = arith.constant 32 : index
    %get3A_1262 = tpu.vector_load %arg5[%get3A_1260, %get3A_1261] {strides = array<i32>} : memref<26x128xi32, #tpu.memory_space<vmem>>, vector<1x16xi32>,
    %get3A_1263 = vector.shape_cast %get3A_1262 : vector<1x16xi32> to vector<16xi32>
    %add3A_1264 = arith.constant 11000 : i32
    %add3A_1265 = vector.broadcast %add3A_1264 : i32 to vector<16xi32>
    %add3A_1266 = arith.addi %get3A_1263, %add3A_1265 : vector<16xi32>
    %swap3A_1267 = arith.constant 11 : i32
    %swap3A_1268 = arith.index_cast %swap3A_1267 : i32 to index
    %swap3A_1269 = arith.constant 32 : index
    %swap3A_1270 = tpu.vector_load %arg5[%swap3A_1268, %swap3A_1269] {strides = array<i32>} : memref<26x128xi32, #tpu.memory_space<vmem>>, vector<1x16xi32>,
    %swap3A_1271 = vector.shape_cast %swap3A_1270 : vector<1x16xi32> to vector<16xi32>
    %swap3A_1272 = vector.shape_cast %add3A_1266 : vector<16xi32> to vector<1x16xi32>
    tpu.vector_store %arg5[%swap3A_1268, %swap3A_1269], %swap3A_1272 {strides = array<i32>} : memref<26x128xi32, #tpu.memory_space<vmem>>, vector<1x16xi32>,
    %get3A_1273 = arith.constant 11 : i32
    %get3A_1274 = arith.index_cast %get3A_1273 : i32 to index
    %get3A_1275 = arith.constant 48 : index
    %get3A_1276 = tpu.vector_load %arg5[%get3A_1274, %get3A_1275] {strides = array<i32>} : memref<26x128xi32, #tpu.memory_space<vmem>>, vector<1x16xi32>,
    %get3A_1277 = vector.shape_cast %get3A_1276 : vector<1x16xi32> to vector<16xi32>
    %add3A_1278 = arith.constant 11000 : i32
    %add3A_1279 = vector.broadcast %add3A_1278 : i32 to vector<16xi32>
    %add3A_1280 = arith.addi %get3A_1277, %add3A_1279 : vector<16xi32>
    %swap3A_1281 = arith.constant 11 : i32
    %swap3A_1282 = arith.index_cast %swap3A_1281 : i32 to index
    %swap3A_1283 = arith.constant 48 : index
    %swap3A_1284 = tpu.vector_load %arg5[%swap3A_1282, %swap3A_1283] {strides = array<i32>} : memref<26x128xi32, #tpu.memory_space<vmem>>, vector<1x16xi32>,
    %swap3A_1285 = vector.shape_cast %swap3A_1284 : vector<1x16xi32> to vector<16xi32>
    %swap3A_1286 = vector.shape_cast %add3A_1280 : vector<16xi32> to vector<1x16xi32>
    tpu.vector_store %arg5[%swap3A_1282, %swap3A_1283], %swap3A_1286 {strides = array<i32>} : memref<26x128xi32, #tpu.memory_space<vmem>>, vector<1x16xi32>,
    %get3A_1287 = arith.constant 11 : i32
    %get3A_1288 = arith.index_cast %get3A_1287 : i32 to index
    %get3A_1289 = arith.constant 64 : index
    %get3A_1290 = tpu.vector_load %arg5[%get3A_1288, %get3A_1289] {strides = array<i32>} : memref<26x128xi32, #tpu.memory_space<vmem>>, vector<1x16xi32>,
    %get3A_1291 = vector.shape_cast %get3A_1290 : vector<1x16xi32> to vector<16xi32>
    %add3A_1292 = arith.constant 11000 : i32
    %add3A_1293 = vector.broadcast %add3A_1292 : i32 to vector<16xi32>
    %add3A_1294 = arith.addi %get3A_1291, %add3A_1293 : vector<16xi32>
    %swap3A_1295 = arith.constant 11 : i32
    %swap3A_1296 = arith.index_cast %swap3A_1295 : i32 to index
    %swap3A_1297 = arith.constant 64 : index
    %swap3A_1298 = tpu.vector_load %arg5[%swap3A_1296, %swap3A_1297] {strides = array<i32>} : memref<26x128xi32, #tpu.memory_space<vmem>>, vector<1x16xi32>,
    %swap3A_1299 = vector.shape_cast %swap3A_1298 : vector<1x16xi32> to vector<16xi32>
    %swap3A_1300 = vector.shape_cast %add3A_1294 : vector<16xi32> to vector<1x16xi32>
    tpu.vector_store %arg5[%swap3A_1296, %swap3A_1297], %swap3A_1300 {strides = array<i32>} : memref<26x128xi32, #tpu.memory_space<vmem>>, vector<1x16xi32>,
    %get3A_1301 = arith.constant 11 : i32
    %get3A_1302 = arith.index_cast %get3A_1301 : i32 to index
    %get3A_1303 = arith.constant 80 : index
    %get3A_1304 = tpu.vector_load %arg5[%get3A_1302, %get3A_1303] {strides = array<i32>} : memref<26x128xi32, #tpu.memory_space<vmem>>, vector<1x16xi32>,
    %get3A_1305 = vector.shape_cast %get3A_1304 : vector<1x16xi32> to vector<16xi32>
    %add3A_1306 = arith.constant 11000 : i32
    %add3A_1307 = vector.broadcast %add3A_1306 : i32 to vector<16xi32>
    %add3A_1308 = arith.addi %get3A_1305, %add3A_1307 : vector<16xi32>
    %swap3A_1309 = arith.constant 11 : i32
    %swap3A_1310 = arith.index_cast %swap3A_1309 : i32 to index
    %swap3A_1311 = arith.constant 80 : index
    %swap3A_1312 = tpu.vector_load %arg5[%swap3A_1310, %swap3A_1311] {strides = array<i32>} : memref<26x128xi32, #tpu.memory_space<vmem>>, vector<1x16xi32>,
    %swap3A_1313 = vector.shape_cast %swap3A_1312 : vector<1x16xi32> to vector<16xi32>
    %swap3A_1314 = vector.shape_cast %add3A_1308 : vector<16xi32> to vector<1x16xi32>
    tpu.vector_store %arg5[%swap3A_1310, %swap3A_1311], %swap3A_1314 {strides = array<i32>} : memref<26x128xi32, #tpu.memory_space<vmem>>, vector<1x16xi32>,
    %get3A_1315 = arith.constant 11 : i32
    %get3A_1316 = arith.index_cast %get3A_1315 : i32 to index
    %get3A_1317 = arith.constant 96 : index
    %get3A_1318 = tpu.vector_load %arg5[%get3A_1316, %get3A_1317] {strides = array<i32>} : memref<26x128xi32, #tpu.memory_space<vmem>>, vector<1x16xi32>,
    %get3A_1319 = vector.shape_cast %get3A_1318 : vector<1x16xi32> to vector<16xi32>
    %add3A_1320 = arith.constant 11000 : i32
    %add3A_1321 = vector.broadcast %add3A_1320 : i32 to vector<16xi32>
    %add3A_1322 = arith.addi %get3A_1319, %add3A_1321 : vector<16xi32>
    %swap3A_1323 = arith.constant 11 : i32
    %swap3A_1324 = arith.index_cast %swap3A_1323 : i32 to index
    %swap3A_1325 = arith.constant 96 : index
    %swap3A_1326 = tpu.vector_load %arg5[%swap3A_1324, %swap3A_1325] {strides = array<i32>} : memref<26x128xi32, #tpu.memory_space<vmem>>, vector<1x16xi32>,
    %swap3A_1327 = vector.shape_cast %swap3A_1326 : vector<1x16xi32> to vector<16xi32>
    %swap3A_1328 = vector.shape_cast %add3A_1322 : vector<16xi32> to vector<1x16xi32>
    tpu.vector_store %arg5[%swap3A_1324, %swap3A_1325], %swap3A_1328 {strides = array<i32>} : memref<26x128xi32, #tpu.memory_space<vmem>>, vector<1x16xi32>,
    %get3A_1329 = arith.constant 11 : i32
    %get3A_1330 = arith.index_cast %get3A_1329 : i32 to index
    %get3A_1331 = arith.constant 112 : index
    %get3A_1332 = tpu.vector_load %arg5[%get3A_1330, %get3A_1331] {strides = array<i32>} : memref<26x128xi32, #tpu.memory_space<vmem>>, vector<1x16xi32>,
    %get3A_1333 = vector.shape_cast %get3A_1332 : vector<1x16xi32> to vector<16xi32>
    %add3A_1334 = arith.constant 11000 : i32
    %add3A_1335 = vector.broadcast %add3A_1334 : i32 to vector<16xi32>
    %add3A_1336 = arith.addi %get3A_1333, %add3A_1335 : vector<16xi32>
    %swap3A_1337 = arith.constant 11 : i32
    %swap3A_1338 = arith.index_cast %swap3A_1337 : i32 to index
    %swap3A_1339 = arith.constant 112 : index
    %swap3A_1340 = tpu.vector_load %arg5[%swap3A_1338, %swap3A_1339] {strides = array<i32>} : memref<26x128xi32, #tpu.memory_space<vmem>>, vector<1x16xi32>,
    %swap3A_1341 = vector.shape_cast %swap3A_1340 : vector<1x16xi32> to vector<16xi32>
    %swap3A_1342 = vector.shape_cast %add3A_1336 : vector<16xi32> to vector<1x16xi32>
    tpu.vector_store %arg5[%swap3A_1338, %swap3A_1339], %swap3A_1342 {strides = array<i32>} : memref<26x128xi32, #tpu.memory_space<vmem>>, vector<1x16xi32>,
    %get3A_1343 = arith.constant 12 : i32
    %get3A_1344 = arith.index_cast %get3A_1343 : i32 to index
    %get3A_1345 = arith.constant 0 : index
    %get3A_1346 = tpu.vector_load %arg5[%get3A_1344, %get3A_1345] {strides = array<i32>} : memref<26x128xi32, #tpu.memory_space<vmem>>, vector<1x16xi32>,
    %get3A_1347 = vector.shape_cast %get3A_1346 : vector<1x16xi32> to vector<16xi32>
    %add3A_1348 = arith.constant 12000 : i32
    %add3A_1349 = vector.broadcast %add3A_1348 : i32 to vector<16xi32>
    %add3A_1350 = arith.addi %get3A_1347, %add3A_1349 : vector<16xi32>
    %swap3A_1351 = arith.constant 12 : i32
    %swap3A_1352 = arith.index_cast %swap3A_1351 : i32 to index
    %swap3A_1353 = arith.constant 0 : index
    %swap3A_1354 = tpu.vector_load %arg5[%swap3A_1352, %swap3A_1353] {strides = array<i32>} : memref<26x128xi32, #tpu.memory_space<vmem>>, vector<1x16xi32>,
    %swap3A_1355 = vector.shape_cast %swap3A_1354 : vector<1x16xi32> to vector<16xi32>
    %swap3A_1356 = vector.shape_cast %add3A_1350 : vector<16xi32> to vector<1x16xi32>
    tpu.vector_store %arg5[%swap3A_1352, %swap3A_1353], %swap3A_1356 {strides = array<i32>} : memref<26x128xi32, #tpu.memory_space<vmem>>, vector<1x16xi32>,
    %get3A_1357 = arith.constant 12 : i32
    %get3A_1358 = arith.index_cast %get3A_1357 : i32 to index
    %get3A_1359 = arith.constant 16 : index
    %get3A_1360 = tpu.vector_load %arg5[%get3A_1358, %get3A_1359] {strides = array<i32>} : memref<26x128xi32, #tpu.memory_space<vmem>>, vector<1x16xi32>,
    %get3A_1361 = vector.shape_cast %get3A_1360 : vector<1x16xi32> to vector<16xi32>
    %add3A_1362 = arith.constant 12000 : i32
    %add3A_1363 = vector.broadcast %add3A_1362 : i32 to vector<16xi32>
    %add3A_1364 = arith.addi %get3A_1361, %add3A_1363 : vector<16xi32>
    %swap3A_1365 = arith.constant 12 : i32
    %swap3A_1366 = arith.index_cast %swap3A_1365 : i32 to index
    %swap3A_1367 = arith.constant 16 : index
    %swap3A_1368 = tpu.vector_load %arg5[%swap3A_1366, %swap3A_1367] {strides = array<i32>} : memref<26x128xi32, #tpu.memory_space<vmem>>, vector<1x16xi32>,
    %swap3A_1369 = vector.shape_cast %swap3A_1368 : vector<1x16xi32> to vector<16xi32>
    %swap3A_1370 = vector.shape_cast %add3A_1364 : vector<16xi32> to vector<1x16xi32>
    tpu.vector_store %arg5[%swap3A_1366, %swap3A_1367], %swap3A_1370 {strides = array<i32>} : memref<26x128xi32, #tpu.memory_space<vmem>>, vector<1x16xi32>,
    %get3A_1371 = arith.constant 12 : i32
    %get3A_1372 = arith.index_cast %get3A_1371 : i32 to index
    %get3A_1373 = arith.constant 32 : index
    %get3A_1374 = tpu.vector_load %arg5[%get3A_1372, %get3A_1373] {strides = array<i32>} : memref<26x128xi32, #tpu.memory_space<vmem>>, vector<1x16xi32>,
    %get3A_1375 = vector.shape_cast %get3A_1374 : vector<1x16xi32> to vector<16xi32>
    %add3A_1376 = arith.constant 12000 : i32
    %add3A_1377 = vector.broadcast %add3A_1376 : i32 to vector<16xi32>
    %add3A_1378 = arith.addi %get3A_1375, %add3A_1377 : vector<16xi32>
    %swap3A_1379 = arith.constant 12 : i32
    %swap3A_1380 = arith.index_cast %swap3A_1379 : i32 to index
    %swap3A_1381 = arith.constant 32 : index
    %swap3A_1382 = tpu.vector_load %arg5[%swap3A_1380, %swap3A_1381] {strides = array<i32>} : memref<26x128xi32, #tpu.memory_space<vmem>>, vector<1x16xi32>,
    %swap3A_1383 = vector.shape_cast %swap3A_1382 : vector<1x16xi32> to vector<16xi32>
    %swap3A_1384 = vector.shape_cast %add3A_1378 : vector<16xi32> to vector<1x16xi32>
    tpu.vector_store %arg5[%swap3A_1380, %swap3A_1381], %swap3A_1384 {strides = array<i32>} : memref<26x128xi32, #tpu.memory_space<vmem>>, vector<1x16xi32>,
    %get3A_1385 = arith.constant 12 : i32
    %get3A_1386 = arith.index_cast %get3A_1385 : i32 to index
    %get3A_1387 = arith.constant 48 : index
    %get3A_1388 = tpu.vector_load %arg5[%get3A_1386, %get3A_1387] {strides = array<i32>} : memref<26x128xi32, #tpu.memory_space<vmem>>, vector<1x16xi32>,
    %get3A_1389 = vector.shape_cast %get3A_1388 : vector<1x16xi32> to vector<16xi32>
    %add3A_1390 = arith.constant 12000 : i32
    %add3A_1391 = vector.broadcast %add3A_1390 : i32 to vector<16xi32>
    %add3A_1392 = arith.addi %get3A_1389, %add3A_1391 : vector<16xi32>
    %swap3A_1393 = arith.constant 12 : i32
    %swap3A_1394 = arith.index_cast %swap3A_1393 : i32 to index
    %swap3A_1395 = arith.constant 48 : index
    %swap3A_1396 = tpu.vector_load %arg5[%swap3A_1394, %swap3A_1395] {strides = array<i32>} : memref<26x128xi32, #tpu.memory_space<vmem>>, vector<1x16xi32>,
    %swap3A_1397 = vector.shape_cast %swap3A_1396 : vector<1x16xi32> to vector<16xi32>
    %swap3A_1398 = vector.shape_cast %add3A_1392 : vector<16xi32> to vector<1x16xi32>
    tpu.vector_store %arg5[%swap3A_1394, %swap3A_1395], %swap3A_1398 {strides = array<i32>} : memref<26x128xi32, #tpu.memory_space<vmem>>, vector<1x16xi32>,
    %get3A_1399 = arith.constant 12 : i32
    %get3A_1400 = arith.index_cast %get3A_1399 : i32 to index
    %get3A_1401 = arith.constant 64 : index
    %get3A_1402 = tpu.vector_load %arg5[%get3A_1400, %get3A_1401] {strides = array<i32>} : memref<26x128xi32, #tpu.memory_space<vmem>>, vector<1x16xi32>,
    %get3A_1403 = vector.shape_cast %get3A_1402 : vector<1x16xi32> to vector<16xi32>
    %add3A_1404 = arith.constant 12000 : i32
    %add3A_1405 = vector.broadcast %add3A_1404 : i32 to vector<16xi32>
    %add3A_1406 = arith.addi %get3A_1403, %add3A_1405 : vector<16xi32>
    %swap3A_1407 = arith.constant 12 : i32
    %swap3A_1408 = arith.index_cast %swap3A_1407 : i32 to index
    %swap3A_1409 = arith.constant 64 : index
    %swap3A_1410 = tpu.vector_load %arg5[%swap3A_1408, %swap3A_1409] {strides = array<i32>} : memref<26x128xi32, #tpu.memory_space<vmem>>, vector<1x16xi32>,
    %swap3A_1411 = vector.shape_cast %swap3A_1410 : vector<1x16xi32> to vector<16xi32>
    %swap3A_1412 = vector.shape_cast %add3A_1406 : vector<16xi32> to vector<1x16xi32>
    tpu.vector_store %arg5[%swap3A_1408, %swap3A_1409], %swap3A_1412 {strides = array<i32>} : memref<26x128xi32, #tpu.memory_space<vmem>>, vector<1x16xi32>,
    %get3A_1413 = arith.constant 12 : i32
    %get3A_1414 = arith.index_cast %get3A_1413 : i32 to index
    %get3A_1415 = arith.constant 80 : index
    %get3A_1416 = tpu.vector_load %arg5[%get3A_1414, %get3A_1415] {strides = array<i32>} : memref<26x128xi32, #tpu.memory_space<vmem>>, vector<1x16xi32>,
    %get3A_1417 = vector.shape_cast %get3A_1416 : vector<1x16xi32> to vector<16xi32>
    %add3A_1418 = arith.constant 12000 : i32
    %add3A_1419 = vector.broadcast %add3A_1418 : i32 to vector<16xi32>
    %add3A_1420 = arith.addi %get3A_1417, %add3A_1419 : vector<16xi32>
    %swap3A_1421 = arith.constant 12 : i32
    %swap3A_1422 = arith.index_cast %swap3A_1421 : i32 to index
    %swap3A_1423 = arith.constant 80 : index
    %swap3A_1424 = tpu.vector_load %arg5[%swap3A_1422, %swap3A_1423] {strides = array<i32>} : memref<26x128xi32, #tpu.memory_space<vmem>>, vector<1x16xi32>,
    %swap3A_1425 = vector.shape_cast %swap3A_1424 : vector<1x16xi32> to vector<16xi32>
    %swap3A_1426 = vector.shape_cast %add3A_1420 : vector<16xi32> to vector<1x16xi32>
    tpu.vector_store %arg5[%swap3A_1422, %swap3A_1423], %swap3A_1426 {strides = array<i32>} : memref<26x128xi32, #tpu.memory_space<vmem>>, vector<1x16xi32>,
    %get3A_1427 = arith.constant 12 : i32
    %get3A_1428 = arith.index_cast %get3A_1427 : i32 to index
    %get3A_1429 = arith.constant 96 : index
    %get3A_1430 = tpu.vector_load %arg5[%get3A_1428, %get3A_1429] {strides = array<i32>} : memref<26x128xi32, #tpu.memory_space<vmem>>, vector<1x16xi32>,
    %get3A_1431 = vector.shape_cast %get3A_1430 : vector<1x16xi32> to vector<16xi32>
    %add3A_1432 = arith.constant 12000 : i32
    %add3A_1433 = vector.broadcast %add3A_1432 : i32 to vector<16xi32>
    %add3A_1434 = arith.addi %get3A_1431, %add3A_1433 : vector<16xi32>
    %swap3A_1435 = arith.constant 12 : i32
    %swap3A_1436 = arith.index_cast %swap3A_1435 : i32 to index
    %swap3A_1437 = arith.constant 96 : index
    %swap3A_1438 = tpu.vector_load %arg5[%swap3A_1436, %swap3A_1437] {strides = array<i32>} : memref<26x128xi32, #tpu.memory_space<vmem>>, vector<1x16xi32>,
    %swap3A_1439 = vector.shape_cast %swap3A_1438 : vector<1x16xi32> to vector<16xi32>
    %swap3A_1440 = vector.shape_cast %add3A_1434 : vector<16xi32> to vector<1x16xi32>
    tpu.vector_store %arg5[%swap3A_1436, %swap3A_1437], %swap3A_1440 {strides = array<i32>} : memref<26x128xi32, #tpu.memory_space<vmem>>, vector<1x16xi32>,
    %get3A_1441 = arith.constant 12 : i32
    %get3A_1442 = arith.index_cast %get3A_1441 : i32 to index
    %get3A_1443 = arith.constant 112 : index
    %get3A_1444 = tpu.vector_load %arg5[%get3A_1442, %get3A_1443] {strides = array<i32>} : memref<26x128xi32, #tpu.memory_space<vmem>>, vector<1x16xi32>,
    %get3A_1445 = vector.shape_cast %get3A_1444 : vector<1x16xi32> to vector<16xi32>
    %add3A_1446 = arith.constant 12000 : i32
    %add3A_1447 = vector.broadcast %add3A_1446 : i32 to vector<16xi32>
    %add3A_1448 = arith.addi %get3A_1445, %add3A_1447 : vector<16xi32>
    %swap3A_1449 = arith.constant 12 : i32
    %swap3A_1450 = arith.index_cast %swap3A_1449 : i32 to index
    %swap3A_1451 = arith.constant 112 : index
    %swap3A_1452 = tpu.vector_load %arg5[%swap3A_1450, %swap3A_1451] {strides = array<i32>} : memref<26x128xi32, #tpu.memory_space<vmem>>, vector<1x16xi32>,
    %swap3A_1453 = vector.shape_cast %swap3A_1452 : vector<1x16xi32> to vector<16xi32>
    %swap3A_1454 = vector.shape_cast %add3A_1448 : vector<16xi32> to vector<1x16xi32>
    tpu.vector_store %arg5[%swap3A_1450, %swap3A_1451], %swap3A_1454 {strides = array<i32>} : memref<26x128xi32, #tpu.memory_space<vmem>>, vector<1x16xi32>,
    %get3A_1455 = arith.constant 13 : i32
    %get3A_1456 = arith.index_cast %get3A_1455 : i32 to index
    %get3A_1457 = arith.constant 0 : index
    %get3A_1458 = tpu.vector_load %arg5[%get3A_1456, %get3A_1457] {strides = array<i32>} : memref<26x128xi32, #tpu.memory_space<vmem>>, vector<1x16xi32>,
    %get3A_1459 = vector.shape_cast %get3A_1458 : vector<1x16xi32> to vector<16xi32>
    %add3A_1460 = arith.constant 13000 : i32
    %add3A_1461 = vector.broadcast %add3A_1460 : i32 to vector<16xi32>
    %add3A_1462 = arith.addi %get3A_1459, %add3A_1461 : vector<16xi32>
    %swap3A_1463 = arith.constant 13 : i32
    %swap3A_1464 = arith.index_cast %swap3A_1463 : i32 to index
    %swap3A_1465 = arith.constant 0 : index
    %swap3A_1466 = tpu.vector_load %arg5[%swap3A_1464, %swap3A_1465] {strides = array<i32>} : memref<26x128xi32, #tpu.memory_space<vmem>>, vector<1x16xi32>,
    %swap3A_1467 = vector.shape_cast %swap3A_1466 : vector<1x16xi32> to vector<16xi32>
    %swap3A_1468 = vector.shape_cast %add3A_1462 : vector<16xi32> to vector<1x16xi32>
    tpu.vector_store %arg5[%swap3A_1464, %swap3A_1465], %swap3A_1468 {strides = array<i32>} : memref<26x128xi32, #tpu.memory_space<vmem>>, vector<1x16xi32>,
    %get3A_1469 = arith.constant 13 : i32
    %get3A_1470 = arith.index_cast %get3A_1469 : i32 to index
    %get3A_1471 = arith.constant 16 : index
    %get3A_1472 = tpu.vector_load %arg5[%get3A_1470, %get3A_1471] {strides = array<i32>} : memref<26x128xi32, #tpu.memory_space<vmem>>, vector<1x16xi32>,
    %get3A_1473 = vector.shape_cast %get3A_1472 : vector<1x16xi32> to vector<16xi32>
    %add3A_1474 = arith.constant 13000 : i32
    %add3A_1475 = vector.broadcast %add3A_1474 : i32 to vector<16xi32>
    %add3A_1476 = arith.addi %get3A_1473, %add3A_1475 : vector<16xi32>
    %swap3A_1477 = arith.constant 13 : i32
    %swap3A_1478 = arith.index_cast %swap3A_1477 : i32 to index
    %swap3A_1479 = arith.constant 16 : index
    %swap3A_1480 = tpu.vector_load %arg5[%swap3A_1478, %swap3A_1479] {strides = array<i32>} : memref<26x128xi32, #tpu.memory_space<vmem>>, vector<1x16xi32>,
    %swap3A_1481 = vector.shape_cast %swap3A_1480 : vector<1x16xi32> to vector<16xi32>
    %swap3A_1482 = vector.shape_cast %add3A_1476 : vector<16xi32> to vector<1x16xi32>
    tpu.vector_store %arg5[%swap3A_1478, %swap3A_1479], %swap3A_1482 {strides = array<i32>} : memref<26x128xi32, #tpu.memory_space<vmem>>, vector<1x16xi32>,
    %get3A_1483 = arith.constant 13 : i32
    %get3A_1484 = arith.index_cast %get3A_1483 : i32 to index
    %get3A_1485 = arith.constant 32 : index
    %get3A_1486 = tpu.vector_load %arg5[%get3A_1484, %get3A_1485] {strides = array<i32>} : memref<26x128xi32, #tpu.memory_space<vmem>>, vector<1x16xi32>,
    %get3A_1487 = vector.shape_cast %get3A_1486 : vector<1x16xi32> to vector<16xi32>
    %add3A_1488 = arith.constant 13000 : i32
    %add3A_1489 = vector.broadcast %add3A_1488 : i32 to vector<16xi32>
    %add3A_1490 = arith.addi %get3A_1487, %add3A_1489 : vector<16xi32>
    %swap3A_1491 = arith.constant 13 : i32
    %swap3A_1492 = arith.index_cast %swap3A_1491 : i32 to index
    %swap3A_1493 = arith.constant 32 : index
    %swap3A_1494 = tpu.vector_load %arg5[%swap3A_1492, %swap3A_1493] {strides = array<i32>} : memref<26x128xi32, #tpu.memory_space<vmem>>, vector<1x16xi32>,
    %swap3A_1495 = vector.shape_cast %swap3A_1494 : vector<1x16xi32> to vector<16xi32>
    %swap3A_1496 = vector.shape_cast %add3A_1490 : vector<16xi32> to vector<1x16xi32>
    tpu.vector_store %arg5[%swap3A_1492, %swap3A_1493], %swap3A_1496 {strides = array<i32>} : memref<26x128xi32, #tpu.memory_space<vmem>>, vector<1x16xi32>,
    %get3A_1497 = arith.constant 13 : i32
    %get3A_1498 = arith.index_cast %get3A_1497 : i32 to index
    %get3A_1499 = arith.constant 48 : index
    %get3A_1500 = tpu.vector_load %arg5[%get3A_1498, %get3A_1499] {strides = array<i32>} : memref<26x128xi32, #tpu.memory_space<vmem>>, vector<1x16xi32>,
    %get3A_1501 = vector.shape_cast %get3A_1500 : vector<1x16xi32> to vector<16xi32>
    %add3A_1502 = arith.constant 13000 : i32
    %add3A_1503 = vector.broadcast %add3A_1502 : i32 to vector<16xi32>
    %add3A_1504 = arith.addi %get3A_1501, %add3A_1503 : vector<16xi32>
    %swap3A_1505 = arith.constant 13 : i32
    %swap3A_1506 = arith.index_cast %swap3A_1505 : i32 to index
    %swap3A_1507 = arith.constant 48 : index
    %swap3A_1508 = tpu.vector_load %arg5[%swap3A_1506, %swap3A_1507] {strides = array<i32>} : memref<26x128xi32, #tpu.memory_space<vmem>>, vector<1x16xi32>,
    %swap3A_1509 = vector.shape_cast %swap3A_1508 : vector<1x16xi32> to vector<16xi32>
    %swap3A_1510 = vector.shape_cast %add3A_1504 : vector<16xi32> to vector<1x16xi32>
    tpu.vector_store %arg5[%swap3A_1506, %swap3A_1507], %swap3A_1510 {strides = array<i32>} : memref<26x128xi32, #tpu.memory_space<vmem>>, vector<1x16xi32>,
    %get3A_1511 = arith.constant 13 : i32
    %get3A_1512 = arith.index_cast %get3A_1511 : i32 to index
    %get3A_1513 = arith.constant 64 : index
    %get3A_1514 = tpu.vector_load %arg5[%get3A_1512, %get3A_1513] {strides = array<i32>} : memref<26x128xi32, #tpu.memory_space<vmem>>, vector<1x16xi32>,
    %get3A_1515 = vector.shape_cast %get3A_1514 : vector<1x16xi32> to vector<16xi32>
    %add3A_1516 = arith.constant 13000 : i32
    %add3A_1517 = vector.broadcast %add3A_1516 : i32 to vector<16xi32>
    %add3A_1518 = arith.addi %get3A_1515, %add3A_1517 : vector<16xi32>
    %swap3A_1519 = arith.constant 13 : i32
    %swap3A_1520 = arith.index_cast %swap3A_1519 : i32 to index
    %swap3A_1521 = arith.constant 64 : index
    %swap3A_1522 = tpu.vector_load %arg5[%swap3A_1520, %swap3A_1521] {strides = array<i32>} : memref<26x128xi32, #tpu.memory_space<vmem>>, vector<1x16xi32>,
    %swap3A_1523 = vector.shape_cast %swap3A_1522 : vector<1x16xi32> to vector<16xi32>
    %swap3A_1524 = vector.shape_cast %add3A_1518 : vector<16xi32> to vector<1x16xi32>
    tpu.vector_store %arg5[%swap3A_1520, %swap3A_1521], %swap3A_1524 {strides = array<i32>} : memref<26x128xi32, #tpu.memory_space<vmem>>, vector<1x16xi32>,
    %get3A_1525 = arith.constant 13 : i32
    %get3A_1526 = arith.index_cast %get3A_1525 : i32 to index
    %get3A_1527 = arith.constant 80 : index
    %get3A_1528 = tpu.vector_load %arg5[%get3A_1526, %get3A_1527] {strides = array<i32>} : memref<26x128xi32, #tpu.memory_space<vmem>>, vector<1x16xi32>,
    %get3A_1529 = vector.shape_cast %get3A_1528 : vector<1x16xi32> to vector<16xi32>
    %add3A_1530 = arith.constant 13000 : i32
    %add3A_1531 = vector.broadcast %add3A_1530 : i32 to vector<16xi32>
    %add3A_1532 = arith.addi %get3A_1529, %add3A_1531 : vector<16xi32>
    %swap3A_1533 = arith.constant 13 : i32
    %swap3A_1534 = arith.index_cast %swap3A_1533 : i32 to index
    %swap3A_1535 = arith.constant 80 : index
    %swap3A_1536 = tpu.vector_load %arg5[%swap3A_1534, %swap3A_1535] {strides = array<i32>} : memref<26x128xi32, #tpu.memory_space<vmem>>, vector<1x16xi32>,
    %swap3A_1537 = vector.shape_cast %swap3A_1536 : vector<1x16xi32> to vector<16xi32>
    %swap3A_1538 = vector.shape_cast %add3A_1532 : vector<16xi32> to vector<1x16xi32>
    tpu.vector_store %arg5[%swap3A_1534, %swap3A_1535], %swap3A_1538 {strides = array<i32>} : memref<26x128xi32, #tpu.memory_space<vmem>>, vector<1x16xi32>,
    %get3A_1539 = arith.constant 13 : i32
    %get3A_1540 = arith.index_cast %get3A_1539 : i32 to index
    %get3A_1541 = arith.constant 96 : index
    %get3A_1542 = tpu.vector_load %arg5[%get3A_1540, %get3A_1541] {strides = array<i32>} : memref<26x128xi32, #tpu.memory_space<vmem>>, vector<1x16xi32>,
    %get3A_1543 = vector.shape_cast %get3A_1542 : vector<1x16xi32> to vector<16xi32>
    %add3A_1544 = arith.constant 13000 : i32
    %add3A_1545 = vector.broadcast %add3A_1544 : i32 to vector<16xi32>
    %add3A_1546 = arith.addi %get3A_1543, %add3A_1545 : vector<16xi32>
    %swap3A_1547 = arith.constant 13 : i32
    %swap3A_1548 = arith.index_cast %swap3A_1547 : i32 to index
    %swap3A_1549 = arith.constant 96 : index
    %swap3A_1550 = tpu.vector_load %arg5[%swap3A_1548, %swap3A_1549] {strides = array<i32>} : memref<26x128xi32, #tpu.memory_space<vmem>>, vector<1x16xi32>,
    %swap3A_1551 = vector.shape_cast %swap3A_1550 : vector<1x16xi32> to vector<16xi32>
    %swap3A_1552 = vector.shape_cast %add3A_1546 : vector<16xi32> to vector<1x16xi32>
    tpu.vector_store %arg5[%swap3A_1548, %swap3A_1549], %swap3A_1552 {strides = array<i32>} : memref<26x128xi32, #tpu.memory_space<vmem>>, vector<1x16xi32>,
    %get3A_1553 = arith.constant 13 : i32
    %get3A_1554 = arith.index_cast %get3A_1553 : i32 to index
    %get3A_1555 = arith.constant 112 : index
    %get3A_1556 = tpu.vector_load %arg5[%get3A_1554, %get3A_1555] {strides = array<i32>} : memref<26x128xi32, #tpu.memory_space<vmem>>, vector<1x16xi32>,
    %get3A_1557 = vector.shape_cast %get3A_1556 : vector<1x16xi32> to vector<16xi32>
    %add3A_1558 = arith.constant 13000 : i32
    %add3A_1559 = vector.broadcast %add3A_1558 : i32 to vector<16xi32>
    %add3A_1560 = arith.addi %get3A_1557, %add3A_1559 : vector<16xi32>
    %swap3A_1561 = arith.constant 13 : i32
    %swap3A_1562 = arith.index_cast %swap3A_1561 : i32 to index
    %swap3A_1563 = arith.constant 112 : index
    %swap3A_1564 = tpu.vector_load %arg5[%swap3A_1562, %swap3A_1563] {strides = array<i32>} : memref<26x128xi32, #tpu.memory_space<vmem>>, vector<1x16xi32>,
    %swap3A_1565 = vector.shape_cast %swap3A_1564 : vector<1x16xi32> to vector<16xi32>
    %swap3A_1566 = vector.shape_cast %add3A_1560 : vector<16xi32> to vector<1x16xi32>
    tpu.vector_store %arg5[%swap3A_1562, %swap3A_1563], %swap3A_1566 {strides = array<i32>} : memref<26x128xi32, #tpu.memory_space<vmem>>, vector<1x16xi32>,
    %get3A_1567 = arith.constant 14 : i32
    %get3A_1568 = arith.index_cast %get3A_1567 : i32 to index
    %get3A_1569 = arith.constant 0 : index
    %get3A_1570 = tpu.vector_load %arg5[%get3A_1568, %get3A_1569] {strides = array<i32>} : memref<26x128xi32, #tpu.memory_space<vmem>>, vector<1x16xi32>,
    %get3A_1571 = vector.shape_cast %get3A_1570 : vector<1x16xi32> to vector<16xi32>
    %add3A_1572 = arith.constant 14000 : i32
    %add3A_1573 = vector.broadcast %add3A_1572 : i32 to vector<16xi32>
    %add3A_1574 = arith.addi %get3A_1571, %add3A_1573 : vector<16xi32>
    %swap3A_1575 = arith.constant 14 : i32
    %swap3A_1576 = arith.index_cast %swap3A_1575 : i32 to index
    %swap3A_1577 = arith.constant 0 : index
    %swap3A_1578 = tpu.vector_load %arg5[%swap3A_1576, %swap3A_1577] {strides = array<i32>} : memref<26x128xi32, #tpu.memory_space<vmem>>, vector<1x16xi32>,
    %swap3A_1579 = vector.shape_cast %swap3A_1578 : vector<1x16xi32> to vector<16xi32>
    %swap3A_1580 = vector.shape_cast %add3A_1574 : vector<16xi32> to vector<1x16xi32>
    tpu.vector_store %arg5[%swap3A_1576, %swap3A_1577], %swap3A_1580 {strides = array<i32>} : memref<26x128xi32, #tpu.memory_space<vmem>>, vector<1x16xi32>,
    %get3A_1581 = arith.constant 14 : i32
    %get3A_1582 = arith.index_cast %get3A_1581 : i32 to index
    %get3A_1583 = arith.constant 16 : index
    %get3A_1584 = tpu.vector_load %arg5[%get3A_1582, %get3A_1583] {strides = array<i32>} : memref<26x128xi32, #tpu.memory_space<vmem>>, vector<1x16xi32>,
    %get3A_1585 = vector.shape_cast %get3A_1584 : vector<1x16xi32> to vector<16xi32>
    %add3A_1586 = arith.constant 14000 : i32
    %add3A_1587 = vector.broadcast %add3A_1586 : i32 to vector<16xi32>
    %add3A_1588 = arith.addi %get3A_1585, %add3A_1587 : vector<16xi32>
    %swap3A_1589 = arith.constant 14 : i32
    %swap3A_1590 = arith.index_cast %swap3A_1589 : i32 to index
    %swap3A_1591 = arith.constant 16 : index
    %swap3A_1592 = tpu.vector_load %arg5[%swap3A_1590, %swap3A_1591] {strides = array<i32>} : memref<26x128xi32, #tpu.memory_space<vmem>>, vector<1x16xi32>,
    %swap3A_1593 = vector.shape_cast %swap3A_1592 : vector<1x16xi32> to vector<16xi32>
    %swap3A_1594 = vector.shape_cast %add3A_1588 : vector<16xi32> to vector<1x16xi32>
    tpu.vector_store %arg5[%swap3A_1590, %swap3A_1591], %swap3A_1594 {strides = array<i32>} : memref<26x128xi32, #tpu.memory_space<vmem>>, vector<1x16xi32>,
    %get3A_1595 = arith.constant 14 : i32
    %get3A_1596 = arith.index_cast %get3A_1595 : i32 to index
    %get3A_1597 = arith.constant 32 : index
    %get3A_1598 = tpu.vector_load %arg5[%get3A_1596, %get3A_1597] {strides = array<i32>} : memref<26x128xi32, #tpu.memory_space<vmem>>, vector<1x16xi32>,
    %get3A_1599 = vector.shape_cast %get3A_1598 : vector<1x16xi32> to vector<16xi32>
    %add3A_1600 = arith.constant 14000 : i32
    %add3A_1601 = vector.broadcast %add3A_1600 : i32 to vector<16xi32>
    %add3A_1602 = arith.addi %get3A_1599, %add3A_1601 : vector<16xi32>
    %swap3A_1603 = arith.constant 14 : i32
    %swap3A_1604 = arith.index_cast %swap3A_1603 : i32 to index
    %swap3A_1605 = arith.constant 32 : index
    %swap3A_1606 = tpu.vector_load %arg5[%swap3A_1604, %swap3A_1605] {strides = array<i32>} : memref<26x128xi32, #tpu.memory_space<vmem>>, vector<1x16xi32>,
    %swap3A_1607 = vector.shape_cast %swap3A_1606 : vector<1x16xi32> to vector<16xi32>
    %swap3A_1608 = vector.shape_cast %add3A_1602 : vector<16xi32> to vector<1x16xi32>
    tpu.vector_store %arg5[%swap3A_1604, %swap3A_1605], %swap3A_1608 {strides = array<i32>} : memref<26x128xi32, #tpu.memory_space<vmem>>, vector<1x16xi32>,
    %get3A_1609 = arith.constant 14 : i32
    %get3A_1610 = arith.index_cast %get3A_1609 : i32 to index
    %get3A_1611 = arith.constant 48 : index
    %get3A_1612 = tpu.vector_load %arg5[%get3A_1610, %get3A_1611] {strides = array<i32>} : memref<26x128xi32, #tpu.memory_space<vmem>>, vector<1x16xi32>,
    %get3A_1613 = vector.shape_cast %get3A_1612 : vector<1x16xi32> to vector<16xi32>
    %add3A_1614 = arith.constant 14000 : i32
    %add3A_1615 = vector.broadcast %add3A_1614 : i32 to vector<16xi32>
    %add3A_1616 = arith.addi %get3A_1613, %add3A_1615 : vector<16xi32>
    %swap3A_1617 = arith.constant 14 : i32
    %swap3A_1618 = arith.index_cast %swap3A_1617 : i32 to index
    %swap3A_1619 = arith.constant 48 : index
    %swap3A_1620 = tpu.vector_load %arg5[%swap3A_1618, %swap3A_1619] {strides = array<i32>} : memref<26x128xi32, #tpu.memory_space<vmem>>, vector<1x16xi32>,
    %swap3A_1621 = vector.shape_cast %swap3A_1620 : vector<1x16xi32> to vector<16xi32>
    %swap3A_1622 = vector.shape_cast %add3A_1616 : vector<16xi32> to vector<1x16xi32>
    tpu.vector_store %arg5[%swap3A_1618, %swap3A_1619], %swap3A_1622 {strides = array<i32>} : memref<26x128xi32, #tpu.memory_space<vmem>>, vector<1x16xi32>,
    %get3A_1623 = arith.constant 14 : i32
    %get3A_1624 = arith.index_cast %get3A_1623 : i32 to index
    %get3A_1625 = arith.constant 64 : index
    %get3A_1626 = tpu.vector_load %arg5[%get3A_1624, %get3A_1625] {strides = array<i32>} : memref<26x128xi32, #tpu.memory_space<vmem>>, vector<1x16xi32>,
    %get3A_1627 = vector.shape_cast %get3A_1626 : vector<1x16xi32> to vector<16xi32>
    %add3A_1628 = arith.constant 14000 : i32
    %add3A_1629 = vector.broadcast %add3A_1628 : i32 to vector<16xi32>
    %add3A_1630 = arith.addi %get3A_1627, %add3A_1629 : vector<16xi32>
    %swap3A_1631 = arith.constant 14 : i32
    %swap3A_1632 = arith.index_cast %swap3A_1631 : i32 to index
    %swap3A_1633 = arith.constant 64 : index
    %swap3A_1634 = tpu.vector_load %arg5[%swap3A_1632, %swap3A_1633] {strides = array<i32>} : memref<26x128xi32, #tpu.memory_space<vmem>>, vector<1x16xi32>,
    %swap3A_1635 = vector.shape_cast %swap3A_1634 : vector<1x16xi32> to vector<16xi32>
    %swap3A_1636 = vector.shape_cast %add3A_1630 : vector<16xi32> to vector<1x16xi32>
    tpu.vector_store %arg5[%swap3A_1632, %swap3A_1633], %swap3A_1636 {strides = array<i32>} : memref<26x128xi32, #tpu.memory_space<vmem>>, vector<1x16xi32>,
    %get3A_1637 = arith.constant 14 : i32
    %get3A_1638 = arith.index_cast %get3A_1637 : i32 to index
    %get3A_1639 = arith.constant 80 : index
    %get3A_1640 = tpu.vector_load %arg5[%get3A_1638, %get3A_1639] {strides = array<i32>} : memref<26x128xi32, #tpu.memory_space<vmem>>, vector<1x16xi32>,
    %get3A_1641 = vector.shape_cast %get3A_1640 : vector<1x16xi32> to vector<16xi32>
    %add3A_1642 = arith.constant 14000 : i32
    %add3A_1643 = vector.broadcast %add3A_1642 : i32 to vector<16xi32>
    %add3A_1644 = arith.addi %get3A_1641, %add3A_1643 : vector<16xi32>
    %swap3A_1645 = arith.constant 14 : i32
    %swap3A_1646 = arith.index_cast %swap3A_1645 : i32 to index
    %swap3A_1647 = arith.constant 80 : index
    %swap3A_1648 = tpu.vector_load %arg5[%swap3A_1646, %swap3A_1647] {strides = array<i32>} : memref<26x128xi32, #tpu.memory_space<vmem>>, vector<1x16xi32>,
    %swap3A_1649 = vector.shape_cast %swap3A_1648 : vector<1x16xi32> to vector<16xi32>
    %swap3A_1650 = vector.shape_cast %add3A_1644 : vector<16xi32> to vector<1x16xi32>
    tpu.vector_store %arg5[%swap3A_1646, %swap3A_1647], %swap3A_1650 {strides = array<i32>} : memref<26x128xi32, #tpu.memory_space<vmem>>, vector<1x16xi32>,
    %get3A_1651 = arith.constant 14 : i32
    %get3A_1652 = arith.index_cast %get3A_1651 : i32 to index
    %get3A_1653 = arith.constant 96 : index
    %get3A_1654 = tpu.vector_load %arg5[%get3A_1652, %get3A_1653] {strides = array<i32>} : memref<26x128xi32, #tpu.memory_space<vmem>>, vector<1x16xi32>,
    %get3A_1655 = vector.shape_cast %get3A_1654 : vector<1x16xi32> to vector<16xi32>
    %add3A_1656 = arith.constant 14000 : i32
    %add3A_1657 = vector.broadcast %add3A_1656 : i32 to vector<16xi32>
    %add3A_1658 = arith.addi %get3A_1655, %add3A_1657 : vector<16xi32>
    %swap3A_1659 = arith.constant 14 : i32
    %swap3A_1660 = arith.index_cast %swap3A_1659 : i32 to index
    %swap3A_1661 = arith.constant 96 : index
    %swap3A_1662 = tpu.vector_load %arg5[%swap3A_1660, %swap3A_1661] {strides = array<i32>} : memref<26x128xi32, #tpu.memory_space<vmem>>, vector<1x16xi32>,
    %swap3A_1663 = vector.shape_cast %swap3A_1662 : vector<1x16xi32> to vector<16xi32>
    %swap3A_1664 = vector.shape_cast %add3A_1658 : vector<16xi32> to vector<1x16xi32>
    tpu.vector_store %arg5[%swap3A_1660, %swap3A_1661], %swap3A_1664 {strides = array<i32>} : memref<26x128xi32, #tpu.memory_space<vmem>>, vector<1x16xi32>,
    %get3A_1665 = arith.constant 14 : i32
    %get3A_1666 = arith.index_cast %get3A_1665 : i32 to index
    %get3A_1667 = arith.constant 112 : index
    %get3A_1668 = tpu.vector_load %arg5[%get3A_1666, %get3A_1667] {strides = array<i32>} : memref<26x128xi32, #tpu.memory_space<vmem>>, vector<1x16xi32>,
    %get3A_1669 = vector.shape_cast %get3A_1668 : vector<1x16xi32> to vector<16xi32>
    %add3A_1670 = arith.constant 14000 : i32
    %add3A_1671 = vector.broadcast %add3A_1670 : i32 to vector<16xi32>
    %add3A_1672 = arith.addi %get3A_1669, %add3A_1671 : vector<16xi32>
    %swap3A_1673 = arith.constant 14 : i32
    %swap3A_1674 = arith.index_cast %swap3A_1673 : i32 to index
    %swap3A_1675 = arith.constant 112 : index
    %swap3A_1676 = tpu.vector_load %arg5[%swap3A_1674, %swap3A_1675] {strides = array<i32>} : memref<26x128xi32, #tpu.memory_space<vmem>>, vector<1x16xi32>,
    %swap3A_1677 = vector.shape_cast %swap3A_1676 : vector<1x16xi32> to vector<16xi32>
    %swap3A_1678 = vector.shape_cast %add3A_1672 : vector<16xi32> to vector<1x16xi32>
    tpu.vector_store %arg5[%swap3A_1674, %swap3A_1675], %swap3A_1678 {strides = array<i32>} : memref<26x128xi32, #tpu.memory_space<vmem>>, vector<1x16xi32>,
    %get3A_1679 = arith.constant 15 : i32
    %get3A_1680 = arith.index_cast %get3A_1679 : i32 to index
    %get3A_1681 = arith.constant 0 : index
    %get3A_1682 = tpu.vector_load %arg5[%get3A_1680, %get3A_1681] {strides = array<i32>} : memref<26x128xi32, #tpu.memory_space<vmem>>, vector<1x16xi32>,
    %get3A_1683 = vector.shape_cast %get3A_1682 : vector<1x16xi32> to vector<16xi32>
    %add3A_1684 = arith.constant 15000 : i32
    %add3A_1685 = vector.broadcast %add3A_1684 : i32 to vector<16xi32>
    %add3A_1686 = arith.addi %get3A_1683, %add3A_1685 : vector<16xi32>
    %swap3A_1687 = arith.constant 15 : i32
    %swap3A_1688 = arith.index_cast %swap3A_1687 : i32 to index
    %swap3A_1689 = arith.constant 0 : index
    %swap3A_1690 = tpu.vector_load %arg5[%swap3A_1688, %swap3A_1689] {strides = array<i32>} : memref<26x128xi32, #tpu.memory_space<vmem>>, vector<1x16xi32>,
    %swap3A_1691 = vector.shape_cast %swap3A_1690 : vector<1x16xi32> to vector<16xi32>
    %swap3A_1692 = vector.shape_cast %add3A_1686 : vector<16xi32> to vector<1x16xi32>
    tpu.vector_store %arg5[%swap3A_1688, %swap3A_1689], %swap3A_1692 {strides = array<i32>} : memref<26x128xi32, #tpu.memory_space<vmem>>, vector<1x16xi32>,
    %get3A_1693 = arith.constant 15 : i32
    %get3A_1694 = arith.index_cast %get3A_1693 : i32 to index
    %get3A_1695 = arith.constant 16 : index
    %get3A_1696 = tpu.vector_load %arg5[%get3A_1694, %get3A_1695] {strides = array<i32>} : memref<26x128xi32, #tpu.memory_space<vmem>>, vector<1x16xi32>,
    %get3A_1697 = vector.shape_cast %get3A_1696 : vector<1x16xi32> to vector<16xi32>
    %add3A_1698 = arith.constant 15000 : i32
    %add3A_1699 = vector.broadcast %add3A_1698 : i32 to vector<16xi32>
    %add3A_1700 = arith.addi %get3A_1697, %add3A_1699 : vector<16xi32>
    %swap3A_1701 = arith.constant 15 : i32
    %swap3A_1702 = arith.index_cast %swap3A_1701 : i32 to index
    %swap3A_1703 = arith.constant 16 : index
    %swap3A_1704 = tpu.vector_load %arg5[%swap3A_1702, %swap3A_1703] {strides = array<i32>} : memref<26x128xi32, #tpu.memory_space<vmem>>, vector<1x16xi32>,
    %swap3A_1705 = vector.shape_cast %swap3A_1704 : vector<1x16xi32> to vector<16xi32>
    %swap3A_1706 = vector.shape_cast %add3A_1700 : vector<16xi32> to vector<1x16xi32>
    tpu.vector_store %arg5[%swap3A_1702, %swap3A_1703], %swap3A_1706 {strides = array<i32>} : memref<26x128xi32, #tpu.memory_space<vmem>>, vector<1x16xi32>,
    %get3A_1707 = arith.constant 15 : i32
    %get3A_1708 = arith.index_cast %get3A_1707 : i32 to index
    %get3A_1709 = arith.constant 32 : index
    %get3A_1710 = tpu.vector_load %arg5[%get3A_1708, %get3A_1709] {strides = array<i32>} : memref<26x128xi32, #tpu.memory_space<vmem>>, vector<1x16xi32>,
    %get3A_1711 = vector.shape_cast %get3A_1710 : vector<1x16xi32> to vector<16xi32>
    %add3A_1712 = arith.constant 15000 : i32
    %add3A_1713 = vector.broadcast %add3A_1712 : i32 to vector<16xi32>
    %add3A_1714 = arith.addi %get3A_1711, %add3A_1713 : vector<16xi32>
    %swap3A_1715 = arith.constant 15 : i32
    %swap3A_1716 = arith.index_cast %swap3A_1715 : i32 to index
    %swap3A_1717 = arith.constant 32 : index
    %swap3A_1718 = tpu.vector_load %arg5[%swap3A_1716, %swap3A_1717] {strides = array<i32>} : memref<26x128xi32, #tpu.memory_space<vmem>>, vector<1x16xi32>,
    %swap3A_1719 = vector.shape_cast %swap3A_1718 : vector<1x16xi32> to vector<16xi32>
    %swap3A_1720 = vector.shape_cast %add3A_1714 : vector<16xi32> to vector<1x16xi32>
    tpu.vector_store %arg5[%swap3A_1716, %swap3A_1717], %swap3A_1720 {strides = array<i32>} : memref<26x128xi32, #tpu.memory_space<vmem>>, vector<1x16xi32>,
    %get3A_1721 = arith.constant 15 : i32
    %get3A_1722 = arith.index_cast %get3A_1721 : i32 to index
    %get3A_1723 = arith.constant 48 : index
    %get3A_1724 = tpu.vector_load %arg5[%get3A_1722, %get3A_1723] {strides = array<i32>} : memref<26x128xi32, #tpu.memory_space<vmem>>, vector<1x16xi32>,
    %get3A_1725 = vector.shape_cast %get3A_1724 : vector<1x16xi32> to vector<16xi32>
    %add3A_1726 = arith.constant 15000 : i32
    %add3A_1727 = vector.broadcast %add3A_1726 : i32 to vector<16xi32>
    %add3A_1728 = arith.addi %get3A_1725, %add3A_1727 : vector<16xi32>
    %swap3A_1729 = arith.constant 15 : i32
    %swap3A_1730 = arith.index_cast %swap3A_1729 : i32 to index
    %swap3A_1731 = arith.constant 48 : index
    %swap3A_1732 = tpu.vector_load %arg5[%swap3A_1730, %swap3A_1731] {strides = array<i32>} : memref<26x128xi32, #tpu.memory_space<vmem>>, vector<1x16xi32>,
    %swap3A_1733 = vector.shape_cast %swap3A_1732 : vector<1x16xi32> to vector<16xi32>
    %swap3A_1734 = vector.shape_cast %add3A_1728 : vector<16xi32> to vector<1x16xi32>
    tpu.vector_store %arg5[%swap3A_1730, %swap3A_1731], %swap3A_1734 {strides = array<i32>} : memref<26x128xi32, #tpu.memory_space<vmem>>, vector<1x16xi32>,
    %get3A_1735 = arith.constant 15 : i32
    %get3A_1736 = arith.index_cast %get3A_1735 : i32 to index
    %get3A_1737 = arith.constant 64 : index
    %get3A_1738 = tpu.vector_load %arg5[%get3A_1736, %get3A_1737] {strides = array<i32>} : memref<26x128xi32, #tpu.memory_space<vmem>>, vector<1x16xi32>,
    %get3A_1739 = vector.shape_cast %get3A_1738 : vector<1x16xi32> to vector<16xi32>
    %add3A_1740 = arith.constant 15000 : i32
    %add3A_1741 = vector.broadcast %add3A_1740 : i32 to vector<16xi32>
    %add3A_1742 = arith.addi %get3A_1739, %add3A_1741 : vector<16xi32>
    %swap3A_1743 = arith.constant 15 : i32
    %swap3A_1744 = arith.index_cast %swap3A_1743 : i32 to index
    %swap3A_1745 = arith.constant 64 : index
    %swap3A_1746 = tpu.vector_load %arg5[%swap3A_1744, %swap3A_1745] {strides = array<i32>} : memref<26x128xi32, #tpu.memory_space<vmem>>, vector<1x16xi32>,
    %swap3A_1747 = vector.shape_cast %swap3A_1746 : vector<1x16xi32> to vector<16xi32>
    %swap3A_1748 = vector.shape_cast %add3A_1742 : vector<16xi32> to vector<1x16xi32>
    tpu.vector_store %arg5[%swap3A_1744, %swap3A_1745], %swap3A_1748 {strides = array<i32>} : memref<26x128xi32, #tpu.memory_space<vmem>>, vector<1x16xi32>,
    %get3A_1749 = arith.constant 15 : i32
    %get3A_1750 = arith.index_cast %get3A_1749 : i32 to index
    %get3A_1751 = arith.constant 80 : index
    %get3A_1752 = tpu.vector_load %arg5[%get3A_1750, %get3A_1751] {strides = array<i32>} : memref<26x128xi32, #tpu.memory_space<vmem>>, vector<1x16xi32>,
    %get3A_1753 = vector.shape_cast %get3A_1752 : vector<1x16xi32> to vector<16xi32>
    %add3A_1754 = arith.constant 15000 : i32
    %add3A_1755 = vector.broadcast %add3A_1754 : i32 to vector<16xi32>
    %add3A_1756 = arith.addi %get3A_1753, %add3A_1755 : vector<16xi32>
    %swap3A_1757 = arith.constant 15 : i32
    %swap3A_1758 = arith.index_cast %swap3A_1757 : i32 to index
    %swap3A_1759 = arith.constant 80 : index
    %swap3A_1760 = tpu.vector_load %arg5[%swap3A_1758, %swap3A_1759] {strides = array<i32>} : memref<26x128xi32, #tpu.memory_space<vmem>>, vector<1x16xi32>,
    %swap3A_1761 = vector.shape_cast %swap3A_1760 : vector<1x16xi32> to vector<16xi32>
    %swap3A_1762 = vector.shape_cast %add3A_1756 : vector<16xi32> to vector<1x16xi32>
    tpu.vector_store %arg5[%swap3A_1758, %swap3A_1759], %swap3A_1762 {strides = array<i32>} : memref<26x128xi32, #tpu.memory_space<vmem>>, vector<1x16xi32>,
    %get3A_1763 = arith.constant 15 : i32
    %get3A_1764 = arith.index_cast %get3A_1763 : i32 to index
    %get3A_1765 = arith.constant 96 : index
    %get3A_1766 = tpu.vector_load %arg5[%get3A_1764, %get3A_1765] {strides = array<i32>} : memref<26x128xi32, #tpu.memory_space<vmem>>, vector<1x16xi32>,
    %get3A_1767 = vector.shape_cast %get3A_1766 : vector<1x16xi32> to vector<16xi32>
    %add3A_1768 = arith.constant 15000 : i32
    %add3A_1769 = vector.broadcast %add3A_1768 : i32 to vector<16xi32>
    %add3A_1770 = arith.addi %get3A_1767, %add3A_1769 : vector<16xi32>
    %swap3A_1771 = arith.constant 15 : i32
    %swap3A_1772 = arith.index_cast %swap3A_1771 : i32 to index
    %swap3A_1773 = arith.constant 96 : index
    %swap3A_1774 = tpu.vector_load %arg5[%swap3A_1772, %swap3A_1773] {strides = array<i32>} : memref<26x128xi32, #tpu.memory_space<vmem>>, vector<1x16xi32>,
    %swap3A_1775 = vector.shape_cast %swap3A_1774 : vector<1x16xi32> to vector<16xi32>
    %swap3A_1776 = vector.shape_cast %add3A_1770 : vector<16xi32> to vector<1x16xi32>
    tpu.vector_store %arg5[%swap3A_1772, %swap3A_1773], %swap3A_1776 {strides = array<i32>} : memref<26x128xi32, #tpu.memory_space<vmem>>, vector<1x16xi32>,
    %get3A_1777 = arith.constant 15 : i32
    %get3A_1778 = arith.index_cast %get3A_1777 : i32 to index
    %get3A_1779 = arith.constant 112 : index
    %get3A_1780 = tpu.vector_load %arg5[%get3A_1778, %get3A_1779] {strides = array<i32>} : memref<26x128xi32, #tpu.memory_space<vmem>>, vector<1x16xi32>,
    %get3A_1781 = vector.shape_cast %get3A_1780 : vector<1x16xi32> to vector<16xi32>
    %add3A_1782 = arith.constant 15000 : i32
    %add3A_1783 = vector.broadcast %add3A_1782 : i32 to vector<16xi32>
    %add3A_1784 = arith.addi %get3A_1781, %add3A_1783 : vector<16xi32>
    %swap3A_1785 = arith.constant 15 : i32
    %swap3A_1786 = arith.index_cast %swap3A_1785 : i32 to index
    %swap3A_1787 = arith.constant 112 : index
    %swap3A_1788 = tpu.vector_load %arg5[%swap3A_1786, %swap3A_1787] {strides = array<i32>} : memref<26x128xi32, #tpu.memory_space<vmem>>, vector<1x16xi32>,
    %swap3A_1789 = vector.shape_cast %swap3A_1788 : vector<1x16xi32> to vector<16xi32>
    %swap3A_1790 = vector.shape_cast %add3A_1784 : vector<16xi32> to vector<1x16xi32>
    tpu.vector_store %arg5[%swap3A_1786, %swap3A_1787], %swap3A_1790 {strides = array<i32>} : memref<26x128xi32, #tpu.memory_space<vmem>>, vector<1x16xi32>,
    %get3A_1791 = arith.constant 16 : i32
    %get3A_1792 = arith.index_cast %get3A_1791 : i32 to index
    %get3A_1793 = arith.constant 0 : index
    %get3A_1794 = tpu.vector_load %arg5[%get3A_1792, %get3A_1793] {strides = array<i32>} : memref<26x128xi32, #tpu.memory_space<vmem>>, vector<1x16xi32>,
    %get3A_1795 = vector.shape_cast %get3A_1794 : vector<1x16xi32> to vector<16xi32>
    %add3A_1796 = arith.constant 16000 : i32
    %add3A_1797 = vector.broadcast %add3A_1796 : i32 to vector<16xi32>
    %add3A_1798 = arith.addi %get3A_1795, %add3A_1797 : vector<16xi32>
    %swap3A_1799 = arith.constant 16 : i32
    %swap3A_1800 = arith.index_cast %swap3A_1799 : i32 to index
    %swap3A_1801 = arith.constant 0 : index
    %swap3A_1802 = tpu.vector_load %arg5[%swap3A_1800, %swap3A_1801] {strides = array<i32>} : memref<26x128xi32, #tpu.memory_space<vmem>>, vector<1x16xi32>,
    %swap3A_1803 = vector.shape_cast %swap3A_1802 : vector<1x16xi32> to vector<16xi32>
    %swap3A_1804 = vector.shape_cast %add3A_1798 : vector<16xi32> to vector<1x16xi32>
    tpu.vector_store %arg5[%swap3A_1800, %swap3A_1801], %swap3A_1804 {strides = array<i32>} : memref<26x128xi32, #tpu.memory_space<vmem>>, vector<1x16xi32>,
    %get3A_1805 = arith.constant 16 : i32
    %get3A_1806 = arith.index_cast %get3A_1805 : i32 to index
    %get3A_1807 = arith.constant 16 : index
    %get3A_1808 = tpu.vector_load %arg5[%get3A_1806, %get3A_1807] {strides = array<i32>} : memref<26x128xi32, #tpu.memory_space<vmem>>, vector<1x16xi32>,
    %get3A_1809 = vector.shape_cast %get3A_1808 : vector<1x16xi32> to vector<16xi32>
    %add3A_1810 = arith.constant 16000 : i32
    %add3A_1811 = vector.broadcast %add3A_1810 : i32 to vector<16xi32>
    %add3A_1812 = arith.addi %get3A_1809, %add3A_1811 : vector<16xi32>
    %swap3A_1813 = arith.constant 16 : i32
    %swap3A_1814 = arith.index_cast %swap3A_1813 : i32 to index
    %swap3A_1815 = arith.constant 16 : index
    %swap3A_1816 = tpu.vector_load %arg5[%swap3A_1814, %swap3A_1815] {strides = array<i32>} : memref<26x128xi32, #tpu.memory_space<vmem>>, vector<1x16xi32>,
    %swap3A_1817 = vector.shape_cast %swap3A_1816 : vector<1x16xi32> to vector<16xi32>
    %swap3A_1818 = vector.shape_cast %add3A_1812 : vector<16xi32> to vector<1x16xi32>
    tpu.vector_store %arg5[%swap3A_1814, %swap3A_1815], %swap3A_1818 {strides = array<i32>} : memref<26x128xi32, #tpu.memory_space<vmem>>, vector<1x16xi32>,
    %get3A_1819 = arith.constant 16 : i32
    %get3A_1820 = arith.index_cast %get3A_1819 : i32 to index
    %get3A_1821 = arith.constant 32 : index
    %get3A_1822 = tpu.vector_load %arg5[%get3A_1820, %get3A_1821] {strides = array<i32>} : memref<26x128xi32, #tpu.memory_space<vmem>>, vector<1x16xi32>,
    %get3A_1823 = vector.shape_cast %get3A_1822 : vector<1x16xi32> to vector<16xi32>
    %add3A_1824 = arith.constant 16000 : i32
    %add3A_1825 = vector.broadcast %add3A_1824 : i32 to vector<16xi32>
    %add3A_1826 = arith.addi %get3A_1823, %add3A_1825 : vector<16xi32>
    %swap3A_1827 = arith.constant 16 : i32
    %swap3A_1828 = arith.index_cast %swap3A_1827 : i32 to index
    %swap3A_1829 = arith.constant 32 : index
    %swap3A_1830 = tpu.vector_load %arg5[%swap3A_1828, %swap3A_1829] {strides = array<i32>} : memref<26x128xi32, #tpu.memory_space<vmem>>, vector<1x16xi32>,
    %swap3A_1831 = vector.shape_cast %swap3A_1830 : vector<1x16xi32> to vector<16xi32>
    %swap3A_1832 = vector.shape_cast %add3A_1826 : vector<16xi32> to vector<1x16xi32>
    tpu.vector_store %arg5[%swap3A_1828, %swap3A_1829], %swap3A_1832 {strides = array<i32>} : memref<26x128xi32, #tpu.memory_space<vmem>>, vector<1x16xi32>,
    %get3A_1833 = arith.constant 16 : i32
    %get3A_1834 = arith.index_cast %get3A_1833 : i32 to index
    %get3A_1835 = arith.constant 48 : index
    %get3A_1836 = tpu.vector_load %arg5[%get3A_1834, %get3A_1835] {strides = array<i32>} : memref<26x128xi32, #tpu.memory_space<vmem>>, vector<1x16xi32>,
    %get3A_1837 = vector.shape_cast %get3A_1836 : vector<1x16xi32> to vector<16xi32>
    %add3A_1838 = arith.constant 16000 : i32
    %add3A_1839 = vector.broadcast %add3A_1838 : i32 to vector<16xi32>
    %add3A_1840 = arith.addi %get3A_1837, %add3A_1839 : vector<16xi32>
    %swap3A_1841 = arith.constant 16 : i32
    %swap3A_1842 = arith.index_cast %swap3A_1841 : i32 to index
    %swap3A_1843 = arith.constant 48 : index
    %swap3A_1844 = tpu.vector_load %arg5[%swap3A_1842, %swap3A_1843] {strides = array<i32>} : memref<26x128xi32, #tpu.memory_space<vmem>>, vector<1x16xi32>,
    %swap3A_1845 = vector.shape_cast %swap3A_1844 : vector<1x16xi32> to vector<16xi32>
    %swap3A_1846 = vector.shape_cast %add3A_1840 : vector<16xi32> to vector<1x16xi32>
    tpu.vector_store %arg5[%swap3A_1842, %swap3A_1843], %swap3A_1846 {strides = array<i32>} : memref<26x128xi32, #tpu.memory_space<vmem>>, vector<1x16xi32>,
    %get3A_1847 = arith.constant 16 : i32
    %get3A_1848 = arith.index_cast %get3A_1847 : i32 to index
    %get3A_1849 = arith.constant 64 : index
    %get3A_1850 = tpu.vector_load %arg5[%get3A_1848, %get3A_1849] {strides = array<i32>} : memref<26x128xi32, #tpu.memory_space<vmem>>, vector<1x16xi32>,
    %get3A_1851 = vector.shape_cast %get3A_1850 : vector<1x16xi32> to vector<16xi32>
    %add3A_1852 = arith.constant 16000 : i32
    %add3A_1853 = vector.broadcast %add3A_1852 : i32 to vector<16xi32>
    %add3A_1854 = arith.addi %get3A_1851, %add3A_1853 : vector<16xi32>
    %swap3A_1855 = arith.constant 16 : i32
    %swap3A_1856 = arith.index_cast %swap3A_1855 : i32 to index
    %swap3A_1857 = arith.constant 64 : index
    %swap3A_1858 = tpu.vector_load %arg5[%swap3A_1856, %swap3A_1857] {strides = array<i32>} : memref<26x128xi32, #tpu.memory_space<vmem>>, vector<1x16xi32>,
    %swap3A_1859 = vector.shape_cast %swap3A_1858 : vector<1x16xi32> to vector<16xi32>
    %swap3A_1860 = vector.shape_cast %add3A_1854 : vector<16xi32> to vector<1x16xi32>
    tpu.vector_store %arg5[%swap3A_1856, %swap3A_1857], %swap3A_1860 {strides = array<i32>} : memref<26x128xi32, #tpu.memory_space<vmem>>, vector<1x16xi32>,
    %get3A_1861 = arith.constant 16 : i32
    %get3A_1862 = arith.index_cast %get3A_1861 : i32 to index
    %get3A_1863 = arith.constant 80 : index
    %get3A_1864 = tpu.vector_load %arg5[%get3A_1862, %get3A_1863] {strides = array<i32>} : memref<26x128xi32, #tpu.memory_space<vmem>>, vector<1x16xi32>,
    %get3A_1865 = vector.shape_cast %get3A_1864 : vector<1x16xi32> to vector<16xi32>
    %add3A_1866 = arith.constant 16000 : i32
    %add3A_1867 = vector.broadcast %add3A_1866 : i32 to vector<16xi32>
    %add3A_1868 = arith.addi %get3A_1865, %add3A_1867 : vector<16xi32>
    %swap3A_1869 = arith.constant 16 : i32
    %swap3A_1870 = arith.index_cast %swap3A_1869 : i32 to index
    %swap3A_1871 = arith.constant 80 : index
    %swap3A_1872 = tpu.vector_load %arg5[%swap3A_1870, %swap3A_1871] {strides = array<i32>} : memref<26x128xi32, #tpu.memory_space<vmem>>, vector<1x16xi32>,
    %swap3A_1873 = vector.shape_cast %swap3A_1872 : vector<1x16xi32> to vector<16xi32>
    %swap3A_1874 = vector.shape_cast %add3A_1868 : vector<16xi32> to vector<1x16xi32>
    tpu.vector_store %arg5[%swap3A_1870, %swap3A_1871], %swap3A_1874 {strides = array<i32>} : memref<26x128xi32, #tpu.memory_space<vmem>>, vector<1x16xi32>,
    %get3A_1875 = arith.constant 16 : i32
    %get3A_1876 = arith.index_cast %get3A_1875 : i32 to index
    %get3A_1877 = arith.constant 96 : index
    %get3A_1878 = tpu.vector_load %arg5[%get3A_1876, %get3A_1877] {strides = array<i32>} : memref<26x128xi32, #tpu.memory_space<vmem>>, vector<1x16xi32>,
    %get3A_1879 = vector.shape_cast %get3A_1878 : vector<1x16xi32> to vector<16xi32>
    %add3A_1880 = arith.constant 16000 : i32
    %add3A_1881 = vector.broadcast %add3A_1880 : i32 to vector<16xi32>
    %add3A_1882 = arith.addi %get3A_1879, %add3A_1881 : vector<16xi32>
    %swap3A_1883 = arith.constant 16 : i32
    %swap3A_1884 = arith.index_cast %swap3A_1883 : i32 to index
    %swap3A_1885 = arith.constant 96 : index
    %swap3A_1886 = tpu.vector_load %arg5[%swap3A_1884, %swap3A_1885] {strides = array<i32>} : memref<26x128xi32, #tpu.memory_space<vmem>>, vector<1x16xi32>,
    %swap3A_1887 = vector.shape_cast %swap3A_1886 : vector<1x16xi32> to vector<16xi32>
    %swap3A_1888 = vector.shape_cast %add3A_1882 : vector<16xi32> to vector<1x16xi32>
    tpu.vector_store %arg5[%swap3A_1884, %swap3A_1885], %swap3A_1888 {strides = array<i32>} : memref<26x128xi32, #tpu.memory_space<vmem>>, vector<1x16xi32>,
    %get3A_1889 = arith.constant 16 : i32
    %get3A_1890 = arith.index_cast %get3A_1889 : i32 to index
    %get3A_1891 = arith.constant 112 : index
    %get3A_1892 = tpu.vector_load %arg5[%get3A_1890, %get3A_1891] {strides = array<i32>} : memref<26x128xi32, #tpu.memory_space<vmem>>, vector<1x16xi32>,
    %get3A_1893 = vector.shape_cast %get3A_1892 : vector<1x16xi32> to vector<16xi32>
    %add3A_1894 = arith.constant 16000 : i32
    %add3A_1895 = vector.broadcast %add3A_1894 : i32 to vector<16xi32>
    %add3A_1896 = arith.addi %get3A_1893, %add3A_1895 : vector<16xi32>
    %swap3A_1897 = arith.constant 16 : i32
    %swap3A_1898 = arith.index_cast %swap3A_1897 : i32 to index
    %swap3A_1899 = arith.constant 112 : index
    %swap3A_1900 = tpu.vector_load %arg5[%swap3A_1898, %swap3A_1899] {strides = array<i32>} : memref<26x128xi32, #tpu.memory_space<vmem>>, vector<1x16xi32>,
    %swap3A_1901 = vector.shape_cast %swap3A_1900 : vector<1x16xi32> to vector<16xi32>
    %swap3A_1902 = vector.shape_cast %add3A_1896 : vector<16xi32> to vector<1x16xi32>
    tpu.vector_store %arg5[%swap3A_1898, %swap3A_1899], %swap3A_1902 {strides = array<i32>} : memref<26x128xi32, #tpu.memory_space<vmem>>, vector<1x16xi32>,
    %get3A_1903 = arith.constant 17 : i32
    %get3A_1904 = arith.index_cast %get3A_1903 : i32 to index
    %get3A_1905 = arith.constant 0 : index
    %get3A_1906 = tpu.vector_load %arg5[%get3A_1904, %get3A_1905] {strides = array<i32>} : memref<26x128xi32, #tpu.memory_space<vmem>>, vector<1x16xi32>,
    %get3A_1907 = vector.shape_cast %get3A_1906 : vector<1x16xi32> to vector<16xi32>
    %add3A_1908 = arith.constant 17000 : i32
    %add3A_1909 = vector.broadcast %add3A_1908 : i32 to vector<16xi32>
    %add3A_1910 = arith.addi %get3A_1907, %add3A_1909 : vector<16xi32>
    %swap3A_1911 = arith.constant 17 : i32
    %swap3A_1912 = arith.index_cast %swap3A_1911 : i32 to index
    %swap3A_1913 = arith.constant 0 : index
    %swap3A_1914 = tpu.vector_load %arg5[%swap3A_1912, %swap3A_1913] {strides = array<i32>} : memref<26x128xi32, #tpu.memory_space<vmem>>, vector<1x16xi32>,
    %swap3A_1915 = vector.shape_cast %swap3A_1914 : vector<1x16xi32> to vector<16xi32>
    %swap3A_1916 = vector.shape_cast %add3A_1910 : vector<16xi32> to vector<1x16xi32>
    tpu.vector_store %arg5[%swap3A_1912, %swap3A_1913], %swap3A_1916 {strides = array<i32>} : memref<26x128xi32, #tpu.memory_space<vmem>>, vector<1x16xi32>,
    %get3A_1917 = arith.constant 17 : i32
    %get3A_1918 = arith.index_cast %get3A_1917 : i32 to index
    %get3A_1919 = arith.constant 16 : index
    %get3A_1920 = tpu.vector_load %arg5[%get3A_1918, %get3A_1919] {strides = array<i32>} : memref<26x128xi32, #tpu.memory_space<vmem>>, vector<1x16xi32>,
    %get3A_1921 = vector.shape_cast %get3A_1920 : vector<1x16xi32> to vector<16xi32>
    %add3A_1922 = arith.constant 17000 : i32
    %add3A_1923 = vector.broadcast %add3A_1922 : i32 to vector<16xi32>
    %add3A_1924 = arith.addi %get3A_1921, %add3A_1923 : vector<16xi32>
    %swap3A_1925 = arith.constant 17 : i32
    %swap3A_1926 = arith.index_cast %swap3A_1925 : i32 to index
    %swap3A_1927 = arith.constant 16 : index
    %swap3A_1928 = tpu.vector_load %arg5[%swap3A_1926, %swap3A_1927] {strides = array<i32>} : memref<26x128xi32, #tpu.memory_space<vmem>>, vector<1x16xi32>,
    %swap3A_1929 = vector.shape_cast %swap3A_1928 : vector<1x16xi32> to vector<16xi32>
    %swap3A_1930 = vector.shape_cast %add3A_1924 : vector<16xi32> to vector<1x16xi32>
    tpu.vector_store %arg5[%swap3A_1926, %swap3A_1927], %swap3A_1930 {strides = array<i32>} : memref<26x128xi32, #tpu.memory_space<vmem>>, vector<1x16xi32>,
    %get3A_1931 = arith.constant 17 : i32
    %get3A_1932 = arith.index_cast %get3A_1931 : i32 to index
    %get3A_1933 = arith.constant 32 : index
    %get3A_1934 = tpu.vector_load %arg5[%get3A_1932, %get3A_1933] {strides = array<i32>} : memref<26x128xi32, #tpu.memory_space<vmem>>, vector<1x16xi32>,
    %get3A_1935 = vector.shape_cast %get3A_1934 : vector<1x16xi32> to vector<16xi32>
    %add3A_1936 = arith.constant 17000 : i32
    %add3A_1937 = vector.broadcast %add3A_1936 : i32 to vector<16xi32>
    %add3A_1938 = arith.addi %get3A_1935, %add3A_1937 : vector<16xi32>
    %swap3A_1939 = arith.constant 17 : i32
    %swap3A_1940 = arith.index_cast %swap3A_1939 : i32 to index
    %swap3A_1941 = arith.constant 32 : index
    %swap3A_1942 = tpu.vector_load %arg5[%swap3A_1940, %swap3A_1941] {strides = array<i32>} : memref<26x128xi32, #tpu.memory_space<vmem>>, vector<1x16xi32>,
    %swap3A_1943 = vector.shape_cast %swap3A_1942 : vector<1x16xi32> to vector<16xi32>
    %swap3A_1944 = vector.shape_cast %add3A_1938 : vector<16xi32> to vector<1x16xi32>
    tpu.vector_store %arg5[%swap3A_1940, %swap3A_1941], %swap3A_1944 {strides = array<i32>} : memref<26x128xi32, #tpu.memory_space<vmem>>, vector<1x16xi32>,
    %get3A_1945 = arith.constant 17 : i32
    %get3A_1946 = arith.index_cast %get3A_1945 : i32 to index
    %get3A_1947 = arith.constant 48 : index
    %get3A_1948 = tpu.vector_load %arg5[%get3A_1946, %get3A_1947] {strides = array<i32>} : memref<26x128xi32, #tpu.memory_space<vmem>>, vector<1x16xi32>,
    %get3A_1949 = vector.shape_cast %get3A_1948 : vector<1x16xi32> to vector<16xi32>
    %add3A_1950 = arith.constant 17000 : i32
    %add3A_1951 = vector.broadcast %add3A_1950 : i32 to vector<16xi32>
    %add3A_1952 = arith.addi %get3A_1949, %add3A_1951 : vector<16xi32>
    %swap3A_1953 = arith.constant 17 : i32
    %swap3A_1954 = arith.index_cast %swap3A_1953 : i32 to index
    %swap3A_1955 = arith.constant 48 : index
    %swap3A_1956 = tpu.vector_load %arg5[%swap3A_1954, %swap3A_1955] {strides = array<i32>} : memref<26x128xi32, #tpu.memory_space<vmem>>, vector<1x16xi32>,
    %swap3A_1957 = vector.shape_cast %swap3A_1956 : vector<1x16xi32> to vector<16xi32>
    %swap3A_1958 = vector.shape_cast %add3A_1952 : vector<16xi32> to vector<1x16xi32>
    tpu.vector_store %arg5[%swap3A_1954, %swap3A_1955], %swap3A_1958 {strides = array<i32>} : memref<26x128xi32, #tpu.memory_space<vmem>>, vector<1x16xi32>,
    %get3A_1959 = arith.constant 17 : i32
    %get3A_1960 = arith.index_cast %get3A_1959 : i32 to index
    %get3A_1961 = arith.constant 64 : index
    %get3A_1962 = tpu.vector_load %arg5[%get3A_1960, %get3A_1961] {strides = array<i32>} : memref<26x128xi32, #tpu.memory_space<vmem>>, vector<1x16xi32>,
    %get3A_1963 = vector.shape_cast %get3A_1962 : vector<1x16xi32> to vector<16xi32>
    %add3A_1964 = arith.constant 17000 : i32
    %add3A_1965 = vector.broadcast %add3A_1964 : i32 to vector<16xi32>
    %add3A_1966 = arith.addi %get3A_1963, %add3A_1965 : vector<16xi32>
    %swap3A_1967 = arith.constant 17 : i32
    %swap3A_1968 = arith.index_cast %swap3A_1967 : i32 to index
    %swap3A_1969 = arith.constant 64 : index
    %swap3A_1970 = tpu.vector_load %arg5[%swap3A_1968, %swap3A_1969] {strides = array<i32>} : memref<26x128xi32, #tpu.memory_space<vmem>>, vector<1x16xi32>,
    %swap3A_1971 = vector.shape_cast %swap3A_1970 : vector<1x16xi32> to vector<16xi32>
    %swap3A_1972 = vector.shape_cast %add3A_1966 : vector<16xi32> to vector<1x16xi32>
    tpu.vector_store %arg5[%swap3A_1968, %swap3A_1969], %swap3A_1972 {strides = array<i32>} : memref<26x128xi32, #tpu.memory_space<vmem>>, vector<1x16xi32>,
    %get3A_1973 = arith.constant 17 : i32
    %get3A_1974 = arith.index_cast %get3A_1973 : i32 to index
    %get3A_1975 = arith.constant 80 : index
    %get3A_1976 = tpu.vector_load %arg5[%get3A_1974, %get3A_1975] {strides = array<i32>} : memref<26x128xi32, #tpu.memory_space<vmem>>, vector<1x16xi32>,
    %get3A_1977 = vector.shape_cast %get3A_1976 : vector<1x16xi32> to vector<16xi32>
    %add3A_1978 = arith.constant 17000 : i32
    %add3A_1979 = vector.broadcast %add3A_1978 : i32 to vector<16xi32>
    %add3A_1980 = arith.addi %get3A_1977, %add3A_1979 : vector<16xi32>
    %swap3A_1981 = arith.constant 17 : i32
    %swap3A_1982 = arith.index_cast %swap3A_1981 : i32 to index
    %swap3A_1983 = arith.constant 80 : index
    %swap3A_1984 = tpu.vector_load %arg5[%swap3A_1982, %swap3A_1983] {strides = array<i32>} : memref<26x128xi32, #tpu.memory_space<vmem>>, vector<1x16xi32>,
    %swap3A_1985 = vector.shape_cast %swap3A_1984 : vector<1x16xi32> to vector<16xi32>
    %swap3A_1986 = vector.shape_cast %add3A_1980 : vector<16xi32> to vector<1x16xi32>
    tpu.vector_store %arg5[%swap3A_1982, %swap3A_1983], %swap3A_1986 {strides = array<i32>} : memref<26x128xi32, #tpu.memory_space<vmem>>, vector<1x16xi32>,
    %get3A_1987 = arith.constant 17 : i32
    %get3A_1988 = arith.index_cast %get3A_1987 : i32 to index
    %get3A_1989 = arith.constant 96 : index
    %get3A_1990 = tpu.vector_load %arg5[%get3A_1988, %get3A_1989] {strides = array<i32>} : memref<26x128xi32, #tpu.memory_space<vmem>>, vector<1x16xi32>,
    %get3A_1991 = vector.shape_cast %get3A_1990 : vector<1x16xi32> to vector<16xi32>
    %add3A_1992 = arith.constant 17000 : i32
    %add3A_1993 = vector.broadcast %add3A_1992 : i32 to vector<16xi32>
    %add3A_1994 = arith.addi %get3A_1991, %add3A_1993 : vector<16xi32>
    %swap3A_1995 = arith.constant 17 : i32
    %swap3A_1996 = arith.index_cast %swap3A_1995 : i32 to index
    %swap3A_1997 = arith.constant 96 : index
    %swap3A_1998 = tpu.vector_load %arg5[%swap3A_1996, %swap3A_1997] {strides = array<i32>} : memref<26x128xi32, #tpu.memory_space<vmem>>, vector<1x16xi32>,
    %swap3A_1999 = vector.shape_cast %swap3A_1998 : vector<1x16xi32> to vector<16xi32>
    %swap3A_2000 = vector.shape_cast %add3A_1994 : vector<16xi32> to vector<1x16xi32>
    tpu.vector_store %arg5[%swap3A_1996, %swap3A_1997], %swap3A_2000 {strides = array<i32>} : memref<26x128xi32, #tpu.memory_space<vmem>>, vector<1x16xi32>,
    %get3A_2001 = arith.constant 17 : i32
    %get3A_2002 = arith.index_cast %get3A_2001 : i32 to index
    %get3A_2003 = arith.constant 112 : index
    %get3A_2004 = tpu.vector_load %arg5[%get3A_2002, %get3A_2003] {strides = array<i32>} : memref<26x128xi32, #tpu.memory_space<vmem>>, vector<1x16xi32>,
    %get3A_2005 = vector.shape_cast %get3A_2004 : vector<1x16xi32> to vector<16xi32>
    %add3A_2006 = arith.constant 17000 : i32
    %add3A_2007 = vector.broadcast %add3A_2006 : i32 to vector<16xi32>
    %add3A_2008 = arith.addi %get3A_2005, %add3A_2007 : vector<16xi32>
    %swap3A_2009 = arith.constant 17 : i32
    %swap3A_2010 = arith.index_cast %swap3A_2009 : i32 to index
    %swap3A_2011 = arith.constant 112 : index
    %swap3A_2012 = tpu.vector_load %arg5[%swap3A_2010, %swap3A_2011] {strides = array<i32>} : memref<26x128xi32, #tpu.memory_space<vmem>>, vector<1x16xi32>,
    %swap3A_2013 = vector.shape_cast %swap3A_2012 : vector<1x16xi32> to vector<16xi32>
    %swap3A_2014 = vector.shape_cast %add3A_2008 : vector<16xi32> to vector<1x16xi32>
    tpu.vector_store %arg5[%swap3A_2010, %swap3A_2011], %swap3A_2014 {strides = array<i32>} : memref<26x128xi32, #tpu.memory_space<vmem>>, vector<1x16xi32>,
    %get3A_2015 = arith.constant 18 : i32
    %get3A_2016 = arith.index_cast %get3A_2015 : i32 to index
    %get3A_2017 = arith.constant 0 : index
    %get3A_2018 = tpu.vector_load %arg5[%get3A_2016, %get3A_2017] {strides = array<i32>} : memref<26x128xi32, #tpu.memory_space<vmem>>, vector<1x16xi32>,
    %get3A_2019 = vector.shape_cast %get3A_2018 : vector<1x16xi32> to vector<16xi32>
    %add3A_2020 = arith.constant 18000 : i32
    %add3A_2021 = vector.broadcast %add3A_2020 : i32 to vector<16xi32>
    %add3A_2022 = arith.addi %get3A_2019, %add3A_2021 : vector<16xi32>
    %swap3A_2023 = arith.constant 18 : i32
    %swap3A_2024 = arith.index_cast %swap3A_2023 : i32 to index
    %swap3A_2025 = arith.constant 0 : index
    %swap3A_2026 = tpu.vector_load %arg5[%swap3A_2024, %swap3A_2025] {strides = array<i32>} : memref<26x128xi32, #tpu.memory_space<vmem>>, vector<1x16xi32>,
    %swap3A_2027 = vector.shape_cast %swap3A_2026 : vector<1x16xi32> to vector<16xi32>
    %swap3A_2028 = vector.shape_cast %add3A_2022 : vector<16xi32> to vector<1x16xi32>
    tpu.vector_store %arg5[%swap3A_2024, %swap3A_2025], %swap3A_2028 {strides = array<i32>} : memref<26x128xi32, #tpu.memory_space<vmem>>, vector<1x16xi32>,
    %get3A_2029 = arith.constant 18 : i32
    %get3A_2030 = arith.index_cast %get3A_2029 : i32 to index
    %get3A_2031 = arith.constant 16 : index
    %get3A_2032 = tpu.vector_load %arg5[%get3A_2030, %get3A_2031] {strides = array<i32>} : memref<26x128xi32, #tpu.memory_space<vmem>>, vector<1x16xi32>,
    %get3A_2033 = vector.shape_cast %get3A_2032 : vector<1x16xi32> to vector<16xi32>
    %add3A_2034 = arith.constant 18000 : i32
    %add3A_2035 = vector.broadcast %add3A_2034 : i32 to vector<16xi32>
    %add3A_2036 = arith.addi %get3A_2033, %add3A_2035 : vector<16xi32>
    %swap3A_2037 = arith.constant 18 : i32
    %swap3A_2038 = arith.index_cast %swap3A_2037 : i32 to index
    %swap3A_2039 = arith.constant 16 : index
    %swap3A_2040 = tpu.vector_load %arg5[%swap3A_2038, %swap3A_2039] {strides = array<i32>} : memref<26x128xi32, #tpu.memory_space<vmem>>, vector<1x16xi32>,
    %swap3A_2041 = vector.shape_cast %swap3A_2040 : vector<1x16xi32> to vector<16xi32>
    %swap3A_2042 = vector.shape_cast %add3A_2036 : vector<16xi32> to vector<1x16xi32>
    tpu.vector_store %arg5[%swap3A_2038, %swap3A_2039], %swap3A_2042 {strides = array<i32>} : memref<26x128xi32, #tpu.memory_space<vmem>>, vector<1x16xi32>,
    %get3A_2043 = arith.constant 18 : i32
    %get3A_2044 = arith.index_cast %get3A_2043 : i32 to index
    %get3A_2045 = arith.constant 32 : index
    %get3A_2046 = tpu.vector_load %arg5[%get3A_2044, %get3A_2045] {strides = array<i32>} : memref<26x128xi32, #tpu.memory_space<vmem>>, vector<1x16xi32>,
    %get3A_2047 = vector.shape_cast %get3A_2046 : vector<1x16xi32> to vector<16xi32>
    %add3A_2048 = arith.constant 18000 : i32
    %add3A_2049 = vector.broadcast %add3A_2048 : i32 to vector<16xi32>
    %add3A_2050 = arith.addi %get3A_2047, %add3A_2049 : vector<16xi32>
    %swap3A_2051 = arith.constant 18 : i32
    %swap3A_2052 = arith.index_cast %swap3A_2051 : i32 to index
    %swap3A_2053 = arith.constant 32 : index
    %swap3A_2054 = tpu.vector_load %arg5[%swap3A_2052, %swap3A_2053] {strides = array<i32>} : memref<26x128xi32, #tpu.memory_space<vmem>>, vector<1x16xi32>,
    %swap3A_2055 = vector.shape_cast %swap3A_2054 : vector<1x16xi32> to vector<16xi32>
    %swap3A_2056 = vector.shape_cast %add3A_2050 : vector<16xi32> to vector<1x16xi32>
    tpu.vector_store %arg5[%swap3A_2052, %swap3A_2053], %swap3A_2056 {strides = array<i32>} : memref<26x128xi32, #tpu.memory_space<vmem>>, vector<1x16xi32>,
    %get3A_2057 = arith.constant 18 : i32
    %get3A_2058 = arith.index_cast %get3A_2057 : i32 to index
    %get3A_2059 = arith.constant 48 : index
    %get3A_2060 = tpu.vector_load %arg5[%get3A_2058, %get3A_2059] {strides = array<i32>} : memref<26x128xi32, #tpu.memory_space<vmem>>, vector<1x16xi32>,
    %get3A_2061 = vector.shape_cast %get3A_2060 : vector<1x16xi32> to vector<16xi32>
    %add3A_2062 = arith.constant 18000 : i32
    %add3A_2063 = vector.broadcast %add3A_2062 : i32 to vector<16xi32>
    %add3A_2064 = arith.addi %get3A_2061, %add3A_2063 : vector<16xi32>
    %swap3A_2065 = arith.constant 18 : i32
    %swap3A_2066 = arith.index_cast %swap3A_2065 : i32 to index
    %swap3A_2067 = arith.constant 48 : index
    %swap3A_2068 = tpu.vector_load %arg5[%swap3A_2066, %swap3A_2067] {strides = array<i32>} : memref<26x128xi32, #tpu.memory_space<vmem>>, vector<1x16xi32>,
    %swap3A_2069 = vector.shape_cast %swap3A_2068 : vector<1x16xi32> to vector<16xi32>
    %swap3A_2070 = vector.shape_cast %add3A_2064 : vector<16xi32> to vector<1x16xi32>
    tpu.vector_store %arg5[%swap3A_2066, %swap3A_2067], %swap3A_2070 {strides = array<i32>} : memref<26x128xi32, #tpu.memory_space<vmem>>, vector<1x16xi32>,
    %get3A_2071 = arith.constant 18 : i32
    %get3A_2072 = arith.index_cast %get3A_2071 : i32 to index
    %get3A_2073 = arith.constant 64 : index
    %get3A_2074 = tpu.vector_load %arg5[%get3A_2072, %get3A_2073] {strides = array<i32>} : memref<26x128xi32, #tpu.memory_space<vmem>>, vector<1x16xi32>,
    %get3A_2075 = vector.shape_cast %get3A_2074 : vector<1x16xi32> to vector<16xi32>
    %add3A_2076 = arith.constant 18000 : i32
    %add3A_2077 = vector.broadcast %add3A_2076 : i32 to vector<16xi32>
    %add3A_2078 = arith.addi %get3A_2075, %add3A_2077 : vector<16xi32>
    %swap3A_2079 = arith.constant 18 : i32
    %swap3A_2080 = arith.index_cast %swap3A_2079 : i32 to index
    %swap3A_2081 = arith.constant 64 : index
    %swap3A_2082 = tpu.vector_load %arg5[%swap3A_2080, %swap3A_2081] {strides = array<i32>} : memref<26x128xi32, #tpu.memory_space<vmem>>, vector<1x16xi32>,
    %swap3A_2083 = vector.shape_cast %swap3A_2082 : vector<1x16xi32> to vector<16xi32>
    %swap3A_2084 = vector.shape_cast %add3A_2078 : vector<16xi32> to vector<1x16xi32>
    tpu.vector_store %arg5[%swap3A_2080, %swap3A_2081], %swap3A_2084 {strides = array<i32>} : memref<26x128xi32, #tpu.memory_space<vmem>>, vector<1x16xi32>,
    %get3A_2085 = arith.constant 18 : i32
    %get3A_2086 = arith.index_cast %get3A_2085 : i32 to index
    %get3A_2087 = arith.constant 80 : index
    %get3A_2088 = tpu.vector_load %arg5[%get3A_2086, %get3A_2087] {strides = array<i32>} : memref<26x128xi32, #tpu.memory_space<vmem>>, vector<1x16xi32>,
    %get3A_2089 = vector.shape_cast %get3A_2088 : vector<1x16xi32> to vector<16xi32>
    %add3A_2090 = arith.constant 18000 : i32
    %add3A_2091 = vector.broadcast %add3A_2090 : i32 to vector<16xi32>
    %add3A_2092 = arith.addi %get3A_2089, %add3A_2091 : vector<16xi32>
    %swap3A_2093 = arith.constant 18 : i32
    %swap3A_2094 = arith.index_cast %swap3A_2093 : i32 to index
    %swap3A_2095 = arith.constant 80 : index
    %swap3A_2096 = tpu.vector_load %arg5[%swap3A_2094, %swap3A_2095] {strides = array<i32>} : memref<26x128xi32, #tpu.memory_space<vmem>>, vector<1x16xi32>,
    %swap3A_2097 = vector.shape_cast %swap3A_2096 : vector<1x16xi32> to vector<16xi32>
    %swap3A_2098 = vector.shape_cast %add3A_2092 : vector<16xi32> to vector<1x16xi32>
    tpu.vector_store %arg5[%swap3A_2094, %swap3A_2095], %swap3A_2098 {strides = array<i32>} : memref<26x128xi32, #tpu.memory_space<vmem>>, vector<1x16xi32>,
    %get3A_2099 = arith.constant 18 : i32
    %get3A_2100 = arith.index_cast %get3A_2099 : i32 to index
    %get3A_2101 = arith.constant 96 : index
    %get3A_2102 = tpu.vector_load %arg5[%get3A_2100, %get3A_2101] {strides = array<i32>} : memref<26x128xi32, #tpu.memory_space<vmem>>, vector<1x16xi32>,
    %get3A_2103 = vector.shape_cast %get3A_2102 : vector<1x16xi32> to vector<16xi32>
    %add3A_2104 = arith.constant 18000 : i32
    %add3A_2105 = vector.broadcast %add3A_2104 : i32 to vector<16xi32>
    %add3A_2106 = arith.addi %get3A_2103, %add3A_2105 : vector<16xi32>
    %swap3A_2107 = arith.constant 18 : i32
    %swap3A_2108 = arith.index_cast %swap3A_2107 : i32 to index
    %swap3A_2109 = arith.constant 96 : index
    %swap3A_2110 = tpu.vector_load %arg5[%swap3A_2108, %swap3A_2109] {strides = array<i32>} : memref<26x128xi32, #tpu.memory_space<vmem>>, vector<1x16xi32>,
    %swap3A_2111 = vector.shape_cast %swap3A_2110 : vector<1x16xi32> to vector<16xi32>
    %swap3A_2112 = vector.shape_cast %add3A_2106 : vector<16xi32> to vector<1x16xi32>
    tpu.vector_store %arg5[%swap3A_2108, %swap3A_2109], %swap3A_2112 {strides = array<i32>} : memref<26x128xi32, #tpu.memory_space<vmem>>, vector<1x16xi32>,
    %get3A_2113 = arith.constant 18 : i32
    %get3A_2114 = arith.index_cast %get3A_2113 : i32 to index
    %get3A_2115 = arith.constant 112 : index
    %get3A_2116 = tpu.vector_load %arg5[%get3A_2114, %get3A_2115] {strides = array<i32>} : memref<26x128xi32, #tpu.memory_space<vmem>>, vector<1x16xi32>,
    %get3A_2117 = vector.shape_cast %get3A_2116 : vector<1x16xi32> to vector<16xi32>
    %add3A_2118 = arith.constant 18000 : i32
    %add3A_2119 = vector.broadcast %add3A_2118 : i32 to vector<16xi32>
    %add3A_2120 = arith.addi %get3A_2117, %add3A_2119 : vector<16xi32>
    %swap3A_2121 = arith.constant 18 : i32
    %swap3A_2122 = arith.index_cast %swap3A_2121 : i32 to index
    %swap3A_2123 = arith.constant 112 : index
    %swap3A_2124 = tpu.vector_load %arg5[%swap3A_2122, %swap3A_2123] {strides = array<i32>} : memref<26x128xi32, #tpu.memory_space<vmem>>, vector<1x16xi32>,
    %swap3A_2125 = vector.shape_cast %swap3A_2124 : vector<1x16xi32> to vector<16xi32>
    %swap3A_2126 = vector.shape_cast %add3A_2120 : vector<16xi32> to vector<1x16xi32>
    tpu.vector_store %arg5[%swap3A_2122, %swap3A_2123], %swap3A_2126 {strides = array<i32>} : memref<26x128xi32, #tpu.memory_space<vmem>>, vector<1x16xi32>,
    %get3A_2127 = arith.constant 19 : i32
    %get3A_2128 = arith.index_cast %get3A_2127 : i32 to index
    %get3A_2129 = arith.constant 0 : index
    %get3A_2130 = tpu.vector_load %arg5[%get3A_2128, %get3A_2129] {strides = array<i32>} : memref<26x128xi32, #tpu.memory_space<vmem>>, vector<1x16xi32>,
    %get3A_2131 = vector.shape_cast %get3A_2130 : vector<1x16xi32> to vector<16xi32>
    %add3A_2132 = arith.constant 19000 : i32
    %add3A_2133 = vector.broadcast %add3A_2132 : i32 to vector<16xi32>
    %add3A_2134 = arith.addi %get3A_2131, %add3A_2133 : vector<16xi32>
    %swap3A_2135 = arith.constant 19 : i32
    %swap3A_2136 = arith.index_cast %swap3A_2135 : i32 to index
    %swap3A_2137 = arith.constant 0 : index
    %swap3A_2138 = tpu.vector_load %arg5[%swap3A_2136, %swap3A_2137] {strides = array<i32>} : memref<26x128xi32, #tpu.memory_space<vmem>>, vector<1x16xi32>,
    %swap3A_2139 = vector.shape_cast %swap3A_2138 : vector<1x16xi32> to vector<16xi32>
    %swap3A_2140 = vector.shape_cast %add3A_2134 : vector<16xi32> to vector<1x16xi32>
    tpu.vector_store %arg5[%swap3A_2136, %swap3A_2137], %swap3A_2140 {strides = array<i32>} : memref<26x128xi32, #tpu.memory_space<vmem>>, vector<1x16xi32>,
    %get3A_2141 = arith.constant 19 : i32
    %get3A_2142 = arith.index_cast %get3A_2141 : i32 to index
    %get3A_2143 = arith.constant 16 : index
    %get3A_2144 = tpu.vector_load %arg5[%get3A_2142, %get3A_2143] {strides = array<i32>} : memref<26x128xi32, #tpu.memory_space<vmem>>, vector<1x16xi32>,
    %get3A_2145 = vector.shape_cast %get3A_2144 : vector<1x16xi32> to vector<16xi32>
    %add3A_2146 = arith.constant 19000 : i32
    %add3A_2147 = vector.broadcast %add3A_2146 : i32 to vector<16xi32>
    %add3A_2148 = arith.addi %get3A_2145, %add3A_2147 : vector<16xi32>
    %swap3A_2149 = arith.constant 19 : i32
    %swap3A_2150 = arith.index_cast %swap3A_2149 : i32 to index
    %swap3A_2151 = arith.constant 16 : index
    %swap3A_2152 = tpu.vector_load %arg5[%swap3A_2150, %swap3A_2151] {strides = array<i32>} : memref<26x128xi32, #tpu.memory_space<vmem>>, vector<1x16xi32>,
    %swap3A_2153 = vector.shape_cast %swap3A_2152 : vector<1x16xi32> to vector<16xi32>
    %swap3A_2154 = vector.shape_cast %add3A_2148 : vector<16xi32> to vector<1x16xi32>
    tpu.vector_store %arg5[%swap3A_2150, %swap3A_2151], %swap3A_2154 {strides = array<i32>} : memref<26x128xi32, #tpu.memory_space<vmem>>, vector<1x16xi32>,
    %get3A_2155 = arith.constant 19 : i32
    %get3A_2156 = arith.index_cast %get3A_2155 : i32 to index
    %get3A_2157 = arith.constant 32 : index
    %get3A_2158 = tpu.vector_load %arg5[%get3A_2156, %get3A_2157] {strides = array<i32>} : memref<26x128xi32, #tpu.memory_space<vmem>>, vector<1x16xi32>,
    %get3A_2159 = vector.shape_cast %get3A_2158 : vector<1x16xi32> to vector<16xi32>
    %add3A_2160 = arith.constant 19000 : i32
    %add3A_2161 = vector.broadcast %add3A_2160 : i32 to vector<16xi32>
    %add3A_2162 = arith.addi %get3A_2159, %add3A_2161 : vector<16xi32>
    %swap3A_2163 = arith.constant 19 : i32
    %swap3A_2164 = arith.index_cast %swap3A_2163 : i32 to index
    %swap3A_2165 = arith.constant 32 : index
    %swap3A_2166 = tpu.vector_load %arg5[%swap3A_2164, %swap3A_2165] {strides = array<i32>} : memref<26x128xi32, #tpu.memory_space<vmem>>, vector<1x16xi32>,
    %swap3A_2167 = vector.shape_cast %swap3A_2166 : vector<1x16xi32> to vector<16xi32>
    %swap3A_2168 = vector.shape_cast %add3A_2162 : vector<16xi32> to vector<1x16xi32>
    tpu.vector_store %arg5[%swap3A_2164, %swap3A_2165], %swap3A_2168 {strides = array<i32>} : memref<26x128xi32, #tpu.memory_space<vmem>>, vector<1x16xi32>,
    %get3A_2169 = arith.constant 19 : i32
    %get3A_2170 = arith.index_cast %get3A_2169 : i32 to index
    %get3A_2171 = arith.constant 48 : index
    %get3A_2172 = tpu.vector_load %arg5[%get3A_2170, %get3A_2171] {strides = array<i32>} : memref<26x128xi32, #tpu.memory_space<vmem>>, vector<1x16xi32>,
    %get3A_2173 = vector.shape_cast %get3A_2172 : vector<1x16xi32> to vector<16xi32>
    %add3A_2174 = arith.constant 19000 : i32
    %add3A_2175 = vector.broadcast %add3A_2174 : i32 to vector<16xi32>
    %add3A_2176 = arith.addi %get3A_2173, %add3A_2175 : vector<16xi32>
    %swap3A_2177 = arith.constant 19 : i32
    %swap3A_2178 = arith.index_cast %swap3A_2177 : i32 to index
    %swap3A_2179 = arith.constant 48 : index
    %swap3A_2180 = tpu.vector_load %arg5[%swap3A_2178, %swap3A_2179] {strides = array<i32>} : memref<26x128xi32, #tpu.memory_space<vmem>>, vector<1x16xi32>,
    %swap3A_2181 = vector.shape_cast %swap3A_2180 : vector<1x16xi32> to vector<16xi32>
    %swap3A_2182 = vector.shape_cast %add3A_2176 : vector<16xi32> to vector<1x16xi32>
    tpu.vector_store %arg5[%swap3A_2178, %swap3A_2179], %swap3A_2182 {strides = array<i32>} : memref<26x128xi32, #tpu.memory_space<vmem>>, vector<1x16xi32>,
    %get3A_2183 = arith.constant 19 : i32
    %get3A_2184 = arith.index_cast %get3A_2183 : i32 to index
    %get3A_2185 = arith.constant 64 : index
    %get3A_2186 = tpu.vector_load %arg5[%get3A_2184, %get3A_2185] {strides = array<i32>} : memref<26x128xi32, #tpu.memory_space<vmem>>, vector<1x16xi32>,
    %get3A_2187 = vector.shape_cast %get3A_2186 : vector<1x16xi32> to vector<16xi32>
    %add3A_2188 = arith.constant 19000 : i32
    %add3A_2189 = vector.broadcast %add3A_2188 : i32 to vector<16xi32>
    %add3A_2190 = arith.addi %get3A_2187, %add3A_2189 : vector<16xi32>
    %swap3A_2191 = arith.constant 19 : i32
    %swap3A_2192 = arith.index_cast %swap3A_2191 : i32 to index
    %swap3A_2193 = arith.constant 64 : index
    %swap3A_2194 = tpu.vector_load %arg5[%swap3A_2192, %swap3A_2193] {strides = array<i32>} : memref<26x128xi32, #tpu.memory_space<vmem>>, vector<1x16xi32>,
    %swap3A_2195 = vector.shape_cast %swap3A_2194 : vector<1x16xi32> to vector<16xi32>
    %swap3A_2196 = vector.shape_cast %add3A_2190 : vector<16xi32> to vector<1x16xi32>
    tpu.vector_store %arg5[%swap3A_2192, %swap3A_2193], %swap3A_2196 {strides = array<i32>} : memref<26x128xi32, #tpu.memory_space<vmem>>, vector<1x16xi32>,
    %get3A_2197 = arith.constant 19 : i32
    %get3A_2198 = arith.index_cast %get3A_2197 : i32 to index
    %get3A_2199 = arith.constant 80 : index
    %get3A_2200 = tpu.vector_load %arg5[%get3A_2198, %get3A_2199] {strides = array<i32>} : memref<26x128xi32, #tpu.memory_space<vmem>>, vector<1x16xi32>,
    %get3A_2201 = vector.shape_cast %get3A_2200 : vector<1x16xi32> to vector<16xi32>
    %add3A_2202 = arith.constant 19000 : i32
    %add3A_2203 = vector.broadcast %add3A_2202 : i32 to vector<16xi32>
    %add3A_2204 = arith.addi %get3A_2201, %add3A_2203 : vector<16xi32>
    %swap3A_2205 = arith.constant 19 : i32
    %swap3A_2206 = arith.index_cast %swap3A_2205 : i32 to index
    %swap3A_2207 = arith.constant 80 : index
    %swap3A_2208 = tpu.vector_load %arg5[%swap3A_2206, %swap3A_2207] {strides = array<i32>} : memref<26x128xi32, #tpu.memory_space<vmem>>, vector<1x16xi32>,
    %swap3A_2209 = vector.shape_cast %swap3A_2208 : vector<1x16xi32> to vector<16xi32>
    %swap3A_2210 = vector.shape_cast %add3A_2204 : vector<16xi32> to vector<1x16xi32>
    tpu.vector_store %arg5[%swap3A_2206, %swap3A_2207], %swap3A_2210 {strides = array<i32>} : memref<26x128xi32, #tpu.memory_space<vmem>>, vector<1x16xi32>,
    %get3A_2211 = arith.constant 19 : i32
    %get3A_2212 = arith.index_cast %get3A_2211 : i32 to index
    %get3A_2213 = arith.constant 96 : index
    %get3A_2214 = tpu.vector_load %arg5[%get3A_2212, %get3A_2213] {strides = array<i32>} : memref<26x128xi32, #tpu.memory_space<vmem>>, vector<1x16xi32>,
    %get3A_2215 = vector.shape_cast %get3A_2214 : vector<1x16xi32> to vector<16xi32>
    %add3A_2216 = arith.constant 19000 : i32
    %add3A_2217 = vector.broadcast %add3A_2216 : i32 to vector<16xi32>
    %add3A_2218 = arith.addi %get3A_2215, %add3A_2217 : vector<16xi32>
    %swap3A_2219 = arith.constant 19 : i32
    %swap3A_2220 = arith.index_cast %swap3A_2219 : i32 to index
    %swap3A_2221 = arith.constant 96 : index
    %swap3A_2222 = tpu.vector_load %arg5[%swap3A_2220, %swap3A_2221] {strides = array<i32>} : memref<26x128xi32, #tpu.memory_space<vmem>>, vector<1x16xi32>,
    %swap3A_2223 = vector.shape_cast %swap3A_2222 : vector<1x16xi32> to vector<16xi32>
    %swap3A_2224 = vector.shape_cast %add3A_2218 : vector<16xi32> to vector<1x16xi32>
    tpu.vector_store %arg5[%swap3A_2220, %swap3A_2221], %swap3A_2224 {strides = array<i32>} : memref<26x128xi32, #tpu.memory_space<vmem>>, vector<1x16xi32>,
    %get3A_2225 = arith.constant 19 : i32
    %get3A_2226 = arith.index_cast %get3A_2225 : i32 to index
    %get3A_2227 = arith.constant 112 : index
    %get3A_2228 = tpu.vector_load %arg5[%get3A_2226, %get3A_2227] {strides = array<i32>} : memref<26x128xi32, #tpu.memory_space<vmem>>, vector<1x16xi32>,
    %get3A_2229 = vector.shape_cast %get3A_2228 : vector<1x16xi32> to vector<16xi32>
    %add3A_2230 = arith.constant 19000 : i32
    %add3A_2231 = vector.broadcast %add3A_2230 : i32 to vector<16xi32>
    %add3A_2232 = arith.addi %get3A_2229, %add3A_2231 : vector<16xi32>
    %swap3A_2233 = arith.constant 19 : i32
    %swap3A_2234 = arith.index_cast %swap3A_2233 : i32 to index
    %swap3A_2235 = arith.constant 112 : index
    %swap3A_2236 = tpu.vector_load %arg5[%swap3A_2234, %swap3A_2235] {strides = array<i32>} : memref<26x128xi32, #tpu.memory_space<vmem>>, vector<1x16xi32>,
    %swap3A_2237 = vector.shape_cast %swap3A_2236 : vector<1x16xi32> to vector<16xi32>
    %swap3A_2238 = vector.shape_cast %add3A_2232 : vector<16xi32> to vector<1x16xi32>
    tpu.vector_store %arg5[%swap3A_2234, %swap3A_2235], %swap3A_2238 {strides = array<i32>} : memref<26x128xi32, #tpu.memory_space<vmem>>, vector<1x16xi32>,
    %get3A_2239 = arith.constant 20 : i32
    %get3A_2240 = arith.index_cast %get3A_2239 : i32 to index
    %get3A_2241 = arith.constant 0 : index
    %get3A_2242 = tpu.vector_load %arg5[%get3A_2240, %get3A_2241] {strides = array<i32>} : memref<26x128xi32, #tpu.memory_space<vmem>>, vector<1x16xi32>,
    %get3A_2243 = vector.shape_cast %get3A_2242 : vector<1x16xi32> to vector<16xi32>
    %add3A_2244 = arith.constant 20000 : i32
    %add3A_2245 = vector.broadcast %add3A_2244 : i32 to vector<16xi32>
    %add3A_2246 = arith.addi %get3A_2243, %add3A_2245 : vector<16xi32>
    %swap3A_2247 = arith.constant 20 : i32
    %swap3A_2248 = arith.index_cast %swap3A_2247 : i32 to index
    %swap3A_2249 = arith.constant 0 : index
    %swap3A_2250 = tpu.vector_load %arg5[%swap3A_2248, %swap3A_2249] {strides = array<i32>} : memref<26x128xi32, #tpu.memory_space<vmem>>, vector<1x16xi32>,
    %swap3A_2251 = vector.shape_cast %swap3A_2250 : vector<1x16xi32> to vector<16xi32>
    %swap3A_2252 = vector.shape_cast %add3A_2246 : vector<16xi32> to vector<1x16xi32>
    tpu.vector_store %arg5[%swap3A_2248, %swap3A_2249], %swap3A_2252 {strides = array<i32>} : memref<26x128xi32, #tpu.memory_space<vmem>>, vector<1x16xi32>,
    %get3A_2253 = arith.constant 20 : i32
    %get3A_2254 = arith.index_cast %get3A_2253 : i32 to index
    %get3A_2255 = arith.constant 16 : index
    %get3A_2256 = tpu.vector_load %arg5[%get3A_2254, %get3A_2255] {strides = array<i32>} : memref<26x128xi32, #tpu.memory_space<vmem>>, vector<1x16xi32>,
    %get3A_2257 = vector.shape_cast %get3A_2256 : vector<1x16xi32> to vector<16xi32>
    %add3A_2258 = arith.constant 20000 : i32
    %add3A_2259 = vector.broadcast %add3A_2258 : i32 to vector<16xi32>
    %add3A_2260 = arith.addi %get3A_2257, %add3A_2259 : vector<16xi32>
    %swap3A_2261 = arith.constant 20 : i32
    %swap3A_2262 = arith.index_cast %swap3A_2261 : i32 to index
    %swap3A_2263 = arith.constant 16 : index
    %swap3A_2264 = tpu.vector_load %arg5[%swap3A_2262, %swap3A_2263] {strides = array<i32>} : memref<26x128xi32, #tpu.memory_space<vmem>>, vector<1x16xi32>,
    %swap3A_2265 = vector.shape_cast %swap3A_2264 : vector<1x16xi32> to vector<16xi32>
    %swap3A_2266 = vector.shape_cast %add3A_2260 : vector<16xi32> to vector<1x16xi32>
    tpu.vector_store %arg5[%swap3A_2262, %swap3A_2263], %swap3A_2266 {strides = array<i32>} : memref<26x128xi32, #tpu.memory_space<vmem>>, vector<1x16xi32>,
    %get3A_2267 = arith.constant 20 : i32
    %get3A_2268 = arith.index_cast %get3A_2267 : i32 to index
    %get3A_2269 = arith.constant 32 : index
    %get3A_2270 = tpu.vector_load %arg5[%get3A_2268, %get3A_2269] {strides = array<i32>} : memref<26x128xi32, #tpu.memory_space<vmem>>, vector<1x16xi32>,
    %get3A_2271 = vector.shape_cast %get3A_2270 : vector<1x16xi32> to vector<16xi32>
    %add3A_2272 = arith.constant 20000 : i32
    %add3A_2273 = vector.broadcast %add3A_2272 : i32 to vector<16xi32>
    %add3A_2274 = arith.addi %get3A_2271, %add3A_2273 : vector<16xi32>
    %swap3A_2275 = arith.constant 20 : i32
    %swap3A_2276 = arith.index_cast %swap3A_2275 : i32 to index
    %swap3A_2277 = arith.constant 32 : index
    %swap3A_2278 = tpu.vector_load %arg5[%swap3A_2276, %swap3A_2277] {strides = array<i32>} : memref<26x128xi32, #tpu.memory_space<vmem>>, vector<1x16xi32>,
    %swap3A_2279 = vector.shape_cast %swap3A_2278 : vector<1x16xi32> to vector<16xi32>
    %swap3A_2280 = vector.shape_cast %add3A_2274 : vector<16xi32> to vector<1x16xi32>
    tpu.vector_store %arg5[%swap3A_2276, %swap3A_2277], %swap3A_2280 {strides = array<i32>} : memref<26x128xi32, #tpu.memory_space<vmem>>, vector<1x16xi32>,
    %get3A_2281 = arith.constant 20 : i32
    %get3A_2282 = arith.index_cast %get3A_2281 : i32 to index
    %get3A_2283 = arith.constant 48 : index
    %get3A_2284 = tpu.vector_load %arg5[%get3A_2282, %get3A_2283] {strides = array<i32>} : memref<26x128xi32, #tpu.memory_space<vmem>>, vector<1x16xi32>,
    %get3A_2285 = vector.shape_cast %get3A_2284 : vector<1x16xi32> to vector<16xi32>
    %add3A_2286 = arith.constant 20000 : i32
    %add3A_2287 = vector.broadcast %add3A_2286 : i32 to vector<16xi32>
    %add3A_2288 = arith.addi %get3A_2285, %add3A_2287 : vector<16xi32>
    %swap3A_2289 = arith.constant 20 : i32
    %swap3A_2290 = arith.index_cast %swap3A_2289 : i32 to index
    %swap3A_2291 = arith.constant 48 : index
    %swap3A_2292 = tpu.vector_load %arg5[%swap3A_2290, %swap3A_2291] {strides = array<i32>} : memref<26x128xi32, #tpu.memory_space<vmem>>, vector<1x16xi32>,
    %swap3A_2293 = vector.shape_cast %swap3A_2292 : vector<1x16xi32> to vector<16xi32>
    %swap3A_2294 = vector.shape_cast %add3A_2288 : vector<16xi32> to vector<1x16xi32>
    tpu.vector_store %arg5[%swap3A_2290, %swap3A_2291], %swap3A_2294 {strides = array<i32>} : memref<26x128xi32, #tpu.memory_space<vmem>>, vector<1x16xi32>,
    %get3A_2295 = arith.constant 20 : i32
    %get3A_2296 = arith.index_cast %get3A_2295 : i32 to index
    %get3A_2297 = arith.constant 64 : index
    %get3A_2298 = tpu.vector_load %arg5[%get3A_2296, %get3A_2297] {strides = array<i32>} : memref<26x128xi32, #tpu.memory_space<vmem>>, vector<1x16xi32>,
    %get3A_2299 = vector.shape_cast %get3A_2298 : vector<1x16xi32> to vector<16xi32>
    %add3A_2300 = arith.constant 20000 : i32
    %add3A_2301 = vector.broadcast %add3A_2300 : i32 to vector<16xi32>
    %add3A_2302 = arith.addi %get3A_2299, %add3A_2301 : vector<16xi32>
    %swap3A_2303 = arith.constant 20 : i32
    %swap3A_2304 = arith.index_cast %swap3A_2303 : i32 to index
    %swap3A_2305 = arith.constant 64 : index
    %swap3A_2306 = tpu.vector_load %arg5[%swap3A_2304, %swap3A_2305] {strides = array<i32>} : memref<26x128xi32, #tpu.memory_space<vmem>>, vector<1x16xi32>,
    %swap3A_2307 = vector.shape_cast %swap3A_2306 : vector<1x16xi32> to vector<16xi32>
    %swap3A_2308 = vector.shape_cast %add3A_2302 : vector<16xi32> to vector<1x16xi32>
    tpu.vector_store %arg5[%swap3A_2304, %swap3A_2305], %swap3A_2308 {strides = array<i32>} : memref<26x128xi32, #tpu.memory_space<vmem>>, vector<1x16xi32>,
    %get3A_2309 = arith.constant 20 : i32
    %get3A_2310 = arith.index_cast %get3A_2309 : i32 to index
    %get3A_2311 = arith.constant 80 : index
    %get3A_2312 = tpu.vector_load %arg5[%get3A_2310, %get3A_2311] {strides = array<i32>} : memref<26x128xi32, #tpu.memory_space<vmem>>, vector<1x16xi32>,
    %get3A_2313 = vector.shape_cast %get3A_2312 : vector<1x16xi32> to vector<16xi32>
    %add3A_2314 = arith.constant 20000 : i32
    %add3A_2315 = vector.broadcast %add3A_2314 : i32 to vector<16xi32>
    %add3A_2316 = arith.addi %get3A_2313, %add3A_2315 : vector<16xi32>
    %swap3A_2317 = arith.constant 20 : i32
    %swap3A_2318 = arith.index_cast %swap3A_2317 : i32 to index
    %swap3A_2319 = arith.constant 80 : index
    %swap3A_2320 = tpu.vector_load %arg5[%swap3A_2318, %swap3A_2319] {strides = array<i32>} : memref<26x128xi32, #tpu.memory_space<vmem>>, vector<1x16xi32>,
    %swap3A_2321 = vector.shape_cast %swap3A_2320 : vector<1x16xi32> to vector<16xi32>
    %swap3A_2322 = vector.shape_cast %add3A_2316 : vector<16xi32> to vector<1x16xi32>
    tpu.vector_store %arg5[%swap3A_2318, %swap3A_2319], %swap3A_2322 {strides = array<i32>} : memref<26x128xi32, #tpu.memory_space<vmem>>, vector<1x16xi32>,
    %get3A_2323 = arith.constant 20 : i32
    %get3A_2324 = arith.index_cast %get3A_2323 : i32 to index
    %get3A_2325 = arith.constant 96 : index
    %get3A_2326 = tpu.vector_load %arg5[%get3A_2324, %get3A_2325] {strides = array<i32>} : memref<26x128xi32, #tpu.memory_space<vmem>>, vector<1x16xi32>,
    %get3A_2327 = vector.shape_cast %get3A_2326 : vector<1x16xi32> to vector<16xi32>
    %add3A_2328 = arith.constant 20000 : i32
    %add3A_2329 = vector.broadcast %add3A_2328 : i32 to vector<16xi32>
    %add3A_2330 = arith.addi %get3A_2327, %add3A_2329 : vector<16xi32>
    %swap3A_2331 = arith.constant 20 : i32
    %swap3A_2332 = arith.index_cast %swap3A_2331 : i32 to index
    %swap3A_2333 = arith.constant 96 : index
    %swap3A_2334 = tpu.vector_load %arg5[%swap3A_2332, %swap3A_2333] {strides = array<i32>} : memref<26x128xi32, #tpu.memory_space<vmem>>, vector<1x16xi32>,
    %swap3A_2335 = vector.shape_cast %swap3A_2334 : vector<1x16xi32> to vector<16xi32>
    %swap3A_2336 = vector.shape_cast %add3A_2330 : vector<16xi32> to vector<1x16xi32>
    tpu.vector_store %arg5[%swap3A_2332, %swap3A_2333], %swap3A_2336 {strides = array<i32>} : memref<26x128xi32, #tpu.memory_space<vmem>>, vector<1x16xi32>,
    %get3A_2337 = arith.constant 20 : i32
    %get3A_2338 = arith.index_cast %get3A_2337 : i32 to index
    %get3A_2339 = arith.constant 112 : index
    %get3A_2340 = tpu.vector_load %arg5[%get3A_2338, %get3A_2339] {strides = array<i32>} : memref<26x128xi32, #tpu.memory_space<vmem>>, vector<1x16xi32>,
    %get3A_2341 = vector.shape_cast %get3A_2340 : vector<1x16xi32> to vector<16xi32>
    %add3A_2342 = arith.constant 20000 : i32
    %add3A_2343 = vector.broadcast %add3A_2342 : i32 to vector<16xi32>
    %add3A_2344 = arith.addi %get3A_2341, %add3A_2343 : vector<16xi32>
    %swap3A_2345 = arith.constant 20 : i32
    %swap3A_2346 = arith.index_cast %swap3A_2345 : i32 to index
    %swap3A_2347 = arith.constant 112 : index
    %swap3A_2348 = tpu.vector_load %arg5[%swap3A_2346, %swap3A_2347] {strides = array<i32>} : memref<26x128xi32, #tpu.memory_space<vmem>>, vector<1x16xi32>,
    %swap3A_2349 = vector.shape_cast %swap3A_2348 : vector<1x16xi32> to vector<16xi32>
    %swap3A_2350 = vector.shape_cast %add3A_2344 : vector<16xi32> to vector<1x16xi32>
    tpu.vector_store %arg5[%swap3A_2346, %swap3A_2347], %swap3A_2350 {strides = array<i32>} : memref<26x128xi32, #tpu.memory_space<vmem>>, vector<1x16xi32>,
    %get3A_2351 = arith.constant 21 : i32
    %get3A_2352 = arith.index_cast %get3A_2351 : i32 to index
    %get3A_2353 = arith.constant 0 : index
    %get3A_2354 = tpu.vector_load %arg5[%get3A_2352, %get3A_2353] {strides = array<i32>} : memref<26x128xi32, #tpu.memory_space<vmem>>, vector<1x16xi32>,
    %get3A_2355 = vector.shape_cast %get3A_2354 : vector<1x16xi32> to vector<16xi32>
    %add3A_2356 = arith.constant 21000 : i32
    %add3A_2357 = vector.broadcast %add3A_2356 : i32 to vector<16xi32>
    %add3A_2358 = arith.addi %get3A_2355, %add3A_2357 : vector<16xi32>
    %swap3A_2359 = arith.constant 21 : i32
    %swap3A_2360 = arith.index_cast %swap3A_2359 : i32 to index
    %swap3A_2361 = arith.constant 0 : index
    %swap3A_2362 = tpu.vector_load %arg5[%swap3A_2360, %swap3A_2361] {strides = array<i32>} : memref<26x128xi32, #tpu.memory_space<vmem>>, vector<1x16xi32>,
    %swap3A_2363 = vector.shape_cast %swap3A_2362 : vector<1x16xi32> to vector<16xi32>
    %swap3A_2364 = vector.shape_cast %add3A_2358 : vector<16xi32> to vector<1x16xi32>
    tpu.vector_store %arg5[%swap3A_2360, %swap3A_2361], %swap3A_2364 {strides = array<i32>} : memref<26x128xi32, #tpu.memory_space<vmem>>, vector<1x16xi32>,
    %get3A_2365 = arith.constant 21 : i32
    %get3A_2366 = arith.index_cast %get3A_2365 : i32 to index
    %get3A_2367 = arith.constant 16 : index
    %get3A_2368 = tpu.vector_load %arg5[%get3A_2366, %get3A_2367] {strides = array<i32>} : memref<26x128xi32, #tpu.memory_space<vmem>>, vector<1x16xi32>,
    %get3A_2369 = vector.shape_cast %get3A_2368 : vector<1x16xi32> to vector<16xi32>
    %add3A_2370 = arith.constant 21000 : i32
    %add3A_2371 = vector.broadcast %add3A_2370 : i32 to vector<16xi32>
    %add3A_2372 = arith.addi %get3A_2369, %add3A_2371 : vector<16xi32>
    %swap3A_2373 = arith.constant 21 : i32
    %swap3A_2374 = arith.index_cast %swap3A_2373 : i32 to index
    %swap3A_2375 = arith.constant 16 : index
    %swap3A_2376 = tpu.vector_load %arg5[%swap3A_2374, %swap3A_2375] {strides = array<i32>} : memref<26x128xi32, #tpu.memory_space<vmem>>, vector<1x16xi32>,
    %swap3A_2377 = vector.shape_cast %swap3A_2376 : vector<1x16xi32> to vector<16xi32>
    %swap3A_2378 = vector.shape_cast %add3A_2372 : vector<16xi32> to vector<1x16xi32>
    tpu.vector_store %arg5[%swap3A_2374, %swap3A_2375], %swap3A_2378 {strides = array<i32>} : memref<26x128xi32, #tpu.memory_space<vmem>>, vector<1x16xi32>,
    %get3A_2379 = arith.constant 21 : i32
    %get3A_2380 = arith.index_cast %get3A_2379 : i32 to index
    %get3A_2381 = arith.constant 32 : index
    %get3A_2382 = tpu.vector_load %arg5[%get3A_2380, %get3A_2381] {strides = array<i32>} : memref<26x128xi32, #tpu.memory_space<vmem>>, vector<1x16xi32>,
    %get3A_2383 = vector.shape_cast %get3A_2382 : vector<1x16xi32> to vector<16xi32>
    %add3A_2384 = arith.constant 21000 : i32
    %add3A_2385 = vector.broadcast %add3A_2384 : i32 to vector<16xi32>
    %add3A_2386 = arith.addi %get3A_2383, %add3A_2385 : vector<16xi32>
    %swap3A_2387 = arith.constant 21 : i32
    %swap3A_2388 = arith.index_cast %swap3A_2387 : i32 to index
    %swap3A_2389 = arith.constant 32 : index
    %swap3A_2390 = tpu.vector_load %arg5[%swap3A_2388, %swap3A_2389] {strides = array<i32>} : memref<26x128xi32, #tpu.memory_space<vmem>>, vector<1x16xi32>,
    %swap3A_2391 = vector.shape_cast %swap3A_2390 : vector<1x16xi32> to vector<16xi32>
    %swap3A_2392 = vector.shape_cast %add3A_2386 : vector<16xi32> to vector<1x16xi32>
    tpu.vector_store %arg5[%swap3A_2388, %swap3A_2389], %swap3A_2392 {strides = array<i32>} : memref<26x128xi32, #tpu.memory_space<vmem>>, vector<1x16xi32>,
    %get3A_2393 = arith.constant 21 : i32
    %get3A_2394 = arith.index_cast %get3A_2393 : i32 to index
    %get3A_2395 = arith.constant 48 : index
    %get3A_2396 = tpu.vector_load %arg5[%get3A_2394, %get3A_2395] {strides = array<i32>} : memref<26x128xi32, #tpu.memory_space<vmem>>, vector<1x16xi32>,
    %get3A_2397 = vector.shape_cast %get3A_2396 : vector<1x16xi32> to vector<16xi32>
    %add3A_2398 = arith.constant 21000 : i32
    %add3A_2399 = vector.broadcast %add3A_2398 : i32 to vector<16xi32>
    %add3A_2400 = arith.addi %get3A_2397, %add3A_2399 : vector<16xi32>
    %swap3A_2401 = arith.constant 21 : i32
    %swap3A_2402 = arith.index_cast %swap3A_2401 : i32 to index
    %swap3A_2403 = arith.constant 48 : index
    %swap3A_2404 = tpu.vector_load %arg5[%swap3A_2402, %swap3A_2403] {strides = array<i32>} : memref<26x128xi32, #tpu.memory_space<vmem>>, vector<1x16xi32>,
    %swap3A_2405 = vector.shape_cast %swap3A_2404 : vector<1x16xi32> to vector<16xi32>
    %swap3A_2406 = vector.shape_cast %add3A_2400 : vector<16xi32> to vector<1x16xi32>
    tpu.vector_store %arg5[%swap3A_2402, %swap3A_2403], %swap3A_2406 {strides = array<i32>} : memref<26x128xi32, #tpu.memory_space<vmem>>, vector<1x16xi32>,
    %get3A_2407 = arith.constant 21 : i32
    %get3A_2408 = arith.index_cast %get3A_2407 : i32 to index
    %get3A_2409 = arith.constant 64 : index
    %get3A_2410 = tpu.vector_load %arg5[%get3A_2408, %get3A_2409] {strides = array<i32>} : memref<26x128xi32, #tpu.memory_space<vmem>>, vector<1x16xi32>,
    %get3A_2411 = vector.shape_cast %get3A_2410 : vector<1x16xi32> to vector<16xi32>
    %add3A_2412 = arith.constant 21000 : i32
    %add3A_2413 = vector.broadcast %add3A_2412 : i32 to vector<16xi32>
    %add3A_2414 = arith.addi %get3A_2411, %add3A_2413 : vector<16xi32>
    %swap3A_2415 = arith.constant 21 : i32
    %swap3A_2416 = arith.index_cast %swap3A_2415 : i32 to index
    %swap3A_2417 = arith.constant 64 : index
    %swap3A_2418 = tpu.vector_load %arg5[%swap3A_2416, %swap3A_2417] {strides = array<i32>} : memref<26x128xi32, #tpu.memory_space<vmem>>, vector<1x16xi32>,
    %swap3A_2419 = vector.shape_cast %swap3A_2418 : vector<1x16xi32> to vector<16xi32>
    %swap3A_2420 = vector.shape_cast %add3A_2414 : vector<16xi32> to vector<1x16xi32>
    tpu.vector_store %arg5[%swap3A_2416, %swap3A_2417], %swap3A_2420 {strides = array<i32>} : memref<26x128xi32, #tpu.memory_space<vmem>>, vector<1x16xi32>,
    %get3A_2421 = arith.constant 21 : i32
    %get3A_2422 = arith.index_cast %get3A_2421 : i32 to index
    %get3A_2423 = arith.constant 80 : index
    %get3A_2424 = tpu.vector_load %arg5[%get3A_2422, %get3A_2423] {strides = array<i32>} : memref<26x128xi32, #tpu.memory_space<vmem>>, vector<1x16xi32>,
    %get3A_2425 = vector.shape_cast %get3A_2424 : vector<1x16xi32> to vector<16xi32>
    %add3A_2426 = arith.constant 21000 : i32
    %add3A_2427 = vector.broadcast %add3A_2426 : i32 to vector<16xi32>
    %add3A_2428 = arith.addi %get3A_2425, %add3A_2427 : vector<16xi32>
    %swap3A_2429 = arith.constant 21 : i32
    %swap3A_2430 = arith.index_cast %swap3A_2429 : i32 to index
    %swap3A_2431 = arith.constant 80 : index
    %swap3A_2432 = tpu.vector_load %arg5[%swap3A_2430, %swap3A_2431] {strides = array<i32>} : memref<26x128xi32, #tpu.memory_space<vmem>>, vector<1x16xi32>,
    %swap3A_2433 = vector.shape_cast %swap3A_2432 : vector<1x16xi32> to vector<16xi32>
    %swap3A_2434 = vector.shape_cast %add3A_2428 : vector<16xi32> to vector<1x16xi32>
    tpu.vector_store %arg5[%swap3A_2430, %swap3A_2431], %swap3A_2434 {strides = array<i32>} : memref<26x128xi32, #tpu.memory_space<vmem>>, vector<1x16xi32>,
    %get3A_2435 = arith.constant 21 : i32
    %get3A_2436 = arith.index_cast %get3A_2435 : i32 to index
    %get3A_2437 = arith.constant 96 : index
    %get3A_2438 = tpu.vector_load %arg5[%get3A_2436, %get3A_2437] {strides = array<i32>} : memref<26x128xi32, #tpu.memory_space<vmem>>, vector<1x16xi32>,
    %get3A_2439 = vector.shape_cast %get3A_2438 : vector<1x16xi32> to vector<16xi32>
    %add3A_2440 = arith.constant 21000 : i32
    %add3A_2441 = vector.broadcast %add3A_2440 : i32 to vector<16xi32>
    %add3A_2442 = arith.addi %get3A_2439, %add3A_2441 : vector<16xi32>
    %swap3A_2443 = arith.constant 21 : i32
    %swap3A_2444 = arith.index_cast %swap3A_2443 : i32 to index
    %swap3A_2445 = arith.constant 96 : index
    %swap3A_2446 = tpu.vector_load %arg5[%swap3A_2444, %swap3A_2445] {strides = array<i32>} : memref<26x128xi32, #tpu.memory_space<vmem>>, vector<1x16xi32>,
    %swap3A_2447 = vector.shape_cast %swap3A_2446 : vector<1x16xi32> to vector<16xi32>
    %swap3A_2448 = vector.shape_cast %add3A_2442 : vector<16xi32> to vector<1x16xi32>
    tpu.vector_store %arg5[%swap3A_2444, %swap3A_2445], %swap3A_2448 {strides = array<i32>} : memref<26x128xi32, #tpu.memory_space<vmem>>, vector<1x16xi32>,
    %get3A_2449 = arith.constant 21 : i32
    %get3A_2450 = arith.index_cast %get3A_2449 : i32 to index
    %get3A_2451 = arith.constant 112 : index
    %get3A_2452 = tpu.vector_load %arg5[%get3A_2450, %get3A_2451] {strides = array<i32>} : memref<26x128xi32, #tpu.memory_space<vmem>>, vector<1x16xi32>,
    %get3A_2453 = vector.shape_cast %get3A_2452 : vector<1x16xi32> to vector<16xi32>
    %add3A_2454 = arith.constant 21000 : i32
    %add3A_2455 = vector.broadcast %add3A_2454 : i32 to vector<16xi32>
    %add3A_2456 = arith.addi %get3A_2453, %add3A_2455 : vector<16xi32>
    %swap3A_2457 = arith.constant 21 : i32
    %swap3A_2458 = arith.index_cast %swap3A_2457 : i32 to index
    %swap3A_2459 = arith.constant 112 : index
    %swap3A_2460 = tpu.vector_load %arg5[%swap3A_2458, %swap3A_2459] {strides = array<i32>} : memref<26x128xi32, #tpu.memory_space<vmem>>, vector<1x16xi32>,
    %swap3A_2461 = vector.shape_cast %swap3A_2460 : vector<1x16xi32> to vector<16xi32>
    %swap3A_2462 = vector.shape_cast %add3A_2456 : vector<16xi32> to vector<1x16xi32>
    tpu.vector_store %arg5[%swap3A_2458, %swap3A_2459], %swap3A_2462 {strides = array<i32>} : memref<26x128xi32, #tpu.memory_space<vmem>>, vector<1x16xi32>,
    %get3A_2463 = arith.constant 22 : i32
    %get3A_2464 = arith.index_cast %get3A_2463 : i32 to index
    %get3A_2465 = arith.constant 0 : index
    %get3A_2466 = tpu.vector_load %arg5[%get3A_2464, %get3A_2465] {strides = array<i32>} : memref<26x128xi32, #tpu.memory_space<vmem>>, vector<1x16xi32>,
    %get3A_2467 = vector.shape_cast %get3A_2466 : vector<1x16xi32> to vector<16xi32>
    %add3A_2468 = arith.constant 22000 : i32
    %add3A_2469 = vector.broadcast %add3A_2468 : i32 to vector<16xi32>
    %add3A_2470 = arith.addi %get3A_2467, %add3A_2469 : vector<16xi32>
    %swap3A_2471 = arith.constant 22 : i32
    %swap3A_2472 = arith.index_cast %swap3A_2471 : i32 to index
    %swap3A_2473 = arith.constant 0 : index
    %swap3A_2474 = tpu.vector_load %arg5[%swap3A_2472, %swap3A_2473] {strides = array<i32>} : memref<26x128xi32, #tpu.memory_space<vmem>>, vector<1x16xi32>,
    %swap3A_2475 = vector.shape_cast %swap3A_2474 : vector<1x16xi32> to vector<16xi32>
    %swap3A_2476 = vector.shape_cast %add3A_2470 : vector<16xi32> to vector<1x16xi32>
    tpu.vector_store %arg5[%swap3A_2472, %swap3A_2473], %swap3A_2476 {strides = array<i32>} : memref<26x128xi32, #tpu.memory_space<vmem>>, vector<1x16xi32>,
    %get3A_2477 = arith.constant 22 : i32
    %get3A_2478 = arith.index_cast %get3A_2477 : i32 to index
    %get3A_2479 = arith.constant 16 : index
    %get3A_2480 = tpu.vector_load %arg5[%get3A_2478, %get3A_2479] {strides = array<i32>} : memref<26x128xi32, #tpu.memory_space<vmem>>, vector<1x16xi32>,
    %get3A_2481 = vector.shape_cast %get3A_2480 : vector<1x16xi32> to vector<16xi32>
    %add3A_2482 = arith.constant 22000 : i32
    %add3A_2483 = vector.broadcast %add3A_2482 : i32 to vector<16xi32>
    %add3A_2484 = arith.addi %get3A_2481, %add3A_2483 : vector<16xi32>
    %swap3A_2485 = arith.constant 22 : i32
    %swap3A_2486 = arith.index_cast %swap3A_2485 : i32 to index
    %swap3A_2487 = arith.constant 16 : index
    %swap3A_2488 = tpu.vector_load %arg5[%swap3A_2486, %swap3A_2487] {strides = array<i32>} : memref<26x128xi32, #tpu.memory_space<vmem>>, vector<1x16xi32>,
    %swap3A_2489 = vector.shape_cast %swap3A_2488 : vector<1x16xi32> to vector<16xi32>
    %swap3A_2490 = vector.shape_cast %add3A_2484 : vector<16xi32> to vector<1x16xi32>
    tpu.vector_store %arg5[%swap3A_2486, %swap3A_2487], %swap3A_2490 {strides = array<i32>} : memref<26x128xi32, #tpu.memory_space<vmem>>, vector<1x16xi32>,
    %get3A_2491 = arith.constant 22 : i32
    %get3A_2492 = arith.index_cast %get3A_2491 : i32 to index
    %get3A_2493 = arith.constant 32 : index
    %get3A_2494 = tpu.vector_load %arg5[%get3A_2492, %get3A_2493] {strides = array<i32>} : memref<26x128xi32, #tpu.memory_space<vmem>>, vector<1x16xi32>,
    %get3A_2495 = vector.shape_cast %get3A_2494 : vector<1x16xi32> to vector<16xi32>
    %add3A_2496 = arith.constant 22000 : i32
    %add3A_2497 = vector.broadcast %add3A_2496 : i32 to vector<16xi32>
    %add3A_2498 = arith.addi %get3A_2495, %add3A_2497 : vector<16xi32>
    %swap3A_2499 = arith.constant 22 : i32
    %swap3A_2500 = arith.index_cast %swap3A_2499 : i32 to index
    %swap3A_2501 = arith.constant 32 : index
    %swap3A_2502 = tpu.vector_load %arg5[%swap3A_2500, %swap3A_2501] {strides = array<i32>} : memref<26x128xi32, #tpu.memory_space<vmem>>, vector<1x16xi32>,
    %swap3A_2503 = vector.shape_cast %swap3A_2502 : vector<1x16xi32> to vector<16xi32>
    %swap3A_2504 = vector.shape_cast %add3A_2498 : vector<16xi32> to vector<1x16xi32>
    tpu.vector_store %arg5[%swap3A_2500, %swap3A_2501], %swap3A_2504 {strides = array<i32>} : memref<26x128xi32, #tpu.memory_space<vmem>>, vector<1x16xi32>,
    %get3A_2505 = arith.constant 22 : i32
    %get3A_2506 = arith.index_cast %get3A_2505 : i32 to index
    %get3A_2507 = arith.constant 48 : index
    %get3A_2508 = tpu.vector_load %arg5[%get3A_2506, %get3A_2507] {strides = array<i32>} : memref<26x128xi32, #tpu.memory_space<vmem>>, vector<1x16xi32>,
    %get3A_2509 = vector.shape_cast %get3A_2508 : vector<1x16xi32> to vector<16xi32>
    %add3A_2510 = arith.constant 22000 : i32
    %add3A_2511 = vector.broadcast %add3A_2510 : i32 to vector<16xi32>
    %add3A_2512 = arith.addi %get3A_2509, %add3A_2511 : vector<16xi32>
    %swap3A_2513 = arith.constant 22 : i32
    %swap3A_2514 = arith.index_cast %swap3A_2513 : i32 to index
    %swap3A_2515 = arith.constant 48 : index
    %swap3A_2516 = tpu.vector_load %arg5[%swap3A_2514, %swap3A_2515] {strides = array<i32>} : memref<26x128xi32, #tpu.memory_space<vmem>>, vector<1x16xi32>,
    %swap3A_2517 = vector.shape_cast %swap3A_2516 : vector<1x16xi32> to vector<16xi32>
    %swap3A_2518 = vector.shape_cast %add3A_2512 : vector<16xi32> to vector<1x16xi32>
    tpu.vector_store %arg5[%swap3A_2514, %swap3A_2515], %swap3A_2518 {strides = array<i32>} : memref<26x128xi32, #tpu.memory_space<vmem>>, vector<1x16xi32>,
    %get3A_2519 = arith.constant 22 : i32
    %get3A_2520 = arith.index_cast %get3A_2519 : i32 to index
    %get3A_2521 = arith.constant 64 : index
    %get3A_2522 = tpu.vector_load %arg5[%get3A_2520, %get3A_2521] {strides = array<i32>} : memref<26x128xi32, #tpu.memory_space<vmem>>, vector<1x16xi32>,
    %get3A_2523 = vector.shape_cast %get3A_2522 : vector<1x16xi32> to vector<16xi32>
    %add3A_2524 = arith.constant 22000 : i32
    %add3A_2525 = vector.broadcast %add3A_2524 : i32 to vector<16xi32>
    %add3A_2526 = arith.addi %get3A_2523, %add3A_2525 : vector<16xi32>
    %swap3A_2527 = arith.constant 22 : i32
    %swap3A_2528 = arith.index_cast %swap3A_2527 : i32 to index
    %swap3A_2529 = arith.constant 64 : index
    %swap3A_2530 = tpu.vector_load %arg5[%swap3A_2528, %swap3A_2529] {strides = array<i32>} : memref<26x128xi32, #tpu.memory_space<vmem>>, vector<1x16xi32>,
    %swap3A_2531 = vector.shape_cast %swap3A_2530 : vector<1x16xi32> to vector<16xi32>
    %swap3A_2532 = vector.shape_cast %add3A_2526 : vector<16xi32> to vector<1x16xi32>
    tpu.vector_store %arg5[%swap3A_2528, %swap3A_2529], %swap3A_2532 {strides = array<i32>} : memref<26x128xi32, #tpu.memory_space<vmem>>, vector<1x16xi32>,
    %get3A_2533 = arith.constant 22 : i32
    %get3A_2534 = arith.index_cast %get3A_2533 : i32 to index
    %get3A_2535 = arith.constant 80 : index
    %get3A_2536 = tpu.vector_load %arg5[%get3A_2534, %get3A_2535] {strides = array<i32>} : memref<26x128xi32, #tpu.memory_space<vmem>>, vector<1x16xi32>,
    %get3A_2537 = vector.shape_cast %get3A_2536 : vector<1x16xi32> to vector<16xi32>
    %add3A_2538 = arith.constant 22000 : i32
    %add3A_2539 = vector.broadcast %add3A_2538 : i32 to vector<16xi32>
    %add3A_2540 = arith.addi %get3A_2537, %add3A_2539 : vector<16xi32>
    %swap3A_2541 = arith.constant 22 : i32
    %swap3A_2542 = arith.index_cast %swap3A_2541 : i32 to index
    %swap3A_2543 = arith.constant 80 : index
    %swap3A_2544 = tpu.vector_load %arg5[%swap3A_2542, %swap3A_2543] {strides = array<i32>} : memref<26x128xi32, #tpu.memory_space<vmem>>, vector<1x16xi32>,
    %swap3A_2545 = vector.shape_cast %swap3A_2544 : vector<1x16xi32> to vector<16xi32>
    %swap3A_2546 = vector.shape_cast %add3A_2540 : vector<16xi32> to vector<1x16xi32>
    tpu.vector_store %arg5[%swap3A_2542, %swap3A_2543], %swap3A_2546 {strides = array<i32>} : memref<26x128xi32, #tpu.memory_space<vmem>>, vector<1x16xi32>,
    %get3A_2547 = arith.constant 22 : i32
    %get3A_2548 = arith.index_cast %get3A_2547 : i32 to index
    %get3A_2549 = arith.constant 96 : index
    %get3A_2550 = tpu.vector_load %arg5[%get3A_2548, %get3A_2549] {strides = array<i32>} : memref<26x128xi32, #tpu.memory_space<vmem>>, vector<1x16xi32>,
    %get3A_2551 = vector.shape_cast %get3A_2550 : vector<1x16xi32> to vector<16xi32>
    %add3A_2552 = arith.constant 22000 : i32
    %add3A_2553 = vector.broadcast %add3A_2552 : i32 to vector<16xi32>
    %add3A_2554 = arith.addi %get3A_2551, %add3A_2553 : vector<16xi32>
    %swap3A_2555 = arith.constant 22 : i32
    %swap3A_2556 = arith.index_cast %swap3A_2555 : i32 to index
    %swap3A_2557 = arith.constant 96 : index
    %swap3A_2558 = tpu.vector_load %arg5[%swap3A_2556, %swap3A_2557] {strides = array<i32>} : memref<26x128xi32, #tpu.memory_space<vmem>>, vector<1x16xi32>,
    %swap3A_2559 = vector.shape_cast %swap3A_2558 : vector<1x16xi32> to vector<16xi32>
    %swap3A_2560 = vector.shape_cast %add3A_2554 : vector<16xi32> to vector<1x16xi32>
    tpu.vector_store %arg5[%swap3A_2556, %swap3A_2557], %swap3A_2560 {strides = array<i32>} : memref<26x128xi32, #tpu.memory_space<vmem>>, vector<1x16xi32>,
    %get3A_2561 = arith.constant 22 : i32
    %get3A_2562 = arith.index_cast %get3A_2561 : i32 to index
    %get3A_2563 = arith.constant 112 : index
    %get3A_2564 = tpu.vector_load %arg5[%get3A_2562, %get3A_2563] {strides = array<i32>} : memref<26x128xi32, #tpu.memory_space<vmem>>, vector<1x16xi32>,
    %get3A_2565 = vector.shape_cast %get3A_2564 : vector<1x16xi32> to vector<16xi32>
    %add3A_2566 = arith.constant 22000 : i32
    %add3A_2567 = vector.broadcast %add3A_2566 : i32 to vector<16xi32>
    %add3A_2568 = arith.addi %get3A_2565, %add3A_2567 : vector<16xi32>
    %swap3A_2569 = arith.constant 22 : i32
    %swap3A_2570 = arith.index_cast %swap3A_2569 : i32 to index
    %swap3A_2571 = arith.constant 112 : index
    %swap3A_2572 = tpu.vector_load %arg5[%swap3A_2570, %swap3A_2571] {strides = array<i32>} : memref<26x128xi32, #tpu.memory_space<vmem>>, vector<1x16xi32>,
    %swap3A_2573 = vector.shape_cast %swap3A_2572 : vector<1x16xi32> to vector<16xi32>
    %swap3A_2574 = vector.shape_cast %add3A_2568 : vector<16xi32> to vector<1x16xi32>
    tpu.vector_store %arg5[%swap3A_2570, %swap3A_2571], %swap3A_2574 {strides = array<i32>} : memref<26x128xi32, #tpu.memory_space<vmem>>, vector<1x16xi32>,
    %get3A_2575 = arith.constant 23 : i32
    %get3A_2576 = arith.index_cast %get3A_2575 : i32 to index
    %get3A_2577 = arith.constant 0 : index
    %get3A_2578 = tpu.vector_load %arg5[%get3A_2576, %get3A_2577] {strides = array<i32>} : memref<26x128xi32, #tpu.memory_space<vmem>>, vector<1x16xi32>,
    %get3A_2579 = vector.shape_cast %get3A_2578 : vector<1x16xi32> to vector<16xi32>
    %add3A_2580 = arith.constant 23000 : i32
    %add3A_2581 = vector.broadcast %add3A_2580 : i32 to vector<16xi32>
    %add3A_2582 = arith.addi %get3A_2579, %add3A_2581 : vector<16xi32>
    %swap3A_2583 = arith.constant 23 : i32
    %swap3A_2584 = arith.index_cast %swap3A_2583 : i32 to index
    %swap3A_2585 = arith.constant 0 : index
    %swap3A_2586 = tpu.vector_load %arg5[%swap3A_2584, %swap3A_2585] {strides = array<i32>} : memref<26x128xi32, #tpu.memory_space<vmem>>, vector<1x16xi32>,
    %swap3A_2587 = vector.shape_cast %swap3A_2586 : vector<1x16xi32> to vector<16xi32>
    %swap3A_2588 = vector.shape_cast %add3A_2582 : vector<16xi32> to vector<1x16xi32>
    tpu.vector_store %arg5[%swap3A_2584, %swap3A_2585], %swap3A_2588 {strides = array<i32>} : memref<26x128xi32, #tpu.memory_space<vmem>>, vector<1x16xi32>,
    %get3A_2589 = arith.constant 23 : i32
    %get3A_2590 = arith.index_cast %get3A_2589 : i32 to index
    %get3A_2591 = arith.constant 16 : index
    %get3A_2592 = tpu.vector_load %arg5[%get3A_2590, %get3A_2591] {strides = array<i32>} : memref<26x128xi32, #tpu.memory_space<vmem>>, vector<1x16xi32>,
    %get3A_2593 = vector.shape_cast %get3A_2592 : vector<1x16xi32> to vector<16xi32>
    %add3A_2594 = arith.constant 23000 : i32
    %add3A_2595 = vector.broadcast %add3A_2594 : i32 to vector<16xi32>
    %add3A_2596 = arith.addi %get3A_2593, %add3A_2595 : vector<16xi32>
    %swap3A_2597 = arith.constant 23 : i32
    %swap3A_2598 = arith.index_cast %swap3A_2597 : i32 to index
    %swap3A_2599 = arith.constant 16 : index
    %swap3A_2600 = tpu.vector_load %arg5[%swap3A_2598, %swap3A_2599] {strides = array<i32>} : memref<26x128xi32, #tpu.memory_space<vmem>>, vector<1x16xi32>,
    %swap3A_2601 = vector.shape_cast %swap3A_2600 : vector<1x16xi32> to vector<16xi32>
    %swap3A_2602 = vector.shape_cast %add3A_2596 : vector<16xi32> to vector<1x16xi32>
    tpu.vector_store %arg5[%swap3A_2598, %swap3A_2599], %swap3A_2602 {strides = array<i32>} : memref<26x128xi32, #tpu.memory_space<vmem>>, vector<1x16xi32>,
    %get3A_2603 = arith.constant 23 : i32
    %get3A_2604 = arith.index_cast %get3A_2603 : i32 to index
    %get3A_2605 = arith.constant 32 : index
    %get3A_2606 = tpu.vector_load %arg5[%get3A_2604, %get3A_2605] {strides = array<i32>} : memref<26x128xi32, #tpu.memory_space<vmem>>, vector<1x16xi32>,
    %get3A_2607 = vector.shape_cast %get3A_2606 : vector<1x16xi32> to vector<16xi32>
    %add3A_2608 = arith.constant 23000 : i32
    %add3A_2609 = vector.broadcast %add3A_2608 : i32 to vector<16xi32>
    %add3A_2610 = arith.addi %get3A_2607, %add3A_2609 : vector<16xi32>
    %swap3A_2611 = arith.constant 23 : i32
    %swap3A_2612 = arith.index_cast %swap3A_2611 : i32 to index
    %swap3A_2613 = arith.constant 32 : index
    %swap3A_2614 = tpu.vector_load %arg5[%swap3A_2612, %swap3A_2613] {strides = array<i32>} : memref<26x128xi32, #tpu.memory_space<vmem>>, vector<1x16xi32>,
    %swap3A_2615 = vector.shape_cast %swap3A_2614 : vector<1x16xi32> to vector<16xi32>
    %swap3A_2616 = vector.shape_cast %add3A_2610 : vector<16xi32> to vector<1x16xi32>
    tpu.vector_store %arg5[%swap3A_2612, %swap3A_2613], %swap3A_2616 {strides = array<i32>} : memref<26x128xi32, #tpu.memory_space<vmem>>, vector<1x16xi32>,
    %get3A_2617 = arith.constant 23 : i32
    %get3A_2618 = arith.index_cast %get3A_2617 : i32 to index
    %get3A_2619 = arith.constant 48 : index
    %get3A_2620 = tpu.vector_load %arg5[%get3A_2618, %get3A_2619] {strides = array<i32>} : memref<26x128xi32, #tpu.memory_space<vmem>>, vector<1x16xi32>,
    %get3A_2621 = vector.shape_cast %get3A_2620 : vector<1x16xi32> to vector<16xi32>
    %add3A_2622 = arith.constant 23000 : i32
    %add3A_2623 = vector.broadcast %add3A_2622 : i32 to vector<16xi32>
    %add3A_2624 = arith.addi %get3A_2621, %add3A_2623 : vector<16xi32>
    %swap3A_2625 = arith.constant 23 : i32
    %swap3A_2626 = arith.index_cast %swap3A_2625 : i32 to index
    %swap3A_2627 = arith.constant 48 : index
    %swap3A_2628 = tpu.vector_load %arg5[%swap3A_2626, %swap3A_2627] {strides = array<i32>} : memref<26x128xi32, #tpu.memory_space<vmem>>, vector<1x16xi32>,
    %swap3A_2629 = vector.shape_cast %swap3A_2628 : vector<1x16xi32> to vector<16xi32>
    %swap3A_2630 = vector.shape_cast %add3A_2624 : vector<16xi32> to vector<1x16xi32>
    tpu.vector_store %arg5[%swap3A_2626, %swap3A_2627], %swap3A_2630 {strides = array<i32>} : memref<26x128xi32, #tpu.memory_space<vmem>>, vector<1x16xi32>,
    %get3A_2631 = arith.constant 23 : i32
    %get3A_2632 = arith.index_cast %get3A_2631 : i32 to index
    %get3A_2633 = arith.constant 64 : index
    %get3A_2634 = tpu.vector_load %arg5[%get3A_2632, %get3A_2633] {strides = array<i32>} : memref<26x128xi32, #tpu.memory_space<vmem>>, vector<1x16xi32>,
    %get3A_2635 = vector.shape_cast %get3A_2634 : vector<1x16xi32> to vector<16xi32>
    %add3A_2636 = arith.constant 23000 : i32
    %add3A_2637 = vector.broadcast %add3A_2636 : i32 to vector<16xi32>
    %add3A_2638 = arith.addi %get3A_2635, %add3A_2637 : vector<16xi32>
    %swap3A_2639 = arith.constant 23 : i32
    %swap3A_2640 = arith.index_cast %swap3A_2639 : i32 to index
    %swap3A_2641 = arith.constant 64 : index
    %swap3A_2642 = tpu.vector_load %arg5[%swap3A_2640, %swap3A_2641] {strides = array<i32>} : memref<26x128xi32, #tpu.memory_space<vmem>>, vector<1x16xi32>,
    %swap3A_2643 = vector.shape_cast %swap3A_2642 : vector<1x16xi32> to vector<16xi32>
    %swap3A_2644 = vector.shape_cast %add3A_2638 : vector<16xi32> to vector<1x16xi32>
    tpu.vector_store %arg5[%swap3A_2640, %swap3A_2641], %swap3A_2644 {strides = array<i32>} : memref<26x128xi32, #tpu.memory_space<vmem>>, vector<1x16xi32>,
    %get3A_2645 = arith.constant 23 : i32
    %get3A_2646 = arith.index_cast %get3A_2645 : i32 to index
    %get3A_2647 = arith.constant 80 : index
    %get3A_2648 = tpu.vector_load %arg5[%get3A_2646, %get3A_2647] {strides = array<i32>} : memref<26x128xi32, #tpu.memory_space<vmem>>, vector<1x16xi32>,
    %get3A_2649 = vector.shape_cast %get3A_2648 : vector<1x16xi32> to vector<16xi32>
    %add3A_2650 = arith.constant 23000 : i32
    %add3A_2651 = vector.broadcast %add3A_2650 : i32 to vector<16xi32>
    %add3A_2652 = arith.addi %get3A_2649, %add3A_2651 : vector<16xi32>
    %swap3A_2653 = arith.constant 23 : i32
    %swap3A_2654 = arith.index_cast %swap3A_2653 : i32 to index
    %swap3A_2655 = arith.constant 80 : index
    %swap3A_2656 = tpu.vector_load %arg5[%swap3A_2654, %swap3A_2655] {strides = array<i32>} : memref<26x128xi32, #tpu.memory_space<vmem>>, vector<1x16xi32>,
    %swap3A_2657 = vector.shape_cast %swap3A_2656 : vector<1x16xi32> to vector<16xi32>
    %swap3A_2658 = vector.shape_cast %add3A_2652 : vector<16xi32> to vector<1x16xi32>
    tpu.vector_store %arg5[%swap3A_2654, %swap3A_2655], %swap3A_2658 {strides = array<i32>} : memref<26x128xi32, #tpu.memory_space<vmem>>, vector<1x16xi32>,
    %get3A_2659 = arith.constant 23 : i32
    %get3A_2660 = arith.index_cast %get3A_2659 : i32 to index
    %get3A_2661 = arith.constant 96 : index
    %get3A_2662 = tpu.vector_load %arg5[%get3A_2660, %get3A_2661] {strides = array<i32>} : memref<26x128xi32, #tpu.memory_space<vmem>>, vector<1x16xi32>,
    %get3A_2663 = vector.shape_cast %get3A_2662 : vector<1x16xi32> to vector<16xi32>
    %add3A_2664 = arith.constant 23000 : i32
    %add3A_2665 = vector.broadcast %add3A_2664 : i32 to vector<16xi32>
    %add3A_2666 = arith.addi %get3A_2663, %add3A_2665 : vector<16xi32>
    %swap3A_2667 = arith.constant 23 : i32
    %swap3A_2668 = arith.index_cast %swap3A_2667 : i32 to index
    %swap3A_2669 = arith.constant 96 : index
    %swap3A_2670 = tpu.vector_load %arg5[%swap3A_2668, %swap3A_2669] {strides = array<i32>} : memref<26x128xi32, #tpu.memory_space<vmem>>, vector<1x16xi32>,
    %swap3A_2671 = vector.shape_cast %swap3A_2670 : vector<1x16xi32> to vector<16xi32>
    %swap3A_2672 = vector.shape_cast %add3A_2666 : vector<16xi32> to vector<1x16xi32>
    tpu.vector_store %arg5[%swap3A_2668, %swap3A_2669], %swap3A_2672 {strides = array<i32>} : memref<26x128xi32, #tpu.memory_space<vmem>>, vector<1x16xi32>,
    %get3A_2673 = arith.constant 23 : i32
    %get3A_2674 = arith.index_cast %get3A_2673 : i32 to index
    %get3A_2675 = arith.constant 112 : index
    %get3A_2676 = tpu.vector_load %arg5[%get3A_2674, %get3A_2675] {strides = array<i32>} : memref<26x128xi32, #tpu.memory_space<vmem>>, vector<1x16xi32>,
    %get3A_2677 = vector.shape_cast %get3A_2676 : vector<1x16xi32> to vector<16xi32>
    %add3A_2678 = arith.constant 23000 : i32
    %add3A_2679 = vector.broadcast %add3A_2678 : i32 to vector<16xi32>
    %add3A_2680 = arith.addi %get3A_2677, %add3A_2679 : vector<16xi32>
    %swap3A_2681 = arith.constant 23 : i32
    %swap3A_2682 = arith.index_cast %swap3A_2681 : i32 to index
    %swap3A_2683 = arith.constant 112 : index
    %swap3A_2684 = tpu.vector_load %arg5[%swap3A_2682, %swap3A_2683] {strides = array<i32>} : memref<26x128xi32, #tpu.memory_space<vmem>>, vector<1x16xi32>,
    %swap3A_2685 = vector.shape_cast %swap3A_2684 : vector<1x16xi32> to vector<16xi32>
    %swap3A_2686 = vector.shape_cast %add3A_2680 : vector<16xi32> to vector<1x16xi32>
    tpu.vector_store %arg5[%swap3A_2682, %swap3A_2683], %swap3A_2686 {strides = array<i32>} : memref<26x128xi32, #tpu.memory_space<vmem>>, vector<1x16xi32>,
    %get3A_2687 = arith.constant 24 : i32
    %get3A_2688 = arith.index_cast %get3A_2687 : i32 to index
    %get3A_2689 = arith.constant 0 : index
    %get3A_2690 = tpu.vector_load %arg5[%get3A_2688, %get3A_2689] {strides = array<i32>} : memref<26x128xi32, #tpu.memory_space<vmem>>, vector<1x16xi32>,
    %get3A_2691 = vector.shape_cast %get3A_2690 : vector<1x16xi32> to vector<16xi32>
    %add3A_2692 = arith.constant 24000 : i32
    %add3A_2693 = vector.broadcast %add3A_2692 : i32 to vector<16xi32>
    %add3A_2694 = arith.addi %get3A_2691, %add3A_2693 : vector<16xi32>
    %swap3A_2695 = arith.constant 24 : i32
    %swap3A_2696 = arith.index_cast %swap3A_2695 : i32 to index
    %swap3A_2697 = arith.constant 0 : index
    %swap3A_2698 = tpu.vector_load %arg5[%swap3A_2696, %swap3A_2697] {strides = array<i32>} : memref<26x128xi32, #tpu.memory_space<vmem>>, vector<1x16xi32>,
    %swap3A_2699 = vector.shape_cast %swap3A_2698 : vector<1x16xi32> to vector<16xi32>
    %swap3A_2700 = vector.shape_cast %add3A_2694 : vector<16xi32> to vector<1x16xi32>
    tpu.vector_store %arg5[%swap3A_2696, %swap3A_2697], %swap3A_2700 {strides = array<i32>} : memref<26x128xi32, #tpu.memory_space<vmem>>, vector<1x16xi32>,
    %get3A_2701 = arith.constant 24 : i32
    %get3A_2702 = arith.index_cast %get3A_2701 : i32 to index
    %get3A_2703 = arith.constant 16 : index
    %get3A_2704 = tpu.vector_load %arg5[%get3A_2702, %get3A_2703] {strides = array<i32>} : memref<26x128xi32, #tpu.memory_space<vmem>>, vector<1x16xi32>,
    %get3A_2705 = vector.shape_cast %get3A_2704 : vector<1x16xi32> to vector<16xi32>
    %add3A_2706 = arith.constant 24000 : i32
    %add3A_2707 = vector.broadcast %add3A_2706 : i32 to vector<16xi32>
    %add3A_2708 = arith.addi %get3A_2705, %add3A_2707 : vector<16xi32>
    %swap3A_2709 = arith.constant 24 : i32
    %swap3A_2710 = arith.index_cast %swap3A_2709 : i32 to index
    %swap3A_2711 = arith.constant 16 : index
    %swap3A_2712 = tpu.vector_load %arg5[%swap3A_2710, %swap3A_2711] {strides = array<i32>} : memref<26x128xi32, #tpu.memory_space<vmem>>, vector<1x16xi32>,
    %swap3A_2713 = vector.shape_cast %swap3A_2712 : vector<1x16xi32> to vector<16xi32>
    %swap3A_2714 = vector.shape_cast %add3A_2708 : vector<16xi32> to vector<1x16xi32>
    tpu.vector_store %arg5[%swap3A_2710, %swap3A_2711], %swap3A_2714 {strides = array<i32>} : memref<26x128xi32, #tpu.memory_space<vmem>>, vector<1x16xi32>,
    %get3A_2715 = arith.constant 24 : i32
    %get3A_2716 = arith.index_cast %get3A_2715 : i32 to index
    %get3A_2717 = arith.constant 32 : index
    %get3A_2718 = tpu.vector_load %arg5[%get3A_2716, %get3A_2717] {strides = array<i32>} : memref<26x128xi32, #tpu.memory_space<vmem>>, vector<1x16xi32>,
    %get3A_2719 = vector.shape_cast %get3A_2718 : vector<1x16xi32> to vector<16xi32>
    %add3A_2720 = arith.constant 24000 : i32
    %add3A_2721 = vector.broadcast %add3A_2720 : i32 to vector<16xi32>
    %add3A_2722 = arith.addi %get3A_2719, %add3A_2721 : vector<16xi32>
    %swap3A_2723 = arith.constant 24 : i32
    %swap3A_2724 = arith.index_cast %swap3A_2723 : i32 to index
    %swap3A_2725 = arith.constant 32 : index
    %swap3A_2726 = tpu.vector_load %arg5[%swap3A_2724, %swap3A_2725] {strides = array<i32>} : memref<26x128xi32, #tpu.memory_space<vmem>>, vector<1x16xi32>,
    %swap3A_2727 = vector.shape_cast %swap3A_2726 : vector<1x16xi32> to vector<16xi32>
    %swap3A_2728 = vector.shape_cast %add3A_2722 : vector<16xi32> to vector<1x16xi32>
    tpu.vector_store %arg5[%swap3A_2724, %swap3A_2725], %swap3A_2728 {strides = array<i32>} : memref<26x128xi32, #tpu.memory_space<vmem>>, vector<1x16xi32>,
    %get3A_2729 = arith.constant 24 : i32
    %get3A_2730 = arith.index_cast %get3A_2729 : i32 to index
    %get3A_2731 = arith.constant 48 : index
    %get3A_2732 = tpu.vector_load %arg5[%get3A_2730, %get3A_2731] {strides = array<i32>} : memref<26x128xi32, #tpu.memory_space<vmem>>, vector<1x16xi32>,
    %get3A_2733 = vector.shape_cast %get3A_2732 : vector<1x16xi32> to vector<16xi32>
    %add3A_2734 = arith.constant 24000 : i32
    %add3A_2735 = vector.broadcast %add3A_2734 : i32 to vector<16xi32>
    %add3A_2736 = arith.addi %get3A_2733, %add3A_2735 : vector<16xi32>
    %swap3A_2737 = arith.constant 24 : i32
    %swap3A_2738 = arith.index_cast %swap3A_2737 : i32 to index
    %swap3A_2739 = arith.constant 48 : index
    %swap3A_2740 = tpu.vector_load %arg5[%swap3A_2738, %swap3A_2739] {strides = array<i32>} : memref<26x128xi32, #tpu.memory_space<vmem>>, vector<1x16xi32>,
    %swap3A_2741 = vector.shape_cast %swap3A_2740 : vector<1x16xi32> to vector<16xi32>
    %swap3A_2742 = vector.shape_cast %add3A_2736 : vector<16xi32> to vector<1x16xi32>
    tpu.vector_store %arg5[%swap3A_2738, %swap3A_2739], %swap3A_2742 {strides = array<i32>} : memref<26x128xi32, #tpu.memory_space<vmem>>, vector<1x16xi32>,
    %get3A_2743 = arith.constant 24 : i32
    %get3A_2744 = arith.index_cast %get3A_2743 : i32 to index
    %get3A_2745 = arith.constant 64 : index
    %get3A_2746 = tpu.vector_load %arg5[%get3A_2744, %get3A_2745] {strides = array<i32>} : memref<26x128xi32, #tpu.memory_space<vmem>>, vector<1x16xi32>,
    %get3A_2747 = vector.shape_cast %get3A_2746 : vector<1x16xi32> to vector<16xi32>
    %add3A_2748 = arith.constant 24000 : i32
    %add3A_2749 = vector.broadcast %add3A_2748 : i32 to vector<16xi32>
    %add3A_2750 = arith.addi %get3A_2747, %add3A_2749 : vector<16xi32>
    %swap3A_2751 = arith.constant 24 : i32
    %swap3A_2752 = arith.index_cast %swap3A_2751 : i32 to index
    %swap3A_2753 = arith.constant 64 : index
    %swap3A_2754 = tpu.vector_load %arg5[%swap3A_2752, %swap3A_2753] {strides = array<i32>} : memref<26x128xi32, #tpu.memory_space<vmem>>, vector<1x16xi32>,
    %swap3A_2755 = vector.shape_cast %swap3A_2754 : vector<1x16xi32> to vector<16xi32>
    %swap3A_2756 = vector.shape_cast %add3A_2750 : vector<16xi32> to vector<1x16xi32>
    tpu.vector_store %arg5[%swap3A_2752, %swap3A_2753], %swap3A_2756 {strides = array<i32>} : memref<26x128xi32, #tpu.memory_space<vmem>>, vector<1x16xi32>,
    %get3A_2757 = arith.constant 24 : i32
    %get3A_2758 = arith.index_cast %get3A_2757 : i32 to index
    %get3A_2759 = arith.constant 80 : index
    %get3A_2760 = tpu.vector_load %arg5[%get3A_2758, %get3A_2759] {strides = array<i32>} : memref<26x128xi32, #tpu.memory_space<vmem>>, vector<1x16xi32>,
    %get3A_2761 = vector.shape_cast %get3A_2760 : vector<1x16xi32> to vector<16xi32>
    %add3A_2762 = arith.constant 24000 : i32
    %add3A_2763 = vector.broadcast %add3A_2762 : i32 to vector<16xi32>
    %add3A_2764 = arith.addi %get3A_2761, %add3A_2763 : vector<16xi32>
    %swap3A_2765 = arith.constant 24 : i32
    %swap3A_2766 = arith.index_cast %swap3A_2765 : i32 to index
    %swap3A_2767 = arith.constant 80 : index
    %swap3A_2768 = tpu.vector_load %arg5[%swap3A_2766, %swap3A_2767] {strides = array<i32>} : memref<26x128xi32, #tpu.memory_space<vmem>>, vector<1x16xi32>,
    %swap3A_2769 = vector.shape_cast %swap3A_2768 : vector<1x16xi32> to vector<16xi32>
    %swap3A_2770 = vector.shape_cast %add3A_2764 : vector<16xi32> to vector<1x16xi32>
    tpu.vector_store %arg5[%swap3A_2766, %swap3A_2767], %swap3A_2770 {strides = array<i32>} : memref<26x128xi32, #tpu.memory_space<vmem>>, vector<1x16xi32>,
    %get3A_2771 = arith.constant 24 : i32
    %get3A_2772 = arith.index_cast %get3A_2771 : i32 to index
    %get3A_2773 = arith.constant 96 : index
    %get3A_2774 = tpu.vector_load %arg5[%get3A_2772, %get3A_2773] {strides = array<i32>} : memref<26x128xi32, #tpu.memory_space<vmem>>, vector<1x16xi32>,
    %get3A_2775 = vector.shape_cast %get3A_2774 : vector<1x16xi32> to vector<16xi32>
    %add3A_2776 = arith.constant 24000 : i32
    %add3A_2777 = vector.broadcast %add3A_2776 : i32 to vector<16xi32>
    %add3A_2778 = arith.addi %get3A_2775, %add3A_2777 : vector<16xi32>
    %swap3A_2779 = arith.constant 24 : i32
    %swap3A_2780 = arith.index_cast %swap3A_2779 : i32 to index
    %swap3A_2781 = arith.constant 96 : index
    %swap3A_2782 = tpu.vector_load %arg5[%swap3A_2780, %swap3A_2781] {strides = array<i32>} : memref<26x128xi32, #tpu.memory_space<vmem>>, vector<1x16xi32>,
    %swap3A_2783 = vector.shape_cast %swap3A_2782 : vector<1x16xi32> to vector<16xi32>
    %swap3A_2784 = vector.shape_cast %add3A_2778 : vector<16xi32> to vector<1x16xi32>
    tpu.vector_store %arg5[%swap3A_2780, %swap3A_2781], %swap3A_2784 {strides = array<i32>} : memref<26x128xi32, #tpu.memory_space<vmem>>, vector<1x16xi32>,
    %get3A_2785 = arith.constant 24 : i32
    %get3A_2786 = arith.index_cast %get3A_2785 : i32 to index
    %get3A_2787 = arith.constant 112 : index
    %get3A_2788 = tpu.vector_load %arg5[%get3A_2786, %get3A_2787] {strides = array<i32>} : memref<26x128xi32, #tpu.memory_space<vmem>>, vector<1x16xi32>,
    %get3A_2789 = vector.shape_cast %get3A_2788 : vector<1x16xi32> to vector<16xi32>
    %add3A_2790 = arith.constant 24000 : i32
    %add3A_2791 = vector.broadcast %add3A_2790 : i32 to vector<16xi32>
    %add3A_2792 = arith.addi %get3A_2789, %add3A_2791 : vector<16xi32>
    %swap3A_2793 = arith.constant 24 : i32
    %swap3A_2794 = arith.index_cast %swap3A_2793 : i32 to index
    %swap3A_2795 = arith.constant 112 : index
    %swap3A_2796 = tpu.vector_load %arg5[%swap3A_2794, %swap3A_2795] {strides = array<i32>} : memref<26x128xi32, #tpu.memory_space<vmem>>, vector<1x16xi32>,
    %swap3A_2797 = vector.shape_cast %swap3A_2796 : vector<1x16xi32> to vector<16xi32>
    %swap3A_2798 = vector.shape_cast %add3A_2792 : vector<16xi32> to vector<1x16xi32>
    tpu.vector_store %arg5[%swap3A_2794, %swap3A_2795], %swap3A_2798 {strides = array<i32>} : memref<26x128xi32, #tpu.memory_space<vmem>>, vector<1x16xi32>,
    %get3A_2799 = arith.constant 25 : i32
    %get3A_2800 = arith.index_cast %get3A_2799 : i32 to index
    %get3A_2801 = arith.constant 0 : index
    %get3A_2802 = tpu.vector_load %arg5[%get3A_2800, %get3A_2801] {strides = array<i32>} : memref<26x128xi32, #tpu.memory_space<vmem>>, vector<1x16xi32>,
    %get3A_2803 = vector.shape_cast %get3A_2802 : vector<1x16xi32> to vector<16xi32>
    %add3A_2804 = arith.constant 25000 : i32
    %add3A_2805 = vector.broadcast %add3A_2804 : i32 to vector<16xi32>
    %add3A_2806 = arith.addi %get3A_2803, %add3A_2805 : vector<16xi32>
    %swap3A_2807 = arith.constant 25 : i32
    %swap3A_2808 = arith.index_cast %swap3A_2807 : i32 to index
    %swap3A_2809 = arith.constant 0 : index
    %swap3A_2810 = tpu.vector_load %arg5[%swap3A_2808, %swap3A_2809] {strides = array<i32>} : memref<26x128xi32, #tpu.memory_space<vmem>>, vector<1x16xi32>,
    %swap3A_2811 = vector.shape_cast %swap3A_2810 : vector<1x16xi32> to vector<16xi32>
    %swap3A_2812 = vector.shape_cast %add3A_2806 : vector<16xi32> to vector<1x16xi32>
    tpu.vector_store %arg5[%swap3A_2808, %swap3A_2809], %swap3A_2812 {strides = array<i32>} : memref<26x128xi32, #tpu.memory_space<vmem>>, vector<1x16xi32>,
    %get3A_2813 = arith.constant 25 : i32
    %get3A_2814 = arith.index_cast %get3A_2813 : i32 to index
    %get3A_2815 = arith.constant 16 : index
    %get3A_2816 = tpu.vector_load %arg5[%get3A_2814, %get3A_2815] {strides = array<i32>} : memref<26x128xi32, #tpu.memory_space<vmem>>, vector<1x16xi32>,
    %get3A_2817 = vector.shape_cast %get3A_2816 : vector<1x16xi32> to vector<16xi32>
    %add3A_2818 = arith.constant 25000 : i32
    %add3A_2819 = vector.broadcast %add3A_2818 : i32 to vector<16xi32>
    %add3A_2820 = arith.addi %get3A_2817, %add3A_2819 : vector<16xi32>
    %swap3A_2821 = arith.constant 25 : i32
    %swap3A_2822 = arith.index_cast %swap3A_2821 : i32 to index
    %swap3A_2823 = arith.constant 16 : index
    %swap3A_2824 = tpu.vector_load %arg5[%swap3A_2822, %swap3A_2823] {strides = array<i32>} : memref<26x128xi32, #tpu.memory_space<vmem>>, vector<1x16xi32>,
    %swap3A_2825 = vector.shape_cast %swap3A_2824 : vector<1x16xi32> to vector<16xi32>
    %swap3A_2826 = vector.shape_cast %add3A_2820 : vector<16xi32> to vector<1x16xi32>
    tpu.vector_store %arg5[%swap3A_2822, %swap3A_2823], %swap3A_2826 {strides = array<i32>} : memref<26x128xi32, #tpu.memory_space<vmem>>, vector<1x16xi32>,
    %get3A_2827 = arith.constant 25 : i32
    %get3A_2828 = arith.index_cast %get3A_2827 : i32 to index
    %get3A_2829 = arith.constant 32 : index
    %get3A_2830 = tpu.vector_load %arg5[%get3A_2828, %get3A_2829] {strides = array<i32>} : memref<26x128xi32, #tpu.memory_space<vmem>>, vector<1x16xi32>,
    %get3A_2831 = vector.shape_cast %get3A_2830 : vector<1x16xi32> to vector<16xi32>
    %add3A_2832 = arith.constant 25000 : i32
    %add3A_2833 = vector.broadcast %add3A_2832 : i32 to vector<16xi32>
    %add3A_2834 = arith.addi %get3A_2831, %add3A_2833 : vector<16xi32>
    %swap3A_2835 = arith.constant 25 : i32
    %swap3A_2836 = arith.index_cast %swap3A_2835 : i32 to index
    %swap3A_2837 = arith.constant 32 : index
    %swap3A_2838 = tpu.vector_load %arg5[%swap3A_2836, %swap3A_2837] {strides = array<i32>} : memref<26x128xi32, #tpu.memory_space<vmem>>, vector<1x16xi32>,
    %swap3A_2839 = vector.shape_cast %swap3A_2838 : vector<1x16xi32> to vector<16xi32>
    %swap3A_2840 = vector.shape_cast %add3A_2834 : vector<16xi32> to vector<1x16xi32>
    tpu.vector_store %arg5[%swap3A_2836, %swap3A_2837], %swap3A_2840 {strides = array<i32>} : memref<26x128xi32, #tpu.memory_space<vmem>>, vector<1x16xi32>,
    %get3A_2841 = arith.constant 25 : i32
    %get3A_2842 = arith.index_cast %get3A_2841 : i32 to index
    %get3A_2843 = arith.constant 48 : index
    %get3A_2844 = tpu.vector_load %arg5[%get3A_2842, %get3A_2843] {strides = array<i32>} : memref<26x128xi32, #tpu.memory_space<vmem>>, vector<1x16xi32>,
    %get3A_2845 = vector.shape_cast %get3A_2844 : vector<1x16xi32> to vector<16xi32>
    %add3A_2846 = arith.constant 25000 : i32
    %add3A_2847 = vector.broadcast %add3A_2846 : i32 to vector<16xi32>
    %add3A_2848 = arith.addi %get3A_2845, %add3A_2847 : vector<16xi32>
    %swap3A_2849 = arith.constant 25 : i32
    %swap3A_2850 = arith.index_cast %swap3A_2849 : i32 to index
    %swap3A_2851 = arith.constant 48 : index
    %swap3A_2852 = tpu.vector_load %arg5[%swap3A_2850, %swap3A_2851] {strides = array<i32>} : memref<26x128xi32, #tpu.memory_space<vmem>>, vector<1x16xi32>,
    %swap3A_2853 = vector.shape_cast %swap3A_2852 : vector<1x16xi32> to vector<16xi32>
    %swap3A_2854 = vector.shape_cast %add3A_2848 : vector<16xi32> to vector<1x16xi32>
    tpu.vector_store %arg5[%swap3A_2850, %swap3A_2851], %swap3A_2854 {strides = array<i32>} : memref<26x128xi32, #tpu.memory_space<vmem>>, vector<1x16xi32>,
    %get3A_2855 = arith.constant 25 : i32
    %get3A_2856 = arith.index_cast %get3A_2855 : i32 to index
    %get3A_2857 = arith.constant 64 : index
    %get3A_2858 = tpu.vector_load %arg5[%get3A_2856, %get3A_2857] {strides = array<i32>} : memref<26x128xi32, #tpu.memory_space<vmem>>, vector<1x16xi32>,
    %get3A_2859 = vector.shape_cast %get3A_2858 : vector<1x16xi32> to vector<16xi32>
    %add3A_2860 = arith.constant 25000 : i32
    %add3A_2861 = vector.broadcast %add3A_2860 : i32 to vector<16xi32>
    %add3A_2862 = arith.addi %get3A_2859, %add3A_2861 : vector<16xi32>
    %swap3A_2863 = arith.constant 25 : i32
    %swap3A_2864 = arith.index_cast %swap3A_2863 : i32 to index
    %swap3A_2865 = arith.constant 64 : index
    %swap3A_2866 = tpu.vector_load %arg5[%swap3A_2864, %swap3A_2865] {strides = array<i32>} : memref<26x128xi32, #tpu.memory_space<vmem>>, vector<1x16xi32>,
    %swap3A_2867 = vector.shape_cast %swap3A_2866 : vector<1x16xi32> to vector<16xi32>
    %swap3A_2868 = vector.shape_cast %add3A_2862 : vector<16xi32> to vector<1x16xi32>
    tpu.vector_store %arg5[%swap3A_2864, %swap3A_2865], %swap3A_2868 {strides = array<i32>} : memref<26x128xi32, #tpu.memory_space<vmem>>, vector<1x16xi32>,
    %get3A_2869 = arith.constant 25 : i32
    %get3A_2870 = arith.index_cast %get3A_2869 : i32 to index
    %get3A_2871 = arith.constant 80 : index
    %get3A_2872 = tpu.vector_load %arg5[%get3A_2870, %get3A_2871] {strides = array<i32>} : memref<26x128xi32, #tpu.memory_space<vmem>>, vector<1x16xi32>,
    %get3A_2873 = vector.shape_cast %get3A_2872 : vector<1x16xi32> to vector<16xi32>
    %add3A_2874 = arith.constant 25000 : i32
    %add3A_2875 = vector.broadcast %add3A_2874 : i32 to vector<16xi32>
    %add3A_2876 = arith.addi %get3A_2873, %add3A_2875 : vector<16xi32>
    %swap3A_2877 = arith.constant 25 : i32
    %swap3A_2878 = arith.index_cast %swap3A_2877 : i32 to index
    %swap3A_2879 = arith.constant 80 : index
    %swap3A_2880 = tpu.vector_load %arg5[%swap3A_2878, %swap3A_2879] {strides = array<i32>} : memref<26x128xi32, #tpu.memory_space<vmem>>, vector<1x16xi32>,
    %swap3A_2881 = vector.shape_cast %swap3A_2880 : vector<1x16xi32> to vector<16xi32>
    %swap3A_2882 = vector.shape_cast %add3A_2876 : vector<16xi32> to vector<1x16xi32>
    tpu.vector_store %arg5[%swap3A_2878, %swap3A_2879], %swap3A_2882 {strides = array<i32>} : memref<26x128xi32, #tpu.memory_space<vmem>>, vector<1x16xi32>,
    %get3A_2883 = arith.constant 25 : i32
    %get3A_2884 = arith.index_cast %get3A_2883 : i32 to index
    %get3A_2885 = arith.constant 96 : index
    %get3A_2886 = tpu.vector_load %arg5[%get3A_2884, %get3A_2885] {strides = array<i32>} : memref<26x128xi32, #tpu.memory_space<vmem>>, vector<1x16xi32>,
    %get3A_2887 = vector.shape_cast %get3A_2886 : vector<1x16xi32> to vector<16xi32>
    %add3A_2888 = arith.constant 25000 : i32
    %add3A_2889 = vector.broadcast %add3A_2888 : i32 to vector<16xi32>
    %add3A_2890 = arith.addi %get3A_2887, %add3A_2889 : vector<16xi32>
    %swap3A_2891 = arith.constant 25 : i32
    %swap3A_2892 = arith.index_cast %swap3A_2891 : i32 to index
    %swap3A_2893 = arith.constant 96 : index
    %swap3A_2894 = tpu.vector_load %arg5[%swap3A_2892, %swap3A_2893] {strides = array<i32>} : memref<26x128xi32, #tpu.memory_space<vmem>>, vector<1x16xi32>,
    %swap3A_2895 = vector.shape_cast %swap3A_2894 : vector<1x16xi32> to vector<16xi32>
    %swap3A_2896 = vector.shape_cast %add3A_2890 : vector<16xi32> to vector<1x16xi32>
    tpu.vector_store %arg5[%swap3A_2892, %swap3A_2893], %swap3A_2896 {strides = array<i32>} : memref<26x128xi32, #tpu.memory_space<vmem>>, vector<1x16xi32>,
    %get3A_2897 = arith.constant 25 : i32
    %get3A_2898 = arith.index_cast %get3A_2897 : i32 to index
    %get3A_2899 = arith.constant 112 : index
    %get3A_2900 = tpu.vector_load %arg5[%get3A_2898, %get3A_2899] {strides = array<i32>} : memref<26x128xi32, #tpu.memory_space<vmem>>, vector<1x16xi32>,
    %get3A_2901 = vector.shape_cast %get3A_2900 : vector<1x16xi32> to vector<16xi32>
    %add3A_2902 = arith.constant 25000 : i32
    %add3A_2903 = vector.broadcast %add3A_2902 : i32 to vector<16xi32>
    %add3A_2904 = arith.addi %get3A_2901, %add3A_2903 : vector<16xi32>
    %swap3A_2905 = arith.constant 25 : i32
    %swap3A_2906 = arith.index_cast %swap3A_2905 : i32 to index
    %swap3A_2907 = arith.constant 112 : index
    %swap3A_2908 = tpu.vector_load %arg5[%swap3A_2906, %swap3A_2907] {strides = array<i32>} : memref<26x128xi32, #tpu.memory_space<vmem>>, vector<1x16xi32>,
    %swap3A_2909 = vector.shape_cast %swap3A_2908 : vector<1x16xi32> to vector<16xi32>
    %swap3A_2910 = vector.shape_cast %add3A_2904 : vector<16xi32> to vector<1x16xi32>
    tpu.vector_store %arg5[%swap3A_2906, %swap3A_2907], %swap3A_2910 {strides = array<i32>} : memref<26x128xi32, #tpu.memory_space<vmem>>, vector<1x16xi32>,
    %mul3A_2911 = arith.constant 128 : i32
    %mul3A_2912 = arith.muli %add3A, %mul3A_2911 : i32
    %dma_start3A = arith.constant 0 : i32
    %dma_start3A_2913 = arith.constant 0 : i32
    %dma_start3A_2914 = arith.constant 0 : i32
    %dma_start3A_2915 = tpu.memref_slice %arg6[%dma_start3A_2913, %dma_start3A_2914] : memref<1664x64xf32, #tpu.memory_space<vmem>> -> memref<128x64xf32, #tpu.memory_space<vmem>>
    %dma_start3A_2916 = arith.constant 0 : i32
    %dma_start3A_2917 = tpu.memref_slice %arg5[%dma_start3A, %dma_start3A_2916] : memref<26x128xi32, #tpu.memory_space<vmem>> -> memref<1x128xi32, #tpu.memory_space<vmem>>
    %dma_start3A_2918 = tpu.memref_squeeze %dma_start3A_2917 : memref<1x128xi32, #tpu.memory_space<vmem>> -> memref<128xi32, #tpu.memory_space<vmem>>
    %dma_start3A_2919 = arith.constant 0 : i32
    %dma_start3A_2920 = arith.constant 0 : i32
    %dma_start3A_2921 = tpu.memref_slice %arg2[%dma_start3A_2919, %dma_start3A_2920] : memref<26000x64xf32, #tpu.memory_space<hbm>> -> memref<26000x64xf32, #tpu.memory_space<hbm>>
    tpu.enqueue_indirect_dma source(%dma_start3A_2921 : memref<26000x64xf32, #tpu.memory_space<hbm>>) target(%dma_start3A_2915 : memref<128x64xf32, #tpu.memory_space<vmem>>) offsets(%dma_start3A_2918 : memref<128xi32, #tpu.memory_space<vmem>>) semaphore(%arg7 : memref<!tpu.dma_semaphore, #tpu.memory_space<semaphore_mem>>)
    %dma_start3A_2922 = arith.constant 1 : i32
    %dma_start3A_2923 = arith.constant 128 : i32
    %dma_start3A_2924 = arith.constant 0 : i32
    %dma_start3A_2925 = tpu.memref_slice %arg6[%dma_start3A_2923, %dma_start3A_2924] : memref<1664x64xf32, #tpu.memory_space<vmem>> -> memref<128x64xf32, #tpu.memory_space<vmem>>
    %dma_start3A_2926 = arith.constant 0 : i32
    %dma_start3A_2927 = tpu.memref_slice %arg5[%dma_start3A_2922, %dma_start3A_2926] : memref<26x128xi32, #tpu.memory_space<vmem>> -> memref<1x128xi32, #tpu.memory_space<vmem>>
    %dma_start3A_2928 = tpu.memref_squeeze %dma_start3A_2927 : memref<1x128xi32, #tpu.memory_space<vmem>> -> memref<128xi32, #tpu.memory_space<vmem>>
    %dma_start3A_2929 = arith.constant 0 : i32
    %dma_start3A_2930 = arith.constant 0 : i32
    %dma_start3A_2931 = tpu.memref_slice %arg2[%dma_start3A_2929, %dma_start3A_2930] : memref<26000x64xf32, #tpu.memory_space<hbm>> -> memref<26000x64xf32, #tpu.memory_space<hbm>>
    tpu.enqueue_indirect_dma source(%dma_start3A_2931 : memref<26000x64xf32, #tpu.memory_space<hbm>>) target(%dma_start3A_2925 : memref<128x64xf32, #tpu.memory_space<vmem>>) offsets(%dma_start3A_2928 : memref<128xi32, #tpu.memory_space<vmem>>) semaphore(%arg7 : memref<!tpu.dma_semaphore, #tpu.memory_space<semaphore_mem>>)
    %dma_start3A_2932 = arith.constant 2 : i32
    %dma_start3A_2933 = arith.constant 256 : i32
    %dma_start3A_2934 = arith.constant 0 : i32
    %dma_start3A_2935 = tpu.memref_slice %arg6[%dma_start3A_2933, %dma_start3A_2934] : memref<1664x64xf32, #tpu.memory_space<vmem>> -> memref<128x64xf32, #tpu.memory_space<vmem>>
    %dma_start3A_2936 = arith.constant 0 : i32
    %dma_start3A_2937 = tpu.memref_slice %arg5[%dma_start3A_2932, %dma_start3A_2936] : memref<26x128xi32, #tpu.memory_space<vmem>> -> memref<1x128xi32, #tpu.memory_space<vmem>>
    %dma_start3A_2938 = tpu.memref_squeeze %dma_start3A_2937 : memref<1x128xi32, #tpu.memory_space<vmem>> -> memref<128xi32, #tpu.memory_space<vmem>>
    %dma_start3A_2939 = arith.constant 0 : i32
    %dma_start3A_2940 = arith.constant 0 : i32
    %dma_start3A_2941 = tpu.memref_slice %arg2[%dma_start3A_2939, %dma_start3A_2940] : memref<26000x64xf32, #tpu.memory_space<hbm>> -> memref<26000x64xf32, #tpu.memory_space<hbm>>
    tpu.enqueue_indirect_dma source(%dma_start3A_2941 : memref<26000x64xf32, #tpu.memory_space<hbm>>) target(%dma_start3A_2935 : memref<128x64xf32, #tpu.memory_space<vmem>>) offsets(%dma_start3A_2938 : memref<128xi32, #tpu.memory_space<vmem>>) semaphore(%arg7 : memref<!tpu.dma_semaphore, #tpu.memory_space<semaphore_mem>>)
    %dma_start3A_2942 = arith.constant 3 : i32
    %dma_start3A_2943 = arith.constant 384 : i32
    %dma_start3A_2944 = arith.constant 0 : i32
    %dma_start3A_2945 = tpu.memref_slice %arg6[%dma_start3A_2943, %dma_start3A_2944] : memref<1664x64xf32, #tpu.memory_space<vmem>> -> memref<128x64xf32, #tpu.memory_space<vmem>>
    %dma_start3A_2946 = arith.constant 0 : i32
    %dma_start3A_2947 = tpu.memref_slice %arg5[%dma_start3A_2942, %dma_start3A_2946] : memref<26x128xi32, #tpu.memory_space<vmem>> -> memref<1x128xi32, #tpu.memory_space<vmem>>
    %dma_start3A_2948 = tpu.memref_squeeze %dma_start3A_2947 : memref<1x128xi32, #tpu.memory_space<vmem>> -> memref<128xi32, #tpu.memory_space<vmem>>
    %dma_start3A_2949 = arith.constant 0 : i32
    %dma_start3A_2950 = arith.constant 0 : i32
    %dma_start3A_2951 = tpu.memref_slice %arg2[%dma_start3A_2949, %dma_start3A_2950] : memref<26000x64xf32, #tpu.memory_space<hbm>> -> memref<26000x64xf32, #tpu.memory_space<hbm>>
    tpu.enqueue_indirect_dma source(%dma_start3A_2951 : memref<26000x64xf32, #tpu.memory_space<hbm>>) target(%dma_start3A_2945 : memref<128x64xf32, #tpu.memory_space<vmem>>) offsets(%dma_start3A_2948 : memref<128xi32, #tpu.memory_space<vmem>>) semaphore(%arg7 : memref<!tpu.dma_semaphore, #tpu.memory_space<semaphore_mem>>)
    %dma_start3A_2952 = arith.constant 4 : i32
    %dma_start3A_2953 = arith.constant 512 : i32
    %dma_start3A_2954 = arith.constant 0 : i32
    %dma_start3A_2955 = tpu.memref_slice %arg6[%dma_start3A_2953, %dma_start3A_2954] : memref<1664x64xf32, #tpu.memory_space<vmem>> -> memref<128x64xf32, #tpu.memory_space<vmem>>
    %dma_start3A_2956 = arith.constant 0 : i32
    %dma_start3A_2957 = tpu.memref_slice %arg5[%dma_start3A_2952, %dma_start3A_2956] : memref<26x128xi32, #tpu.memory_space<vmem>> -> memref<1x128xi32, #tpu.memory_space<vmem>>
    %dma_start3A_2958 = tpu.memref_squeeze %dma_start3A_2957 : memref<1x128xi32, #tpu.memory_space<vmem>> -> memref<128xi32, #tpu.memory_space<vmem>>
    %dma_start3A_2959 = arith.constant 0 : i32
    %dma_start3A_2960 = arith.constant 0 : i32
    %dma_start3A_2961 = tpu.memref_slice %arg2[%dma_start3A_2959, %dma_start3A_2960] : memref<26000x64xf32, #tpu.memory_space<hbm>> -> memref<26000x64xf32, #tpu.memory_space<hbm>>
    tpu.enqueue_indirect_dma source(%dma_start3A_2961 : memref<26000x64xf32, #tpu.memory_space<hbm>>) target(%dma_start3A_2955 : memref<128x64xf32, #tpu.memory_space<vmem>>) offsets(%dma_start3A_2958 : memref<128xi32, #tpu.memory_space<vmem>>) semaphore(%arg7 : memref<!tpu.dma_semaphore, #tpu.memory_space<semaphore_mem>>)
    %dma_start3A_2962 = arith.constant 5 : i32
    %dma_start3A_2963 = arith.constant 640 : i32
    %dma_start3A_2964 = arith.constant 0 : i32
    %dma_start3A_2965 = tpu.memref_slice %arg6[%dma_start3A_2963, %dma_start3A_2964] : memref<1664x64xf32, #tpu.memory_space<vmem>> -> memref<128x64xf32, #tpu.memory_space<vmem>>
    %dma_start3A_2966 = arith.constant 0 : i32
    %dma_start3A_2967 = tpu.memref_slice %arg5[%dma_start3A_2962, %dma_start3A_2966] : memref<26x128xi32, #tpu.memory_space<vmem>> -> memref<1x128xi32, #tpu.memory_space<vmem>>
    %dma_start3A_2968 = tpu.memref_squeeze %dma_start3A_2967 : memref<1x128xi32, #tpu.memory_space<vmem>> -> memref<128xi32, #tpu.memory_space<vmem>>
    %dma_start3A_2969 = arith.constant 0 : i32
    %dma_start3A_2970 = arith.constant 0 : i32
    %dma_start3A_2971 = tpu.memref_slice %arg2[%dma_start3A_2969, %dma_start3A_2970] : memref<26000x64xf32, #tpu.memory_space<hbm>> -> memref<26000x64xf32, #tpu.memory_space<hbm>>
    tpu.enqueue_indirect_dma source(%dma_start3A_2971 : memref<26000x64xf32, #tpu.memory_space<hbm>>) target(%dma_start3A_2965 : memref<128x64xf32, #tpu.memory_space<vmem>>) offsets(%dma_start3A_2968 : memref<128xi32, #tpu.memory_space<vmem>>) semaphore(%arg7 : memref<!tpu.dma_semaphore, #tpu.memory_space<semaphore_mem>>)
    %dma_start3A_2972 = arith.constant 6 : i32
    %dma_start3A_2973 = arith.constant 768 : i32
    %dma_start3A_2974 = arith.constant 0 : i32
    %dma_start3A_2975 = tpu.memref_slice %arg6[%dma_start3A_2973, %dma_start3A_2974] : memref<1664x64xf32, #tpu.memory_space<vmem>> -> memref<128x64xf32, #tpu.memory_space<vmem>>
    %dma_start3A_2976 = arith.constant 0 : i32
    %dma_start3A_2977 = tpu.memref_slice %arg5[%dma_start3A_2972, %dma_start3A_2976] : memref<26x128xi32, #tpu.memory_space<vmem>> -> memref<1x128xi32, #tpu.memory_space<vmem>>
    %dma_start3A_2978 = tpu.memref_squeeze %dma_start3A_2977 : memref<1x128xi32, #tpu.memory_space<vmem>> -> memref<128xi32, #tpu.memory_space<vmem>>
    %dma_start3A_2979 = arith.constant 0 : i32
    %dma_start3A_2980 = arith.constant 0 : i32
    %dma_start3A_2981 = tpu.memref_slice %arg2[%dma_start3A_2979, %dma_start3A_2980] : memref<26000x64xf32, #tpu.memory_space<hbm>> -> memref<26000x64xf32, #tpu.memory_space<hbm>>
    tpu.enqueue_indirect_dma source(%dma_start3A_2981 : memref<26000x64xf32, #tpu.memory_space<hbm>>) target(%dma_start3A_2975 : memref<128x64xf32, #tpu.memory_space<vmem>>) offsets(%dma_start3A_2978 : memref<128xi32, #tpu.memory_space<vmem>>) semaphore(%arg7 : memref<!tpu.dma_semaphore, #tpu.memory_space<semaphore_mem>>)
    %dma_start3A_2982 = arith.constant 7 : i32
    %dma_start3A_2983 = arith.constant 896 : i32
    %dma_start3A_2984 = arith.constant 0 : i32
    %dma_start3A_2985 = tpu.memref_slice %arg6[%dma_start3A_2983, %dma_start3A_2984] : memref<1664x64xf32, #tpu.memory_space<vmem>> -> memref<128x64xf32, #tpu.memory_space<vmem>>
    %dma_start3A_2986 = arith.constant 0 : i32
    %dma_start3A_2987 = tpu.memref_slice %arg5[%dma_start3A_2982, %dma_start3A_2986] : memref<26x128xi32, #tpu.memory_space<vmem>> -> memref<1x128xi32, #tpu.memory_space<vmem>>
    %dma_start3A_2988 = tpu.memref_squeeze %dma_start3A_2987 : memref<1x128xi32, #tpu.memory_space<vmem>> -> memref<128xi32, #tpu.memory_space<vmem>>
    %dma_start3A_2989 = arith.constant 0 : i32
    %dma_start3A_2990 = arith.constant 0 : i32
    %dma_start3A_2991 = tpu.memref_slice %arg2[%dma_start3A_2989, %dma_start3A_2990] : memref<26000x64xf32, #tpu.memory_space<hbm>> -> memref<26000x64xf32, #tpu.memory_space<hbm>>
    tpu.enqueue_indirect_dma source(%dma_start3A_2991 : memref<26000x64xf32, #tpu.memory_space<hbm>>) target(%dma_start3A_2985 : memref<128x64xf32, #tpu.memory_space<vmem>>) offsets(%dma_start3A_2988 : memref<128xi32, #tpu.memory_space<vmem>>) semaphore(%arg7 : memref<!tpu.dma_semaphore, #tpu.memory_space<semaphore_mem>>)
    %dma_start3A_2992 = arith.constant 8 : i32
    %dma_start3A_2993 = arith.constant 1024 : i32
    %dma_start3A_2994 = arith.constant 0 : i32
    %dma_start3A_2995 = tpu.memref_slice %arg6[%dma_start3A_2993, %dma_start3A_2994] : memref<1664x64xf32, #tpu.memory_space<vmem>> -> memref<128x64xf32, #tpu.memory_space<vmem>>
    %dma_start3A_2996 = arith.constant 0 : i32
    %dma_start3A_2997 = tpu.memref_slice %arg5[%dma_start3A_2992, %dma_start3A_2996] : memref<26x128xi32, #tpu.memory_space<vmem>> -> memref<1x128xi32, #tpu.memory_space<vmem>>
    %dma_start3A_2998 = tpu.memref_squeeze %dma_start3A_2997 : memref<1x128xi32, #tpu.memory_space<vmem>> -> memref<128xi32, #tpu.memory_space<vmem>>
    %dma_start3A_2999 = arith.constant 0 : i32
    %dma_start3A_3000 = arith.constant 0 : i32
    %dma_start3A_3001 = tpu.memref_slice %arg2[%dma_start3A_2999, %dma_start3A_3000] : memref<26000x64xf32, #tpu.memory_space<hbm>> -> memref<26000x64xf32, #tpu.memory_space<hbm>>
    tpu.enqueue_indirect_dma source(%dma_start3A_3001 : memref<26000x64xf32, #tpu.memory_space<hbm>>) target(%dma_start3A_2995 : memref<128x64xf32, #tpu.memory_space<vmem>>) offsets(%dma_start3A_2998 : memref<128xi32, #tpu.memory_space<vmem>>) semaphore(%arg7 : memref<!tpu.dma_semaphore, #tpu.memory_space<semaphore_mem>>)
    %dma_start3A_3002 = arith.constant 9 : i32
    %dma_start3A_3003 = arith.constant 1152 : i32
    %dma_start3A_3004 = arith.constant 0 : i32
    %dma_start3A_3005 = tpu.memref_slice %arg6[%dma_start3A_3003, %dma_start3A_3004] : memref<1664x64xf32, #tpu.memory_space<vmem>> -> memref<128x64xf32, #tpu.memory_space<vmem>>
    %dma_start3A_3006 = arith.constant 0 : i32
    %dma_start3A_3007 = tpu.memref_slice %arg5[%dma_start3A_3002, %dma_start3A_3006] : memref<26x128xi32, #tpu.memory_space<vmem>> -> memref<1x128xi32, #tpu.memory_space<vmem>>
    %dma_start3A_3008 = tpu.memref_squeeze %dma_start3A_3007 : memref<1x128xi32, #tpu.memory_space<vmem>> -> memref<128xi32, #tpu.memory_space<vmem>>
    %dma_start3A_3009 = arith.constant 0 : i32
    %dma_start3A_3010 = arith.constant 0 : i32
    %dma_start3A_3011 = tpu.memref_slice %arg2[%dma_start3A_3009, %dma_start3A_3010] : memref<26000x64xf32, #tpu.memory_space<hbm>> -> memref<26000x64xf32, #tpu.memory_space<hbm>>
    tpu.enqueue_indirect_dma source(%dma_start3A_3011 : memref<26000x64xf32, #tpu.memory_space<hbm>>) target(%dma_start3A_3005 : memref<128x64xf32, #tpu.memory_space<vmem>>) offsets(%dma_start3A_3008 : memref<128xi32, #tpu.memory_space<vmem>>) semaphore(%arg7 : memref<!tpu.dma_semaphore, #tpu.memory_space<semaphore_mem>>)
    %dma_start3A_3012 = arith.constant 10 : i32
    %dma_start3A_3013 = arith.constant 1280 : i32
    %dma_start3A_3014 = arith.constant 0 : i32
    %dma_start3A_3015 = tpu.memref_slice %arg6[%dma_start3A_3013, %dma_start3A_3014] : memref<1664x64xf32, #tpu.memory_space<vmem>> -> memref<128x64xf32, #tpu.memory_space<vmem>>
    %dma_start3A_3016 = arith.constant 0 : i32
    %dma_start3A_3017 = tpu.memref_slice %arg5[%dma_start3A_3012, %dma_start3A_3016] : memref<26x128xi32, #tpu.memory_space<vmem>> -> memref<1x128xi32, #tpu.memory_space<vmem>>
    %dma_start3A_3018 = tpu.memref_squeeze %dma_start3A_3017 : memref<1x128xi32, #tpu.memory_space<vmem>> -> memref<128xi32, #tpu.memory_space<vmem>>
    %dma_start3A_3019 = arith.constant 0 : i32
    %dma_start3A_3020 = arith.constant 0 : i32
    %dma_start3A_3021 = tpu.memref_slice %arg2[%dma_start3A_3019, %dma_start3A_3020] : memref<26000x64xf32, #tpu.memory_space<hbm>> -> memref<26000x64xf32, #tpu.memory_space<hbm>>
    tpu.enqueue_indirect_dma source(%dma_start3A_3021 : memref<26000x64xf32, #tpu.memory_space<hbm>>) target(%dma_start3A_3015 : memref<128x64xf32, #tpu.memory_space<vmem>>) offsets(%dma_start3A_3018 : memref<128xi32, #tpu.memory_space<vmem>>) semaphore(%arg7 : memref<!tpu.dma_semaphore, #tpu.memory_space<semaphore_mem>>)
    %dma_start3A_3022 = arith.constant 11 : i32
    %dma_start3A_3023 = arith.constant 1408 : i32
    %dma_start3A_3024 = arith.constant 0 : i32
    %dma_start3A_3025 = tpu.memref_slice %arg6[%dma_start3A_3023, %dma_start3A_3024] : memref<1664x64xf32, #tpu.memory_space<vmem>> -> memref<128x64xf32, #tpu.memory_space<vmem>>
    %dma_start3A_3026 = arith.constant 0 : i32
    %dma_start3A_3027 = tpu.memref_slice %arg5[%dma_start3A_3022, %dma_start3A_3026] : memref<26x128xi32, #tpu.memory_space<vmem>> -> memref<1x128xi32, #tpu.memory_space<vmem>>
    %dma_start3A_3028 = tpu.memref_squeeze %dma_start3A_3027 : memref<1x128xi32, #tpu.memory_space<vmem>> -> memref<128xi32, #tpu.memory_space<vmem>>
    %dma_start3A_3029 = arith.constant 0 : i32
    %dma_start3A_3030 = arith.constant 0 : i32
    %dma_start3A_3031 = tpu.memref_slice %arg2[%dma_start3A_3029, %dma_start3A_3030] : memref<26000x64xf32, #tpu.memory_space<hbm>> -> memref<26000x64xf32, #tpu.memory_space<hbm>>
    tpu.enqueue_indirect_dma source(%dma_start3A_3031 : memref<26000x64xf32, #tpu.memory_space<hbm>>) target(%dma_start3A_3025 : memref<128x64xf32, #tpu.memory_space<vmem>>) offsets(%dma_start3A_3028 : memref<128xi32, #tpu.memory_space<vmem>>) semaphore(%arg7 : memref<!tpu.dma_semaphore, #tpu.memory_space<semaphore_mem>>)
    %dma_start3A_3032 = arith.constant 12 : i32
    %dma_start3A_3033 = arith.constant 1536 : i32
    %dma_start3A_3034 = arith.constant 0 : i32
    %dma_start3A_3035 = tpu.memref_slice %arg6[%dma_start3A_3033, %dma_start3A_3034] : memref<1664x64xf32, #tpu.memory_space<vmem>> -> memref<128x64xf32, #tpu.memory_space<vmem>>
    %dma_start3A_3036 = arith.constant 0 : i32
    %dma_start3A_3037 = tpu.memref_slice %arg5[%dma_start3A_3032, %dma_start3A_3036] : memref<26x128xi32, #tpu.memory_space<vmem>> -> memref<1x128xi32, #tpu.memory_space<vmem>>
    %dma_start3A_3038 = tpu.memref_squeeze %dma_start3A_3037 : memref<1x128xi32, #tpu.memory_space<vmem>> -> memref<128xi32, #tpu.memory_space<vmem>>
    %dma_start3A_3039 = arith.constant 0 : i32
    %dma_start3A_3040 = arith.constant 0 : i32
    %dma_start3A_3041 = tpu.memref_slice %arg2[%dma_start3A_3039, %dma_start3A_3040] : memref<26000x64xf32, #tpu.memory_space<hbm>> -> memref<26000x64xf32, #tpu.memory_space<hbm>>
    tpu.enqueue_indirect_dma source(%dma_start3A_3041 : memref<26000x64xf32, #tpu.memory_space<hbm>>) target(%dma_start3A_3035 : memref<128x64xf32, #tpu.memory_space<vmem>>) offsets(%dma_start3A_3038 : memref<128xi32, #tpu.memory_space<vmem>>) semaphore(%arg7 : memref<!tpu.dma_semaphore, #tpu.memory_space<semaphore_mem>>)
    %dma_wait3A = arith.constant 0 : i32
    %dma_wait3A_3042 = arith.constant 0 : i32
    %dma_wait3A_3043 = arith.constant 0 : i32
    %dma_wait3A_3044 = tpu.memref_slice %arg6[%dma_wait3A_3042, %dma_wait3A_3043] : memref<1664x64xf32, #tpu.memory_space<vmem>> -> memref<128x64xf32, #tpu.memory_space<vmem>>
    %dma_wait3A_3045 = arith.constant 0 : i32
    %dma_wait3A_3046 = tpu.memref_slice %arg5[%dma_wait3A, %dma_wait3A_3045] : memref<26x128xi32, #tpu.memory_space<vmem>> -> memref<1x128xi32, #tpu.memory_space<vmem>>
    %dma_wait3A_3047 = tpu.memref_squeeze %dma_wait3A_3046 : memref<1x128xi32, #tpu.memory_space<vmem>> -> memref<128xi32, #tpu.memory_space<vmem>>
    %dma_wait3A_3048 = arith.constant 0 : i32
    %dma_wait3A_3049 = arith.constant 0 : i32
    %dma_wait3A_3050 = tpu.memref_slice %arg2[%dma_wait3A_3048, %dma_wait3A_3049] : memref<26000x64xf32, #tpu.memory_space<hbm>> -> memref<26000x64xf32, #tpu.memory_space<hbm>>
    tpu.wait_indirect_dma semaphore(%arg7 : memref<!tpu.dma_semaphore, #tpu.memory_space<semaphore_mem>>) src(%dma_wait3A_3050 : memref<26000x64xf32, #tpu.memory_space<hbm>>) dst(%dma_wait3A_3044 : memref<128x64xf32, #tpu.memory_space<vmem>>)
    %dma_start3A_3051 = arith.constant 0 : i32
    %dma_start3A_3052 = arith.constant 0 : i32
    %dma_start3A_3053 = arith.constant 0 : i32
    %dma_start3A_3054 = tpu.memref_slice %arg6[%dma_start3A_3052, %dma_start3A_3053] : memref<1664x64xf32, #tpu.memory_space<vmem>> -> memref<128x64xf32, #tpu.memory_space<vmem>>
    %dma_start3A_3055 = arith.constant 0 : i32
    %dma_start3A_3056 = tpu.memref_slice %arg4[%dma_start3A_3051, %mul3A_2912, %dma_start3A_3055] : memref<13x4096x128xf32, #tpu.memory_space<hbm>> -> memref<1x128x64xf32, #tpu.memory_space<hbm>>
    %dma_start3A_3057 = tpu.memref_squeeze %dma_start3A_3056 : memref<1x128x64xf32, #tpu.memory_space<hbm>> -> memref<128x64xf32, #tpu.memory_space<hbm>>
    %dma_start3A_3058 = arith.constant 0 : i32
    %dma_start3A_3059 = tpu.memref_slice %arg4[%dma_start3A_3051, %mul3A_2912, %dma_start3A_3058] : memref<13x4096x128xf32, #tpu.memory_space<hbm>> -> memref<1x128x64xf32, #tpu.memory_space<hbm>>
    %dma_start3A_3060 = tpu.memref_squeeze %dma_start3A_3059 : memref<1x128x64xf32, #tpu.memory_space<hbm>> -> memref<128x64xf32, #tpu.memory_space<hbm>>
    %dma_start3A_3061 = arith.constant 0 : i32
    %dma_start3A_3062 = arith.constant 0 : i32
    %dma_start3A_3063 = tpu.memref_slice %arg6[%dma_start3A_3061, %dma_start3A_3062] : memref<1664x64xf32, #tpu.memory_space<vmem>> -> memref<128x64xf32, #tpu.memory_space<vmem>>
    tpu.enqueue_dma source(%dma_start3A_3063 : memref<128x64xf32, #tpu.memory_space<vmem>>) target(%dma_start3A_3060 : memref<128x64xf32, #tpu.memory_space<hbm>>) target_semaphore(%arg8 : memref<!tpu.dma_semaphore, #tpu.memory_space<semaphore_mem>>)
    %dma_wait3A_3064 = arith.constant 1 : i32
    %dma_wait3A_3065 = arith.constant 128 : i32
    %dma_wait3A_3066 = arith.constant 0 : i32
    %dma_wait3A_3067 = tpu.memref_slice %arg6[%dma_wait3A_3065, %dma_wait3A_3066] : memref<1664x64xf32, #tpu.memory_space<vmem>> -> memref<128x64xf32, #tpu.memory_space<vmem>>
    %dma_wait3A_3068 = arith.constant 0 : i32
    %dma_wait3A_3069 = tpu.memref_slice %arg5[%dma_wait3A_3064, %dma_wait3A_3068] : memref<26x128xi32, #tpu.memory_space<vmem>> -> memref<1x128xi32, #tpu.memory_space<vmem>>
    %dma_wait3A_3070 = tpu.memref_squeeze %dma_wait3A_3069 : memref<1x128xi32, #tpu.memory_space<vmem>> -> memref<128xi32, #tpu.memory_space<vmem>>
    %dma_wait3A_3071 = arith.constant 0 : i32
    %dma_wait3A_3072 = arith.constant 0 : i32
    %dma_wait3A_3073 = tpu.memref_slice %arg2[%dma_wait3A_3071, %dma_wait3A_3072] : memref<26000x64xf32, #tpu.memory_space<hbm>> -> memref<26000x64xf32, #tpu.memory_space<hbm>>
    tpu.wait_indirect_dma semaphore(%arg7 : memref<!tpu.dma_semaphore, #tpu.memory_space<semaphore_mem>>) src(%dma_wait3A_3073 : memref<26000x64xf32, #tpu.memory_space<hbm>>) dst(%dma_wait3A_3067 : memref<128x64xf32, #tpu.memory_space<vmem>>)
    %dma_start3A_3074 = arith.constant 0 : i32
    %dma_start3A_3075 = arith.constant 128 : i32
    %dma_start3A_3076 = arith.constant 0 : i32
    %dma_start3A_3077 = tpu.memref_slice %arg6[%dma_start3A_3075, %dma_start3A_3076] : memref<1664x64xf32, #tpu.memory_space<vmem>> -> memref<128x64xf32, #tpu.memory_space<vmem>>
    %dma_start3A_3078 = arith.constant 64 : i32
    %dma_start3A_3079 = tpu.memref_slice %arg4[%dma_start3A_3074, %mul3A_2912, %dma_start3A_3078] : memref<13x4096x128xf32, #tpu.memory_space<hbm>> -> memref<1x128x64xf32, #tpu.memory_space<hbm>>
    %dma_start3A_3080 = tpu.memref_squeeze %dma_start3A_3079 : memref<1x128x64xf32, #tpu.memory_space<hbm>> -> memref<128x64xf32, #tpu.memory_space<hbm>>
    %dma_start3A_3081 = arith.constant 64 : i32
    %dma_start3A_3082 = tpu.memref_slice %arg4[%dma_start3A_3074, %mul3A_2912, %dma_start3A_3081] : memref<13x4096x128xf32, #tpu.memory_space<hbm>> -> memref<1x128x64xf32, #tpu.memory_space<hbm>>
    %dma_start3A_3083 = tpu.memref_squeeze %dma_start3A_3082 : memref<1x128x64xf32, #tpu.memory_space<hbm>> -> memref<128x64xf32, #tpu.memory_space<hbm>>
    %dma_start3A_3084 = arith.constant 128 : i32
    %dma_start3A_3085 = arith.constant 0 : i32
    %dma_start3A_3086 = tpu.memref_slice %arg6[%dma_start3A_3084, %dma_start3A_3085] : memref<1664x64xf32, #tpu.memory_space<vmem>> -> memref<128x64xf32, #tpu.memory_space<vmem>>
    tpu.enqueue_dma source(%dma_start3A_3086 : memref<128x64xf32, #tpu.memory_space<vmem>>) target(%dma_start3A_3083 : memref<128x64xf32, #tpu.memory_space<hbm>>) target_semaphore(%arg8 : memref<!tpu.dma_semaphore, #tpu.memory_space<semaphore_mem>>)
    %dma_wait3A_3087 = arith.constant 2 : i32
    %dma_wait3A_3088 = arith.constant 256 : i32
    %dma_wait3A_3089 = arith.constant 0 : i32
    %dma_wait3A_3090 = tpu.memref_slice %arg6[%dma_wait3A_3088, %dma_wait3A_3089] : memref<1664x64xf32, #tpu.memory_space<vmem>> -> memref<128x64xf32, #tpu.memory_space<vmem>>
    %dma_wait3A_3091 = arith.constant 0 : i32
    %dma_wait3A_3092 = tpu.memref_slice %arg5[%dma_wait3A_3087, %dma_wait3A_3091] : memref<26x128xi32, #tpu.memory_space<vmem>> -> memref<1x128xi32, #tpu.memory_space<vmem>>
    %dma_wait3A_3093 = tpu.memref_squeeze %dma_wait3A_3092 : memref<1x128xi32, #tpu.memory_space<vmem>> -> memref<128xi32, #tpu.memory_space<vmem>>
    %dma_wait3A_3094 = arith.constant 0 : i32
    %dma_wait3A_3095 = arith.constant 0 : i32
    %dma_wait3A_3096 = tpu.memref_slice %arg2[%dma_wait3A_3094, %dma_wait3A_3095] : memref<26000x64xf32, #tpu.memory_space<hbm>> -> memref<26000x64xf32, #tpu.memory_space<hbm>>
    tpu.wait_indirect_dma semaphore(%arg7 : memref<!tpu.dma_semaphore, #tpu.memory_space<semaphore_mem>>) src(%dma_wait3A_3096 : memref<26000x64xf32, #tpu.memory_space<hbm>>) dst(%dma_wait3A_3090 : memref<128x64xf32, #tpu.memory_space<vmem>>)
    %dma_start3A_3097 = arith.constant 1 : i32
    %dma_start3A_3098 = arith.constant 256 : i32
    %dma_start3A_3099 = arith.constant 0 : i32
    %dma_start3A_3100 = tpu.memref_slice %arg6[%dma_start3A_3098, %dma_start3A_3099] : memref<1664x64xf32, #tpu.memory_space<vmem>> -> memref<128x64xf32, #tpu.memory_space<vmem>>
    %dma_start3A_3101 = arith.constant 0 : i32
    %dma_start3A_3102 = tpu.memref_slice %arg4[%dma_start3A_3097, %mul3A_2912, %dma_start3A_3101] : memref<13x4096x128xf32, #tpu.memory_space<hbm>> -> memref<1x128x64xf32, #tpu.memory_space<hbm>>
    %dma_start3A_3103 = tpu.memref_squeeze %dma_start3A_3102 : memref<1x128x64xf32, #tpu.memory_space<hbm>> -> memref<128x64xf32, #tpu.memory_space<hbm>>
    %dma_start3A_3104 = arith.constant 0 : i32
    %dma_start3A_3105 = tpu.memref_slice %arg4[%dma_start3A_3097, %mul3A_2912, %dma_start3A_3104] : memref<13x4096x128xf32, #tpu.memory_space<hbm>> -> memref<1x128x64xf32, #tpu.memory_space<hbm>>
    %dma_start3A_3106 = tpu.memref_squeeze %dma_start3A_3105 : memref<1x128x64xf32, #tpu.memory_space<hbm>> -> memref<128x64xf32, #tpu.memory_space<hbm>>
    %dma_start3A_3107 = arith.constant 256 : i32
    %dma_start3A_3108 = arith.constant 0 : i32
    %dma_start3A_3109 = tpu.memref_slice %arg6[%dma_start3A_3107, %dma_start3A_3108] : memref<1664x64xf32, #tpu.memory_space<vmem>> -> memref<128x64xf32, #tpu.memory_space<vmem>>
    tpu.enqueue_dma source(%dma_start3A_3109 : memref<128x64xf32, #tpu.memory_space<vmem>>) target(%dma_start3A_3106 : memref<128x64xf32, #tpu.memory_space<hbm>>) target_semaphore(%arg8 : memref<!tpu.dma_semaphore, #tpu.memory_space<semaphore_mem>>)
    %dma_wait3A_3110 = arith.constant 3 : i32
    %dma_wait3A_3111 = arith.constant 384 : i32
    %dma_wait3A_3112 = arith.constant 0 : i32
    %dma_wait3A_3113 = tpu.memref_slice %arg6[%dma_wait3A_3111, %dma_wait3A_3112] : memref<1664x64xf32, #tpu.memory_space<vmem>> -> memref<128x64xf32, #tpu.memory_space<vmem>>
    %dma_wait3A_3114 = arith.constant 0 : i32
    %dma_wait3A_3115 = tpu.memref_slice %arg5[%dma_wait3A_3110, %dma_wait3A_3114] : memref<26x128xi32, #tpu.memory_space<vmem>> -> memref<1x128xi32, #tpu.memory_space<vmem>>
    %dma_wait3A_3116 = tpu.memref_squeeze %dma_wait3A_3115 : memref<1x128xi32, #tpu.memory_space<vmem>> -> memref<128xi32, #tpu.memory_space<vmem>>
    %dma_wait3A_3117 = arith.constant 0 : i32
    %dma_wait3A_3118 = arith.constant 0 : i32
    %dma_wait3A_3119 = tpu.memref_slice %arg2[%dma_wait3A_3117, %dma_wait3A_3118] : memref<26000x64xf32, #tpu.memory_space<hbm>> -> memref<26000x64xf32, #tpu.memory_space<hbm>>
    tpu.wait_indirect_dma semaphore(%arg7 : memref<!tpu.dma_semaphore, #tpu.memory_space<semaphore_mem>>) src(%dma_wait3A_3119 : memref<26000x64xf32, #tpu.memory_space<hbm>>) dst(%dma_wait3A_3113 : memref<128x64xf32, #tpu.memory_space<vmem>>)
    %dma_start3A_3120 = arith.constant 1 : i32
    %dma_start3A_3121 = arith.constant 384 : i32
    %dma_start3A_3122 = arith.constant 0 : i32
    %dma_start3A_3123 = tpu.memref_slice %arg6[%dma_start3A_3121, %dma_start3A_3122] : memref<1664x64xf32, #tpu.memory_space<vmem>> -> memref<128x64xf32, #tpu.memory_space<vmem>>
    %dma_start3A_3124 = arith.constant 64 : i32
    %dma_start3A_3125 = tpu.memref_slice %arg4[%dma_start3A_3120, %mul3A_2912, %dma_start3A_3124] : memref<13x4096x128xf32, #tpu.memory_space<hbm>> -> memref<1x128x64xf32, #tpu.memory_space<hbm>>
    %dma_start3A_3126 = tpu.memref_squeeze %dma_start3A_3125 : memref<1x128x64xf32, #tpu.memory_space<hbm>> -> memref<128x64xf32, #tpu.memory_space<hbm>>
    %dma_start3A_3127 = arith.constant 64 : i32
    %dma_start3A_3128 = tpu.memref_slice %arg4[%dma_start3A_3120, %mul3A_2912, %dma_start3A_3127] : memref<13x4096x128xf32, #tpu.memory_space<hbm>> -> memref<1x128x64xf32, #tpu.memory_space<hbm>>
    %dma_start3A_3129 = tpu.memref_squeeze %dma_start3A_3128 : memref<1x128x64xf32, #tpu.memory_space<hbm>> -> memref<128x64xf32, #tpu.memory_space<hbm>>
    %dma_start3A_3130 = arith.constant 384 : i32
    %dma_start3A_3131 = arith.constant 0 : i32
    %dma_start3A_3132 = tpu.memref_slice %arg6[%dma_start3A_3130, %dma_start3A_3131] : memref<1664x64xf32, #tpu.memory_space<vmem>> -> memref<128x64xf32, #tpu.memory_space<vmem>>
    tpu.enqueue_dma source(%dma_start3A_3132 : memref<128x64xf32, #tpu.memory_space<vmem>>) target(%dma_start3A_3129 : memref<128x64xf32, #tpu.memory_space<hbm>>) target_semaphore(%arg8 : memref<!tpu.dma_semaphore, #tpu.memory_space<semaphore_mem>>)
    %dma_wait3A_3133 = arith.constant 4 : i32
    %dma_wait3A_3134 = arith.constant 512 : i32
    %dma_wait3A_3135 = arith.constant 0 : i32
    %dma_wait3A_3136 = tpu.memref_slice %arg6[%dma_wait3A_3134, %dma_wait3A_3135] : memref<1664x64xf32, #tpu.memory_space<vmem>> -> memref<128x64xf32, #tpu.memory_space<vmem>>
    %dma_wait3A_3137 = arith.constant 0 : i32
    %dma_wait3A_3138 = tpu.memref_slice %arg5[%dma_wait3A_3133, %dma_wait3A_3137] : memref<26x128xi32, #tpu.memory_space<vmem>> -> memref<1x128xi32, #tpu.memory_space<vmem>>
    %dma_wait3A_3139 = tpu.memref_squeeze %dma_wait3A_3138 : memref<1x128xi32, #tpu.memory_space<vmem>> -> memref<128xi32, #tpu.memory_space<vmem>>
    %dma_wait3A_3140 = arith.constant 0 : i32
    %dma_wait3A_3141 = arith.constant 0 : i32
    %dma_wait3A_3142 = tpu.memref_slice %arg2[%dma_wait3A_3140, %dma_wait3A_3141] : memref<26000x64xf32, #tpu.memory_space<hbm>> -> memref<26000x64xf32, #tpu.memory_space<hbm>>
    tpu.wait_indirect_dma semaphore(%arg7 : memref<!tpu.dma_semaphore, #tpu.memory_space<semaphore_mem>>) src(%dma_wait3A_3142 : memref<26000x64xf32, #tpu.memory_space<hbm>>) dst(%dma_wait3A_3136 : memref<128x64xf32, #tpu.memory_space<vmem>>)
    %dma_start3A_3143 = arith.constant 2 : i32
    %dma_start3A_3144 = arith.constant 512 : i32
    %dma_start3A_3145 = arith.constant 0 : i32
    %dma_start3A_3146 = tpu.memref_slice %arg6[%dma_start3A_3144, %dma_start3A_3145] : memref<1664x64xf32, #tpu.memory_space<vmem>> -> memref<128x64xf32, #tpu.memory_space<vmem>>
    %dma_start3A_3147 = arith.constant 0 : i32
    %dma_start3A_3148 = tpu.memref_slice %arg4[%dma_start3A_3143, %mul3A_2912, %dma_start3A_3147] : memref<13x4096x128xf32, #tpu.memory_space<hbm>> -> memref<1x128x64xf32, #tpu.memory_space<hbm>>
    %dma_start3A_3149 = tpu.memref_squeeze %dma_start3A_3148 : memref<1x128x64xf32, #tpu.memory_space<hbm>> -> memref<128x64xf32, #tpu.memory_space<hbm>>
    %dma_start3A_3150 = arith.constant 0 : i32
    %dma_start3A_3151 = tpu.memref_slice %arg4[%dma_start3A_3143, %mul3A_2912, %dma_start3A_3150] : memref<13x4096x128xf32, #tpu.memory_space<hbm>> -> memref<1x128x64xf32, #tpu.memory_space<hbm>>
    %dma_start3A_3152 = tpu.memref_squeeze %dma_start3A_3151 : memref<1x128x64xf32, #tpu.memory_space<hbm>> -> memref<128x64xf32, #tpu.memory_space<hbm>>
    %dma_start3A_3153 = arith.constant 512 : i32
    %dma_start3A_3154 = arith.constant 0 : i32
    %dma_start3A_3155 = tpu.memref_slice %arg6[%dma_start3A_3153, %dma_start3A_3154] : memref<1664x64xf32, #tpu.memory_space<vmem>> -> memref<128x64xf32, #tpu.memory_space<vmem>>
    tpu.enqueue_dma source(%dma_start3A_3155 : memref<128x64xf32, #tpu.memory_space<vmem>>) target(%dma_start3A_3152 : memref<128x64xf32, #tpu.memory_space<hbm>>) target_semaphore(%arg8 : memref<!tpu.dma_semaphore, #tpu.memory_space<semaphore_mem>>)
    %dma_wait3A_3156 = arith.constant 5 : i32
    %dma_wait3A_3157 = arith.constant 640 : i32
    %dma_wait3A_3158 = arith.constant 0 : i32
    %dma_wait3A_3159 = tpu.memref_slice %arg6[%dma_wait3A_3157, %dma_wait3A_3158] : memref<1664x64xf32, #tpu.memory_space<vmem>> -> memref<128x64xf32, #tpu.memory_space<vmem>>
    %dma_wait3A_3160 = arith.constant 0 : i32
    %dma_wait3A_3161 = tpu.memref_slice %arg5[%dma_wait3A_3156, %dma_wait3A_3160] : memref<26x128xi32, #tpu.memory_space<vmem>> -> memref<1x128xi32, #tpu.memory_space<vmem>>
    %dma_wait3A_3162 = tpu.memref_squeeze %dma_wait3A_3161 : memref<1x128xi32, #tpu.memory_space<vmem>> -> memref<128xi32, #tpu.memory_space<vmem>>
    %dma_wait3A_3163 = arith.constant 0 : i32
    %dma_wait3A_3164 = arith.constant 0 : i32
    %dma_wait3A_3165 = tpu.memref_slice %arg2[%dma_wait3A_3163, %dma_wait3A_3164] : memref<26000x64xf32, #tpu.memory_space<hbm>> -> memref<26000x64xf32, #tpu.memory_space<hbm>>
    tpu.wait_indirect_dma semaphore(%arg7 : memref<!tpu.dma_semaphore, #tpu.memory_space<semaphore_mem>>) src(%dma_wait3A_3165 : memref<26000x64xf32, #tpu.memory_space<hbm>>) dst(%dma_wait3A_3159 : memref<128x64xf32, #tpu.memory_space<vmem>>)
    %dma_start3A_3166 = arith.constant 2 : i32
    %dma_start3A_3167 = arith.constant 640 : i32
    %dma_start3A_3168 = arith.constant 0 : i32
    %dma_start3A_3169 = tpu.memref_slice %arg6[%dma_start3A_3167, %dma_start3A_3168] : memref<1664x64xf32, #tpu.memory_space<vmem>> -> memref<128x64xf32, #tpu.memory_space<vmem>>
    %dma_start3A_3170 = arith.constant 64 : i32
    %dma_start3A_3171 = tpu.memref_slice %arg4[%dma_start3A_3166, %mul3A_2912, %dma_start3A_3170] : memref<13x4096x128xf32, #tpu.memory_space<hbm>> -> memref<1x128x64xf32, #tpu.memory_space<hbm>>
    %dma_start3A_3172 = tpu.memref_squeeze %dma_start3A_3171 : memref<1x128x64xf32, #tpu.memory_space<hbm>> -> memref<128x64xf32, #tpu.memory_space<hbm>>
    %dma_start3A_3173 = arith.constant 64 : i32
    %dma_start3A_3174 = tpu.memref_slice %arg4[%dma_start3A_3166, %mul3A_2912, %dma_start3A_3173] : memref<13x4096x128xf32, #tpu.memory_space<hbm>> -> memref<1x128x64xf32, #tpu.memory_space<hbm>>
    %dma_start3A_3175 = tpu.memref_squeeze %dma_start3A_3174 : memref<1x128x64xf32, #tpu.memory_space<hbm>> -> memref<128x64xf32, #tpu.memory_space<hbm>>
    %dma_start3A_3176 = arith.constant 640 : i32
    %dma_start3A_3177 = arith.constant 0 : i32
    %dma_start3A_3178 = tpu.memref_slice %arg6[%dma_start3A_3176, %dma_start3A_3177] : memref<1664x64xf32, #tpu.memory_space<vmem>> -> memref<128x64xf32, #tpu.memory_space<vmem>>
    tpu.enqueue_dma source(%dma_start3A_3178 : memref<128x64xf32, #tpu.memory_space<vmem>>) target(%dma_start3A_3175 : memref<128x64xf32, #tpu.memory_space<hbm>>) target_semaphore(%arg8 : memref<!tpu.dma_semaphore, #tpu.memory_space<semaphore_mem>>)
    %dma_wait3A_3179 = arith.constant 6 : i32
    %dma_wait3A_3180 = arith.constant 768 : i32
    %dma_wait3A_3181 = arith.constant 0 : i32
    %dma_wait3A_3182 = tpu.memref_slice %arg6[%dma_wait3A_3180, %dma_wait3A_3181] : memref<1664x64xf32, #tpu.memory_space<vmem>> -> memref<128x64xf32, #tpu.memory_space<vmem>>
    %dma_wait3A_3183 = arith.constant 0 : i32
    %dma_wait3A_3184 = tpu.memref_slice %arg5[%dma_wait3A_3179, %dma_wait3A_3183] : memref<26x128xi32, #tpu.memory_space<vmem>> -> memref<1x128xi32, #tpu.memory_space<vmem>>
    %dma_wait3A_3185 = tpu.memref_squeeze %dma_wait3A_3184 : memref<1x128xi32, #tpu.memory_space<vmem>> -> memref<128xi32, #tpu.memory_space<vmem>>
    %dma_wait3A_3186 = arith.constant 0 : i32
    %dma_wait3A_3187 = arith.constant 0 : i32
    %dma_wait3A_3188 = tpu.memref_slice %arg2[%dma_wait3A_3186, %dma_wait3A_3187] : memref<26000x64xf32, #tpu.memory_space<hbm>> -> memref<26000x64xf32, #tpu.memory_space<hbm>>
    tpu.wait_indirect_dma semaphore(%arg7 : memref<!tpu.dma_semaphore, #tpu.memory_space<semaphore_mem>>) src(%dma_wait3A_3188 : memref<26000x64xf32, #tpu.memory_space<hbm>>) dst(%dma_wait3A_3182 : memref<128x64xf32, #tpu.memory_space<vmem>>)
    %dma_start3A_3189 = arith.constant 3 : i32
    %dma_start3A_3190 = arith.constant 768 : i32
    %dma_start3A_3191 = arith.constant 0 : i32
    %dma_start3A_3192 = tpu.memref_slice %arg6[%dma_start3A_3190, %dma_start3A_3191] : memref<1664x64xf32, #tpu.memory_space<vmem>> -> memref<128x64xf32, #tpu.memory_space<vmem>>
    %dma_start3A_3193 = arith.constant 0 : i32
    %dma_start3A_3194 = tpu.memref_slice %arg4[%dma_start3A_3189, %mul3A_2912, %dma_start3A_3193] : memref<13x4096x128xf32, #tpu.memory_space<hbm>> -> memref<1x128x64xf32, #tpu.memory_space<hbm>>
    %dma_start3A_3195 = tpu.memref_squeeze %dma_start3A_3194 : memref<1x128x64xf32, #tpu.memory_space<hbm>> -> memref<128x64xf32, #tpu.memory_space<hbm>>
    %dma_start3A_3196 = arith.constant 0 : i32
    %dma_start3A_3197 = tpu.memref_slice %arg4[%dma_start3A_3189, %mul3A_2912, %dma_start3A_3196] : memref<13x4096x128xf32, #tpu.memory_space<hbm>> -> memref<1x128x64xf32, #tpu.memory_space<hbm>>
    %dma_start3A_3198 = tpu.memref_squeeze %dma_start3A_3197 : memref<1x128x64xf32, #tpu.memory_space<hbm>> -> memref<128x64xf32, #tpu.memory_space<hbm>>
    %dma_start3A_3199 = arith.constant 768 : i32
    %dma_start3A_3200 = arith.constant 0 : i32
    %dma_start3A_3201 = tpu.memref_slice %arg6[%dma_start3A_3199, %dma_start3A_3200] : memref<1664x64xf32, #tpu.memory_space<vmem>> -> memref<128x64xf32, #tpu.memory_space<vmem>>
    tpu.enqueue_dma source(%dma_start3A_3201 : memref<128x64xf32, #tpu.memory_space<vmem>>) target(%dma_start3A_3198 : memref<128x64xf32, #tpu.memory_space<hbm>>) target_semaphore(%arg8 : memref<!tpu.dma_semaphore, #tpu.memory_space<semaphore_mem>>)
    %dma_wait3A_3202 = arith.constant 7 : i32
    %dma_wait3A_3203 = arith.constant 896 : i32
    %dma_wait3A_3204 = arith.constant 0 : i32
    %dma_wait3A_3205 = tpu.memref_slice %arg6[%dma_wait3A_3203, %dma_wait3A_3204] : memref<1664x64xf32, #tpu.memory_space<vmem>> -> memref<128x64xf32, #tpu.memory_space<vmem>>
    %dma_wait3A_3206 = arith.constant 0 : i32
    %dma_wait3A_3207 = tpu.memref_slice %arg5[%dma_wait3A_3202, %dma_wait3A_3206] : memref<26x128xi32, #tpu.memory_space<vmem>> -> memref<1x128xi32, #tpu.memory_space<vmem>>
    %dma_wait3A_3208 = tpu.memref_squeeze %dma_wait3A_3207 : memref<1x128xi32, #tpu.memory_space<vmem>> -> memref<128xi32, #tpu.memory_space<vmem>>
    %dma_wait3A_3209 = arith.constant 0 : i32
    %dma_wait3A_3210 = arith.constant 0 : i32
    %dma_wait3A_3211 = tpu.memref_slice %arg2[%dma_wait3A_3209, %dma_wait3A_3210] : memref<26000x64xf32, #tpu.memory_space<hbm>> -> memref<26000x64xf32, #tpu.memory_space<hbm>>
    tpu.wait_indirect_dma semaphore(%arg7 : memref<!tpu.dma_semaphore, #tpu.memory_space<semaphore_mem>>) src(%dma_wait3A_3211 : memref<26000x64xf32, #tpu.memory_space<hbm>>) dst(%dma_wait3A_3205 : memref<128x64xf32, #tpu.memory_space<vmem>>)
    %dma_start3A_3212 = arith.constant 3 : i32
    %dma_start3A_3213 = arith.constant 896 : i32
    %dma_start3A_3214 = arith.constant 0 : i32
    %dma_start3A_3215 = tpu.memref_slice %arg6[%dma_start3A_3213, %dma_start3A_3214] : memref<1664x64xf32, #tpu.memory_space<vmem>> -> memref<128x64xf32, #tpu.memory_space<vmem>>
    %dma_start3A_3216 = arith.constant 64 : i32
    %dma_start3A_3217 = tpu.memref_slice %arg4[%dma_start3A_3212, %mul3A_2912, %dma_start3A_3216] : memref<13x4096x128xf32, #tpu.memory_space<hbm>> -> memref<1x128x64xf32, #tpu.memory_space<hbm>>
    %dma_start3A_3218 = tpu.memref_squeeze %dma_start3A_3217 : memref<1x128x64xf32, #tpu.memory_space<hbm>> -> memref<128x64xf32, #tpu.memory_space<hbm>>
    %dma_start3A_3219 = arith.constant 64 : i32
    %dma_start3A_3220 = tpu.memref_slice %arg4[%dma_start3A_3212, %mul3A_2912, %dma_start3A_3219] : memref<13x4096x128xf32, #tpu.memory_space<hbm>> -> memref<1x128x64xf32, #tpu.memory_space<hbm>>
    %dma_start3A_3221 = tpu.memref_squeeze %dma_start3A_3220 : memref<1x128x64xf32, #tpu.memory_space<hbm>> -> memref<128x64xf32, #tpu.memory_space<hbm>>
    %dma_start3A_3222 = arith.constant 896 : i32
    %dma_start3A_3223 = arith.constant 0 : i32
    %dma_start3A_3224 = tpu.memref_slice %arg6[%dma_start3A_3222, %dma_start3A_3223] : memref<1664x64xf32, #tpu.memory_space<vmem>> -> memref<128x64xf32, #tpu.memory_space<vmem>>
    tpu.enqueue_dma source(%dma_start3A_3224 : memref<128x64xf32, #tpu.memory_space<vmem>>) target(%dma_start3A_3221 : memref<128x64xf32, #tpu.memory_space<hbm>>) target_semaphore(%arg8 : memref<!tpu.dma_semaphore, #tpu.memory_space<semaphore_mem>>)
    %dma_wait3A_3225 = arith.constant 8 : i32
    %dma_wait3A_3226 = arith.constant 1024 : i32
    %dma_wait3A_3227 = arith.constant 0 : i32
    %dma_wait3A_3228 = tpu.memref_slice %arg6[%dma_wait3A_3226, %dma_wait3A_3227] : memref<1664x64xf32, #tpu.memory_space<vmem>> -> memref<128x64xf32, #tpu.memory_space<vmem>>
    %dma_wait3A_3229 = arith.constant 0 : i32
    %dma_wait3A_3230 = tpu.memref_slice %arg5[%dma_wait3A_3225, %dma_wait3A_3229] : memref<26x128xi32, #tpu.memory_space<vmem>> -> memref<1x128xi32, #tpu.memory_space<vmem>>
    %dma_wait3A_3231 = tpu.memref_squeeze %dma_wait3A_3230 : memref<1x128xi32, #tpu.memory_space<vmem>> -> memref<128xi32, #tpu.memory_space<vmem>>
    %dma_wait3A_3232 = arith.constant 0 : i32
    %dma_wait3A_3233 = arith.constant 0 : i32
    %dma_wait3A_3234 = tpu.memref_slice %arg2[%dma_wait3A_3232, %dma_wait3A_3233] : memref<26000x64xf32, #tpu.memory_space<hbm>> -> memref<26000x64xf32, #tpu.memory_space<hbm>>
    tpu.wait_indirect_dma semaphore(%arg7 : memref<!tpu.dma_semaphore, #tpu.memory_space<semaphore_mem>>) src(%dma_wait3A_3234 : memref<26000x64xf32, #tpu.memory_space<hbm>>) dst(%dma_wait3A_3228 : memref<128x64xf32, #tpu.memory_space<vmem>>)
    %dma_start3A_3235 = arith.constant 4 : i32
    %dma_start3A_3236 = arith.constant 1024 : i32
    %dma_start3A_3237 = arith.constant 0 : i32
    %dma_start3A_3238 = tpu.memref_slice %arg6[%dma_start3A_3236, %dma_start3A_3237] : memref<1664x64xf32, #tpu.memory_space<vmem>> -> memref<128x64xf32, #tpu.memory_space<vmem>>
    %dma_start3A_3239 = arith.constant 0 : i32
    %dma_start3A_3240 = tpu.memref_slice %arg4[%dma_start3A_3235, %mul3A_2912, %dma_start3A_3239] : memref<13x4096x128xf32, #tpu.memory_space<hbm>> -> memref<1x128x64xf32, #tpu.memory_space<hbm>>
    %dma_start3A_3241 = tpu.memref_squeeze %dma_start3A_3240 : memref<1x128x64xf32, #tpu.memory_space<hbm>> -> memref<128x64xf32, #tpu.memory_space<hbm>>
    %dma_start3A_3242 = arith.constant 0 : i32
    %dma_start3A_3243 = tpu.memref_slice %arg4[%dma_start3A_3235, %mul3A_2912, %dma_start3A_3242] : memref<13x4096x128xf32, #tpu.memory_space<hbm>> -> memref<1x128x64xf32, #tpu.memory_space<hbm>>
    %dma_start3A_3244 = tpu.memref_squeeze %dma_start3A_3243 : memref<1x128x64xf32, #tpu.memory_space<hbm>> -> memref<128x64xf32, #tpu.memory_space<hbm>>
    %dma_start3A_3245 = arith.constant 1024 : i32
    %dma_start3A_3246 = arith.constant 0 : i32
    %dma_start3A_3247 = tpu.memref_slice %arg6[%dma_start3A_3245, %dma_start3A_3246] : memref<1664x64xf32, #tpu.memory_space<vmem>> -> memref<128x64xf32, #tpu.memory_space<vmem>>
    tpu.enqueue_dma source(%dma_start3A_3247 : memref<128x64xf32, #tpu.memory_space<vmem>>) target(%dma_start3A_3244 : memref<128x64xf32, #tpu.memory_space<hbm>>) target_semaphore(%arg8 : memref<!tpu.dma_semaphore, #tpu.memory_space<semaphore_mem>>)
    %dma_wait3A_3248 = arith.constant 9 : i32
    %dma_wait3A_3249 = arith.constant 1152 : i32
    %dma_wait3A_3250 = arith.constant 0 : i32
    %dma_wait3A_3251 = tpu.memref_slice %arg6[%dma_wait3A_3249, %dma_wait3A_3250] : memref<1664x64xf32, #tpu.memory_space<vmem>> -> memref<128x64xf32, #tpu.memory_space<vmem>>
    %dma_wait3A_3252 = arith.constant 0 : i32
    %dma_wait3A_3253 = tpu.memref_slice %arg5[%dma_wait3A_3248, %dma_wait3A_3252] : memref<26x128xi32, #tpu.memory_space<vmem>> -> memref<1x128xi32, #tpu.memory_space<vmem>>
    %dma_wait3A_3254 = tpu.memref_squeeze %dma_wait3A_3253 : memref<1x128xi32, #tpu.memory_space<vmem>> -> memref<128xi32, #tpu.memory_space<vmem>>
    %dma_wait3A_3255 = arith.constant 0 : i32
    %dma_wait3A_3256 = arith.constant 0 : i32
    %dma_wait3A_3257 = tpu.memref_slice %arg2[%dma_wait3A_3255, %dma_wait3A_3256] : memref<26000x64xf32, #tpu.memory_space<hbm>> -> memref<26000x64xf32, #tpu.memory_space<hbm>>
    tpu.wait_indirect_dma semaphore(%arg7 : memref<!tpu.dma_semaphore, #tpu.memory_space<semaphore_mem>>) src(%dma_wait3A_3257 : memref<26000x64xf32, #tpu.memory_space<hbm>>) dst(%dma_wait3A_3251 : memref<128x64xf32, #tpu.memory_space<vmem>>)
    %dma_start3A_3258 = arith.constant 4 : i32
    %dma_start3A_3259 = arith.constant 1152 : i32
    %dma_start3A_3260 = arith.constant 0 : i32
    %dma_start3A_3261 = tpu.memref_slice %arg6[%dma_start3A_3259, %dma_start3A_3260] : memref<1664x64xf32, #tpu.memory_space<vmem>> -> memref<128x64xf32, #tpu.memory_space<vmem>>
    %dma_start3A_3262 = arith.constant 64 : i32
    %dma_start3A_3263 = tpu.memref_slice %arg4[%dma_start3A_3258, %mul3A_2912, %dma_start3A_3262] : memref<13x4096x128xf32, #tpu.memory_space<hbm>> -> memref<1x128x64xf32, #tpu.memory_space<hbm>>
    %dma_start3A_3264 = tpu.memref_squeeze %dma_start3A_3263 : memref<1x128x64xf32, #tpu.memory_space<hbm>> -> memref<128x64xf32, #tpu.memory_space<hbm>>
    %dma_start3A_3265 = arith.constant 64 : i32
    %dma_start3A_3266 = tpu.memref_slice %arg4[%dma_start3A_3258, %mul3A_2912, %dma_start3A_3265] : memref<13x4096x128xf32, #tpu.memory_space<hbm>> -> memref<1x128x64xf32, #tpu.memory_space<hbm>>
    %dma_start3A_3267 = tpu.memref_squeeze %dma_start3A_3266 : memref<1x128x64xf32, #tpu.memory_space<hbm>> -> memref<128x64xf32, #tpu.memory_space<hbm>>
    %dma_start3A_3268 = arith.constant 1152 : i32
    %dma_start3A_3269 = arith.constant 0 : i32
    %dma_start3A_3270 = tpu.memref_slice %arg6[%dma_start3A_3268, %dma_start3A_3269] : memref<1664x64xf32, #tpu.memory_space<vmem>> -> memref<128x64xf32, #tpu.memory_space<vmem>>
    tpu.enqueue_dma source(%dma_start3A_3270 : memref<128x64xf32, #tpu.memory_space<vmem>>) target(%dma_start3A_3267 : memref<128x64xf32, #tpu.memory_space<hbm>>) target_semaphore(%arg8 : memref<!tpu.dma_semaphore, #tpu.memory_space<semaphore_mem>>)
    %dma_wait3A_3271 = arith.constant 10 : i32
    %dma_wait3A_3272 = arith.constant 1280 : i32
    %dma_wait3A_3273 = arith.constant 0 : i32
    %dma_wait3A_3274 = tpu.memref_slice %arg6[%dma_wait3A_3272, %dma_wait3A_3273] : memref<1664x64xf32, #tpu.memory_space<vmem>> -> memref<128x64xf32, #tpu.memory_space<vmem>>
    %dma_wait3A_3275 = arith.constant 0 : i32
    %dma_wait3A_3276 = tpu.memref_slice %arg5[%dma_wait3A_3271, %dma_wait3A_3275] : memref<26x128xi32, #tpu.memory_space<vmem>> -> memref<1x128xi32, #tpu.memory_space<vmem>>
    %dma_wait3A_3277 = tpu.memref_squeeze %dma_wait3A_3276 : memref<1x128xi32, #tpu.memory_space<vmem>> -> memref<128xi32, #tpu.memory_space<vmem>>
    %dma_wait3A_3278 = arith.constant 0 : i32
    %dma_wait3A_3279 = arith.constant 0 : i32
    %dma_wait3A_3280 = tpu.memref_slice %arg2[%dma_wait3A_3278, %dma_wait3A_3279] : memref<26000x64xf32, #tpu.memory_space<hbm>> -> memref<26000x64xf32, #tpu.memory_space<hbm>>
    tpu.wait_indirect_dma semaphore(%arg7 : memref<!tpu.dma_semaphore, #tpu.memory_space<semaphore_mem>>) src(%dma_wait3A_3280 : memref<26000x64xf32, #tpu.memory_space<hbm>>) dst(%dma_wait3A_3274 : memref<128x64xf32, #tpu.memory_space<vmem>>)
    %dma_start3A_3281 = arith.constant 5 : i32
    %dma_start3A_3282 = arith.constant 1280 : i32
    %dma_start3A_3283 = arith.constant 0 : i32
    %dma_start3A_3284 = tpu.memref_slice %arg6[%dma_start3A_3282, %dma_start3A_3283] : memref<1664x64xf32, #tpu.memory_space<vmem>> -> memref<128x64xf32, #tpu.memory_space<vmem>>
    %dma_start3A_3285 = arith.constant 0 : i32
    %dma_start3A_3286 = tpu.memref_slice %arg4[%dma_start3A_3281, %mul3A_2912, %dma_start3A_3285] : memref<13x4096x128xf32, #tpu.memory_space<hbm>> -> memref<1x128x64xf32, #tpu.memory_space<hbm>>
    %dma_start3A_3287 = tpu.memref_squeeze %dma_start3A_3286 : memref<1x128x64xf32, #tpu.memory_space<hbm>> -> memref<128x64xf32, #tpu.memory_space<hbm>>
    %dma_start3A_3288 = arith.constant 0 : i32
    %dma_start3A_3289 = tpu.memref_slice %arg4[%dma_start3A_3281, %mul3A_2912, %dma_start3A_3288] : memref<13x4096x128xf32, #tpu.memory_space<hbm>> -> memref<1x128x64xf32, #tpu.memory_space<hbm>>
    %dma_start3A_3290 = tpu.memref_squeeze %dma_start3A_3289 : memref<1x128x64xf32, #tpu.memory_space<hbm>> -> memref<128x64xf32, #tpu.memory_space<hbm>>
    %dma_start3A_3291 = arith.constant 1280 : i32
    %dma_start3A_3292 = arith.constant 0 : i32
    %dma_start3A_3293 = tpu.memref_slice %arg6[%dma_start3A_3291, %dma_start3A_3292] : memref<1664x64xf32, #tpu.memory_space<vmem>> -> memref<128x64xf32, #tpu.memory_space<vmem>>
    tpu.enqueue_dma source(%dma_start3A_3293 : memref<128x64xf32, #tpu.memory_space<vmem>>) target(%dma_start3A_3290 : memref<128x64xf32, #tpu.memory_space<hbm>>) target_semaphore(%arg8 : memref<!tpu.dma_semaphore, #tpu.memory_space<semaphore_mem>>)
    %dma_wait3A_3294 = arith.constant 11 : i32
    %dma_wait3A_3295 = arith.constant 1408 : i32
    %dma_wait3A_3296 = arith.constant 0 : i32
    %dma_wait3A_3297 = tpu.memref_slice %arg6[%dma_wait3A_3295, %dma_wait3A_3296] : memref<1664x64xf32, #tpu.memory_space<vmem>> -> memref<128x64xf32, #tpu.memory_space<vmem>>
    %dma_wait3A_3298 = arith.constant 0 : i32
    %dma_wait3A_3299 = tpu.memref_slice %arg5[%dma_wait3A_3294, %dma_wait3A_3298] : memref<26x128xi32, #tpu.memory_space<vmem>> -> memref<1x128xi32, #tpu.memory_space<vmem>>
    %dma_wait3A_3300 = tpu.memref_squeeze %dma_wait3A_3299 : memref<1x128xi32, #tpu.memory_space<vmem>> -> memref<128xi32, #tpu.memory_space<vmem>>
    %dma_wait3A_3301 = arith.constant 0 : i32
    %dma_wait3A_3302 = arith.constant 0 : i32
    %dma_wait3A_3303 = tpu.memref_slice %arg2[%dma_wait3A_3301, %dma_wait3A_3302] : memref<26000x64xf32, #tpu.memory_space<hbm>> -> memref<26000x64xf32, #tpu.memory_space<hbm>>
    tpu.wait_indirect_dma semaphore(%arg7 : memref<!tpu.dma_semaphore, #tpu.memory_space<semaphore_mem>>) src(%dma_wait3A_3303 : memref<26000x64xf32, #tpu.memory_space<hbm>>) dst(%dma_wait3A_3297 : memref<128x64xf32, #tpu.memory_space<vmem>>)
    %dma_start3A_3304 = arith.constant 5 : i32
    %dma_start3A_3305 = arith.constant 1408 : i32
    %dma_start3A_3306 = arith.constant 0 : i32
    %dma_start3A_3307 = tpu.memref_slice %arg6[%dma_start3A_3305, %dma_start3A_3306] : memref<1664x64xf32, #tpu.memory_space<vmem>> -> memref<128x64xf32, #tpu.memory_space<vmem>>
    %dma_start3A_3308 = arith.constant 64 : i32
    %dma_start3A_3309 = tpu.memref_slice %arg4[%dma_start3A_3304, %mul3A_2912, %dma_start3A_3308] : memref<13x4096x128xf32, #tpu.memory_space<hbm>> -> memref<1x128x64xf32, #tpu.memory_space<hbm>>
    %dma_start3A_3310 = tpu.memref_squeeze %dma_start3A_3309 : memref<1x128x64xf32, #tpu.memory_space<hbm>> -> memref<128x64xf32, #tpu.memory_space<hbm>>
    %dma_start3A_3311 = arith.constant 64 : i32
    %dma_start3A_3312 = tpu.memref_slice %arg4[%dma_start3A_3304, %mul3A_2912, %dma_start3A_3311] : memref<13x4096x128xf32, #tpu.memory_space<hbm>> -> memref<1x128x64xf32, #tpu.memory_space<hbm>>
    %dma_start3A_3313 = tpu.memref_squeeze %dma_start3A_3312 : memref<1x128x64xf32, #tpu.memory_space<hbm>> -> memref<128x64xf32, #tpu.memory_space<hbm>>
    %dma_start3A_3314 = arith.constant 1408 : i32
    %dma_start3A_3315 = arith.constant 0 : i32
    %dma_start3A_3316 = tpu.memref_slice %arg6[%dma_start3A_3314, %dma_start3A_3315] : memref<1664x64xf32, #tpu.memory_space<vmem>> -> memref<128x64xf32, #tpu.memory_space<vmem>>
    tpu.enqueue_dma source(%dma_start3A_3316 : memref<128x64xf32, #tpu.memory_space<vmem>>) target(%dma_start3A_3313 : memref<128x64xf32, #tpu.memory_space<hbm>>) target_semaphore(%arg8 : memref<!tpu.dma_semaphore, #tpu.memory_space<semaphore_mem>>)
    %dma_wait3A_3317 = arith.constant 12 : i32
    %dma_wait3A_3318 = arith.constant 1536 : i32
    %dma_wait3A_3319 = arith.constant 0 : i32
    %dma_wait3A_3320 = tpu.memref_slice %arg6[%dma_wait3A_3318, %dma_wait3A_3319] : memref<1664x64xf32, #tpu.memory_space<vmem>> -> memref<128x64xf32, #tpu.memory_space<vmem>>
    %dma_wait3A_3321 = arith.constant 0 : i32
    %dma_wait3A_3322 = tpu.memref_slice %arg5[%dma_wait3A_3317, %dma_wait3A_3321] : memref<26x128xi32, #tpu.memory_space<vmem>> -> memref<1x128xi32, #tpu.memory_space<vmem>>
    %dma_wait3A_3323 = tpu.memref_squeeze %dma_wait3A_3322 : memref<1x128xi32, #tpu.memory_space<vmem>> -> memref<128xi32, #tpu.memory_space<vmem>>
    %dma_wait3A_3324 = arith.constant 0 : i32
    %dma_wait3A_3325 = arith.constant 0 : i32
    %dma_wait3A_3326 = tpu.memref_slice %arg2[%dma_wait3A_3324, %dma_wait3A_3325] : memref<26000x64xf32, #tpu.memory_space<hbm>> -> memref<26000x64xf32, #tpu.memory_space<hbm>>
    tpu.wait_indirect_dma semaphore(%arg7 : memref<!tpu.dma_semaphore, #tpu.memory_space<semaphore_mem>>) src(%dma_wait3A_3326 : memref<26000x64xf32, #tpu.memory_space<hbm>>) dst(%dma_wait3A_3320 : memref<128x64xf32, #tpu.memory_space<vmem>>)
    %dma_start3A_3327 = arith.constant 6 : i32
    %dma_start3A_3328 = arith.constant 1536 : i32
    %dma_start3A_3329 = arith.constant 0 : i32
    %dma_start3A_3330 = tpu.memref_slice %arg6[%dma_start3A_3328, %dma_start3A_3329] : memref<1664x64xf32, #tpu.memory_space<vmem>> -> memref<128x64xf32, #tpu.memory_space<vmem>>
    %dma_start3A_3331 = arith.constant 0 : i32
    %dma_start3A_3332 = tpu.memref_slice %arg4[%dma_start3A_3327, %mul3A_2912, %dma_start3A_3331] : memref<13x4096x128xf32, #tpu.memory_space<hbm>> -> memref<1x128x64xf32, #tpu.memory_space<hbm>>
    %dma_start3A_3333 = tpu.memref_squeeze %dma_start3A_3332 : memref<1x128x64xf32, #tpu.memory_space<hbm>> -> memref<128x64xf32, #tpu.memory_space<hbm>>
    %dma_start3A_3334 = arith.constant 0 : i32
    %dma_start3A_3335 = tpu.memref_slice %arg4[%dma_start3A_3327, %mul3A_2912, %dma_start3A_3334] : memref<13x4096x128xf32, #tpu.memory_space<hbm>> -> memref<1x128x64xf32, #tpu.memory_space<hbm>>
    %dma_start3A_3336 = tpu.memref_squeeze %dma_start3A_3335 : memref<1x128x64xf32, #tpu.memory_space<hbm>> -> memref<128x64xf32, #tpu.memory_space<hbm>>
    %dma_start3A_3337 = arith.constant 1536 : i32
    %dma_start3A_3338 = arith.constant 0 : i32
    %dma_start3A_3339 = tpu.memref_slice %arg6[%dma_start3A_3337, %dma_start3A_3338] : memref<1664x64xf32, #tpu.memory_space<vmem>> -> memref<128x64xf32, #tpu.memory_space<vmem>>
    tpu.enqueue_dma source(%dma_start3A_3339 : memref<128x64xf32, #tpu.memory_space<vmem>>) target(%dma_start3A_3336 : memref<128x64xf32, #tpu.memory_space<hbm>>) target_semaphore(%arg8 : memref<!tpu.dma_semaphore, #tpu.memory_space<semaphore_mem>>)
    %dma_wait3A_3340 = arith.constant 0 : i32
    %dma_wait3A_3341 = arith.constant 0 : i32
    %dma_wait3A_3342 = arith.constant 0 : i32
    %dma_wait3A_3343 = tpu.memref_slice %arg6[%dma_wait3A_3341, %dma_wait3A_3342] : memref<1664x64xf32, #tpu.memory_space<vmem>> -> memref<128x64xf32, #tpu.memory_space<vmem>>
    %dma_wait3A_3344 = arith.constant 0 : i32
    %dma_wait3A_3345 = tpu.memref_slice %arg4[%dma_wait3A_3340, %mul3A_2912, %dma_wait3A_3344] : memref<13x4096x128xf32, #tpu.memory_space<hbm>> -> memref<1x128x64xf32, #tpu.memory_space<hbm>>
    %dma_wait3A_3346 = tpu.memref_squeeze %dma_wait3A_3345 : memref<1x128x64xf32, #tpu.memory_space<hbm>> -> memref<128x64xf32, #tpu.memory_space<hbm>>
    %dma_wait3A_3347 = arith.constant 0 : i32
    %dma_wait3A_3348 = tpu.memref_slice %arg4[%dma_wait3A_3340, %mul3A_2912, %dma_wait3A_3347] : memref<13x4096x128xf32, #tpu.memory_space<hbm>> -> memref<1x128x64xf32, #tpu.memory_space<hbm>>
    %dma_wait3A_3349 = tpu.memref_squeeze %dma_wait3A_3348 : memref<1x128x64xf32, #tpu.memory_space<hbm>> -> memref<128x64xf32, #tpu.memory_space<hbm>>
    %dma_wait3A_3350 = arith.constant 0 : i32
    %dma_wait3A_3351 = arith.constant 0 : i32
    %dma_wait3A_3352 = tpu.memref_slice %arg6[%dma_wait3A_3350, %dma_wait3A_3351] : memref<1664x64xf32, #tpu.memory_space<vmem>> -> memref<128x64xf32, #tpu.memory_space<vmem>>
    tpu.wait_dma2 semaphore(%arg8 : memref<!tpu.dma_semaphore, #tpu.memory_space<semaphore_mem>>) src(%dma_wait3A_3352 : memref<128x64xf32, #tpu.memory_space<vmem>>) dst(%dma_wait3A_3349 : memref<128x64xf32, #tpu.memory_space<hbm>>)
    %dma_wait3A_3353 = arith.constant 0 : i32
    %dma_wait3A_3354 = arith.constant 128 : i32
    %dma_wait3A_3355 = arith.constant 0 : i32
    %dma_wait3A_3356 = tpu.memref_slice %arg6[%dma_wait3A_3354, %dma_wait3A_3355] : memref<1664x64xf32, #tpu.memory_space<vmem>> -> memref<128x64xf32, #tpu.memory_space<vmem>>
    %dma_wait3A_3357 = arith.constant 64 : i32
    %dma_wait3A_3358 = tpu.memref_slice %arg4[%dma_wait3A_3353, %mul3A_2912, %dma_wait3A_3357] : memref<13x4096x128xf32, #tpu.memory_space<hbm>> -> memref<1x128x64xf32, #tpu.memory_space<hbm>>
    %dma_wait3A_3359 = tpu.memref_squeeze %dma_wait3A_3358 : memref<1x128x64xf32, #tpu.memory_space<hbm>> -> memref<128x64xf32, #tpu.memory_space<hbm>>
    %dma_wait3A_3360 = arith.constant 64 : i32
    %dma_wait3A_3361 = tpu.memref_slice %arg4[%dma_wait3A_3353, %mul3A_2912, %dma_wait3A_3360] : memref<13x4096x128xf32, #tpu.memory_space<hbm>> -> memref<1x128x64xf32, #tpu.memory_space<hbm>>
    %dma_wait3A_3362 = tpu.memref_squeeze %dma_wait3A_3361 : memref<1x128x64xf32, #tpu.memory_space<hbm>> -> memref<128x64xf32, #tpu.memory_space<hbm>>
    %dma_wait3A_3363 = arith.constant 128 : i32
    %dma_wait3A_3364 = arith.constant 0 : i32
    %dma_wait3A_3365 = tpu.memref_slice %arg6[%dma_wait3A_3363, %dma_wait3A_3364] : memref<1664x64xf32, #tpu.memory_space<vmem>> -> memref<128x64xf32, #tpu.memory_space<vmem>>
    tpu.wait_dma2 semaphore(%arg8 : memref<!tpu.dma_semaphore, #tpu.memory_space<semaphore_mem>>) src(%dma_wait3A_3365 : memref<128x64xf32, #tpu.memory_space<vmem>>) dst(%dma_wait3A_3362 : memref<128x64xf32, #tpu.memory_space<hbm>>)
    %dma_wait3A_3366 = arith.constant 1 : i32
    %dma_wait3A_3367 = arith.constant 256 : i32
    %dma_wait3A_3368 = arith.constant 0 : i32
    %dma_wait3A_3369 = tpu.memref_slice %arg6[%dma_wait3A_3367, %dma_wait3A_3368] : memref<1664x64xf32, #tpu.memory_space<vmem>> -> memref<128x64xf32, #tpu.memory_space<vmem>>
    %dma_wait3A_3370 = arith.constant 0 : i32
    %dma_wait3A_3371 = tpu.memref_slice %arg4[%dma_wait3A_3366, %mul3A_2912, %dma_wait3A_3370] : memref<13x4096x128xf32, #tpu.memory_space<hbm>> -> memref<1x128x64xf32, #tpu.memory_space<hbm>>
    %dma_wait3A_3372 = tpu.memref_squeeze %dma_wait3A_3371 : memref<1x128x64xf32, #tpu.memory_space<hbm>> -> memref<128x64xf32, #tpu.memory_space<hbm>>
    %dma_wait3A_3373 = arith.constant 0 : i32
    %dma_wait3A_3374 = tpu.memref_slice %arg4[%dma_wait3A_3366, %mul3A_2912, %dma_wait3A_3373] : memref<13x4096x128xf32, #tpu.memory_space<hbm>> -> memref<1x128x64xf32, #tpu.memory_space<hbm>>
    %dma_wait3A_3375 = tpu.memref_squeeze %dma_wait3A_3374 : memref<1x128x64xf32, #tpu.memory_space<hbm>> -> memref<128x64xf32, #tpu.memory_space<hbm>>
    %dma_wait3A_3376 = arith.constant 256 : i32
    %dma_wait3A_3377 = arith.constant 0 : i32
    %dma_wait3A_3378 = tpu.memref_slice %arg6[%dma_wait3A_3376, %dma_wait3A_3377] : memref<1664x64xf32, #tpu.memory_space<vmem>> -> memref<128x64xf32, #tpu.memory_space<vmem>>
    tpu.wait_dma2 semaphore(%arg8 : memref<!tpu.dma_semaphore, #tpu.memory_space<semaphore_mem>>) src(%dma_wait3A_3378 : memref<128x64xf32, #tpu.memory_space<vmem>>) dst(%dma_wait3A_3375 : memref<128x64xf32, #tpu.memory_space<hbm>>)
    %dma_wait3A_3379 = arith.constant 1 : i32
    %dma_wait3A_3380 = arith.constant 384 : i32
    %dma_wait3A_3381 = arith.constant 0 : i32
    %dma_wait3A_3382 = tpu.memref_slice %arg6[%dma_wait3A_3380, %dma_wait3A_3381] : memref<1664x64xf32, #tpu.memory_space<vmem>> -> memref<128x64xf32, #tpu.memory_space<vmem>>
    %dma_wait3A_3383 = arith.constant 64 : i32
    %dma_wait3A_3384 = tpu.memref_slice %arg4[%dma_wait3A_3379, %mul3A_2912, %dma_wait3A_3383] : memref<13x4096x128xf32, #tpu.memory_space<hbm>> -> memref<1x128x64xf32, #tpu.memory_space<hbm>>
    %dma_wait3A_3385 = tpu.memref_squeeze %dma_wait3A_3384 : memref<1x128x64xf32, #tpu.memory_space<hbm>> -> memref<128x64xf32, #tpu.memory_space<hbm>>
    %dma_wait3A_3386 = arith.constant 64 : i32
    %dma_wait3A_3387 = tpu.memref_slice %arg4[%dma_wait3A_3379, %mul3A_2912, %dma_wait3A_3386] : memref<13x4096x128xf32, #tpu.memory_space<hbm>> -> memref<1x128x64xf32, #tpu.memory_space<hbm>>
    %dma_wait3A_3388 = tpu.memref_squeeze %dma_wait3A_3387 : memref<1x128x64xf32, #tpu.memory_space<hbm>> -> memref<128x64xf32, #tpu.memory_space<hbm>>
    %dma_wait3A_3389 = arith.constant 384 : i32
    %dma_wait3A_3390 = arith.constant 0 : i32
    %dma_wait3A_3391 = tpu.memref_slice %arg6[%dma_wait3A_3389, %dma_wait3A_3390] : memref<1664x64xf32, #tpu.memory_space<vmem>> -> memref<128x64xf32, #tpu.memory_space<vmem>>
    tpu.wait_dma2 semaphore(%arg8 : memref<!tpu.dma_semaphore, #tpu.memory_space<semaphore_mem>>) src(%dma_wait3A_3391 : memref<128x64xf32, #tpu.memory_space<vmem>>) dst(%dma_wait3A_3388 : memref<128x64xf32, #tpu.memory_space<hbm>>)
    %dma_wait3A_3392 = arith.constant 2 : i32
    %dma_wait3A_3393 = arith.constant 512 : i32
    %dma_wait3A_3394 = arith.constant 0 : i32
    %dma_wait3A_3395 = tpu.memref_slice %arg6[%dma_wait3A_3393, %dma_wait3A_3394] : memref<1664x64xf32, #tpu.memory_space<vmem>> -> memref<128x64xf32, #tpu.memory_space<vmem>>
    %dma_wait3A_3396 = arith.constant 0 : i32
    %dma_wait3A_3397 = tpu.memref_slice %arg4[%dma_wait3A_3392, %mul3A_2912, %dma_wait3A_3396] : memref<13x4096x128xf32, #tpu.memory_space<hbm>> -> memref<1x128x64xf32, #tpu.memory_space<hbm>>
    %dma_wait3A_3398 = tpu.memref_squeeze %dma_wait3A_3397 : memref<1x128x64xf32, #tpu.memory_space<hbm>> -> memref<128x64xf32, #tpu.memory_space<hbm>>
    %dma_wait3A_3399 = arith.constant 0 : i32
    %dma_wait3A_3400 = tpu.memref_slice %arg4[%dma_wait3A_3392, %mul3A_2912, %dma_wait3A_3399] : memref<13x4096x128xf32, #tpu.memory_space<hbm>> -> memref<1x128x64xf32, #tpu.memory_space<hbm>>
    %dma_wait3A_3401 = tpu.memref_squeeze %dma_wait3A_3400 : memref<1x128x64xf32, #tpu.memory_space<hbm>> -> memref<128x64xf32, #tpu.memory_space<hbm>>
    %dma_wait3A_3402 = arith.constant 512 : i32
    %dma_wait3A_3403 = arith.constant 0 : i32
    %dma_wait3A_3404 = tpu.memref_slice %arg6[%dma_wait3A_3402, %dma_wait3A_3403] : memref<1664x64xf32, #tpu.memory_space<vmem>> -> memref<128x64xf32, #tpu.memory_space<vmem>>
    tpu.wait_dma2 semaphore(%arg8 : memref<!tpu.dma_semaphore, #tpu.memory_space<semaphore_mem>>) src(%dma_wait3A_3404 : memref<128x64xf32, #tpu.memory_space<vmem>>) dst(%dma_wait3A_3401 : memref<128x64xf32, #tpu.memory_space<hbm>>)
    %dma_wait3A_3405 = arith.constant 2 : i32
    %dma_wait3A_3406 = arith.constant 640 : i32
    %dma_wait3A_3407 = arith.constant 0 : i32
    %dma_wait3A_3408 = tpu.memref_slice %arg6[%dma_wait3A_3406, %dma_wait3A_3407] : memref<1664x64xf32, #tpu.memory_space<vmem>> -> memref<128x64xf32, #tpu.memory_space<vmem>>
    %dma_wait3A_3409 = arith.constant 64 : i32
    %dma_wait3A_3410 = tpu.memref_slice %arg4[%dma_wait3A_3405, %mul3A_2912, %dma_wait3A_3409] : memref<13x4096x128xf32, #tpu.memory_space<hbm>> -> memref<1x128x64xf32, #tpu.memory_space<hbm>>
    %dma_wait3A_3411 = tpu.memref_squeeze %dma_wait3A_3410 : memref<1x128x64xf32, #tpu.memory_space<hbm>> -> memref<128x64xf32, #tpu.memory_space<hbm>>
    %dma_wait3A_3412 = arith.constant 64 : i32
    %dma_wait3A_3413 = tpu.memref_slice %arg4[%dma_wait3A_3405, %mul3A_2912, %dma_wait3A_3412] : memref<13x4096x128xf32, #tpu.memory_space<hbm>> -> memref<1x128x64xf32, #tpu.memory_space<hbm>>
    %dma_wait3A_3414 = tpu.memref_squeeze %dma_wait3A_3413 : memref<1x128x64xf32, #tpu.memory_space<hbm>> -> memref<128x64xf32, #tpu.memory_space<hbm>>
    %dma_wait3A_3415 = arith.constant 640 : i32
    %dma_wait3A_3416 = arith.constant 0 : i32
    %dma_wait3A_3417 = tpu.memref_slice %arg6[%dma_wait3A_3415, %dma_wait3A_3416] : memref<1664x64xf32, #tpu.memory_space<vmem>> -> memref<128x64xf32, #tpu.memory_space<vmem>>
    tpu.wait_dma2 semaphore(%arg8 : memref<!tpu.dma_semaphore, #tpu.memory_space<semaphore_mem>>) src(%dma_wait3A_3417 : memref<128x64xf32, #tpu.memory_space<vmem>>) dst(%dma_wait3A_3414 : memref<128x64xf32, #tpu.memory_space<hbm>>)
    %dma_wait3A_3418 = arith.constant 3 : i32
    %dma_wait3A_3419 = arith.constant 768 : i32
    %dma_wait3A_3420 = arith.constant 0 : i32
    %dma_wait3A_3421 = tpu.memref_slice %arg6[%dma_wait3A_3419, %dma_wait3A_3420] : memref<1664x64xf32, #tpu.memory_space<vmem>> -> memref<128x64xf32, #tpu.memory_space<vmem>>
    %dma_wait3A_3422 = arith.constant 0 : i32
    %dma_wait3A_3423 = tpu.memref_slice %arg4[%dma_wait3A_3418, %mul3A_2912, %dma_wait3A_3422] : memref<13x4096x128xf32, #tpu.memory_space<hbm>> -> memref<1x128x64xf32, #tpu.memory_space<hbm>>
    %dma_wait3A_3424 = tpu.memref_squeeze %dma_wait3A_3423 : memref<1x128x64xf32, #tpu.memory_space<hbm>> -> memref<128x64xf32, #tpu.memory_space<hbm>>
    %dma_wait3A_3425 = arith.constant 0 : i32
    %dma_wait3A_3426 = tpu.memref_slice %arg4[%dma_wait3A_3418, %mul3A_2912, %dma_wait3A_3425] : memref<13x4096x128xf32, #tpu.memory_space<hbm>> -> memref<1x128x64xf32, #tpu.memory_space<hbm>>
    %dma_wait3A_3427 = tpu.memref_squeeze %dma_wait3A_3426 : memref<1x128x64xf32, #tpu.memory_space<hbm>> -> memref<128x64xf32, #tpu.memory_space<hbm>>
    %dma_wait3A_3428 = arith.constant 768 : i32
    %dma_wait3A_3429 = arith.constant 0 : i32
    %dma_wait3A_3430 = tpu.memref_slice %arg6[%dma_wait3A_3428, %dma_wait3A_3429] : memref<1664x64xf32, #tpu.memory_space<vmem>> -> memref<128x64xf32, #tpu.memory_space<vmem>>
    tpu.wait_dma2 semaphore(%arg8 : memref<!tpu.dma_semaphore, #tpu.memory_space<semaphore_mem>>) src(%dma_wait3A_3430 : memref<128x64xf32, #tpu.memory_space<vmem>>) dst(%dma_wait3A_3427 : memref<128x64xf32, #tpu.memory_space<hbm>>)
    %dma_wait3A_3431 = arith.constant 3 : i32
    %dma_wait3A_3432 = arith.constant 896 : i32
    %dma_wait3A_3433 = arith.constant 0 : i32
    %dma_wait3A_3434 = tpu.memref_slice %arg6[%dma_wait3A_3432, %dma_wait3A_3433] : memref<1664x64xf32, #tpu.memory_space<vmem>> -> memref<128x64xf32, #tpu.memory_space<vmem>>
    %dma_wait3A_3435 = arith.constant 64 : i32
    %dma_wait3A_3436 = tpu.memref_slice %arg4[%dma_wait3A_3431, %mul3A_2912, %dma_wait3A_3435] : memref<13x4096x128xf32, #tpu.memory_space<hbm>> -> memref<1x128x64xf32, #tpu.memory_space<hbm>>
    %dma_wait3A_3437 = tpu.memref_squeeze %dma_wait3A_3436 : memref<1x128x64xf32, #tpu.memory_space<hbm>> -> memref<128x64xf32, #tpu.memory_space<hbm>>
    %dma_wait3A_3438 = arith.constant 64 : i32
    %dma_wait3A_3439 = tpu.memref_slice %arg4[%dma_wait3A_3431, %mul3A_2912, %dma_wait3A_3438] : memref<13x4096x128xf32, #tpu.memory_space<hbm>> -> memref<1x128x64xf32, #tpu.memory_space<hbm>>
    %dma_wait3A_3440 = tpu.memref_squeeze %dma_wait3A_3439 : memref<1x128x64xf32, #tpu.memory_space<hbm>> -> memref<128x64xf32, #tpu.memory_space<hbm>>
    %dma_wait3A_3441 = arith.constant 896 : i32
    %dma_wait3A_3442 = arith.constant 0 : i32
    %dma_wait3A_3443 = tpu.memref_slice %arg6[%dma_wait3A_3441, %dma_wait3A_3442] : memref<1664x64xf32, #tpu.memory_space<vmem>> -> memref<128x64xf32, #tpu.memory_space<vmem>>
    tpu.wait_dma2 semaphore(%arg8 : memref<!tpu.dma_semaphore, #tpu.memory_space<semaphore_mem>>) src(%dma_wait3A_3443 : memref<128x64xf32, #tpu.memory_space<vmem>>) dst(%dma_wait3A_3440 : memref<128x64xf32, #tpu.memory_space<hbm>>)
    %dma_wait3A_3444 = arith.constant 4 : i32
    %dma_wait3A_3445 = arith.constant 1024 : i32
    %dma_wait3A_3446 = arith.constant 0 : i32
    %dma_wait3A_3447 = tpu.memref_slice %arg6[%dma_wait3A_3445, %dma_wait3A_3446] : memref<1664x64xf32, #tpu.memory_space<vmem>> -> memref<128x64xf32, #tpu.memory_space<vmem>>
    %dma_wait3A_3448 = arith.constant 0 : i32
    %dma_wait3A_3449 = tpu.memref_slice %arg4[%dma_wait3A_3444, %mul3A_2912, %dma_wait3A_3448] : memref<13x4096x128xf32, #tpu.memory_space<hbm>> -> memref<1x128x64xf32, #tpu.memory_space<hbm>>
    %dma_wait3A_3450 = tpu.memref_squeeze %dma_wait3A_3449 : memref<1x128x64xf32, #tpu.memory_space<hbm>> -> memref<128x64xf32, #tpu.memory_space<hbm>>
    %dma_wait3A_3451 = arith.constant 0 : i32
    %dma_wait3A_3452 = tpu.memref_slice %arg4[%dma_wait3A_3444, %mul3A_2912, %dma_wait3A_3451] : memref<13x4096x128xf32, #tpu.memory_space<hbm>> -> memref<1x128x64xf32, #tpu.memory_space<hbm>>
    %dma_wait3A_3453 = tpu.memref_squeeze %dma_wait3A_3452 : memref<1x128x64xf32, #tpu.memory_space<hbm>> -> memref<128x64xf32, #tpu.memory_space<hbm>>
    %dma_wait3A_3454 = arith.constant 1024 : i32
    %dma_wait3A_3455 = arith.constant 0 : i32
    %dma_wait3A_3456 = tpu.memref_slice %arg6[%dma_wait3A_3454, %dma_wait3A_3455] : memref<1664x64xf32, #tpu.memory_space<vmem>> -> memref<128x64xf32, #tpu.memory_space<vmem>>
    tpu.wait_dma2 semaphore(%arg8 : memref<!tpu.dma_semaphore, #tpu.memory_space<semaphore_mem>>) src(%dma_wait3A_3456 : memref<128x64xf32, #tpu.memory_space<vmem>>) dst(%dma_wait3A_3453 : memref<128x64xf32, #tpu.memory_space<hbm>>)
    %dma_wait3A_3457 = arith.constant 4 : i32
    %dma_wait3A_3458 = arith.constant 1152 : i32
    %dma_wait3A_3459 = arith.constant 0 : i32
    %dma_wait3A_3460 = tpu.memref_slice %arg6[%dma_wait3A_3458, %dma_wait3A_3459] : memref<1664x64xf32, #tpu.memory_space<vmem>> -> memref<128x64xf32, #tpu.memory_space<vmem>>
    %dma_wait3A_3461 = arith.constant 64 : i32
    %dma_wait3A_3462 = tpu.memref_slice %arg4[%dma_wait3A_3457, %mul3A_2912, %dma_wait3A_3461] : memref<13x4096x128xf32, #tpu.memory_space<hbm>> -> memref<1x128x64xf32, #tpu.memory_space<hbm>>
    %dma_wait3A_3463 = tpu.memref_squeeze %dma_wait3A_3462 : memref<1x128x64xf32, #tpu.memory_space<hbm>> -> memref<128x64xf32, #tpu.memory_space<hbm>>
    %dma_wait3A_3464 = arith.constant 64 : i32
    %dma_wait3A_3465 = tpu.memref_slice %arg4[%dma_wait3A_3457, %mul3A_2912, %dma_wait3A_3464] : memref<13x4096x128xf32, #tpu.memory_space<hbm>> -> memref<1x128x64xf32, #tpu.memory_space<hbm>>
    %dma_wait3A_3466 = tpu.memref_squeeze %dma_wait3A_3465 : memref<1x128x64xf32, #tpu.memory_space<hbm>> -> memref<128x64xf32, #tpu.memory_space<hbm>>
    %dma_wait3A_3467 = arith.constant 1152 : i32
    %dma_wait3A_3468 = arith.constant 0 : i32
    %dma_wait3A_3469 = tpu.memref_slice %arg6[%dma_wait3A_3467, %dma_wait3A_3468] : memref<1664x64xf32, #tpu.memory_space<vmem>> -> memref<128x64xf32, #tpu.memory_space<vmem>>
    tpu.wait_dma2 semaphore(%arg8 : memref<!tpu.dma_semaphore, #tpu.memory_space<semaphore_mem>>) src(%dma_wait3A_3469 : memref<128x64xf32, #tpu.memory_space<vmem>>) dst(%dma_wait3A_3466 : memref<128x64xf32, #tpu.memory_space<hbm>>)
    %dma_wait3A_3470 = arith.constant 5 : i32
    %dma_wait3A_3471 = arith.constant 1280 : i32
    %dma_wait3A_3472 = arith.constant 0 : i32
    %dma_wait3A_3473 = tpu.memref_slice %arg6[%dma_wait3A_3471, %dma_wait3A_3472] : memref<1664x64xf32, #tpu.memory_space<vmem>> -> memref<128x64xf32, #tpu.memory_space<vmem>>
    %dma_wait3A_3474 = arith.constant 0 : i32
    %dma_wait3A_3475 = tpu.memref_slice %arg4[%dma_wait3A_3470, %mul3A_2912, %dma_wait3A_3474] : memref<13x4096x128xf32, #tpu.memory_space<hbm>> -> memref<1x128x64xf32, #tpu.memory_space<hbm>>
    %dma_wait3A_3476 = tpu.memref_squeeze %dma_wait3A_3475 : memref<1x128x64xf32, #tpu.memory_space<hbm>> -> memref<128x64xf32, #tpu.memory_space<hbm>>
    %dma_wait3A_3477 = arith.constant 0 : i32
    %dma_wait3A_3478 = tpu.memref_slice %arg4[%dma_wait3A_3470, %mul3A_2912, %dma_wait3A_3477] : memref<13x4096x128xf32, #tpu.memory_space<hbm>> -> memref<1x128x64xf32, #tpu.memory_space<hbm>>
    %dma_wait3A_3479 = tpu.memref_squeeze %dma_wait3A_3478 : memref<1x128x64xf32, #tpu.memory_space<hbm>> -> memref<128x64xf32, #tpu.memory_space<hbm>>
    %dma_wait3A_3480 = arith.constant 1280 : i32
    %dma_wait3A_3481 = arith.constant 0 : i32
    %dma_wait3A_3482 = tpu.memref_slice %arg6[%dma_wait3A_3480, %dma_wait3A_3481] : memref<1664x64xf32, #tpu.memory_space<vmem>> -> memref<128x64xf32, #tpu.memory_space<vmem>>
    tpu.wait_dma2 semaphore(%arg8 : memref<!tpu.dma_semaphore, #tpu.memory_space<semaphore_mem>>) src(%dma_wait3A_3482 : memref<128x64xf32, #tpu.memory_space<vmem>>) dst(%dma_wait3A_3479 : memref<128x64xf32, #tpu.memory_space<hbm>>)
    %dma_wait3A_3483 = arith.constant 5 : i32
    %dma_wait3A_3484 = arith.constant 1408 : i32
    %dma_wait3A_3485 = arith.constant 0 : i32
    %dma_wait3A_3486 = tpu.memref_slice %arg6[%dma_wait3A_3484, %dma_wait3A_3485] : memref<1664x64xf32, #tpu.memory_space<vmem>> -> memref<128x64xf32, #tpu.memory_space<vmem>>
    %dma_wait3A_3487 = arith.constant 64 : i32
    %dma_wait3A_3488 = tpu.memref_slice %arg4[%dma_wait3A_3483, %mul3A_2912, %dma_wait3A_3487] : memref<13x4096x128xf32, #tpu.memory_space<hbm>> -> memref<1x128x64xf32, #tpu.memory_space<hbm>>
    %dma_wait3A_3489 = tpu.memref_squeeze %dma_wait3A_3488 : memref<1x128x64xf32, #tpu.memory_space<hbm>> -> memref<128x64xf32, #tpu.memory_space<hbm>>
    %dma_wait3A_3490 = arith.constant 64 : i32
    %dma_wait3A_3491 = tpu.memref_slice %arg4[%dma_wait3A_3483, %mul3A_2912, %dma_wait3A_3490] : memref<13x4096x128xf32, #tpu.memory_space<hbm>> -> memref<1x128x64xf32, #tpu.memory_space<hbm>>
    %dma_wait3A_3492 = tpu.memref_squeeze %dma_wait3A_3491 : memref<1x128x64xf32, #tpu.memory_space<hbm>> -> memref<128x64xf32, #tpu.memory_space<hbm>>
    %dma_wait3A_3493 = arith.constant 1408 : i32
    %dma_wait3A_3494 = arith.constant 0 : i32
    %dma_wait3A_3495 = tpu.memref_slice %arg6[%dma_wait3A_3493, %dma_wait3A_3494] : memref<1664x64xf32, #tpu.memory_space<vmem>> -> memref<128x64xf32, #tpu.memory_space<vmem>>
    tpu.wait_dma2 semaphore(%arg8 : memref<!tpu.dma_semaphore, #tpu.memory_space<semaphore_mem>>) src(%dma_wait3A_3495 : memref<128x64xf32, #tpu.memory_space<vmem>>) dst(%dma_wait3A_3492 : memref<128x64xf32, #tpu.memory_space<hbm>>)
    %dma_wait3A_3496 = arith.constant 6 : i32
    %dma_wait3A_3497 = arith.constant 1536 : i32
    %dma_wait3A_3498 = arith.constant 0 : i32
    %dma_wait3A_3499 = tpu.memref_slice %arg6[%dma_wait3A_3497, %dma_wait3A_3498] : memref<1664x64xf32, #tpu.memory_space<vmem>> -> memref<128x64xf32, #tpu.memory_space<vmem>>
    %dma_wait3A_3500 = arith.constant 0 : i32
    %dma_wait3A_3501 = tpu.memref_slice %arg4[%dma_wait3A_3496, %mul3A_2912, %dma_wait3A_3500] : memref<13x4096x128xf32, #tpu.memory_space<hbm>> -> memref<1x128x64xf32, #tpu.memory_space<hbm>>
    %dma_wait3A_3502 = tpu.memref_squeeze %dma_wait3A_3501 : memref<1x128x64xf32, #tpu.memory_space<hbm>> -> memref<128x64xf32, #tpu.memory_space<hbm>>
    %dma_wait3A_3503 = arith.constant 0 : i32
    %dma_wait3A_3504 = tpu.memref_slice %arg4[%dma_wait3A_3496, %mul3A_2912, %dma_wait3A_3503] : memref<13x4096x128xf32, #tpu.memory_space<hbm>> -> memref<1x128x64xf32, #tpu.memory_space<hbm>>
    %dma_wait3A_3505 = tpu.memref_squeeze %dma_wait3A_3504 : memref<1x128x64xf32, #tpu.memory_space<hbm>> -> memref<128x64xf32, #tpu.memory_space<hbm>>
    %dma_wait3A_3506 = arith.constant 1536 : i32
    %dma_wait3A_3507 = arith.constant 0 : i32
    %dma_wait3A_3508 = tpu.memref_slice %arg6[%dma_wait3A_3506, %dma_wait3A_3507] : memref<1664x64xf32, #tpu.memory_space<vmem>> -> memref<128x64xf32, #tpu.memory_space<vmem>>
    tpu.wait_dma2 semaphore(%arg8 : memref<!tpu.dma_semaphore, #tpu.memory_space<semaphore_mem>>) src(%dma_wait3A_3508 : memref<128x64xf32, #tpu.memory_space<vmem>>) dst(%dma_wait3A_3505 : memref<128x64xf32, #tpu.memory_space<hbm>>)
    %dma_start3A_3509 = arith.constant 13 : i32
    %dma_start3A_3510 = arith.constant 0 : i32
    %dma_start3A_3511 = arith.constant 0 : i32
    %dma_start3A_3512 = tpu.memref_slice %arg6[%dma_start3A_3510, %dma_start3A_3511] : memref<1664x64xf32, #tpu.memory_space<vmem>> -> memref<128x64xf32, #tpu.memory_space<vmem>>
    %dma_start3A_3513 = arith.constant 0 : i32
    %dma_start3A_3514 = tpu.memref_slice %arg5[%dma_start3A_3509, %dma_start3A_3513] : memref<26x128xi32, #tpu.memory_space<vmem>> -> memref<1x128xi32, #tpu.memory_space<vmem>>
    %dma_start3A_3515 = tpu.memref_squeeze %dma_start3A_3514 : memref<1x128xi32, #tpu.memory_space<vmem>> -> memref<128xi32, #tpu.memory_space<vmem>>
    %dma_start3A_3516 = arith.constant 0 : i32
    %dma_start3A_3517 = arith.constant 0 : i32
    %dma_start3A_3518 = tpu.memref_slice %arg2[%dma_start3A_3516, %dma_start3A_3517] : memref<26000x64xf32, #tpu.memory_space<hbm>> -> memref<26000x64xf32, #tpu.memory_space<hbm>>
    tpu.enqueue_indirect_dma source(%dma_start3A_3518 : memref<26000x64xf32, #tpu.memory_space<hbm>>) target(%dma_start3A_3512 : memref<128x64xf32, #tpu.memory_space<vmem>>) offsets(%dma_start3A_3515 : memref<128xi32, #tpu.memory_space<vmem>>) semaphore(%arg7 : memref<!tpu.dma_semaphore, #tpu.memory_space<semaphore_mem>>)
    %dma_start3A_3519 = arith.constant 14 : i32
    %dma_start3A_3520 = arith.constant 128 : i32
    %dma_start3A_3521 = arith.constant 0 : i32
    %dma_start3A_3522 = tpu.memref_slice %arg6[%dma_start3A_3520, %dma_start3A_3521] : memref<1664x64xf32, #tpu.memory_space<vmem>> -> memref<128x64xf32, #tpu.memory_space<vmem>>
    %dma_start3A_3523 = arith.constant 0 : i32
    %dma_start3A_3524 = tpu.memref_slice %arg5[%dma_start3A_3519, %dma_start3A_3523] : memref<26x128xi32, #tpu.memory_space<vmem>> -> memref<1x128xi32, #tpu.memory_space<vmem>>
    %dma_start3A_3525 = tpu.memref_squeeze %dma_start3A_3524 : memref<1x128xi32, #tpu.memory_space<vmem>> -> memref<128xi32, #tpu.memory_space<vmem>>
    %dma_start3A_3526 = arith.constant 0 : i32
    %dma_start3A_3527 = arith.constant 0 : i32
    %dma_start3A_3528 = tpu.memref_slice %arg2[%dma_start3A_3526, %dma_start3A_3527] : memref<26000x64xf32, #tpu.memory_space<hbm>> -> memref<26000x64xf32, #tpu.memory_space<hbm>>
    tpu.enqueue_indirect_dma source(%dma_start3A_3528 : memref<26000x64xf32, #tpu.memory_space<hbm>>) target(%dma_start3A_3522 : memref<128x64xf32, #tpu.memory_space<vmem>>) offsets(%dma_start3A_3525 : memref<128xi32, #tpu.memory_space<vmem>>) semaphore(%arg7 : memref<!tpu.dma_semaphore, #tpu.memory_space<semaphore_mem>>)
    %dma_start3A_3529 = arith.constant 15 : i32
    %dma_start3A_3530 = arith.constant 256 : i32
    %dma_start3A_3531 = arith.constant 0 : i32
    %dma_start3A_3532 = tpu.memref_slice %arg6[%dma_start3A_3530, %dma_start3A_3531] : memref<1664x64xf32, #tpu.memory_space<vmem>> -> memref<128x64xf32, #tpu.memory_space<vmem>>
    %dma_start3A_3533 = arith.constant 0 : i32
    %dma_start3A_3534 = tpu.memref_slice %arg5[%dma_start3A_3529, %dma_start3A_3533] : memref<26x128xi32, #tpu.memory_space<vmem>> -> memref<1x128xi32, #tpu.memory_space<vmem>>
    %dma_start3A_3535 = tpu.memref_squeeze %dma_start3A_3534 : memref<1x128xi32, #tpu.memory_space<vmem>> -> memref<128xi32, #tpu.memory_space<vmem>>
    %dma_start3A_3536 = arith.constant 0 : i32
    %dma_start3A_3537 = arith.constant 0 : i32
    %dma_start3A_3538 = tpu.memref_slice %arg2[%dma_start3A_3536, %dma_start3A_3537] : memref<26000x64xf32, #tpu.memory_space<hbm>> -> memref<26000x64xf32, #tpu.memory_space<hbm>>
    tpu.enqueue_indirect_dma source(%dma_start3A_3538 : memref<26000x64xf32, #tpu.memory_space<hbm>>) target(%dma_start3A_3532 : memref<128x64xf32, #tpu.memory_space<vmem>>) offsets(%dma_start3A_3535 : memref<128xi32, #tpu.memory_space<vmem>>) semaphore(%arg7 : memref<!tpu.dma_semaphore, #tpu.memory_space<semaphore_mem>>)
    %dma_start3A_3539 = arith.constant 16 : i32
    %dma_start3A_3540 = arith.constant 384 : i32
    %dma_start3A_3541 = arith.constant 0 : i32
    %dma_start3A_3542 = tpu.memref_slice %arg6[%dma_start3A_3540, %dma_start3A_3541] : memref<1664x64xf32, #tpu.memory_space<vmem>> -> memref<128x64xf32, #tpu.memory_space<vmem>>
    %dma_start3A_3543 = arith.constant 0 : i32
    %dma_start3A_3544 = tpu.memref_slice %arg5[%dma_start3A_3539, %dma_start3A_3543] : memref<26x128xi32, #tpu.memory_space<vmem>> -> memref<1x128xi32, #tpu.memory_space<vmem>>
    %dma_start3A_3545 = tpu.memref_squeeze %dma_start3A_3544 : memref<1x128xi32, #tpu.memory_space<vmem>> -> memref<128xi32, #tpu.memory_space<vmem>>
    %dma_start3A_3546 = arith.constant 0 : i32
    %dma_start3A_3547 = arith.constant 0 : i32
    %dma_start3A_3548 = tpu.memref_slice %arg2[%dma_start3A_3546, %dma_start3A_3547] : memref<26000x64xf32, #tpu.memory_space<hbm>> -> memref<26000x64xf32, #tpu.memory_space<hbm>>
    tpu.enqueue_indirect_dma source(%dma_start3A_3548 : memref<26000x64xf32, #tpu.memory_space<hbm>>) target(%dma_start3A_3542 : memref<128x64xf32, #tpu.memory_space<vmem>>) offsets(%dma_start3A_3545 : memref<128xi32, #tpu.memory_space<vmem>>) semaphore(%arg7 : memref<!tpu.dma_semaphore, #tpu.memory_space<semaphore_mem>>)
    %dma_start3A_3549 = arith.constant 17 : i32
    %dma_start3A_3550 = arith.constant 512 : i32
    %dma_start3A_3551 = arith.constant 0 : i32
    %dma_start3A_3552 = tpu.memref_slice %arg6[%dma_start3A_3550, %dma_start3A_3551] : memref<1664x64xf32, #tpu.memory_space<vmem>> -> memref<128x64xf32, #tpu.memory_space<vmem>>
    %dma_start3A_3553 = arith.constant 0 : i32
    %dma_start3A_3554 = tpu.memref_slice %arg5[%dma_start3A_3549, %dma_start3A_3553] : memref<26x128xi32, #tpu.memory_space<vmem>> -> memref<1x128xi32, #tpu.memory_space<vmem>>
    %dma_start3A_3555 = tpu.memref_squeeze %dma_start3A_3554 : memref<1x128xi32, #tpu.memory_space<vmem>> -> memref<128xi32, #tpu.memory_space<vmem>>
    %dma_start3A_3556 = arith.constant 0 : i32
    %dma_start3A_3557 = arith.constant 0 : i32
    %dma_start3A_3558 = tpu.memref_slice %arg2[%dma_start3A_3556, %dma_start3A_3557] : memref<26000x64xf32, #tpu.memory_space<hbm>> -> memref<26000x64xf32, #tpu.memory_space<hbm>>
    tpu.enqueue_indirect_dma source(%dma_start3A_3558 : memref<26000x64xf32, #tpu.memory_space<hbm>>) target(%dma_start3A_3552 : memref<128x64xf32, #tpu.memory_space<vmem>>) offsets(%dma_start3A_3555 : memref<128xi32, #tpu.memory_space<vmem>>) semaphore(%arg7 : memref<!tpu.dma_semaphore, #tpu.memory_space<semaphore_mem>>)
    %dma_start3A_3559 = arith.constant 18 : i32
    %dma_start3A_3560 = arith.constant 640 : i32
    %dma_start3A_3561 = arith.constant 0 : i32
    %dma_start3A_3562 = tpu.memref_slice %arg6[%dma_start3A_3560, %dma_start3A_3561] : memref<1664x64xf32, #tpu.memory_space<vmem>> -> memref<128x64xf32, #tpu.memory_space<vmem>>
    %dma_start3A_3563 = arith.constant 0 : i32
    %dma_start3A_3564 = tpu.memref_slice %arg5[%dma_start3A_3559, %dma_start3A_3563] : memref<26x128xi32, #tpu.memory_space<vmem>> -> memref<1x128xi32, #tpu.memory_space<vmem>>
    %dma_start3A_3565 = tpu.memref_squeeze %dma_start3A_3564 : memref<1x128xi32, #tpu.memory_space<vmem>> -> memref<128xi32, #tpu.memory_space<vmem>>
    %dma_start3A_3566 = arith.constant 0 : i32
    %dma_start3A_3567 = arith.constant 0 : i32
    %dma_start3A_3568 = tpu.memref_slice %arg2[%dma_start3A_3566, %dma_start3A_3567] : memref<26000x64xf32, #tpu.memory_space<hbm>> -> memref<26000x64xf32, #tpu.memory_space<hbm>>
    tpu.enqueue_indirect_dma source(%dma_start3A_3568 : memref<26000x64xf32, #tpu.memory_space<hbm>>) target(%dma_start3A_3562 : memref<128x64xf32, #tpu.memory_space<vmem>>) offsets(%dma_start3A_3565 : memref<128xi32, #tpu.memory_space<vmem>>) semaphore(%arg7 : memref<!tpu.dma_semaphore, #tpu.memory_space<semaphore_mem>>)
    %dma_start3A_3569 = arith.constant 19 : i32
    %dma_start3A_3570 = arith.constant 768 : i32
    %dma_start3A_3571 = arith.constant 0 : i32
    %dma_start3A_3572 = tpu.memref_slice %arg6[%dma_start3A_3570, %dma_start3A_3571] : memref<1664x64xf32, #tpu.memory_space<vmem>> -> memref<128x64xf32, #tpu.memory_space<vmem>>
    %dma_start3A_3573 = arith.constant 0 : i32
    %dma_start3A_3574 = tpu.memref_slice %arg5[%dma_start3A_3569, %dma_start3A_3573] : memref<26x128xi32, #tpu.memory_space<vmem>> -> memref<1x128xi32, #tpu.memory_space<vmem>>
    %dma_start3A_3575 = tpu.memref_squeeze %dma_start3A_3574 : memref<1x128xi32, #tpu.memory_space<vmem>> -> memref<128xi32, #tpu.memory_space<vmem>>
    %dma_start3A_3576 = arith.constant 0 : i32
    %dma_start3A_3577 = arith.constant 0 : i32
    %dma_start3A_3578 = tpu.memref_slice %arg2[%dma_start3A_3576, %dma_start3A_3577] : memref<26000x64xf32, #tpu.memory_space<hbm>> -> memref<26000x64xf32, #tpu.memory_space<hbm>>
    tpu.enqueue_indirect_dma source(%dma_start3A_3578 : memref<26000x64xf32, #tpu.memory_space<hbm>>) target(%dma_start3A_3572 : memref<128x64xf32, #tpu.memory_space<vmem>>) offsets(%dma_start3A_3575 : memref<128xi32, #tpu.memory_space<vmem>>) semaphore(%arg7 : memref<!tpu.dma_semaphore, #tpu.memory_space<semaphore_mem>>)
    %dma_start3A_3579 = arith.constant 20 : i32
    %dma_start3A_3580 = arith.constant 896 : i32
    %dma_start3A_3581 = arith.constant 0 : i32
    %dma_start3A_3582 = tpu.memref_slice %arg6[%dma_start3A_3580, %dma_start3A_3581] : memref<1664x64xf32, #tpu.memory_space<vmem>> -> memref<128x64xf32, #tpu.memory_space<vmem>>
    %dma_start3A_3583 = arith.constant 0 : i32
    %dma_start3A_3584 = tpu.memref_slice %arg5[%dma_start3A_3579, %dma_start3A_3583] : memref<26x128xi32, #tpu.memory_space<vmem>> -> memref<1x128xi32, #tpu.memory_space<vmem>>
    %dma_start3A_3585 = tpu.memref_squeeze %dma_start3A_3584 : memref<1x128xi32, #tpu.memory_space<vmem>> -> memref<128xi32, #tpu.memory_space<vmem>>
    %dma_start3A_3586 = arith.constant 0 : i32
    %dma_start3A_3587 = arith.constant 0 : i32
    %dma_start3A_3588 = tpu.memref_slice %arg2[%dma_start3A_3586, %dma_start3A_3587] : memref<26000x64xf32, #tpu.memory_space<hbm>> -> memref<26000x64xf32, #tpu.memory_space<hbm>>
    tpu.enqueue_indirect_dma source(%dma_start3A_3588 : memref<26000x64xf32, #tpu.memory_space<hbm>>) target(%dma_start3A_3582 : memref<128x64xf32, #tpu.memory_space<vmem>>) offsets(%dma_start3A_3585 : memref<128xi32, #tpu.memory_space<vmem>>) semaphore(%arg7 : memref<!tpu.dma_semaphore, #tpu.memory_space<semaphore_mem>>)
    %dma_start3A_3589 = arith.constant 21 : i32
    %dma_start3A_3590 = arith.constant 1024 : i32
    %dma_start3A_3591 = arith.constant 0 : i32
    %dma_start3A_3592 = tpu.memref_slice %arg6[%dma_start3A_3590, %dma_start3A_3591] : memref<1664x64xf32, #tpu.memory_space<vmem>> -> memref<128x64xf32, #tpu.memory_space<vmem>>
    %dma_start3A_3593 = arith.constant 0 : i32
    %dma_start3A_3594 = tpu.memref_slice %arg5[%dma_start3A_3589, %dma_start3A_3593] : memref<26x128xi32, #tpu.memory_space<vmem>> -> memref<1x128xi32, #tpu.memory_space<vmem>>
    %dma_start3A_3595 = tpu.memref_squeeze %dma_start3A_3594 : memref<1x128xi32, #tpu.memory_space<vmem>> -> memref<128xi32, #tpu.memory_space<vmem>>
    %dma_start3A_3596 = arith.constant 0 : i32
    %dma_start3A_3597 = arith.constant 0 : i32
    %dma_start3A_3598 = tpu.memref_slice %arg2[%dma_start3A_3596, %dma_start3A_3597] : memref<26000x64xf32, #tpu.memory_space<hbm>> -> memref<26000x64xf32, #tpu.memory_space<hbm>>
    tpu.enqueue_indirect_dma source(%dma_start3A_3598 : memref<26000x64xf32, #tpu.memory_space<hbm>>) target(%dma_start3A_3592 : memref<128x64xf32, #tpu.memory_space<vmem>>) offsets(%dma_start3A_3595 : memref<128xi32, #tpu.memory_space<vmem>>) semaphore(%arg7 : memref<!tpu.dma_semaphore, #tpu.memory_space<semaphore_mem>>)
    %dma_start3A_3599 = arith.constant 22 : i32
    %dma_start3A_3600 = arith.constant 1152 : i32
    %dma_start3A_3601 = arith.constant 0 : i32
    %dma_start3A_3602 = tpu.memref_slice %arg6[%dma_start3A_3600, %dma_start3A_3601] : memref<1664x64xf32, #tpu.memory_space<vmem>> -> memref<128x64xf32, #tpu.memory_space<vmem>>
    %dma_start3A_3603 = arith.constant 0 : i32
    %dma_start3A_3604 = tpu.memref_slice %arg5[%dma_start3A_3599, %dma_start3A_3603] : memref<26x128xi32, #tpu.memory_space<vmem>> -> memref<1x128xi32, #tpu.memory_space<vmem>>
    %dma_start3A_3605 = tpu.memref_squeeze %dma_start3A_3604 : memref<1x128xi32, #tpu.memory_space<vmem>> -> memref<128xi32, #tpu.memory_space<vmem>>
    %dma_start3A_3606 = arith.constant 0 : i32
    %dma_start3A_3607 = arith.constant 0 : i32
    %dma_start3A_3608 = tpu.memref_slice %arg2[%dma_start3A_3606, %dma_start3A_3607] : memref<26000x64xf32, #tpu.memory_space<hbm>> -> memref<26000x64xf32, #tpu.memory_space<hbm>>
    tpu.enqueue_indirect_dma source(%dma_start3A_3608 : memref<26000x64xf32, #tpu.memory_space<hbm>>) target(%dma_start3A_3602 : memref<128x64xf32, #tpu.memory_space<vmem>>) offsets(%dma_start3A_3605 : memref<128xi32, #tpu.memory_space<vmem>>) semaphore(%arg7 : memref<!tpu.dma_semaphore, #tpu.memory_space<semaphore_mem>>)
    %dma_start3A_3609 = arith.constant 23 : i32
    %dma_start3A_3610 = arith.constant 1280 : i32
    %dma_start3A_3611 = arith.constant 0 : i32
    %dma_start3A_3612 = tpu.memref_slice %arg6[%dma_start3A_3610, %dma_start3A_3611] : memref<1664x64xf32, #tpu.memory_space<vmem>> -> memref<128x64xf32, #tpu.memory_space<vmem>>
    %dma_start3A_3613 = arith.constant 0 : i32
    %dma_start3A_3614 = tpu.memref_slice %arg5[%dma_start3A_3609, %dma_start3A_3613] : memref<26x128xi32, #tpu.memory_space<vmem>> -> memref<1x128xi32, #tpu.memory_space<vmem>>
    %dma_start3A_3615 = tpu.memref_squeeze %dma_start3A_3614 : memref<1x128xi32, #tpu.memory_space<vmem>> -> memref<128xi32, #tpu.memory_space<vmem>>
    %dma_start3A_3616 = arith.constant 0 : i32
    %dma_start3A_3617 = arith.constant 0 : i32
    %dma_start3A_3618 = tpu.memref_slice %arg2[%dma_start3A_3616, %dma_start3A_3617] : memref<26000x64xf32, #tpu.memory_space<hbm>> -> memref<26000x64xf32, #tpu.memory_space<hbm>>
    tpu.enqueue_indirect_dma source(%dma_start3A_3618 : memref<26000x64xf32, #tpu.memory_space<hbm>>) target(%dma_start3A_3612 : memref<128x64xf32, #tpu.memory_space<vmem>>) offsets(%dma_start3A_3615 : memref<128xi32, #tpu.memory_space<vmem>>) semaphore(%arg7 : memref<!tpu.dma_semaphore, #tpu.memory_space<semaphore_mem>>)
    %dma_start3A_3619 = arith.constant 24 : i32
    %dma_start3A_3620 = arith.constant 1408 : i32
    %dma_start3A_3621 = arith.constant 0 : i32
    %dma_start3A_3622 = tpu.memref_slice %arg6[%dma_start3A_3620, %dma_start3A_3621] : memref<1664x64xf32, #tpu.memory_space<vmem>> -> memref<128x64xf32, #tpu.memory_space<vmem>>
    %dma_start3A_3623 = arith.constant 0 : i32
    %dma_start3A_3624 = tpu.memref_slice %arg5[%dma_start3A_3619, %dma_start3A_3623] : memref<26x128xi32, #tpu.memory_space<vmem>> -> memref<1x128xi32, #tpu.memory_space<vmem>>
    %dma_start3A_3625 = tpu.memref_squeeze %dma_start3A_3624 : memref<1x128xi32, #tpu.memory_space<vmem>> -> memref<128xi32, #tpu.memory_space<vmem>>
    %dma_start3A_3626 = arith.constant 0 : i32
    %dma_start3A_3627 = arith.constant 0 : i32
    %dma_start3A_3628 = tpu.memref_slice %arg2[%dma_start3A_3626, %dma_start3A_3627] : memref<26000x64xf32, #tpu.memory_space<hbm>> -> memref<26000x64xf32, #tpu.memory_space<hbm>>
    tpu.enqueue_indirect_dma source(%dma_start3A_3628 : memref<26000x64xf32, #tpu.memory_space<hbm>>) target(%dma_start3A_3622 : memref<128x64xf32, #tpu.memory_space<vmem>>) offsets(%dma_start3A_3625 : memref<128xi32, #tpu.memory_space<vmem>>) semaphore(%arg7 : memref<!tpu.dma_semaphore, #tpu.memory_space<semaphore_mem>>)
    %dma_start3A_3629 = arith.constant 25 : i32
    %dma_start3A_3630 = arith.constant 1536 : i32
    %dma_start3A_3631 = arith.constant 0 : i32
    %dma_start3A_3632 = tpu.memref_slice %arg6[%dma_start3A_3630, %dma_start3A_3631] : memref<1664x64xf32, #tpu.memory_space<vmem>> -> memref<128x64xf32, #tpu.memory_space<vmem>>
    %dma_start3A_3633 = arith.constant 0 : i32
    %dma_start3A_3634 = tpu.memref_slice %arg5[%dma_start3A_3629, %dma_start3A_3633] : memref<26x128xi32, #tpu.memory_space<vmem>> -> memref<1x128xi32, #tpu.memory_space<vmem>>
    %dma_start3A_3635 = tpu.memref_squeeze %dma_start3A_3634 : memref<1x128xi32, #tpu.memory_space<vmem>> -> memref<128xi32, #tpu.memory_space<vmem>>
    %dma_start3A_3636 = arith.constant 0 : i32
    %dma_start3A_3637 = arith.constant 0 : i32
    %dma_start3A_3638 = tpu.memref_slice %arg2[%dma_start3A_3636, %dma_start3A_3637] : memref<26000x64xf32, #tpu.memory_space<hbm>> -> memref<26000x64xf32, #tpu.memory_space<hbm>>
    tpu.enqueue_indirect_dma source(%dma_start3A_3638 : memref<26000x64xf32, #tpu.memory_space<hbm>>) target(%dma_start3A_3632 : memref<128x64xf32, #tpu.memory_space<vmem>>) offsets(%dma_start3A_3635 : memref<128xi32, #tpu.memory_space<vmem>>) semaphore(%arg7 : memref<!tpu.dma_semaphore, #tpu.memory_space<semaphore_mem>>)
    %dma_wait3A_3639 = arith.constant 13 : i32
    %dma_wait3A_3640 = arith.constant 0 : i32
    %dma_wait3A_3641 = arith.constant 0 : i32
    %dma_wait3A_3642 = tpu.memref_slice %arg6[%dma_wait3A_3640, %dma_wait3A_3641] : memref<1664x64xf32, #tpu.memory_space<vmem>> -> memref<128x64xf32, #tpu.memory_space<vmem>>
    %dma_wait3A_3643 = arith.constant 0 : i32
    %dma_wait3A_3644 = tpu.memref_slice %arg5[%dma_wait3A_3639, %dma_wait3A_3643] : memref<26x128xi32, #tpu.memory_space<vmem>> -> memref<1x128xi32, #tpu.memory_space<vmem>>
    %dma_wait3A_3645 = tpu.memref_squeeze %dma_wait3A_3644 : memref<1x128xi32, #tpu.memory_space<vmem>> -> memref<128xi32, #tpu.memory_space<vmem>>
    %dma_wait3A_3646 = arith.constant 0 : i32
    %dma_wait3A_3647 = arith.constant 0 : i32
    %dma_wait3A_3648 = tpu.memref_slice %arg2[%dma_wait3A_3646, %dma_wait3A_3647] : memref<26000x64xf32, #tpu.memory_space<hbm>> -> memref<26000x64xf32, #tpu.memory_space<hbm>>
    tpu.wait_indirect_dma semaphore(%arg7 : memref<!tpu.dma_semaphore, #tpu.memory_space<semaphore_mem>>) src(%dma_wait3A_3648 : memref<26000x64xf32, #tpu.memory_space<hbm>>) dst(%dma_wait3A_3642 : memref<128x64xf32, #tpu.memory_space<vmem>>)
    %dma_start3A_3649 = arith.constant 6 : i32
    %dma_start3A_3650 = arith.constant 0 : i32
    %dma_start3A_3651 = arith.constant 0 : i32
    %dma_start3A_3652 = tpu.memref_slice %arg6[%dma_start3A_3650, %dma_start3A_3651] : memref<1664x64xf32, #tpu.memory_space<vmem>> -> memref<128x64xf32, #tpu.memory_space<vmem>>
    %dma_start3A_3653 = arith.constant 64 : i32
    %dma_start3A_3654 = tpu.memref_slice %arg4[%dma_start3A_3649, %mul3A_2912, %dma_start3A_3653] : memref<13x4096x128xf32, #tpu.memory_space<hbm>> -> memref<1x128x64xf32, #tpu.memory_space<hbm>>
    %dma_start3A_3655 = tpu.memref_squeeze %dma_start3A_3654 : memref<1x128x64xf32, #tpu.memory_space<hbm>> -> memref<128x64xf32, #tpu.memory_space<hbm>>
    %dma_start3A_3656 = arith.constant 64 : i32
    %dma_start3A_3657 = tpu.memref_slice %arg4[%dma_start3A_3649, %mul3A_2912, %dma_start3A_3656] : memref<13x4096x128xf32, #tpu.memory_space<hbm>> -> memref<1x128x64xf32, #tpu.memory_space<hbm>>
    %dma_start3A_3658 = tpu.memref_squeeze %dma_start3A_3657 : memref<1x128x64xf32, #tpu.memory_space<hbm>> -> memref<128x64xf32, #tpu.memory_space<hbm>>
    %dma_start3A_3659 = arith.constant 0 : i32
    %dma_start3A_3660 = arith.constant 0 : i32
    %dma_start3A_3661 = tpu.memref_slice %arg6[%dma_start3A_3659, %dma_start3A_3660] : memref<1664x64xf32, #tpu.memory_space<vmem>> -> memref<128x64xf32, #tpu.memory_space<vmem>>
    tpu.enqueue_dma source(%dma_start3A_3661 : memref<128x64xf32, #tpu.memory_space<vmem>>) target(%dma_start3A_3658 : memref<128x64xf32, #tpu.memory_space<hbm>>) target_semaphore(%arg8 : memref<!tpu.dma_semaphore, #tpu.memory_space<semaphore_mem>>)
    %dma_wait3A_3662 = arith.constant 14 : i32
    %dma_wait3A_3663 = arith.constant 128 : i32
    %dma_wait3A_3664 = arith.constant 0 : i32
    %dma_wait3A_3665 = tpu.memref_slice %arg6[%dma_wait3A_3663, %dma_wait3A_3664] : memref<1664x64xf32, #tpu.memory_space<vmem>> -> memref<128x64xf32, #tpu.memory_space<vmem>>
    %dma_wait3A_3666 = arith.constant 0 : i32
    %dma_wait3A_3667 = tpu.memref_slice %arg5[%dma_wait3A_3662, %dma_wait3A_3666] : memref<26x128xi32, #tpu.memory_space<vmem>> -> memref<1x128xi32, #tpu.memory_space<vmem>>
    %dma_wait3A_3668 = tpu.memref_squeeze %dma_wait3A_3667 : memref<1x128xi32, #tpu.memory_space<vmem>> -> memref<128xi32, #tpu.memory_space<vmem>>
    %dma_wait3A_3669 = arith.constant 0 : i32
    %dma_wait3A_3670 = arith.constant 0 : i32
    %dma_wait3A_3671 = tpu.memref_slice %arg2[%dma_wait3A_3669, %dma_wait3A_3670] : memref<26000x64xf32, #tpu.memory_space<hbm>> -> memref<26000x64xf32, #tpu.memory_space<hbm>>
    tpu.wait_indirect_dma semaphore(%arg7 : memref<!tpu.dma_semaphore, #tpu.memory_space<semaphore_mem>>) src(%dma_wait3A_3671 : memref<26000x64xf32, #tpu.memory_space<hbm>>) dst(%dma_wait3A_3665 : memref<128x64xf32, #tpu.memory_space<vmem>>)
    %dma_start3A_3672 = arith.constant 7 : i32
    %dma_start3A_3673 = arith.constant 128 : i32
    %dma_start3A_3674 = arith.constant 0 : i32
    %dma_start3A_3675 = tpu.memref_slice %arg6[%dma_start3A_3673, %dma_start3A_3674] : memref<1664x64xf32, #tpu.memory_space<vmem>> -> memref<128x64xf32, #tpu.memory_space<vmem>>
    %dma_start3A_3676 = arith.constant 0 : i32
    %dma_start3A_3677 = tpu.memref_slice %arg4[%dma_start3A_3672, %mul3A_2912, %dma_start3A_3676] : memref<13x4096x128xf32, #tpu.memory_space<hbm>> -> memref<1x128x64xf32, #tpu.memory_space<hbm>>
    %dma_start3A_3678 = tpu.memref_squeeze %dma_start3A_3677 : memref<1x128x64xf32, #tpu.memory_space<hbm>> -> memref<128x64xf32, #tpu.memory_space<hbm>>
    %dma_start3A_3679 = arith.constant 0 : i32
    %dma_start3A_3680 = tpu.memref_slice %arg4[%dma_start3A_3672, %mul3A_2912, %dma_start3A_3679] : memref<13x4096x128xf32, #tpu.memory_space<hbm>> -> memref<1x128x64xf32, #tpu.memory_space<hbm>>
    %dma_start3A_3681 = tpu.memref_squeeze %dma_start3A_3680 : memref<1x128x64xf32, #tpu.memory_space<hbm>> -> memref<128x64xf32, #tpu.memory_space<hbm>>
    %dma_start3A_3682 = arith.constant 128 : i32
    %dma_start3A_3683 = arith.constant 0 : i32
    %dma_start3A_3684 = tpu.memref_slice %arg6[%dma_start3A_3682, %dma_start3A_3683] : memref<1664x64xf32, #tpu.memory_space<vmem>> -> memref<128x64xf32, #tpu.memory_space<vmem>>
    tpu.enqueue_dma source(%dma_start3A_3684 : memref<128x64xf32, #tpu.memory_space<vmem>>) target(%dma_start3A_3681 : memref<128x64xf32, #tpu.memory_space<hbm>>) target_semaphore(%arg8 : memref<!tpu.dma_semaphore, #tpu.memory_space<semaphore_mem>>)
    %dma_wait3A_3685 = arith.constant 15 : i32
    %dma_wait3A_3686 = arith.constant 256 : i32
    %dma_wait3A_3687 = arith.constant 0 : i32
    %dma_wait3A_3688 = tpu.memref_slice %arg6[%dma_wait3A_3686, %dma_wait3A_3687] : memref<1664x64xf32, #tpu.memory_space<vmem>> -> memref<128x64xf32, #tpu.memory_space<vmem>>
    %dma_wait3A_3689 = arith.constant 0 : i32
    %dma_wait3A_3690 = tpu.memref_slice %arg5[%dma_wait3A_3685, %dma_wait3A_3689] : memref<26x128xi32, #tpu.memory_space<vmem>> -> memref<1x128xi32, #tpu.memory_space<vmem>>
    %dma_wait3A_3691 = tpu.memref_squeeze %dma_wait3A_3690 : memref<1x128xi32, #tpu.memory_space<vmem>> -> memref<128xi32, #tpu.memory_space<vmem>>
    %dma_wait3A_3692 = arith.constant 0 : i32
    %dma_wait3A_3693 = arith.constant 0 : i32
    %dma_wait3A_3694 = tpu.memref_slice %arg2[%dma_wait3A_3692, %dma_wait3A_3693] : memref<26000x64xf32, #tpu.memory_space<hbm>> -> memref<26000x64xf32, #tpu.memory_space<hbm>>
    tpu.wait_indirect_dma semaphore(%arg7 : memref<!tpu.dma_semaphore, #tpu.memory_space<semaphore_mem>>) src(%dma_wait3A_3694 : memref<26000x64xf32, #tpu.memory_space<hbm>>) dst(%dma_wait3A_3688 : memref<128x64xf32, #tpu.memory_space<vmem>>)
    %dma_start3A_3695 = arith.constant 7 : i32
    %dma_start3A_3696 = arith.constant 256 : i32
    %dma_start3A_3697 = arith.constant 0 : i32
    %dma_start3A_3698 = tpu.memref_slice %arg6[%dma_start3A_3696, %dma_start3A_3697] : memref<1664x64xf32, #tpu.memory_space<vmem>> -> memref<128x64xf32, #tpu.memory_space<vmem>>
    %dma_start3A_3699 = arith.constant 64 : i32
    %dma_start3A_3700 = tpu.memref_slice %arg4[%dma_start3A_3695, %mul3A_2912, %dma_start3A_3699] : memref<13x4096x128xf32, #tpu.memory_space<hbm>> -> memref<1x128x64xf32, #tpu.memory_space<hbm>>
    %dma_start3A_3701 = tpu.memref_squeeze %dma_start3A_3700 : memref<1x128x64xf32, #tpu.memory_space<hbm>> -> memref<128x64xf32, #tpu.memory_space<hbm>>
    %dma_start3A_3702 = arith.constant 64 : i32
    %dma_start3A_3703 = tpu.memref_slice %arg4[%dma_start3A_3695, %mul3A_2912, %dma_start3A_3702] : memref<13x4096x128xf32, #tpu.memory_space<hbm>> -> memref<1x128x64xf32, #tpu.memory_space<hbm>>
    %dma_start3A_3704 = tpu.memref_squeeze %dma_start3A_3703 : memref<1x128x64xf32, #tpu.memory_space<hbm>> -> memref<128x64xf32, #tpu.memory_space<hbm>>
    %dma_start3A_3705 = arith.constant 256 : i32
    %dma_start3A_3706 = arith.constant 0 : i32
    %dma_start3A_3707 = tpu.memref_slice %arg6[%dma_start3A_3705, %dma_start3A_3706] : memref<1664x64xf32, #tpu.memory_space<vmem>> -> memref<128x64xf32, #tpu.memory_space<vmem>>
    tpu.enqueue_dma source(%dma_start3A_3707 : memref<128x64xf32, #tpu.memory_space<vmem>>) target(%dma_start3A_3704 : memref<128x64xf32, #tpu.memory_space<hbm>>) target_semaphore(%arg8 : memref<!tpu.dma_semaphore, #tpu.memory_space<semaphore_mem>>)
    %dma_wait3A_3708 = arith.constant 16 : i32
    %dma_wait3A_3709 = arith.constant 384 : i32
    %dma_wait3A_3710 = arith.constant 0 : i32
    %dma_wait3A_3711 = tpu.memref_slice %arg6[%dma_wait3A_3709, %dma_wait3A_3710] : memref<1664x64xf32, #tpu.memory_space<vmem>> -> memref<128x64xf32, #tpu.memory_space<vmem>>
    %dma_wait3A_3712 = arith.constant 0 : i32
    %dma_wait3A_3713 = tpu.memref_slice %arg5[%dma_wait3A_3708, %dma_wait3A_3712] : memref<26x128xi32, #tpu.memory_space<vmem>> -> memref<1x128xi32, #tpu.memory_space<vmem>>
    %dma_wait3A_3714 = tpu.memref_squeeze %dma_wait3A_3713 : memref<1x128xi32, #tpu.memory_space<vmem>> -> memref<128xi32, #tpu.memory_space<vmem>>
    %dma_wait3A_3715 = arith.constant 0 : i32
    %dma_wait3A_3716 = arith.constant 0 : i32
    %dma_wait3A_3717 = tpu.memref_slice %arg2[%dma_wait3A_3715, %dma_wait3A_3716] : memref<26000x64xf32, #tpu.memory_space<hbm>> -> memref<26000x64xf32, #tpu.memory_space<hbm>>
    tpu.wait_indirect_dma semaphore(%arg7 : memref<!tpu.dma_semaphore, #tpu.memory_space<semaphore_mem>>) src(%dma_wait3A_3717 : memref<26000x64xf32, #tpu.memory_space<hbm>>) dst(%dma_wait3A_3711 : memref<128x64xf32, #tpu.memory_space<vmem>>)
    %dma_start3A_3718 = arith.constant 8 : i32
    %dma_start3A_3719 = arith.constant 384 : i32
    %dma_start3A_3720 = arith.constant 0 : i32
    %dma_start3A_3721 = tpu.memref_slice %arg6[%dma_start3A_3719, %dma_start3A_3720] : memref<1664x64xf32, #tpu.memory_space<vmem>> -> memref<128x64xf32, #tpu.memory_space<vmem>>
    %dma_start3A_3722 = arith.constant 0 : i32
    %dma_start3A_3723 = tpu.memref_slice %arg4[%dma_start3A_3718, %mul3A_2912, %dma_start3A_3722] : memref<13x4096x128xf32, #tpu.memory_space<hbm>> -> memref<1x128x64xf32, #tpu.memory_space<hbm>>
    %dma_start3A_3724 = tpu.memref_squeeze %dma_start3A_3723 : memref<1x128x64xf32, #tpu.memory_space<hbm>> -> memref<128x64xf32, #tpu.memory_space<hbm>>
    %dma_start3A_3725 = arith.constant 0 : i32
    %dma_start3A_3726 = tpu.memref_slice %arg4[%dma_start3A_3718, %mul3A_2912, %dma_start3A_3725] : memref<13x4096x128xf32, #tpu.memory_space<hbm>> -> memref<1x128x64xf32, #tpu.memory_space<hbm>>
    %dma_start3A_3727 = tpu.memref_squeeze %dma_start3A_3726 : memref<1x128x64xf32, #tpu.memory_space<hbm>> -> memref<128x64xf32, #tpu.memory_space<hbm>>
    %dma_start3A_3728 = arith.constant 384 : i32
    %dma_start3A_3729 = arith.constant 0 : i32
    %dma_start3A_3730 = tpu.memref_slice %arg6[%dma_start3A_3728, %dma_start3A_3729] : memref<1664x64xf32, #tpu.memory_space<vmem>> -> memref<128x64xf32, #tpu.memory_space<vmem>>
    tpu.enqueue_dma source(%dma_start3A_3730 : memref<128x64xf32, #tpu.memory_space<vmem>>) target(%dma_start3A_3727 : memref<128x64xf32, #tpu.memory_space<hbm>>) target_semaphore(%arg8 : memref<!tpu.dma_semaphore, #tpu.memory_space<semaphore_mem>>)
    %dma_wait3A_3731 = arith.constant 17 : i32
    %dma_wait3A_3732 = arith.constant 512 : i32
    %dma_wait3A_3733 = arith.constant 0 : i32
    %dma_wait3A_3734 = tpu.memref_slice %arg6[%dma_wait3A_3732, %dma_wait3A_3733] : memref<1664x64xf32, #tpu.memory_space<vmem>> -> memref<128x64xf32, #tpu.memory_space<vmem>>
    %dma_wait3A_3735 = arith.constant 0 : i32
    %dma_wait3A_3736 = tpu.memref_slice %arg5[%dma_wait3A_3731, %dma_wait3A_3735] : memref<26x128xi32, #tpu.memory_space<vmem>> -> memref<1x128xi32, #tpu.memory_space<vmem>>
    %dma_wait3A_3737 = tpu.memref_squeeze %dma_wait3A_3736 : memref<1x128xi32, #tpu.memory_space<vmem>> -> memref<128xi32, #tpu.memory_space<vmem>>
    %dma_wait3A_3738 = arith.constant 0 : i32
    %dma_wait3A_3739 = arith.constant 0 : i32
    %dma_wait3A_3740 = tpu.memref_slice %arg2[%dma_wait3A_3738, %dma_wait3A_3739] : memref<26000x64xf32, #tpu.memory_space<hbm>> -> memref<26000x64xf32, #tpu.memory_space<hbm>>
    tpu.wait_indirect_dma semaphore(%arg7 : memref<!tpu.dma_semaphore, #tpu.memory_space<semaphore_mem>>) src(%dma_wait3A_3740 : memref<26000x64xf32, #tpu.memory_space<hbm>>) dst(%dma_wait3A_3734 : memref<128x64xf32, #tpu.memory_space<vmem>>)
    %dma_start3A_3741 = arith.constant 8 : i32
    %dma_start3A_3742 = arith.constant 512 : i32
    %dma_start3A_3743 = arith.constant 0 : i32
    %dma_start3A_3744 = tpu.memref_slice %arg6[%dma_start3A_3742, %dma_start3A_3743] : memref<1664x64xf32, #tpu.memory_space<vmem>> -> memref<128x64xf32, #tpu.memory_space<vmem>>
    %dma_start3A_3745 = arith.constant 64 : i32
    %dma_start3A_3746 = tpu.memref_slice %arg4[%dma_start3A_3741, %mul3A_2912, %dma_start3A_3745] : memref<13x4096x128xf32, #tpu.memory_space<hbm>> -> memref<1x128x64xf32, #tpu.memory_space<hbm>>
    %dma_start3A_3747 = tpu.memref_squeeze %dma_start3A_3746 : memref<1x128x64xf32, #tpu.memory_space<hbm>> -> memref<128x64xf32, #tpu.memory_space<hbm>>
    %dma_start3A_3748 = arith.constant 64 : i32
    %dma_start3A_3749 = tpu.memref_slice %arg4[%dma_start3A_3741, %mul3A_2912, %dma_start3A_3748] : memref<13x4096x128xf32, #tpu.memory_space<hbm>> -> memref<1x128x64xf32, #tpu.memory_space<hbm>>
    %dma_start3A_3750 = tpu.memref_squeeze %dma_start3A_3749 : memref<1x128x64xf32, #tpu.memory_space<hbm>> -> memref<128x64xf32, #tpu.memory_space<hbm>>
    %dma_start3A_3751 = arith.constant 512 : i32
    %dma_start3A_3752 = arith.constant 0 : i32
    %dma_start3A_3753 = tpu.memref_slice %arg6[%dma_start3A_3751, %dma_start3A_3752] : memref<1664x64xf32, #tpu.memory_space<vmem>> -> memref<128x64xf32, #tpu.memory_space<vmem>>
    tpu.enqueue_dma source(%dma_start3A_3753 : memref<128x64xf32, #tpu.memory_space<vmem>>) target(%dma_start3A_3750 : memref<128x64xf32, #tpu.memory_space<hbm>>) target_semaphore(%arg8 : memref<!tpu.dma_semaphore, #tpu.memory_space<semaphore_mem>>)
    %dma_wait3A_3754 = arith.constant 18 : i32
    %dma_wait3A_3755 = arith.constant 640 : i32
    %dma_wait3A_3756 = arith.constant 0 : i32
    %dma_wait3A_3757 = tpu.memref_slice %arg6[%dma_wait3A_3755, %dma_wait3A_3756] : memref<1664x64xf32, #tpu.memory_space<vmem>> -> memref<128x64xf32, #tpu.memory_space<vmem>>
    %dma_wait3A_3758 = arith.constant 0 : i32
    %dma_wait3A_3759 = tpu.memref_slice %arg5[%dma_wait3A_3754, %dma_wait3A_3758] : memref<26x128xi32, #tpu.memory_space<vmem>> -> memref<1x128xi32, #tpu.memory_space<vmem>>
    %dma_wait3A_3760 = tpu.memref_squeeze %dma_wait3A_3759 : memref<1x128xi32, #tpu.memory_space<vmem>> -> memref<128xi32, #tpu.memory_space<vmem>>
    %dma_wait3A_3761 = arith.constant 0 : i32
    %dma_wait3A_3762 = arith.constant 0 : i32
    %dma_wait3A_3763 = tpu.memref_slice %arg2[%dma_wait3A_3761, %dma_wait3A_3762] : memref<26000x64xf32, #tpu.memory_space<hbm>> -> memref<26000x64xf32, #tpu.memory_space<hbm>>
    tpu.wait_indirect_dma semaphore(%arg7 : memref<!tpu.dma_semaphore, #tpu.memory_space<semaphore_mem>>) src(%dma_wait3A_3763 : memref<26000x64xf32, #tpu.memory_space<hbm>>) dst(%dma_wait3A_3757 : memref<128x64xf32, #tpu.memory_space<vmem>>)
    %dma_start3A_3764 = arith.constant 9 : i32
    %dma_start3A_3765 = arith.constant 640 : i32
    %dma_start3A_3766 = arith.constant 0 : i32
    %dma_start3A_3767 = tpu.memref_slice %arg6[%dma_start3A_3765, %dma_start3A_3766] : memref<1664x64xf32, #tpu.memory_space<vmem>> -> memref<128x64xf32, #tpu.memory_space<vmem>>
    %dma_start3A_3768 = arith.constant 0 : i32
    %dma_start3A_3769 = tpu.memref_slice %arg4[%dma_start3A_3764, %mul3A_2912, %dma_start3A_3768] : memref<13x4096x128xf32, #tpu.memory_space<hbm>> -> memref<1x128x64xf32, #tpu.memory_space<hbm>>
    %dma_start3A_3770 = tpu.memref_squeeze %dma_start3A_3769 : memref<1x128x64xf32, #tpu.memory_space<hbm>> -> memref<128x64xf32, #tpu.memory_space<hbm>>
    %dma_start3A_3771 = arith.constant 0 : i32
    %dma_start3A_3772 = tpu.memref_slice %arg4[%dma_start3A_3764, %mul3A_2912, %dma_start3A_3771] : memref<13x4096x128xf32, #tpu.memory_space<hbm>> -> memref<1x128x64xf32, #tpu.memory_space<hbm>>
    %dma_start3A_3773 = tpu.memref_squeeze %dma_start3A_3772 : memref<1x128x64xf32, #tpu.memory_space<hbm>> -> memref<128x64xf32, #tpu.memory_space<hbm>>
    %dma_start3A_3774 = arith.constant 640 : i32
    %dma_start3A_3775 = arith.constant 0 : i32
    %dma_start3A_3776 = tpu.memref_slice %arg6[%dma_start3A_3774, %dma_start3A_3775] : memref<1664x64xf32, #tpu.memory_space<vmem>> -> memref<128x64xf32, #tpu.memory_space<vmem>>
    tpu.enqueue_dma source(%dma_start3A_3776 : memref<128x64xf32, #tpu.memory_space<vmem>>) target(%dma_start3A_3773 : memref<128x64xf32, #tpu.memory_space<hbm>>) target_semaphore(%arg8 : memref<!tpu.dma_semaphore, #tpu.memory_space<semaphore_mem>>)
    %dma_wait3A_3777 = arith.constant 19 : i32
    %dma_wait3A_3778 = arith.constant 768 : i32
    %dma_wait3A_3779 = arith.constant 0 : i32
    %dma_wait3A_3780 = tpu.memref_slice %arg6[%dma_wait3A_3778, %dma_wait3A_3779] : memref<1664x64xf32, #tpu.memory_space<vmem>> -> memref<128x64xf32, #tpu.memory_space<vmem>>
    %dma_wait3A_3781 = arith.constant 0 : i32
    %dma_wait3A_3782 = tpu.memref_slice %arg5[%dma_wait3A_3777, %dma_wait3A_3781] : memref<26x128xi32, #tpu.memory_space<vmem>> -> memref<1x128xi32, #tpu.memory_space<vmem>>
    %dma_wait3A_3783 = tpu.memref_squeeze %dma_wait3A_3782 : memref<1x128xi32, #tpu.memory_space<vmem>> -> memref<128xi32, #tpu.memory_space<vmem>>
    %dma_wait3A_3784 = arith.constant 0 : i32
    %dma_wait3A_3785 = arith.constant 0 : i32
    %dma_wait3A_3786 = tpu.memref_slice %arg2[%dma_wait3A_3784, %dma_wait3A_3785] : memref<26000x64xf32, #tpu.memory_space<hbm>> -> memref<26000x64xf32, #tpu.memory_space<hbm>>
    tpu.wait_indirect_dma semaphore(%arg7 : memref<!tpu.dma_semaphore, #tpu.memory_space<semaphore_mem>>) src(%dma_wait3A_3786 : memref<26000x64xf32, #tpu.memory_space<hbm>>) dst(%dma_wait3A_3780 : memref<128x64xf32, #tpu.memory_space<vmem>>)
    %dma_start3A_3787 = arith.constant 9 : i32
    %dma_start3A_3788 = arith.constant 768 : i32
    %dma_start3A_3789 = arith.constant 0 : i32
    %dma_start3A_3790 = tpu.memref_slice %arg6[%dma_start3A_3788, %dma_start3A_3789] : memref<1664x64xf32, #tpu.memory_space<vmem>> -> memref<128x64xf32, #tpu.memory_space<vmem>>
    %dma_start3A_3791 = arith.constant 64 : i32
    %dma_start3A_3792 = tpu.memref_slice %arg4[%dma_start3A_3787, %mul3A_2912, %dma_start3A_3791] : memref<13x4096x128xf32, #tpu.memory_space<hbm>> -> memref<1x128x64xf32, #tpu.memory_space<hbm>>
    %dma_start3A_3793 = tpu.memref_squeeze %dma_start3A_3792 : memref<1x128x64xf32, #tpu.memory_space<hbm>> -> memref<128x64xf32, #tpu.memory_space<hbm>>
    %dma_start3A_3794 = arith.constant 64 : i32
    %dma_start3A_3795 = tpu.memref_slice %arg4[%dma_start3A_3787, %mul3A_2912, %dma_start3A_3794] : memref<13x4096x128xf32, #tpu.memory_space<hbm>> -> memref<1x128x64xf32, #tpu.memory_space<hbm>>
    %dma_start3A_3796 = tpu.memref_squeeze %dma_start3A_3795 : memref<1x128x64xf32, #tpu.memory_space<hbm>> -> memref<128x64xf32, #tpu.memory_space<hbm>>
    %dma_start3A_3797 = arith.constant 768 : i32
    %dma_start3A_3798 = arith.constant 0 : i32
    %dma_start3A_3799 = tpu.memref_slice %arg6[%dma_start3A_3797, %dma_start3A_3798] : memref<1664x64xf32, #tpu.memory_space<vmem>> -> memref<128x64xf32, #tpu.memory_space<vmem>>
    tpu.enqueue_dma source(%dma_start3A_3799 : memref<128x64xf32, #tpu.memory_space<vmem>>) target(%dma_start3A_3796 : memref<128x64xf32, #tpu.memory_space<hbm>>) target_semaphore(%arg8 : memref<!tpu.dma_semaphore, #tpu.memory_space<semaphore_mem>>)
    %dma_wait3A_3800 = arith.constant 20 : i32
    %dma_wait3A_3801 = arith.constant 896 : i32
    %dma_wait3A_3802 = arith.constant 0 : i32
    %dma_wait3A_3803 = tpu.memref_slice %arg6[%dma_wait3A_3801, %dma_wait3A_3802] : memref<1664x64xf32, #tpu.memory_space<vmem>> -> memref<128x64xf32, #tpu.memory_space<vmem>>
    %dma_wait3A_3804 = arith.constant 0 : i32
    %dma_wait3A_3805 = tpu.memref_slice %arg5[%dma_wait3A_3800, %dma_wait3A_3804] : memref<26x128xi32, #tpu.memory_space<vmem>> -> memref<1x128xi32, #tpu.memory_space<vmem>>
    %dma_wait3A_3806 = tpu.memref_squeeze %dma_wait3A_3805 : memref<1x128xi32, #tpu.memory_space<vmem>> -> memref<128xi32, #tpu.memory_space<vmem>>
    %dma_wait3A_3807 = arith.constant 0 : i32
    %dma_wait3A_3808 = arith.constant 0 : i32
    %dma_wait3A_3809 = tpu.memref_slice %arg2[%dma_wait3A_3807, %dma_wait3A_3808] : memref<26000x64xf32, #tpu.memory_space<hbm>> -> memref<26000x64xf32, #tpu.memory_space<hbm>>
    tpu.wait_indirect_dma semaphore(%arg7 : memref<!tpu.dma_semaphore, #tpu.memory_space<semaphore_mem>>) src(%dma_wait3A_3809 : memref<26000x64xf32, #tpu.memory_space<hbm>>) dst(%dma_wait3A_3803 : memref<128x64xf32, #tpu.memory_space<vmem>>)
    %dma_start3A_3810 = arith.constant 10 : i32
    %dma_start3A_3811 = arith.constant 896 : i32
    %dma_start3A_3812 = arith.constant 0 : i32
    %dma_start3A_3813 = tpu.memref_slice %arg6[%dma_start3A_3811, %dma_start3A_3812] : memref<1664x64xf32, #tpu.memory_space<vmem>> -> memref<128x64xf32, #tpu.memory_space<vmem>>
    %dma_start3A_3814 = arith.constant 0 : i32
    %dma_start3A_3815 = tpu.memref_slice %arg4[%dma_start3A_3810, %mul3A_2912, %dma_start3A_3814] : memref<13x4096x128xf32, #tpu.memory_space<hbm>> -> memref<1x128x64xf32, #tpu.memory_space<hbm>>
    %dma_start3A_3816 = tpu.memref_squeeze %dma_start3A_3815 : memref<1x128x64xf32, #tpu.memory_space<hbm>> -> memref<128x64xf32, #tpu.memory_space<hbm>>
    %dma_start3A_3817 = arith.constant 0 : i32
    %dma_start3A_3818 = tpu.memref_slice %arg4[%dma_start3A_3810, %mul3A_2912, %dma_start3A_3817] : memref<13x4096x128xf32, #tpu.memory_space<hbm>> -> memref<1x128x64xf32, #tpu.memory_space<hbm>>
    %dma_start3A_3819 = tpu.memref_squeeze %dma_start3A_3818 : memref<1x128x64xf32, #tpu.memory_space<hbm>> -> memref<128x64xf32, #tpu.memory_space<hbm>>
    %dma_start3A_3820 = arith.constant 896 : i32
    %dma_start3A_3821 = arith.constant 0 : i32
    %dma_start3A_3822 = tpu.memref_slice %arg6[%dma_start3A_3820, %dma_start3A_3821] : memref<1664x64xf32, #tpu.memory_space<vmem>> -> memref<128x64xf32, #tpu.memory_space<vmem>>
    tpu.enqueue_dma source(%dma_start3A_3822 : memref<128x64xf32, #tpu.memory_space<vmem>>) target(%dma_start3A_3819 : memref<128x64xf32, #tpu.memory_space<hbm>>) target_semaphore(%arg8 : memref<!tpu.dma_semaphore, #tpu.memory_space<semaphore_mem>>)
    %dma_wait3A_3823 = arith.constant 21 : i32
    %dma_wait3A_3824 = arith.constant 1024 : i32
    %dma_wait3A_3825 = arith.constant 0 : i32
    %dma_wait3A_3826 = tpu.memref_slice %arg6[%dma_wait3A_3824, %dma_wait3A_3825] : memref<1664x64xf32, #tpu.memory_space<vmem>> -> memref<128x64xf32, #tpu.memory_space<vmem>>
    %dma_wait3A_3827 = arith.constant 0 : i32
    %dma_wait3A_3828 = tpu.memref_slice %arg5[%dma_wait3A_3823, %dma_wait3A_3827] : memref<26x128xi32, #tpu.memory_space<vmem>> -> memref<1x128xi32, #tpu.memory_space<vmem>>
    %dma_wait3A_3829 = tpu.memref_squeeze %dma_wait3A_3828 : memref<1x128xi32, #tpu.memory_space<vmem>> -> memref<128xi32, #tpu.memory_space<vmem>>
    %dma_wait3A_3830 = arith.constant 0 : i32
    %dma_wait3A_3831 = arith.constant 0 : i32
    %dma_wait3A_3832 = tpu.memref_slice %arg2[%dma_wait3A_3830, %dma_wait3A_3831] : memref<26000x64xf32, #tpu.memory_space<hbm>> -> memref<26000x64xf32, #tpu.memory_space<hbm>>
    tpu.wait_indirect_dma semaphore(%arg7 : memref<!tpu.dma_semaphore, #tpu.memory_space<semaphore_mem>>) src(%dma_wait3A_3832 : memref<26000x64xf32, #tpu.memory_space<hbm>>) dst(%dma_wait3A_3826 : memref<128x64xf32, #tpu.memory_space<vmem>>)
    %dma_start3A_3833 = arith.constant 10 : i32
    %dma_start3A_3834 = arith.constant 1024 : i32
    %dma_start3A_3835 = arith.constant 0 : i32
    %dma_start3A_3836 = tpu.memref_slice %arg6[%dma_start3A_3834, %dma_start3A_3835] : memref<1664x64xf32, #tpu.memory_space<vmem>> -> memref<128x64xf32, #tpu.memory_space<vmem>>
    %dma_start3A_3837 = arith.constant 64 : i32
    %dma_start3A_3838 = tpu.memref_slice %arg4[%dma_start3A_3833, %mul3A_2912, %dma_start3A_3837] : memref<13x4096x128xf32, #tpu.memory_space<hbm>> -> memref<1x128x64xf32, #tpu.memory_space<hbm>>
    %dma_start3A_3839 = tpu.memref_squeeze %dma_start3A_3838 : memref<1x128x64xf32, #tpu.memory_space<hbm>> -> memref<128x64xf32, #tpu.memory_space<hbm>>
    %dma_start3A_3840 = arith.constant 64 : i32
    %dma_start3A_3841 = tpu.memref_slice %arg4[%dma_start3A_3833, %mul3A_2912, %dma_start3A_3840] : memref<13x4096x128xf32, #tpu.memory_space<hbm>> -> memref<1x128x64xf32, #tpu.memory_space<hbm>>
    %dma_start3A_3842 = tpu.memref_squeeze %dma_start3A_3841 : memref<1x128x64xf32, #tpu.memory_space<hbm>> -> memref<128x64xf32, #tpu.memory_space<hbm>>
    %dma_start3A_3843 = arith.constant 1024 : i32
    %dma_start3A_3844 = arith.constant 0 : i32
    %dma_start3A_3845 = tpu.memref_slice %arg6[%dma_start3A_3843, %dma_start3A_3844] : memref<1664x64xf32, #tpu.memory_space<vmem>> -> memref<128x64xf32, #tpu.memory_space<vmem>>
    tpu.enqueue_dma source(%dma_start3A_3845 : memref<128x64xf32, #tpu.memory_space<vmem>>) target(%dma_start3A_3842 : memref<128x64xf32, #tpu.memory_space<hbm>>) target_semaphore(%arg8 : memref<!tpu.dma_semaphore, #tpu.memory_space<semaphore_mem>>)
    %dma_wait3A_3846 = arith.constant 22 : i32
    %dma_wait3A_3847 = arith.constant 1152 : i32
    %dma_wait3A_3848 = arith.constant 0 : i32
    %dma_wait3A_3849 = tpu.memref_slice %arg6[%dma_wait3A_3847, %dma_wait3A_3848] : memref<1664x64xf32, #tpu.memory_space<vmem>> -> memref<128x64xf32, #tpu.memory_space<vmem>>
    %dma_wait3A_3850 = arith.constant 0 : i32
    %dma_wait3A_3851 = tpu.memref_slice %arg5[%dma_wait3A_3846, %dma_wait3A_3850] : memref<26x128xi32, #tpu.memory_space<vmem>> -> memref<1x128xi32, #tpu.memory_space<vmem>>
    %dma_wait3A_3852 = tpu.memref_squeeze %dma_wait3A_3851 : memref<1x128xi32, #tpu.memory_space<vmem>> -> memref<128xi32, #tpu.memory_space<vmem>>
    %dma_wait3A_3853 = arith.constant 0 : i32
    %dma_wait3A_3854 = arith.constant 0 : i32
    %dma_wait3A_3855 = tpu.memref_slice %arg2[%dma_wait3A_3853, %dma_wait3A_3854] : memref<26000x64xf32, #tpu.memory_space<hbm>> -> memref<26000x64xf32, #tpu.memory_space<hbm>>
    tpu.wait_indirect_dma semaphore(%arg7 : memref<!tpu.dma_semaphore, #tpu.memory_space<semaphore_mem>>) src(%dma_wait3A_3855 : memref<26000x64xf32, #tpu.memory_space<hbm>>) dst(%dma_wait3A_3849 : memref<128x64xf32, #tpu.memory_space<vmem>>)
    %dma_start3A_3856 = arith.constant 11 : i32
    %dma_start3A_3857 = arith.constant 1152 : i32
    %dma_start3A_3858 = arith.constant 0 : i32
    %dma_start3A_3859 = tpu.memref_slice %arg6[%dma_start3A_3857, %dma_start3A_3858] : memref<1664x64xf32, #tpu.memory_space<vmem>> -> memref<128x64xf32, #tpu.memory_space<vmem>>
    %dma_start3A_3860 = arith.constant 0 : i32
    %dma_start3A_3861 = tpu.memref_slice %arg4[%dma_start3A_3856, %mul3A_2912, %dma_start3A_3860] : memref<13x4096x128xf32, #tpu.memory_space<hbm>> -> memref<1x128x64xf32, #tpu.memory_space<hbm>>
    %dma_start3A_3862 = tpu.memref_squeeze %dma_start3A_3861 : memref<1x128x64xf32, #tpu.memory_space<hbm>> -> memref<128x64xf32, #tpu.memory_space<hbm>>
    %dma_start3A_3863 = arith.constant 0 : i32
    %dma_start3A_3864 = tpu.memref_slice %arg4[%dma_start3A_3856, %mul3A_2912, %dma_start3A_3863] : memref<13x4096x128xf32, #tpu.memory_space<hbm>> -> memref<1x128x64xf32, #tpu.memory_space<hbm>>
    %dma_start3A_3865 = tpu.memref_squeeze %dma_start3A_3864 : memref<1x128x64xf32, #tpu.memory_space<hbm>> -> memref<128x64xf32, #tpu.memory_space<hbm>>
    %dma_start3A_3866 = arith.constant 1152 : i32
    %dma_start3A_3867 = arith.constant 0 : i32
    %dma_start3A_3868 = tpu.memref_slice %arg6[%dma_start3A_3866, %dma_start3A_3867] : memref<1664x64xf32, #tpu.memory_space<vmem>> -> memref<128x64xf32, #tpu.memory_space<vmem>>
    tpu.enqueue_dma source(%dma_start3A_3868 : memref<128x64xf32, #tpu.memory_space<vmem>>) target(%dma_start3A_3865 : memref<128x64xf32, #tpu.memory_space<hbm>>) target_semaphore(%arg8 : memref<!tpu.dma_semaphore, #tpu.memory_space<semaphore_mem>>)
    %dma_wait3A_3869 = arith.constant 23 : i32
    %dma_wait3A_3870 = arith.constant 1280 : i32
    %dma_wait3A_3871 = arith.constant 0 : i32
    %dma_wait3A_3872 = tpu.memref_slice %arg6[%dma_wait3A_3870, %dma_wait3A_3871] : memref<1664x64xf32, #tpu.memory_space<vmem>> -> memref<128x64xf32, #tpu.memory_space<vmem>>
    %dma_wait3A_3873 = arith.constant 0 : i32
    %dma_wait3A_3874 = tpu.memref_slice %arg5[%dma_wait3A_3869, %dma_wait3A_3873] : memref<26x128xi32, #tpu.memory_space<vmem>> -> memref<1x128xi32, #tpu.memory_space<vmem>>
    %dma_wait3A_3875 = tpu.memref_squeeze %dma_wait3A_3874 : memref<1x128xi32, #tpu.memory_space<vmem>> -> memref<128xi32, #tpu.memory_space<vmem>>
    %dma_wait3A_3876 = arith.constant 0 : i32
    %dma_wait3A_3877 = arith.constant 0 : i32
    %dma_wait3A_3878 = tpu.memref_slice %arg2[%dma_wait3A_3876, %dma_wait3A_3877] : memref<26000x64xf32, #tpu.memory_space<hbm>> -> memref<26000x64xf32, #tpu.memory_space<hbm>>
    tpu.wait_indirect_dma semaphore(%arg7 : memref<!tpu.dma_semaphore, #tpu.memory_space<semaphore_mem>>) src(%dma_wait3A_3878 : memref<26000x64xf32, #tpu.memory_space<hbm>>) dst(%dma_wait3A_3872 : memref<128x64xf32, #tpu.memory_space<vmem>>)
    %dma_start3A_3879 = arith.constant 11 : i32
    %dma_start3A_3880 = arith.constant 1280 : i32
    %dma_start3A_3881 = arith.constant 0 : i32
    %dma_start3A_3882 = tpu.memref_slice %arg6[%dma_start3A_3880, %dma_start3A_3881] : memref<1664x64xf32, #tpu.memory_space<vmem>> -> memref<128x64xf32, #tpu.memory_space<vmem>>
    %dma_start3A_3883 = arith.constant 64 : i32
    %dma_start3A_3884 = tpu.memref_slice %arg4[%dma_start3A_3879, %mul3A_2912, %dma_start3A_3883] : memref<13x4096x128xf32, #tpu.memory_space<hbm>> -> memref<1x128x64xf32, #tpu.memory_space<hbm>>
    %dma_start3A_3885 = tpu.memref_squeeze %dma_start3A_3884 : memref<1x128x64xf32, #tpu.memory_space<hbm>> -> memref<128x64xf32, #tpu.memory_space<hbm>>
    %dma_start3A_3886 = arith.constant 64 : i32
    %dma_start3A_3887 = tpu.memref_slice %arg4[%dma_start3A_3879, %mul3A_2912, %dma_start3A_3886] : memref<13x4096x128xf32, #tpu.memory_space<hbm>> -> memref<1x128x64xf32, #tpu.memory_space<hbm>>
    %dma_start3A_3888 = tpu.memref_squeeze %dma_start3A_3887 : memref<1x128x64xf32, #tpu.memory_space<hbm>> -> memref<128x64xf32, #tpu.memory_space<hbm>>
    %dma_start3A_3889 = arith.constant 1280 : i32
    %dma_start3A_3890 = arith.constant 0 : i32
    %dma_start3A_3891 = tpu.memref_slice %arg6[%dma_start3A_3889, %dma_start3A_3890] : memref<1664x64xf32, #tpu.memory_space<vmem>> -> memref<128x64xf32, #tpu.memory_space<vmem>>
    tpu.enqueue_dma source(%dma_start3A_3891 : memref<128x64xf32, #tpu.memory_space<vmem>>) target(%dma_start3A_3888 : memref<128x64xf32, #tpu.memory_space<hbm>>) target_semaphore(%arg8 : memref<!tpu.dma_semaphore, #tpu.memory_space<semaphore_mem>>)
    %dma_wait3A_3892 = arith.constant 24 : i32
    %dma_wait3A_3893 = arith.constant 1408 : i32
    %dma_wait3A_3894 = arith.constant 0 : i32
    %dma_wait3A_3895 = tpu.memref_slice %arg6[%dma_wait3A_3893, %dma_wait3A_3894] : memref<1664x64xf32, #tpu.memory_space<vmem>> -> memref<128x64xf32, #tpu.memory_space<vmem>>
    %dma_wait3A_3896 = arith.constant 0 : i32
    %dma_wait3A_3897 = tpu.memref_slice %arg5[%dma_wait3A_3892, %dma_wait3A_3896] : memref<26x128xi32, #tpu.memory_space<vmem>> -> memref<1x128xi32, #tpu.memory_space<vmem>>
    %dma_wait3A_3898 = tpu.memref_squeeze %dma_wait3A_3897 : memref<1x128xi32, #tpu.memory_space<vmem>> -> memref<128xi32, #tpu.memory_space<vmem>>
    %dma_wait3A_3899 = arith.constant 0 : i32
    %dma_wait3A_3900 = arith.constant 0 : i32
    %dma_wait3A_3901 = tpu.memref_slice %arg2[%dma_wait3A_3899, %dma_wait3A_3900] : memref<26000x64xf32, #tpu.memory_space<hbm>> -> memref<26000x64xf32, #tpu.memory_space<hbm>>
    tpu.wait_indirect_dma semaphore(%arg7 : memref<!tpu.dma_semaphore, #tpu.memory_space<semaphore_mem>>) src(%dma_wait3A_3901 : memref<26000x64xf32, #tpu.memory_space<hbm>>) dst(%dma_wait3A_3895 : memref<128x64xf32, #tpu.memory_space<vmem>>)
    %dma_start3A_3902 = arith.constant 12 : i32
    %dma_start3A_3903 = arith.constant 1408 : i32
    %dma_start3A_3904 = arith.constant 0 : i32
    %dma_start3A_3905 = tpu.memref_slice %arg6[%dma_start3A_3903, %dma_start3A_3904] : memref<1664x64xf32, #tpu.memory_space<vmem>> -> memref<128x64xf32, #tpu.memory_space<vmem>>
    %dma_start3A_3906 = arith.constant 0 : i32
    %dma_start3A_3907 = tpu.memref_slice %arg4[%dma_start3A_3902, %mul3A_2912, %dma_start3A_3906] : memref<13x4096x128xf32, #tpu.memory_space<hbm>> -> memref<1x128x64xf32, #tpu.memory_space<hbm>>
    %dma_start3A_3908 = tpu.memref_squeeze %dma_start3A_3907 : memref<1x128x64xf32, #tpu.memory_space<hbm>> -> memref<128x64xf32, #tpu.memory_space<hbm>>
    %dma_start3A_3909 = arith.constant 0 : i32
    %dma_start3A_3910 = tpu.memref_slice %arg4[%dma_start3A_3902, %mul3A_2912, %dma_start3A_3909] : memref<13x4096x128xf32, #tpu.memory_space<hbm>> -> memref<1x128x64xf32, #tpu.memory_space<hbm>>
    %dma_start3A_3911 = tpu.memref_squeeze %dma_start3A_3910 : memref<1x128x64xf32, #tpu.memory_space<hbm>> -> memref<128x64xf32, #tpu.memory_space<hbm>>
    %dma_start3A_3912 = arith.constant 1408 : i32
    %dma_start3A_3913 = arith.constant 0 : i32
    %dma_start3A_3914 = tpu.memref_slice %arg6[%dma_start3A_3912, %dma_start3A_3913] : memref<1664x64xf32, #tpu.memory_space<vmem>> -> memref<128x64xf32, #tpu.memory_space<vmem>>
    tpu.enqueue_dma source(%dma_start3A_3914 : memref<128x64xf32, #tpu.memory_space<vmem>>) target(%dma_start3A_3911 : memref<128x64xf32, #tpu.memory_space<hbm>>) target_semaphore(%arg8 : memref<!tpu.dma_semaphore, #tpu.memory_space<semaphore_mem>>)
    %dma_wait3A_3915 = arith.constant 25 : i32
    %dma_wait3A_3916 = arith.constant 1536 : i32
    %dma_wait3A_3917 = arith.constant 0 : i32
    %dma_wait3A_3918 = tpu.memref_slice %arg6[%dma_wait3A_3916, %dma_wait3A_3917] : memref<1664x64xf32, #tpu.memory_space<vmem>> -> memref<128x64xf32, #tpu.memory_space<vmem>>
    %dma_wait3A_3919 = arith.constant 0 : i32
    %dma_wait3A_3920 = tpu.memref_slice %arg5[%dma_wait3A_3915, %dma_wait3A_3919] : memref<26x128xi32, #tpu.memory_space<vmem>> -> memref<1x128xi32, #tpu.memory_space<vmem>>
    %dma_wait3A_3921 = tpu.memref_squeeze %dma_wait3A_3920 : memref<1x128xi32, #tpu.memory_space<vmem>> -> memref<128xi32, #tpu.memory_space<vmem>>
    %dma_wait3A_3922 = arith.constant 0 : i32
    %dma_wait3A_3923 = arith.constant 0 : i32
    %dma_wait3A_3924 = tpu.memref_slice %arg2[%dma_wait3A_3922, %dma_wait3A_3923] : memref<26000x64xf32, #tpu.memory_space<hbm>> -> memref<26000x64xf32, #tpu.memory_space<hbm>>
    tpu.wait_indirect_dma semaphore(%arg7 : memref<!tpu.dma_semaphore, #tpu.memory_space<semaphore_mem>>) src(%dma_wait3A_3924 : memref<26000x64xf32, #tpu.memory_space<hbm>>) dst(%dma_wait3A_3918 : memref<128x64xf32, #tpu.memory_space<vmem>>)
    %dma_start3A_3925 = arith.constant 12 : i32
    %dma_start3A_3926 = arith.constant 1536 : i32
    %dma_start3A_3927 = arith.constant 0 : i32
    %dma_start3A_3928 = tpu.memref_slice %arg6[%dma_start3A_3926, %dma_start3A_3927] : memref<1664x64xf32, #tpu.memory_space<vmem>> -> memref<128x64xf32, #tpu.memory_space<vmem>>
    %dma_start3A_3929 = arith.constant 64 : i32
    %dma_start3A_3930 = tpu.memref_slice %arg4[%dma_start3A_3925, %mul3A_2912, %dma_start3A_3929] : memref<13x4096x128xf32, #tpu.memory_space<hbm>> -> memref<1x128x64xf32, #tpu.memory_space<hbm>>
    %dma_start3A_3931 = tpu.memref_squeeze %dma_start3A_3930 : memref<1x128x64xf32, #tpu.memory_space<hbm>> -> memref<128x64xf32, #tpu.memory_space<hbm>>
    %dma_start3A_3932 = arith.constant 64 : i32
    %dma_start3A_3933 = tpu.memref_slice %arg4[%dma_start3A_3925, %mul3A_2912, %dma_start3A_3932] : memref<13x4096x128xf32, #tpu.memory_space<hbm>> -> memref<1x128x64xf32, #tpu.memory_space<hbm>>
    %dma_start3A_3934 = tpu.memref_squeeze %dma_start3A_3933 : memref<1x128x64xf32, #tpu.memory_space<hbm>> -> memref<128x64xf32, #tpu.memory_space<hbm>>
    %dma_start3A_3935 = arith.constant 1536 : i32
    %dma_start3A_3936 = arith.constant 0 : i32
    %dma_start3A_3937 = tpu.memref_slice %arg6[%dma_start3A_3935, %dma_start3A_3936] : memref<1664x64xf32, #tpu.memory_space<vmem>> -> memref<128x64xf32, #tpu.memory_space<vmem>>
    tpu.enqueue_dma source(%dma_start3A_3937 : memref<128x64xf32, #tpu.memory_space<vmem>>) target(%dma_start3A_3934 : memref<128x64xf32, #tpu.memory_space<hbm>>) target_semaphore(%arg8 : memref<!tpu.dma_semaphore, #tpu.memory_space<semaphore_mem>>)
    %dma_wait3A_3938 = arith.constant 6 : i32
    %dma_wait3A_3939 = arith.constant 0 : i32
    %dma_wait3A_3940 = arith.constant 0 : i32
    %dma_wait3A_3941 = tpu.memref_slice %arg6[%dma_wait3A_3939, %dma_wait3A_3940] : memref<1664x64xf32, #tpu.memory_space<vmem>> -> memref<128x64xf32, #tpu.memory_space<vmem>>
    %dma_wait3A_3942 = arith.constant 64 : i32
    %dma_wait3A_3943 = tpu.memref_slice %arg4[%dma_wait3A_3938, %mul3A_2912, %dma_wait3A_3942] : memref<13x4096x128xf32, #tpu.memory_space<hbm>> -> memref<1x128x64xf32, #tpu.memory_space<hbm>>
    %dma_wait3A_3944 = tpu.memref_squeeze %dma_wait3A_3943 : memref<1x128x64xf32, #tpu.memory_space<hbm>> -> memref<128x64xf32, #tpu.memory_space<hbm>>
    %dma_wait3A_3945 = arith.constant 64 : i32
    %dma_wait3A_3946 = tpu.memref_slice %arg4[%dma_wait3A_3938, %mul3A_2912, %dma_wait3A_3945] : memref<13x4096x128xf32, #tpu.memory_space<hbm>> -> memref<1x128x64xf32, #tpu.memory_space<hbm>>
    %dma_wait3A_3947 = tpu.memref_squeeze %dma_wait3A_3946 : memref<1x128x64xf32, #tpu.memory_space<hbm>> -> memref<128x64xf32, #tpu.memory_space<hbm>>
    %dma_wait3A_3948 = arith.constant 0 : i32
    %dma_wait3A_3949 = arith.constant 0 : i32
    %dma_wait3A_3950 = tpu.memref_slice %arg6[%dma_wait3A_3948, %dma_wait3A_3949] : memref<1664x64xf32, #tpu.memory_space<vmem>> -> memref<128x64xf32, #tpu.memory_space<vmem>>
    tpu.wait_dma2 semaphore(%arg8 : memref<!tpu.dma_semaphore, #tpu.memory_space<semaphore_mem>>) src(%dma_wait3A_3950 : memref<128x64xf32, #tpu.memory_space<vmem>>) dst(%dma_wait3A_3947 : memref<128x64xf32, #tpu.memory_space<hbm>>)
    %dma_wait3A_3951 = arith.constant 7 : i32
    %dma_wait3A_3952 = arith.constant 128 : i32
    %dma_wait3A_3953 = arith.constant 0 : i32
    %dma_wait3A_3954 = tpu.memref_slice %arg6[%dma_wait3A_3952, %dma_wait3A_3953] : memref<1664x64xf32, #tpu.memory_space<vmem>> -> memref<128x64xf32, #tpu.memory_space<vmem>>
    %dma_wait3A_3955 = arith.constant 0 : i32
    %dma_wait3A_3956 = tpu.memref_slice %arg4[%dma_wait3A_3951, %mul3A_2912, %dma_wait3A_3955] : memref<13x4096x128xf32, #tpu.memory_space<hbm>> -> memref<1x128x64xf32, #tpu.memory_space<hbm>>
    %dma_wait3A_3957 = tpu.memref_squeeze %dma_wait3A_3956 : memref<1x128x64xf32, #tpu.memory_space<hbm>> -> memref<128x64xf32, #tpu.memory_space<hbm>>
    %dma_wait3A_3958 = arith.constant 0 : i32
    %dma_wait3A_3959 = tpu.memref_slice %arg4[%dma_wait3A_3951, %mul3A_2912, %dma_wait3A_3958] : memref<13x4096x128xf32, #tpu.memory_space<hbm>> -> memref<1x128x64xf32, #tpu.memory_space<hbm>>
    %dma_wait3A_3960 = tpu.memref_squeeze %dma_wait3A_3959 : memref<1x128x64xf32, #tpu.memory_space<hbm>> -> memref<128x64xf32, #tpu.memory_space<hbm>>
    %dma_wait3A_3961 = arith.constant 128 : i32
    %dma_wait3A_3962 = arith.constant 0 : i32
    %dma_wait3A_3963 = tpu.memref_slice %arg6[%dma_wait3A_3961, %dma_wait3A_3962] : memref<1664x64xf32, #tpu.memory_space<vmem>> -> memref<128x64xf32, #tpu.memory_space<vmem>>
    tpu.wait_dma2 semaphore(%arg8 : memref<!tpu.dma_semaphore, #tpu.memory_space<semaphore_mem>>) src(%dma_wait3A_3963 : memref<128x64xf32, #tpu.memory_space<vmem>>) dst(%dma_wait3A_3960 : memref<128x64xf32, #tpu.memory_space<hbm>>)
    %dma_wait3A_3964 = arith.constant 7 : i32
    %dma_wait3A_3965 = arith.constant 256 : i32
    %dma_wait3A_3966 = arith.constant 0 : i32
    %dma_wait3A_3967 = tpu.memref_slice %arg6[%dma_wait3A_3965, %dma_wait3A_3966] : memref<1664x64xf32, #tpu.memory_space<vmem>> -> memref<128x64xf32, #tpu.memory_space<vmem>>
    %dma_wait3A_3968 = arith.constant 64 : i32
    %dma_wait3A_3969 = tpu.memref_slice %arg4[%dma_wait3A_3964, %mul3A_2912, %dma_wait3A_3968] : memref<13x4096x128xf32, #tpu.memory_space<hbm>> -> memref<1x128x64xf32, #tpu.memory_space<hbm>>
    %dma_wait3A_3970 = tpu.memref_squeeze %dma_wait3A_3969 : memref<1x128x64xf32, #tpu.memory_space<hbm>> -> memref<128x64xf32, #tpu.memory_space<hbm>>
    %dma_wait3A_3971 = arith.constant 64 : i32
    %dma_wait3A_3972 = tpu.memref_slice %arg4[%dma_wait3A_3964, %mul3A_2912, %dma_wait3A_3971] : memref<13x4096x128xf32, #tpu.memory_space<hbm>> -> memref<1x128x64xf32, #tpu.memory_space<hbm>>
    %dma_wait3A_3973 = tpu.memref_squeeze %dma_wait3A_3972 : memref<1x128x64xf32, #tpu.memory_space<hbm>> -> memref<128x64xf32, #tpu.memory_space<hbm>>
    %dma_wait3A_3974 = arith.constant 256 : i32
    %dma_wait3A_3975 = arith.constant 0 : i32
    %dma_wait3A_3976 = tpu.memref_slice %arg6[%dma_wait3A_3974, %dma_wait3A_3975] : memref<1664x64xf32, #tpu.memory_space<vmem>> -> memref<128x64xf32, #tpu.memory_space<vmem>>
    tpu.wait_dma2 semaphore(%arg8 : memref<!tpu.dma_semaphore, #tpu.memory_space<semaphore_mem>>) src(%dma_wait3A_3976 : memref<128x64xf32, #tpu.memory_space<vmem>>) dst(%dma_wait3A_3973 : memref<128x64xf32, #tpu.memory_space<hbm>>)
    %dma_wait3A_3977 = arith.constant 8 : i32
    %dma_wait3A_3978 = arith.constant 384 : i32
    %dma_wait3A_3979 = arith.constant 0 : i32
    %dma_wait3A_3980 = tpu.memref_slice %arg6[%dma_wait3A_3978, %dma_wait3A_3979] : memref<1664x64xf32, #tpu.memory_space<vmem>> -> memref<128x64xf32, #tpu.memory_space<vmem>>
    %dma_wait3A_3981 = arith.constant 0 : i32
    %dma_wait3A_3982 = tpu.memref_slice %arg4[%dma_wait3A_3977, %mul3A_2912, %dma_wait3A_3981] : memref<13x4096x128xf32, #tpu.memory_space<hbm>> -> memref<1x128x64xf32, #tpu.memory_space<hbm>>
    %dma_wait3A_3983 = tpu.memref_squeeze %dma_wait3A_3982 : memref<1x128x64xf32, #tpu.memory_space<hbm>> -> memref<128x64xf32, #tpu.memory_space<hbm>>
    %dma_wait3A_3984 = arith.constant 0 : i32
    %dma_wait3A_3985 = tpu.memref_slice %arg4[%dma_wait3A_3977, %mul3A_2912, %dma_wait3A_3984] : memref<13x4096x128xf32, #tpu.memory_space<hbm>> -> memref<1x128x64xf32, #tpu.memory_space<hbm>>
    %dma_wait3A_3986 = tpu.memref_squeeze %dma_wait3A_3985 : memref<1x128x64xf32, #tpu.memory_space<hbm>> -> memref<128x64xf32, #tpu.memory_space<hbm>>
    %dma_wait3A_3987 = arith.constant 384 : i32
    %dma_wait3A_3988 = arith.constant 0 : i32
    %dma_wait3A_3989 = tpu.memref_slice %arg6[%dma_wait3A_3987, %dma_wait3A_3988] : memref<1664x64xf32, #tpu.memory_space<vmem>> -> memref<128x64xf32, #tpu.memory_space<vmem>>
    tpu.wait_dma2 semaphore(%arg8 : memref<!tpu.dma_semaphore, #tpu.memory_space<semaphore_mem>>) src(%dma_wait3A_3989 : memref<128x64xf32, #tpu.memory_space<vmem>>) dst(%dma_wait3A_3986 : memref<128x64xf32, #tpu.memory_space<hbm>>)
    %dma_wait3A_3990 = arith.constant 8 : i32
    %dma_wait3A_3991 = arith.constant 512 : i32
    %dma_wait3A_3992 = arith.constant 0 : i32
    %dma_wait3A_3993 = tpu.memref_slice %arg6[%dma_wait3A_3991, %dma_wait3A_3992] : memref<1664x64xf32, #tpu.memory_space<vmem>> -> memref<128x64xf32, #tpu.memory_space<vmem>>
    %dma_wait3A_3994 = arith.constant 64 : i32
    %dma_wait3A_3995 = tpu.memref_slice %arg4[%dma_wait3A_3990, %mul3A_2912, %dma_wait3A_3994] : memref<13x4096x128xf32, #tpu.memory_space<hbm>> -> memref<1x128x64xf32, #tpu.memory_space<hbm>>
    %dma_wait3A_3996 = tpu.memref_squeeze %dma_wait3A_3995 : memref<1x128x64xf32, #tpu.memory_space<hbm>> -> memref<128x64xf32, #tpu.memory_space<hbm>>
    %dma_wait3A_3997 = arith.constant 64 : i32
    %dma_wait3A_3998 = tpu.memref_slice %arg4[%dma_wait3A_3990, %mul3A_2912, %dma_wait3A_3997] : memref<13x4096x128xf32, #tpu.memory_space<hbm>> -> memref<1x128x64xf32, #tpu.memory_space<hbm>>
    %dma_wait3A_3999 = tpu.memref_squeeze %dma_wait3A_3998 : memref<1x128x64xf32, #tpu.memory_space<hbm>> -> memref<128x64xf32, #tpu.memory_space<hbm>>
    %dma_wait3A_4000 = arith.constant 512 : i32
    %dma_wait3A_4001 = arith.constant 0 : i32
    %dma_wait3A_4002 = tpu.memref_slice %arg6[%dma_wait3A_4000, %dma_wait3A_4001] : memref<1664x64xf32, #tpu.memory_space<vmem>> -> memref<128x64xf32, #tpu.memory_space<vmem>>
    tpu.wait_dma2 semaphore(%arg8 : memref<!tpu.dma_semaphore, #tpu.memory_space<semaphore_mem>>) src(%dma_wait3A_4002 : memref<128x64xf32, #tpu.memory_space<vmem>>) dst(%dma_wait3A_3999 : memref<128x64xf32, #tpu.memory_space<hbm>>)
    %dma_wait3A_4003 = arith.constant 9 : i32
    %dma_wait3A_4004 = arith.constant 640 : i32
    %dma_wait3A_4005 = arith.constant 0 : i32
    %dma_wait3A_4006 = tpu.memref_slice %arg6[%dma_wait3A_4004, %dma_wait3A_4005] : memref<1664x64xf32, #tpu.memory_space<vmem>> -> memref<128x64xf32, #tpu.memory_space<vmem>>
    %dma_wait3A_4007 = arith.constant 0 : i32
    %dma_wait3A_4008 = tpu.memref_slice %arg4[%dma_wait3A_4003, %mul3A_2912, %dma_wait3A_4007] : memref<13x4096x128xf32, #tpu.memory_space<hbm>> -> memref<1x128x64xf32, #tpu.memory_space<hbm>>
    %dma_wait3A_4009 = tpu.memref_squeeze %dma_wait3A_4008 : memref<1x128x64xf32, #tpu.memory_space<hbm>> -> memref<128x64xf32, #tpu.memory_space<hbm>>
    %dma_wait3A_4010 = arith.constant 0 : i32
    %dma_wait3A_4011 = tpu.memref_slice %arg4[%dma_wait3A_4003, %mul3A_2912, %dma_wait3A_4010] : memref<13x4096x128xf32, #tpu.memory_space<hbm>> -> memref<1x128x64xf32, #tpu.memory_space<hbm>>
    %dma_wait3A_4012 = tpu.memref_squeeze %dma_wait3A_4011 : memref<1x128x64xf32, #tpu.memory_space<hbm>> -> memref<128x64xf32, #tpu.memory_space<hbm>>
    %dma_wait3A_4013 = arith.constant 640 : i32
    %dma_wait3A_4014 = arith.constant 0 : i32
    %dma_wait3A_4015 = tpu.memref_slice %arg6[%dma_wait3A_4013, %dma_wait3A_4014] : memref<1664x64xf32, #tpu.memory_space<vmem>> -> memref<128x64xf32, #tpu.memory_space<vmem>>
    tpu.wait_dma2 semaphore(%arg8 : memref<!tpu.dma_semaphore, #tpu.memory_space<semaphore_mem>>) src(%dma_wait3A_4015 : memref<128x64xf32, #tpu.memory_space<vmem>>) dst(%dma_wait3A_4012 : memref<128x64xf32, #tpu.memory_space<hbm>>)
    %dma_wait3A_4016 = arith.constant 9 : i32
    %dma_wait3A_4017 = arith.constant 768 : i32
    %dma_wait3A_4018 = arith.constant 0 : i32
    %dma_wait3A_4019 = tpu.memref_slice %arg6[%dma_wait3A_4017, %dma_wait3A_4018] : memref<1664x64xf32, #tpu.memory_space<vmem>> -> memref<128x64xf32, #tpu.memory_space<vmem>>
    %dma_wait3A_4020 = arith.constant 64 : i32
    %dma_wait3A_4021 = tpu.memref_slice %arg4[%dma_wait3A_4016, %mul3A_2912, %dma_wait3A_4020] : memref<13x4096x128xf32, #tpu.memory_space<hbm>> -> memref<1x128x64xf32, #tpu.memory_space<hbm>>
    %dma_wait3A_4022 = tpu.memref_squeeze %dma_wait3A_4021 : memref<1x128x64xf32, #tpu.memory_space<hbm>> -> memref<128x64xf32, #tpu.memory_space<hbm>>
    %dma_wait3A_4023 = arith.constant 64 : i32
    %dma_wait3A_4024 = tpu.memref_slice %arg4[%dma_wait3A_4016, %mul3A_2912, %dma_wait3A_4023] : memref<13x4096x128xf32, #tpu.memory_space<hbm>> -> memref<1x128x64xf32, #tpu.memory_space<hbm>>
    %dma_wait3A_4025 = tpu.memref_squeeze %dma_wait3A_4024 : memref<1x128x64xf32, #tpu.memory_space<hbm>> -> memref<128x64xf32, #tpu.memory_space<hbm>>
    %dma_wait3A_4026 = arith.constant 768 : i32
    %dma_wait3A_4027 = arith.constant 0 : i32
    %dma_wait3A_4028 = tpu.memref_slice %arg6[%dma_wait3A_4026, %dma_wait3A_4027] : memref<1664x64xf32, #tpu.memory_space<vmem>> -> memref<128x64xf32, #tpu.memory_space<vmem>>
    tpu.wait_dma2 semaphore(%arg8 : memref<!tpu.dma_semaphore, #tpu.memory_space<semaphore_mem>>) src(%dma_wait3A_4028 : memref<128x64xf32, #tpu.memory_space<vmem>>) dst(%dma_wait3A_4025 : memref<128x64xf32, #tpu.memory_space<hbm>>)
    %dma_wait3A_4029 = arith.constant 10 : i32
    %dma_wait3A_4030 = arith.constant 896 : i32
    %dma_wait3A_4031 = arith.constant 0 : i32
    %dma_wait3A_4032 = tpu.memref_slice %arg6[%dma_wait3A_4030, %dma_wait3A_4031] : memref<1664x64xf32, #tpu.memory_space<vmem>> -> memref<128x64xf32, #tpu.memory_space<vmem>>
    %dma_wait3A_4033 = arith.constant 0 : i32
    %dma_wait3A_4034 = tpu.memref_slice %arg4[%dma_wait3A_4029, %mul3A_2912, %dma_wait3A_4033] : memref<13x4096x128xf32, #tpu.memory_space<hbm>> -> memref<1x128x64xf32, #tpu.memory_space<hbm>>
    %dma_wait3A_4035 = tpu.memref_squeeze %dma_wait3A_4034 : memref<1x128x64xf32, #tpu.memory_space<hbm>> -> memref<128x64xf32, #tpu.memory_space<hbm>>
    %dma_wait3A_4036 = arith.constant 0 : i32
    %dma_wait3A_4037 = tpu.memref_slice %arg4[%dma_wait3A_4029, %mul3A_2912, %dma_wait3A_4036] : memref<13x4096x128xf32, #tpu.memory_space<hbm>> -> memref<1x128x64xf32, #tpu.memory_space<hbm>>
    %dma_wait3A_4038 = tpu.memref_squeeze %dma_wait3A_4037 : memref<1x128x64xf32, #tpu.memory_space<hbm>> -> memref<128x64xf32, #tpu.memory_space<hbm>>
    %dma_wait3A_4039 = arith.constant 896 : i32
    %dma_wait3A_4040 = arith.constant 0 : i32
    %dma_wait3A_4041 = tpu.memref_slice %arg6[%dma_wait3A_4039, %dma_wait3A_4040] : memref<1664x64xf32, #tpu.memory_space<vmem>> -> memref<128x64xf32, #tpu.memory_space<vmem>>
    tpu.wait_dma2 semaphore(%arg8 : memref<!tpu.dma_semaphore, #tpu.memory_space<semaphore_mem>>) src(%dma_wait3A_4041 : memref<128x64xf32, #tpu.memory_space<vmem>>) dst(%dma_wait3A_4038 : memref<128x64xf32, #tpu.memory_space<hbm>>)
    %dma_wait3A_4042 = arith.constant 10 : i32
    %dma_wait3A_4043 = arith.constant 1024 : i32
    %dma_wait3A_4044 = arith.constant 0 : i32
    %dma_wait3A_4045 = tpu.memref_slice %arg6[%dma_wait3A_4043, %dma_wait3A_4044] : memref<1664x64xf32, #tpu.memory_space<vmem>> -> memref<128x64xf32, #tpu.memory_space<vmem>>
    %dma_wait3A_4046 = arith.constant 64 : i32
    %dma_wait3A_4047 = tpu.memref_slice %arg4[%dma_wait3A_4042, %mul3A_2912, %dma_wait3A_4046] : memref<13x4096x128xf32, #tpu.memory_space<hbm>> -> memref<1x128x64xf32, #tpu.memory_space<hbm>>
    %dma_wait3A_4048 = tpu.memref_squeeze %dma_wait3A_4047 : memref<1x128x64xf32, #tpu.memory_space<hbm>> -> memref<128x64xf32, #tpu.memory_space<hbm>>
    %dma_wait3A_4049 = arith.constant 64 : i32
    %dma_wait3A_4050 = tpu.memref_slice %arg4[%dma_wait3A_4042, %mul3A_2912, %dma_wait3A_4049] : memref<13x4096x128xf32, #tpu.memory_space<hbm>> -> memref<1x128x64xf32, #tpu.memory_space<hbm>>
    %dma_wait3A_4051 = tpu.memref_squeeze %dma_wait3A_4050 : memref<1x128x64xf32, #tpu.memory_space<hbm>> -> memref<128x64xf32, #tpu.memory_space<hbm>>
    %dma_wait3A_4052 = arith.constant 1024 : i32
    %dma_wait3A_4053 = arith.constant 0 : i32
    %dma_wait3A_4054 = tpu.memref_slice %arg6[%dma_wait3A_4052, %dma_wait3A_4053] : memref<1664x64xf32, #tpu.memory_space<vmem>> -> memref<128x64xf32, #tpu.memory_space<vmem>>
    tpu.wait_dma2 semaphore(%arg8 : memref<!tpu.dma_semaphore, #tpu.memory_space<semaphore_mem>>) src(%dma_wait3A_4054 : memref<128x64xf32, #tpu.memory_space<vmem>>) dst(%dma_wait3A_4051 : memref<128x64xf32, #tpu.memory_space<hbm>>)
    %dma_wait3A_4055 = arith.constant 11 : i32
    %dma_wait3A_4056 = arith.constant 1152 : i32
    %dma_wait3A_4057 = arith.constant 0 : i32
    %dma_wait3A_4058 = tpu.memref_slice %arg6[%dma_wait3A_4056, %dma_wait3A_4057] : memref<1664x64xf32, #tpu.memory_space<vmem>> -> memref<128x64xf32, #tpu.memory_space<vmem>>
    %dma_wait3A_4059 = arith.constant 0 : i32
    %dma_wait3A_4060 = tpu.memref_slice %arg4[%dma_wait3A_4055, %mul3A_2912, %dma_wait3A_4059] : memref<13x4096x128xf32, #tpu.memory_space<hbm>> -> memref<1x128x64xf32, #tpu.memory_space<hbm>>
    %dma_wait3A_4061 = tpu.memref_squeeze %dma_wait3A_4060 : memref<1x128x64xf32, #tpu.memory_space<hbm>> -> memref<128x64xf32, #tpu.memory_space<hbm>>
    %dma_wait3A_4062 = arith.constant 0 : i32
    %dma_wait3A_4063 = tpu.memref_slice %arg4[%dma_wait3A_4055, %mul3A_2912, %dma_wait3A_4062] : memref<13x4096x128xf32, #tpu.memory_space<hbm>> -> memref<1x128x64xf32, #tpu.memory_space<hbm>>
    %dma_wait3A_4064 = tpu.memref_squeeze %dma_wait3A_4063 : memref<1x128x64xf32, #tpu.memory_space<hbm>> -> memref<128x64xf32, #tpu.memory_space<hbm>>
    %dma_wait3A_4065 = arith.constant 1152 : i32
    %dma_wait3A_4066 = arith.constant 0 : i32
    %dma_wait3A_4067 = tpu.memref_slice %arg6[%dma_wait3A_4065, %dma_wait3A_4066] : memref<1664x64xf32, #tpu.memory_space<vmem>> -> memref<128x64xf32, #tpu.memory_space<vmem>>
    tpu.wait_dma2 semaphore(%arg8 : memref<!tpu.dma_semaphore, #tpu.memory_space<semaphore_mem>>) src(%dma_wait3A_4067 : memref<128x64xf32, #tpu.memory_space<vmem>>) dst(%dma_wait3A_4064 : memref<128x64xf32, #tpu.memory_space<hbm>>)
    %dma_wait3A_4068 = arith.constant 11 : i32
    %dma_wait3A_4069 = arith.constant 1280 : i32
    %dma_wait3A_4070 = arith.constant 0 : i32
    %dma_wait3A_4071 = tpu.memref_slice %arg6[%dma_wait3A_4069, %dma_wait3A_4070] : memref<1664x64xf32, #tpu.memory_space<vmem>> -> memref<128x64xf32, #tpu.memory_space<vmem>>
    %dma_wait3A_4072 = arith.constant 64 : i32
    %dma_wait3A_4073 = tpu.memref_slice %arg4[%dma_wait3A_4068, %mul3A_2912, %dma_wait3A_4072] : memref<13x4096x128xf32, #tpu.memory_space<hbm>> -> memref<1x128x64xf32, #tpu.memory_space<hbm>>
    %dma_wait3A_4074 = tpu.memref_squeeze %dma_wait3A_4073 : memref<1x128x64xf32, #tpu.memory_space<hbm>> -> memref<128x64xf32, #tpu.memory_space<hbm>>
    %dma_wait3A_4075 = arith.constant 64 : i32
    %dma_wait3A_4076 = tpu.memref_slice %arg4[%dma_wait3A_4068, %mul3A_2912, %dma_wait3A_4075] : memref<13x4096x128xf32, #tpu.memory_space<hbm>> -> memref<1x128x64xf32, #tpu.memory_space<hbm>>
    %dma_wait3A_4077 = tpu.memref_squeeze %dma_wait3A_4076 : memref<1x128x64xf32, #tpu.memory_space<hbm>> -> memref<128x64xf32, #tpu.memory_space<hbm>>
    %dma_wait3A_4078 = arith.constant 1280 : i32
    %dma_wait3A_4079 = arith.constant 0 : i32
    %dma_wait3A_4080 = tpu.memref_slice %arg6[%dma_wait3A_4078, %dma_wait3A_4079] : memref<1664x64xf32, #tpu.memory_space<vmem>> -> memref<128x64xf32, #tpu.memory_space<vmem>>
    tpu.wait_dma2 semaphore(%arg8 : memref<!tpu.dma_semaphore, #tpu.memory_space<semaphore_mem>>) src(%dma_wait3A_4080 : memref<128x64xf32, #tpu.memory_space<vmem>>) dst(%dma_wait3A_4077 : memref<128x64xf32, #tpu.memory_space<hbm>>)
    %dma_wait3A_4081 = arith.constant 12 : i32
    %dma_wait3A_4082 = arith.constant 1408 : i32
    %dma_wait3A_4083 = arith.constant 0 : i32
    %dma_wait3A_4084 = tpu.memref_slice %arg6[%dma_wait3A_4082, %dma_wait3A_4083] : memref<1664x64xf32, #tpu.memory_space<vmem>> -> memref<128x64xf32, #tpu.memory_space<vmem>>
    %dma_wait3A_4085 = arith.constant 0 : i32
    %dma_wait3A_4086 = tpu.memref_slice %arg4[%dma_wait3A_4081, %mul3A_2912, %dma_wait3A_4085] : memref<13x4096x128xf32, #tpu.memory_space<hbm>> -> memref<1x128x64xf32, #tpu.memory_space<hbm>>
    %dma_wait3A_4087 = tpu.memref_squeeze %dma_wait3A_4086 : memref<1x128x64xf32, #tpu.memory_space<hbm>> -> memref<128x64xf32, #tpu.memory_space<hbm>>
    %dma_wait3A_4088 = arith.constant 0 : i32
    %dma_wait3A_4089 = tpu.memref_slice %arg4[%dma_wait3A_4081, %mul3A_2912, %dma_wait3A_4088] : memref<13x4096x128xf32, #tpu.memory_space<hbm>> -> memref<1x128x64xf32, #tpu.memory_space<hbm>>
    %dma_wait3A_4090 = tpu.memref_squeeze %dma_wait3A_4089 : memref<1x128x64xf32, #tpu.memory_space<hbm>> -> memref<128x64xf32, #tpu.memory_space<hbm>>
    %dma_wait3A_4091 = arith.constant 1408 : i32
    %dma_wait3A_4092 = arith.constant 0 : i32
    %dma_wait3A_4093 = tpu.memref_slice %arg6[%dma_wait3A_4091, %dma_wait3A_4092] : memref<1664x64xf32, #tpu.memory_space<vmem>> -> memref<128x64xf32, #tpu.memory_space<vmem>>
    tpu.wait_dma2 semaphore(%arg8 : memref<!tpu.dma_semaphore, #tpu.memory_space<semaphore_mem>>) src(%dma_wait3A_4093 : memref<128x64xf32, #tpu.memory_space<vmem>>) dst(%dma_wait3A_4090 : memref<128x64xf32, #tpu.memory_space<hbm>>)
    %dma_wait3A_4094 = arith.constant 12 : i32
    %dma_wait3A_4095 = arith.constant 1536 : i32
    %dma_wait3A_4096 = arith.constant 0 : i32
    %dma_wait3A_4097 = tpu.memref_slice %arg6[%dma_wait3A_4095, %dma_wait3A_4096] : memref<1664x64xf32, #tpu.memory_space<vmem>> -> memref<128x64xf32, #tpu.memory_space<vmem>>
    %dma_wait3A_4098 = arith.constant 64 : i32
    %dma_wait3A_4099 = tpu.memref_slice %arg4[%dma_wait3A_4094, %mul3A_2912, %dma_wait3A_4098] : memref<13x4096x128xf32, #tpu.memory_space<hbm>> -> memref<1x128x64xf32, #tpu.memory_space<hbm>>
    %dma_wait3A_4100 = tpu.memref_squeeze %dma_wait3A_4099 : memref<1x128x64xf32, #tpu.memory_space<hbm>> -> memref<128x64xf32, #tpu.memory_space<hbm>>
    %dma_wait3A_4101 = arith.constant 64 : i32
    %dma_wait3A_4102 = tpu.memref_slice %arg4[%dma_wait3A_4094, %mul3A_2912, %dma_wait3A_4101] : memref<13x4096x128xf32, #tpu.memory_space<hbm>> -> memref<1x128x64xf32, #tpu.memory_space<hbm>>
    %dma_wait3A_4103 = tpu.memref_squeeze %dma_wait3A_4102 : memref<1x128x64xf32, #tpu.memory_space<hbm>> -> memref<128x64xf32, #tpu.memory_space<hbm>>
    %dma_wait3A_4104 = arith.constant 1536 : i32
    %dma_wait3A_4105 = arith.constant 0 : i32
    %dma_wait3A_4106 = tpu.memref_slice %arg6[%dma_wait3A_4104, %dma_wait3A_4105] : memref<1664x64xf32, #tpu.memory_space<vmem>> -> memref<128x64xf32, #tpu.memory_space<vmem>>
    tpu.wait_dma2 semaphore(%arg8 : memref<!tpu.dma_semaphore, #tpu.memory_space<semaphore_mem>>) src(%dma_wait3A_4106 : memref<128x64xf32, #tpu.memory_space<vmem>>) dst(%dma_wait3A_4103 : memref<128x64xf32, #tpu.memory_space<hbm>>)
    return
  }
}

module attributes {stable_mosaic.version = 14 : i64} {
  func.func @_mlp_body(%arg0: i32, %arg1: memref<13x256x128xf32, #tpu.memory_space<vmem>>, %arg2: memref<256x13xf32, #tpu.memory_space<vmem>>, %arg3: memref<1x13xf32, #tpu.memory_space<vmem>>, %arg4: memref<1x13xf32, #tpu.memory_space<vmem>>, %arg5: memref<1024x1664xbf16, #tpu.memory_space<vmem>>, %arg6: memref<1024x13xbf16, #tpu.memory_space<vmem>>, %arg7: memref<1x1024xf32, #tpu.memory_space<vmem>>, %arg8: memref<1x1024xf32, #tpu.memory_space<vmem>>, %arg9: memref<1x1024xf32, #tpu.memory_space<vmem>>, %arg10: memref<512x1024xbf16, #tpu.memory_space<vmem>>, %arg11: memref<1x512xf32, #tpu.memory_space<vmem>>, %arg12: memref<1x512xf32, #tpu.memory_space<vmem>>, %arg13: memref<1x512xf32, #tpu.memory_space<vmem>>, %arg14: memref<256x512xbf16, #tpu.memory_space<vmem>>, %arg15: memref<1x256xf32, #tpu.memory_space<vmem>>, %arg16: memref<1x256xf32, #tpu.memory_space<vmem>>, %arg17: memref<1x256xf32, #tpu.memory_space<vmem>>, %arg18: memref<1x256xbf16, #tpu.memory_space<vmem>>, %arg19: memref<1xf32, #tpu.memory_space<smem>>, %arg20: memref<1x256xf32, #tpu.memory_space<vmem>>) attributes {dimension_semantics = [#tpu.dimension_semantics<arbitrary>], iteration_bounds = array<i64: 16>, scalar_prefetch = 0 : i64, scratch_operands = 0 : i64, tpu.core_type = #tpu.core_type<tc>, window_params = [{transform_indices = @transform_0, window_bounds = array<i64: 13, 256, 128>}, {transform_indices = @transform_1, window_bounds = array<i64: 256, 13>}, {pipeline_mode = #tpu.pipeline_mode<synchronous>, transform_indices = @transform_2, window_bounds = array<i64: 1, 13>}, {pipeline_mode = #tpu.pipeline_mode<synchronous>, transform_indices = @transform_3, window_bounds = array<i64: 1, 13>}, {pipeline_mode = #tpu.pipeline_mode<synchronous>, transform_indices = @transform_4, window_bounds = array<i64: 1024, 1664>}, {pipeline_mode = #tpu.pipeline_mode<synchronous>, transform_indices = @transform_5, window_bounds = array<i64: 1024, 13>}, {pipeline_mode = #tpu.pipeline_mode<synchronous>, transform_indices = @transform_6, window_bounds = array<i64: 1, 1024>}, {pipeline_mode = #tpu.pipeline_mode<synchronous>, transform_indices = @transform_7, window_bounds = array<i64: 1, 1024>}, {pipeline_mode = #tpu.pipeline_mode<synchronous>, transform_indices = @transform_8, window_bounds = array<i64: 1, 1024>}, {pipeline_mode = #tpu.pipeline_mode<synchronous>, transform_indices = @transform_9, window_bounds = array<i64: 512, 1024>}, {pipeline_mode = #tpu.pipeline_mode<synchronous>, transform_indices = @transform_10, window_bounds = array<i64: 1, 512>}, {pipeline_mode = #tpu.pipeline_mode<synchronous>, transform_indices = @transform_11, window_bounds = array<i64: 1, 512>}, {pipeline_mode = #tpu.pipeline_mode<synchronous>, transform_indices = @transform_12, window_bounds = array<i64: 1, 512>}, {pipeline_mode = #tpu.pipeline_mode<synchronous>, transform_indices = @transform_13, window_bounds = array<i64: 256, 512>}, {pipeline_mode = #tpu.pipeline_mode<synchronous>, transform_indices = @transform_14, window_bounds = array<i64: 1, 256>}, {pipeline_mode = #tpu.pipeline_mode<synchronous>, transform_indices = @transform_15, window_bounds = array<i64: 1, 256>}, {pipeline_mode = #tpu.pipeline_mode<synchronous>, transform_indices = @transform_16, window_bounds = array<i64: 1, 256>}, {pipeline_mode = #tpu.pipeline_mode<synchronous>, transform_indices = @transform_17, window_bounds = array<i64: 1, 256>}, {transform_indices = @transform_18, window_bounds = array<i64: 1>}, {transform_indices = @transform_19, window_bounds = array<i64: 1, 256>}]} {
    %add3A = arith.constant 1.000000e+00 : f32
    %add3A_0 = arith.constant 9.99999974E-6 : f32
    %add3A_1 = arith.addf %add3A, %add3A_0 : f32
    %sqrt3A = math.sqrt %add3A_1 : f32
    %div3A = arith.constant 1.000000e+00 : f32
    %div3A_2 = arith.divf %div3A, %sqrt3A : f32
    %get3A = arith.constant 0 : index
    %get3A_3 = arith.constant 0 : index
    %get3A_4 = vector.load %arg2[%get3A, %get3A_3] : memref<256x13xf32, #tpu.memory_space<vmem>>, vector<256x13xf32>
    %mul3A = vector.broadcast %div3A_2 : f32 to vector<256x13xf32>
    %mul3A_5 = arith.mulf %get3A_4, %mul3A : vector<256x13xf32>
    %get3A_6 = arith.constant 0 : index
    %get3A_7 = arith.constant 0 : index
    %get3A_8 = vector.load %arg3[%get3A_6, %get3A_7] : memref<1x13xf32, #tpu.memory_space<vmem>>, vector<1x13xf32>
    %mul3A_9 = vector.broadcast %get3A_8 : vector<1x13xf32> to vector<256x13xf32>
    %mul3A_10 = arith.mulf %mul3A_5, %mul3A_9 : vector<256x13xf32>
    %get3A_11 = arith.constant 0 : index
    %get3A_12 = arith.constant 0 : index
    %get3A_13 = vector.load %arg4[%get3A_11, %get3A_12] : memref<1x13xf32, #tpu.memory_space<vmem>>, vector<1x13xf32>
    %add3A_14 = vector.broadcast %get3A_13 : vector<1x13xf32> to vector<256x13xf32>
    %add3A_15 = arith.addf %mul3A_10, %add3A_14 : vector<256x13xf32>
    %convert_element_type3A = arith.truncf %add3A_15 : vector<256x13xf32> to vector<256x13xbf16>
    %get3A_16 = arith.constant 0 : index
    %get3A_17 = arith.constant 0 : index
    %get3A_18 = arith.constant 0 : index
    %get3A_19 = vector.load %arg1[%get3A_16, %get3A_17, %get3A_18] : memref<13x256x128xf32, #tpu.memory_space<vmem>>, vector<1x256x128xf32>
    %get3A_20 = vector.shape_cast %get3A_19 : vector<1x256x128xf32> to vector<256x128xf32>
    %get3A_21 = arith.constant 1 : index
    %get3A_22 = arith.constant 0 : index
    %get3A_23 = arith.constant 0 : index
    %get3A_24 = vector.load %arg1[%get3A_21, %get3A_22, %get3A_23] : memref<13x256x128xf32, #tpu.memory_space<vmem>>, vector<1x256x128xf32>
    %get3A_25 = vector.shape_cast %get3A_24 : vector<1x256x128xf32> to vector<256x128xf32>
    %get3A_26 = arith.constant 2 : index
    %get3A_27 = arith.constant 0 : index
    %get3A_28 = arith.constant 0 : index
    %get3A_29 = vector.load %arg1[%get3A_26, %get3A_27, %get3A_28] : memref<13x256x128xf32, #tpu.memory_space<vmem>>, vector<1x256x128xf32>
    %get3A_30 = vector.shape_cast %get3A_29 : vector<1x256x128xf32> to vector<256x128xf32>
    %get3A_31 = arith.constant 3 : index
    %get3A_32 = arith.constant 0 : index
    %get3A_33 = arith.constant 0 : index
    %get3A_34 = vector.load %arg1[%get3A_31, %get3A_32, %get3A_33] : memref<13x256x128xf32, #tpu.memory_space<vmem>>, vector<1x256x128xf32>
    %get3A_35 = vector.shape_cast %get3A_34 : vector<1x256x128xf32> to vector<256x128xf32>
    %get3A_36 = arith.constant 4 : index
    %get3A_37 = arith.constant 0 : index
    %get3A_38 = arith.constant 0 : index
    %get3A_39 = vector.load %arg1[%get3A_36, %get3A_37, %get3A_38] : memref<13x256x128xf32, #tpu.memory_space<vmem>>, vector<1x256x128xf32>
    %get3A_40 = vector.shape_cast %get3A_39 : vector<1x256x128xf32> to vector<256x128xf32>
    %get3A_41 = arith.constant 5 : index
    %get3A_42 = arith.constant 0 : index
    %get3A_43 = arith.constant 0 : index
    %get3A_44 = vector.load %arg1[%get3A_41, %get3A_42, %get3A_43] : memref<13x256x128xf32, #tpu.memory_space<vmem>>, vector<1x256x128xf32>
    %get3A_45 = vector.shape_cast %get3A_44 : vector<1x256x128xf32> to vector<256x128xf32>
    %get3A_46 = arith.constant 6 : index
    %get3A_47 = arith.constant 0 : index
    %get3A_48 = arith.constant 0 : index
    %get3A_49 = vector.load %arg1[%get3A_46, %get3A_47, %get3A_48] : memref<13x256x128xf32, #tpu.memory_space<vmem>>, vector<1x256x128xf32>
    %get3A_50 = vector.shape_cast %get3A_49 : vector<1x256x128xf32> to vector<256x128xf32>
    %get3A_51 = arith.constant 7 : index
    %get3A_52 = arith.constant 0 : index
    %get3A_53 = arith.constant 0 : index
    %get3A_54 = vector.load %arg1[%get3A_51, %get3A_52, %get3A_53] : memref<13x256x128xf32, #tpu.memory_space<vmem>>, vector<1x256x128xf32>
    %get3A_55 = vector.shape_cast %get3A_54 : vector<1x256x128xf32> to vector<256x128xf32>
    %get3A_56 = arith.constant 8 : index
    %get3A_57 = arith.constant 0 : index
    %get3A_58 = arith.constant 0 : index
    %get3A_59 = vector.load %arg1[%get3A_56, %get3A_57, %get3A_58] : memref<13x256x128xf32, #tpu.memory_space<vmem>>, vector<1x256x128xf32>
    %get3A_60 = vector.shape_cast %get3A_59 : vector<1x256x128xf32> to vector<256x128xf32>
    %get3A_61 = arith.constant 9 : index
    %get3A_62 = arith.constant 0 : index
    %get3A_63 = arith.constant 0 : index
    %get3A_64 = vector.load %arg1[%get3A_61, %get3A_62, %get3A_63] : memref<13x256x128xf32, #tpu.memory_space<vmem>>, vector<1x256x128xf32>
    %get3A_65 = vector.shape_cast %get3A_64 : vector<1x256x128xf32> to vector<256x128xf32>
    %get3A_66 = arith.constant 10 : index
    %get3A_67 = arith.constant 0 : index
    %get3A_68 = arith.constant 0 : index
    %get3A_69 = vector.load %arg1[%get3A_66, %get3A_67, %get3A_68] : memref<13x256x128xf32, #tpu.memory_space<vmem>>, vector<1x256x128xf32>
    %get3A_70 = vector.shape_cast %get3A_69 : vector<1x256x128xf32> to vector<256x128xf32>
    %get3A_71 = arith.constant 11 : index
    %get3A_72 = arith.constant 0 : index
    %get3A_73 = arith.constant 0 : index
    %get3A_74 = vector.load %arg1[%get3A_71, %get3A_72, %get3A_73] : memref<13x256x128xf32, #tpu.memory_space<vmem>>, vector<1x256x128xf32>
    %get3A_75 = vector.shape_cast %get3A_74 : vector<1x256x128xf32> to vector<256x128xf32>
    %get3A_76 = arith.constant 12 : index
    %get3A_77 = arith.constant 0 : index
    %get3A_78 = arith.constant 0 : index
    %get3A_79 = vector.load %arg1[%get3A_76, %get3A_77, %get3A_78] : memref<13x256x128xf32, #tpu.memory_space<vmem>>, vector<1x256x128xf32>
    %get3A_80 = vector.shape_cast %get3A_79 : vector<1x256x128xf32> to vector<256x128xf32>
    %concatenate3A = tpu.concatenate %get3A_20, %get3A_25, %get3A_30, %get3A_35, %get3A_40, %get3A_45, %get3A_50, %get3A_55, %get3A_60, %get3A_65, %get3A_70, %get3A_75, %get3A_80 in 1 : vector<256x128xf32>, vector<256x128xf32>, vector<256x128xf32>, vector<256x128xf32>, vector<256x128xf32>, vector<256x128xf32>, vector<256x128xf32>, vector<256x128xf32>, vector<256x128xf32>, vector<256x128xf32>, vector<256x128xf32>, vector<256x128xf32>, vector<256x128xf32> -> vector<256x1664xf32>
    %convert_element_type3A_81 = arith.truncf %concatenate3A : vector<256x1664xf32> to vector<256x1664xbf16>
    %get3A_82 = arith.constant 0 : index
    %get3A_83 = arith.constant 0 : index
    %get3A_84 = vector.load %arg5[%get3A_82, %get3A_83] : memref<1024x1664xbf16, #tpu.memory_space<vmem>>, vector<1024x1664xbf16>
    %dot_general3A = arith.constant dense<0.000000e+00> : vector<256x1024xf32>
    %dot_general3A_85 = tpu.matmul %convert_element_type3A_81, %get3A_84, %dot_general3A {dimension_numbers = #tpu.dot_dimension_numbers<[1], [1], [0], [0], [0, 0, 1, 0], [], []>, transpose_lhs_hint = false} : vector<256x1664xbf16>, vector<1024x1664xbf16>, vector<256x1024xf32> -> vector<256x1024xf32>
    %get3A_86 = arith.constant 0 : index
    %get3A_87 = arith.constant 0 : index
    %get3A_88 = vector.load %arg6[%get3A_86, %get3A_87] : memref<1024x13xbf16, #tpu.memory_space<vmem>>, vector<1024x13xbf16>
    %dot_general3A_89 = arith.constant dense<0.000000e+00> : vector<256x1024xf32>
    %dot_general3A_90 = tpu.matmul %convert_element_type3A, %get3A_88, %dot_general3A_89 {dimension_numbers = #tpu.dot_dimension_numbers<[1], [1], [0], [0], [0, 0, 1, 0], [], []>, transpose_lhs_hint = false} : vector<256x13xbf16>, vector<1024x13xbf16>, vector<256x1024xf32> -> vector<256x1024xf32>
    %add3A_91 = arith.addf %dot_general3A_85, %dot_general3A_90 : vector<256x1024xf32>
    %get3A_92 = arith.constant 0 : index
    %get3A_93 = arith.constant 0 : index
    %get3A_94 = vector.load %arg7[%get3A_92, %get3A_93] : memref<1x1024xf32, #tpu.memory_space<vmem>>, vector<1x1024xf32>
    %add3A_95 = vector.broadcast %get3A_94 : vector<1x1024xf32> to vector<256x1024xf32>
    %add3A_96 = arith.addf %add3A_91, %add3A_95 : vector<256x1024xf32>
    %max3A = arith.constant 0.000000e+00 : f32
    %max3A_97 = vector.broadcast %max3A : f32 to vector<256x1024xf32>
    %max3A_98 = arith.maximumf %add3A_96, %max3A_97 : vector<256x1024xf32>
    %mul3A_99 = vector.broadcast %div3A_2 : f32 to vector<256x1024xf32>
    %mul3A_100 = arith.mulf %max3A_98, %mul3A_99 : vector<256x1024xf32>
    %get3A_101 = arith.constant 0 : index
    %get3A_102 = arith.constant 0 : index
    %get3A_103 = vector.load %arg8[%get3A_101, %get3A_102] : memref<1x1024xf32, #tpu.memory_space<vmem>>, vector<1x1024xf32>
    %mul3A_104 = vector.broadcast %get3A_103 : vector<1x1024xf32> to vector<256x1024xf32>
    %mul3A_105 = arith.mulf %mul3A_100, %mul3A_104 : vector<256x1024xf32>
    %get3A_106 = arith.constant 0 : index
    %get3A_107 = arith.constant 0 : index
    %get3A_108 = vector.load %arg9[%get3A_106, %get3A_107] : memref<1x1024xf32, #tpu.memory_space<vmem>>, vector<1x1024xf32>
    %add3A_109 = vector.broadcast %get3A_108 : vector<1x1024xf32> to vector<256x1024xf32>
    %add3A_110 = arith.addf %mul3A_105, %add3A_109 : vector<256x1024xf32>
    %convert_element_type3A_111 = arith.truncf %add3A_110 : vector<256x1024xf32> to vector<256x1024xbf16>
    %get3A_112 = arith.constant 0 : index
    %get3A_113 = arith.constant 0 : index
    %get3A_114 = vector.load %arg10[%get3A_112, %get3A_113] : memref<512x1024xbf16, #tpu.memory_space<vmem>>, vector<512x1024xbf16>
    %dot_general3A_115 = arith.constant dense<0.000000e+00> : vector<256x512xf32>
    %dot_general3A_116 = tpu.matmul %convert_element_type3A_111, %get3A_114, %dot_general3A_115 {dimension_numbers = #tpu.dot_dimension_numbers<[1], [1], [0], [0], [0, 0, 1, 0], [], []>, transpose_lhs_hint = false} : vector<256x1024xbf16>, vector<512x1024xbf16>, vector<256x512xf32> -> vector<256x512xf32>
    %get3A_117 = arith.constant 0 : index
    %get3A_118 = arith.constant 0 : index
    %get3A_119 = vector.load %arg11[%get3A_117, %get3A_118] : memref<1x512xf32, #tpu.memory_space<vmem>>, vector<1x512xf32>
    %add3A_120 = vector.broadcast %get3A_119 : vector<1x512xf32> to vector<256x512xf32>
    %add3A_121 = arith.addf %dot_general3A_116, %add3A_120 : vector<256x512xf32>
    %max3A_122 = arith.constant 0.000000e+00 : f32
    %max3A_123 = vector.broadcast %max3A_122 : f32 to vector<256x512xf32>
    %max3A_124 = arith.maximumf %add3A_121, %max3A_123 : vector<256x512xf32>
    %mul3A_125 = vector.broadcast %div3A_2 : f32 to vector<256x512xf32>
    %mul3A_126 = arith.mulf %max3A_124, %mul3A_125 : vector<256x512xf32>
    %get3A_127 = arith.constant 0 : index
    %get3A_128 = arith.constant 0 : index
    %get3A_129 = vector.load %arg12[%get3A_127, %get3A_128] : memref<1x512xf32, #tpu.memory_space<vmem>>, vector<1x512xf32>
    %mul3A_130 = vector.broadcast %get3A_129 : vector<1x512xf32> to vector<256x512xf32>
    %mul3A_131 = arith.mulf %mul3A_126, %mul3A_130 : vector<256x512xf32>
    %get3A_132 = arith.constant 0 : index
    %get3A_133 = arith.constant 0 : index
    %get3A_134 = vector.load %arg13[%get3A_132, %get3A_133] : memref<1x512xf32, #tpu.memory_space<vmem>>, vector<1x512xf32>
    %add3A_135 = vector.broadcast %get3A_134 : vector<1x512xf32> to vector<256x512xf32>
    %add3A_136 = arith.addf %mul3A_131, %add3A_135 : vector<256x512xf32>
    %convert_element_type3A_137 = arith.truncf %add3A_136 : vector<256x512xf32> to vector<256x512xbf16>
    %get3A_138 = arith.constant 0 : index
    %get3A_139 = arith.constant 0 : index
    %get3A_140 = vector.load %arg14[%get3A_138, %get3A_139] : memref<256x512xbf16, #tpu.memory_space<vmem>>, vector<256x512xbf16>
    %dot_general3A_141 = arith.constant dense<0.000000e+00> : vector<256x256xf32>
    %dot_general3A_142 = tpu.matmul %convert_element_type3A_137, %get3A_140, %dot_general3A_141 {dimension_numbers = #tpu.dot_dimension_numbers<[1], [1], [0], [0], [0, 0, 1, 0], [], []>, transpose_lhs_hint = false} : vector<256x512xbf16>, vector<256x512xbf16>, vector<256x256xf32> -> vector<256x256xf32>
    %get3A_143 = arith.constant 0 : index
    %get3A_144 = arith.constant 0 : index
    %get3A_145 = vector.load %arg15[%get3A_143, %get3A_144] : memref<1x256xf32, #tpu.memory_space<vmem>>, vector<1x256xf32>
    %add3A_146 = vector.broadcast %get3A_145 : vector<1x256xf32> to vector<256x256xf32>
    %add3A_147 = arith.addf %dot_general3A_142, %add3A_146 : vector<256x256xf32>
    %max3A_148 = arith.constant 0.000000e+00 : f32
    %max3A_149 = vector.broadcast %max3A_148 : f32 to vector<256x256xf32>
    %max3A_150 = arith.maximumf %add3A_147, %max3A_149 : vector<256x256xf32>
    %mul3A_151 = vector.broadcast %div3A_2 : f32 to vector<256x256xf32>
    %mul3A_152 = arith.mulf %max3A_150, %mul3A_151 : vector<256x256xf32>
    %get3A_153 = arith.constant 0 : index
    %get3A_154 = arith.constant 0 : index
    %get3A_155 = vector.load %arg16[%get3A_153, %get3A_154] : memref<1x256xf32, #tpu.memory_space<vmem>>, vector<1x256xf32>
    %mul3A_156 = vector.broadcast %get3A_155 : vector<1x256xf32> to vector<256x256xf32>
    %mul3A_157 = arith.mulf %mul3A_152, %mul3A_156 : vector<256x256xf32>
    %get3A_158 = arith.constant 0 : index
    %get3A_159 = arith.constant 0 : index
    %get3A_160 = vector.load %arg17[%get3A_158, %get3A_159] : memref<1x256xf32, #tpu.memory_space<vmem>>, vector<1x256xf32>
    %add3A_161 = vector.broadcast %get3A_160 : vector<1x256xf32> to vector<256x256xf32>
    %add3A_162 = arith.addf %mul3A_157, %add3A_161 : vector<256x256xf32>
    %convert_element_type3A_163 = arith.truncf %add3A_162 : vector<256x256xf32> to vector<256x256xbf16>
    %get3A_164 = arith.constant 0 : index
    %get3A_165 = arith.constant 0 : index
    %get3A_166 = vector.load %arg18[%get3A_164, %get3A_165] : memref<1x256xbf16, #tpu.memory_space<vmem>>, vector<1x256xbf16>
    %dot_general3A_167 = arith.constant dense<0.000000e+00> : vector<1x256xf32>
    %dot_general3A_168 = tpu.matmul %get3A_166, %convert_element_type3A_163, %dot_general3A_167 {dimension_numbers = #tpu.dot_dimension_numbers<[1], [1], [0], [0], [0, 0, 1, 0], [], []>, transpose_lhs_hint = false} : vector<1x256xbf16>, vector<256x256xbf16>, vector<1x256xf32> -> vector<1x256xf32>
    %get3A_169 = arith.constant 0 : index
    %get3A_170 = memref.load %arg19[%get3A_169] : memref<1xf32, #tpu.memory_space<smem>>
    %add3A_171 = vector.broadcast %get3A_170 : f32 to vector<1x256xf32>
    %add3A_172 = arith.addf %dot_general3A_168, %add3A_171 : vector<1x256xf32>
    %swap3A = arith.constant 0 : index
    %swap3A_173 = arith.constant 0 : index
    %swap3A_174 = vector.load %arg20[%swap3A, %swap3A_173] : memref<1x256xf32, #tpu.memory_space<vmem>>, vector<1x256xf32>
    tpu.vector_store %arg20[%swap3A, %swap3A_173], %add3A_172 {strides = array<i32>} : memref<1x256xf32, #tpu.memory_space<vmem>>, vector<1x256xf32>,
    return
  }
  func.func @transform_0(%arg0: i32) -> (i32, i32, i32) {
    %c0_i32 = arith.constant 0 : i32
    %c0_i32_0 = arith.constant 0 : i32
    %c0_i32_1 = arith.constant 0 : i32
    return %c0_i32, %arg0, %c0_i32_0 : i32, i32, i32
  }
  func.func @transform_1(%arg0: i32) -> (i32, i32) {
    %c0_i32 = arith.constant 0 : i32
    %c0_i32_0 = arith.constant 0 : i32
    return %arg0, %c0_i32 : i32, i32
  }
  func.func @transform_2(%arg0: i32) -> (i32, i32) {
    %c0_i32 = arith.constant 0 : i32
    %c0_i32_0 = arith.constant 0 : i32
    %c0_i32_1 = arith.constant 0 : i32
    return %c0_i32, %c0_i32_0 : i32, i32
  }
  func.func @transform_3(%arg0: i32) -> (i32, i32) {
    %c0_i32 = arith.constant 0 : i32
    %c0_i32_0 = arith.constant 0 : i32
    %c0_i32_1 = arith.constant 0 : i32
    return %c0_i32, %c0_i32_0 : i32, i32
  }
  func.func @transform_4(%arg0: i32) -> (i32, i32) {
    %c0_i32 = arith.constant 0 : i32
    %c0_i32_0 = arith.constant 0 : i32
    %c0_i32_1 = arith.constant 0 : i32
    return %c0_i32, %c0_i32_0 : i32, i32
  }
  func.func @transform_5(%arg0: i32) -> (i32, i32) {
    %c0_i32 = arith.constant 0 : i32
    %c0_i32_0 = arith.constant 0 : i32
    %c0_i32_1 = arith.constant 0 : i32
    return %c0_i32, %c0_i32_0 : i32, i32
  }
  func.func @transform_6(%arg0: i32) -> (i32, i32) {
    %c0_i32 = arith.constant 0 : i32
    %c0_i32_0 = arith.constant 0 : i32
    %c0_i32_1 = arith.constant 0 : i32
    return %c0_i32, %c0_i32_0 : i32, i32
  }
  func.func @transform_7(%arg0: i32) -> (i32, i32) {
    %c0_i32 = arith.constant 0 : i32
    %c0_i32_0 = arith.constant 0 : i32
    %c0_i32_1 = arith.constant 0 : i32
    return %c0_i32, %c0_i32_0 : i32, i32
  }
  func.func @transform_8(%arg0: i32) -> (i32, i32) {
    %c0_i32 = arith.constant 0 : i32
    %c0_i32_0 = arith.constant 0 : i32
    %c0_i32_1 = arith.constant 0 : i32
    return %c0_i32, %c0_i32_0 : i32, i32
  }
  func.func @transform_9(%arg0: i32) -> (i32, i32) {
    %c0_i32 = arith.constant 0 : i32
    %c0_i32_0 = arith.constant 0 : i32
    %c0_i32_1 = arith.constant 0 : i32
    return %c0_i32, %c0_i32_0 : i32, i32
  }
  func.func @transform_10(%arg0: i32) -> (i32, i32) {
    %c0_i32 = arith.constant 0 : i32
    %c0_i32_0 = arith.constant 0 : i32
    %c0_i32_1 = arith.constant 0 : i32
    return %c0_i32, %c0_i32_0 : i32, i32
  }
  func.func @transform_11(%arg0: i32) -> (i32, i32) {
    %c0_i32 = arith.constant 0 : i32
    %c0_i32_0 = arith.constant 0 : i32
    %c0_i32_1 = arith.constant 0 : i32
    return %c0_i32, %c0_i32_0 : i32, i32
  }
  func.func @transform_12(%arg0: i32) -> (i32, i32) {
    %c0_i32 = arith.constant 0 : i32
    %c0_i32_0 = arith.constant 0 : i32
    %c0_i32_1 = arith.constant 0 : i32
    return %c0_i32, %c0_i32_0 : i32, i32
  }
  func.func @transform_13(%arg0: i32) -> (i32, i32) {
    %c0_i32 = arith.constant 0 : i32
    %c0_i32_0 = arith.constant 0 : i32
    %c0_i32_1 = arith.constant 0 : i32
    return %c0_i32, %c0_i32_0 : i32, i32
  }
  func.func @transform_14(%arg0: i32) -> (i32, i32) {
    %c0_i32 = arith.constant 0 : i32
    %c0_i32_0 = arith.constant 0 : i32
    %c0_i32_1 = arith.constant 0 : i32
    return %c0_i32, %c0_i32_0 : i32, i32
  }
  func.func @transform_15(%arg0: i32) -> (i32, i32) {
    %c0_i32 = arith.constant 0 : i32
    %c0_i32_0 = arith.constant 0 : i32
    %c0_i32_1 = arith.constant 0 : i32
    return %c0_i32, %c0_i32_0 : i32, i32
  }
  func.func @transform_16(%arg0: i32) -> (i32, i32) {
    %c0_i32 = arith.constant 0 : i32
    %c0_i32_0 = arith.constant 0 : i32
    %c0_i32_1 = arith.constant 0 : i32
    return %c0_i32, %c0_i32_0 : i32, i32
  }
  func.func @transform_17(%arg0: i32) -> (i32, i32) {
    %c0_i32 = arith.constant 0 : i32
    %c0_i32_0 = arith.constant 0 : i32
    %c0_i32_1 = arith.constant 0 : i32
    return %c0_i32, %c0_i32_0 : i32, i32
  }
  func.func @transform_18(%arg0: i32) -> i32 {
    %c0_i32 = arith.constant 0 : i32
    %c0_i32_0 = arith.constant 0 : i32
    return %c0_i32 : i32
  }
  func.func @transform_19(%arg0: i32) -> (i32, i32) {
    %c0_i32 = arith.constant 0 : i32
    %c0_i32_0 = arith.constant 0 : i32
    return %c0_i32, %arg0 : i32, i32
  }
}

</mosaic_0001>

<sc_bundles>
// kernel: kernel.4.cloned.1.call-start
scs
__scs_entry_jumppad:
0x0: {  	(pc) =	sbr.rel $0x88, $3  }
0x1: {  	(tag) =	ssettag $0x0;
	lr =	simm.s32 $0x1  }
0x2: {  	[smem:$0x3F8E] =	sst lr;
	_ =	strace $0xD0000000  }
0x3: {  	_ = 	snop  }
0x4: {  	_ = 	snop  }
0x5: {  	_ = 	snop  }
0x6: {  	_ = 	snop  }
0x7: {  	_ = 	snop  }
__scs_overlays_trampoline_lowered:
0x8: {  	[smem:$0x3F9D] =	sst s0  }
0x9: {  	[smem:$0x3F9E] =	sst s1  }
0xa: {  	[smem:$0x3F9F] =	sst s2  }
0xb: {  	[smem:$0x3FA0] =	sst s3  }
0xc: {  	[smem:$0x3FA1] =	sst s4  }
0xd: {  	[smem:$0x3FA2] =	sst s5  }
0xe: {  	[smem:$0x3FA3] =	sst s6  }
0xf: {  	[smem:$0x3FA4] =	sst s7  }
0x10: {  	[smem:$0x3FA5] =	sst s8  }
0x11: {  	[smem:$0x3FA6] =	sst s9;
	s0 =	simm.s32 @!p0 $0x0  }
0x12: {  	s1 =	sld [smem:$0x3F8C];
	s0 =	simm.s32 @p0 $0x1  }
0x13: {  	[smem:$0x3FA7] =	sst s0;
	s0 =	simm.s32 @!p1 $0x0  }
0x14: {  	s2 =	sld [smem:$0x3F8B];
	s0 =	simm.s32 @p1 $0x1  }
0x15: {  	[smem:$0x3FA8] =	sst s0;
	s0 =	simm.s32 @!p2 $0x0  }
0x16: {  	s3 =	sld [smem:$0x3FDB];
	s0 =	simm.s32 @p2 $0x1  }
0x17: {  	s4 =	simm.s32 $0x1BF5;
	[smem:$0x3FAA] =	sst s0  }
0x18: {  	s0 =	sld [smem:$0x3F8D];
	_ =	swait.ge [sflag:s4], $0x0  }
0x19: {  	s7 =	sld [smem:$0x3F8E]  }
0x1a: {  	s8 =	sadd.s32 $0xFFFFE003, lr  }
0x1b: {  	s9 =	sadd.s32 $0xFFFFFEF7, lr;
	s5 =	simm.s32 $0xFFFFFFFF;
	p2 =	slt.u32 s8, $0xFFFFF086  }
0x1c: {  	p1 =	slt.u32 s9, $0xF7A;
	s5 =	simm.s32 @!p2 $0x0  }
0x1d: {  	s5 =	simm.s32 @p1 $0x1;
	p0 =	seq.s32 s7, s2  }
0x1e: {  	s7 =	smul.u32 @!p0 $0xF7A, s2;
	p2 =	seq.s32 @!p0 s5, $0x0  }
0x1f: {  	s9 =	smul.u32 $0xF7A, s1;
	s8 =	simm.s32 @!p0 $0x1BF5;
	p2 =	por !p2, p0  }
0x20: {  	[sflag:s8] =	ssyncset.s32 @!p0 $0xFFFFF086;
	s6 =	sadd.s32 @!p0 s3, s7;
	s7 =	simm.s32 @!p0 $0x108  }
0x21: {  	s3 =	sadd.s32 s3, s9;
	s6 =	sadd.s32 @!p0 $0x88, s6;
	s7 =	simm.s32 @p2 $0x1082  }
0x22: {  	[simem:s7], [sflag:s8] =	dma.local @!p0 [hbm:s6], $0xF7A  }
0x23: {  	s9 =	sor.u32 $0xD0000000, s2;
	s6 =	simm.s32 $0x108;
	_ =	swait.ge @!p0 [sflag:s8], $0x0  }
0x24: {  	s3 =	sadd.s32 $0x88, s3;
	s6 =	simm.s32 @!p1 $0x1082;
	[sflag:s4] =	ssyncset.s32 $0xFFFFF086  }
0x25: {  	[simem:s6], [sflag:s4] =	dma.local [hbm:s3], $0xF7A  }
0x26: {  	[smem:$0x3F8E] =	sst s1;
	(tag) =	ssettag s2;
	_ =	strace s9  }
0x27: {  	s1 =	sld [smem:$0x3F9E]  }
0x28: {  	s2 =	sld [smem:$0x3F9F]  }
0x29: {  	s4 =	sld [smem:$0x3FA1]  }
0x2a: {  	p0 =	seq.s32 s5, $0x0;
	s5 =	sld [smem:$0x3FA2]  }
0x2b: {  	s6 =	sld [smem:$0x3FA3]  }
0x2c: {  	s7 =	sld [smem:$0x3FA4]  }
0x2d: {  	s3 =	simm.s32 $0x108;
	s8 =	sld [smem:$0x3FA5]  }
0x2e: {  	s3 =	simm.s32 @!p0 $0x1082;
	s9 =	sld [smem:$0x3FA6]  }
0x2f: {  	lr =	sadd.s32 s0, s3;
	s0 =	sld [smem:$0x3F9D]  }
0x30: {  	s3 =	sld [smem:$0x3FA0]  }
0x31: {  	[smem:$0x3FA9] =	sst s10  }
0x32: {  	s10 =	sld [smem:$0x3FA7];
	_ =	sdelay $0x3  }
0x33: {  	p0 =	seq.s32 s10, $0x1;
	s10 =	sld [smem:$0x3FA9];
	_ =	sdelay $0x3  }
0x34: {  	[smem:$0x3FA9] =	sst s10  }
0x35: {  	s10 =	sld [smem:$0x3FA8];
	_ =	sdelay $0x3  }
0x36: {  	p1 =	seq.s32 s10, $0x1;
	s10 =	sld [smem:$0x3FA9];
	_ =	sdelay $0x3  }
0x37: {  	[smem:$0x3FA9] =	sst s10  }
0x38: {  	s10 =	sld [smem:$0x3FAA]  }
0x39: {  	_ = 	snop;
	(pc) =	sbr.ind lr, $3  }
0x3a: {  	_ = 	snop  }
0x3b: {  	_ = 	snop  }
0x3c: {  	p2 =	seq.s32 s10, $0x1;
	s10 =	sld [smem:$0x3FA9]  }
0x3d: {  	_ =	shalt  }
0x3e: {  	_ =	shalt  }
0x3f: {  	_ =	shalt  }
0x40: {  	_ =	shalt  }
0x41: {  	_ =	shalt  }
0x42: {  	_ =	shalt  }
0x43: {  	_ =	shalt  }
0x44: {  	_ =	shalt  }
0x45: {  	_ =	shalt  }
0x46: {  	_ =	shalt  }
0x47: {  	_ =	shalt  }
0x48: {  	_ =	shalt  }
0x49: {  	_ =	shalt  }
0x4a: {  	_ =	shalt  }
0x4b: {  	_ =	shalt  }
0x4c: {  	_ =	shalt  }
0x4d: {  	_ =	shalt  }
0x4e: {  	_ =	shalt  }
0x4f: {  	_ =	shalt  }
0x50: {  	_ =	shalt  }
0x51: {  	_ =	shalt  }
0x52: {  	_ =	shalt  }
0x53: {  	_ =	shalt  }
0x54: {  	_ =	shalt  }
0x55: {  	_ =	shalt  }
0x56: {  	_ =	shalt  }
0x57: {  	_ =	shalt  }
0x58: {  	_ =	shalt  }
0x59: {  	_ =	shalt  }
0x5a: {  	_ =	shalt  }
0x5b: {  	_ =	shalt  }
0x5c: {  	_ =	shalt  }
0x5d: {  	_ =	shalt  }
0x5e: {  	_ =	shalt  }
0x5f: {  	_ =	shalt  }
0x60: {  	_ =	shalt  }
0x61: {  	_ =	shalt  }
0x62: {  	_ =	shalt  }
0x63: {  	_ =	shalt  }
0x64: {  	_ =	shalt  }
0x65: {  	_ =	shalt  }
0x66: {  	_ =	shalt  }
0x67: {  	_ =	shalt  }
0x68: {  	_ =	shalt  }
0x69: {  	_ =	shalt  }
0x6a: {  	_ =	shalt  }
0x6b: {  	_ =	shalt  }
0x6c: {  	_ =	shalt  }
0x6d: {  	_ =	shalt  }
0x6e: {  	_ =	shalt  }
0x6f: {  	_ =	shalt  }
0x70: {  	_ =	shalt  }
0x71: {  	_ =	shalt  }
0x72: {  	_ =	shalt  }
0x73: {  	_ =	shalt  }
0x74: {  	_ =	shalt  }
0x75: {  	_ =	shalt  }
0x76: {  	_ =	shalt  }
0x77: {  	_ =	shalt  }
0x78: {  	_ =	shalt  }
0x79: {  	_ =	shalt  }
0x7a: {  	_ =	shalt  }
0x7b: {  	_ =	shalt  }
0x7c: {  	_ =	shalt  }
0x7d: {  	_ =	shalt  }
0x7e: {  	_ =	shalt  }
0x7f: {  	_ =	shalt  }
0x80: {  	_ =	shalt  }
0x81: {  	_ =	shalt  }
0x82: {  	_ =	shalt  }
0x83: {  	_ =	shalt  }
0x84: {  	_ =	shalt  }
0x85: {  	_ =	shalt  }
0x86: {  	_ =	shalt  }
0x87: {  	_ =	shalt  }
.Lfunc_end0:
.L_simem_size_0:
called_computation_lowered:
.L_overlay_start_0:
0x88: {  	s2 =	sld [smem:$0x3FD9]  }
0x89: {  	s3 =	sld [smem:$0x3FFE];
	_ =	sdelay $0x1  }
0x8a: {  	s1 =	srdreg.scid  }
0x8b: {  	s0 =	sand.u32 $0x1, s1  }
0x8c: {  	s16 =	sshll.u32 s0, $0xA;
	s2 =	sadd.s32 s3, s2  }
0x8d: {  	s2 =	sadd.s32 s2, s16  }
0x8e: {  	[smem:$0x3FB5] =	sst s2  }
0x8f: {  	_ = 	snop  }
0x90: {  	(tm) =	ssettm $0x1  }
0x91: {  	s17 =	sld [smem:$0x3FFB];
	_ =	sdelay $0x3  }
0x92: {  	_ =	strace s17  }
0x93: {  	s2 =	sld [smem:$0x3FFC];
	_ =	sdelay $0x3  }
0x94: {  	_ =	strace s2  }
0x95: {  	s2 =	sld [smem:$0x3FFD];
	_ =	sdelay $0x3  }
0x96: {  	_ =	strace s2  }
0x97: {  	_ =	strace $0x8FFFFFFF  }
0x98: {  	s18 =	sld [smem:$0x3FDB];
	_ =	sdelay $0x1  }
0x99: {  	s19 =	simm.s32 $_scs_section_size  }
0x9a: {  	s4 =	simm.s32 $_size__tile_overlayer_lowered;
	s5 =	simm.s32 $_tile_overlayer_lowered  }
0x9b: {  	s22 =	simm.s32 $0x1BFF;
	s21 =	sshll.u32 s5, $0x1;
	s2 =	sadd.s32 s19, s18  }
0x9c: {  	s6 =	simm.s32 $0x0;
	s20 =	sshll.u32 s4, $0x1;
	s4 =	sadd.s32 s21, s2  }
0x9d: {  	[timem:s6], [sflag:s22] =	dma.local [hbm:s4], s20  }
0x9e: {  	_ =	swait.ge [sflag:s22], s20  }
0x9f: {  	s3 =	ssub.s32 $0x0, s20;
	[sflag:s22] =	ssyncset.done $0x0  }
0xa0: {  	[sflag:s22] =	ssyncadd.s32 s3;
	_ =	sdelay $0x1  }
0xa1: {  	s23 =	simm.s32 $0x1B8B  }
0xa2: {  	_ =	swait.ge [sflag:s23], $0x1  }
0xa3: {  	[sflag:s23] =	ssyncset.done $0x0  }
0xa4: {  	s25 =	simm.s32 $0x1B8E;
	s24 =	sld [smem:$0x3FFE];
	[sflag:s23] =	ssyncadd.s32 $0xFFFFFFFF  }
0xa5: {  	s26 =	simm.s32 $execute0_lowered;
	[smem:$0x3FD2] =	sst s25  }
0xa6: {  	s4 =	sshll.u32 s26, $0x1;
	_ =	strace $0x80000046;
	[dreg:$0x1] =	wrdreg $0xFFFFFFFF  }
0xa7: {  	s28 =	simm.s32 $_size_execute0_lowered;
	s2 =	sadd.s32 s2, s4;
	[dreg:$0x0] =	wrdreg $0x0  }
0xa8: {  	s4 =	sshll.u32 s28, $0x1;
	[dreg:$0x2] =	wrdreg s2  }
0xa9: {  	[dreg:$0x3] =	wrdreg s4  }
0xaa: {  	[dreg:$0x4] =	wrdreg $0xC0  }
0xab: {  	_ =	task [dreg:s6], $0x5FFFF  }
0xac: {  	[dreg:$0x1] =	wrdreg $0xFFFFFFFF  }
0xad: {  	[dreg:$0x0] =	wrdreg $0x60  }
0xae: {  	[dreg:$0x2] =	wrdreg s24  }
0xaf: {  	[dreg:$0x3] =	wrdreg $0x9  }
0xb0: {  	_ =	task.clear_ibuf [dreg:s6], $0x4FFFF;
	_ =	strace $0x90000046  }
0xb1: {  	s29 =	simm.s32 $0x9;
	_ =	strace $0x80000048  }
0xb2: {  	_ =	swait.ge [sflag:s29], $0x1  }
0xb3: {  	[sflag:s29] =	ssyncadd.s32 $0xFFFFFFFF  }
0xb4: {  	_ =	strace $0x90000048  }
0xb5: {  	_ =	sfence  }
0xb6: {  	s30 =	sld [smem:$0x0];
	_ =	sdelay $0x2  }
0xb7: {  	s31 =	sshll.u32 s1, $0xD;
	s1 =	sshrl.u32 s1, $0x2  }
0xb8: {  	s3 =	sand.u32 $0x4000, s31;
	s1 =	sadd.s32 s1, s30  }
0xb9: {  	s0 =	sor.u32 s3, s0;
	s1 =	sshll.u32 s1, $0x11  }
0xba: {  	s0 =	sor.u32 s1, s0  }
0xbb: {  	s0 =	sadd.s32 $0x8F2B, s0  }
0xbc: {  	[sflag:s0] =	ssyncadd.remote.s32 $0x1  }
0xbd: {  	_ =	sfence.sel $0xFFFF  }
0xbe: {  	[dreg:$0x0] =	wrdreg $0xFFFFFFFF;
	(pc) =	sbr.abs _section_cstart, $3  }
0xbf: {  	[dreg:$0x1] =	wrdreg $0xFFFFFFFF  }
0xc0: {  	_ =	task.clear_ibuf [dreg:s6], $0x2FFFF;
	_ =	strace $0x9FFFFFFF  }
0xc1: {  	(tm) =	ssettm $0x7FFFFFFF  }
tec
execute0_lowered:
.L_overlay_start_1:
0x0: {  	(tag) =	ssettag $0x1  }
0x1: {  	s1 =	srdreg.scid;
	s0 =	stileid.u32  }
0x2: {  	s3 =	sand.u32 $0x1, s1;
	s8 =	sshll.u32 s0, $0x1  }
0x3: {  	s4 =	sor.u32 s3, s8  }
0x4: {  	s1 =	rddreg [dreg:$0x0];
	s5 =	smul.u32 $0x1A0, s4;
	s4 =	sshll.u32 s4, $0xB  }
0x5: {  	s2 =	simm.s32 $0x0;
	s4 =	sadd.s32 s4, s1  }
0x6: {  	[smem:$0x7FF] =	sst s2;
	s9 =	sadd.s32 $0x38E00, s4  }
0x7: {  	_ =	strace $0x80000047;
	s10 =	sadd.s32 $0x38E08, s4;
	[dreg:$0x3] =	wrdreg s9  }
0x8: {  	s11 =	sadd.s32 $0x48E00, s4;
	[dreg:$0x4] =	wrdreg s10  }
0x9: {  	s12 =	sadd.s32 $0x48E08, s4;
	[dreg:$0x5] =	wrdreg s11  }
0xa: {  	s13 =	sadd.s32 $0x58E00, s4;
	[dreg:$0x6] =	wrdreg s12  }
0xb: {  	s14 =	sadd.s32 $0x58E08, s4;
	[dreg:$0x7] =	wrdreg s13  }
0xc: {  	s15 =	sadd.s32 $0x68E00, s4;
	[dreg:$0x8] =	wrdreg s14  }
0xd: {  	s16 =	sadd.s32 $0x68E08, s4;
	[dreg:$0x9] =	wrdreg s15  }
0xe: {  	s17 =	sadd.s32 $0x78E00, s4;
	[dreg:$0xa] =	wrdreg s16  }
0xf: {  	s18 =	sadd.s32 $0x78E08, s4;
	[dreg:$0xb] =	wrdreg s17  }
0x10: {  	s19 =	sadd.s32 $0x88E00, s4;
	[dreg:$0xc] =	wrdreg s18  }
0x11: {  	s20 =	sadd.s32 $0x88E08, s4;
	[dreg:$0xd] =	wrdreg s19  }
0x12: {  	s21 =	sadd.s32 $0x98E00, s4;
	[dreg:$0xe] =	wrdreg s20  }
0x13: {  	s22 =	sadd.s32 $0x98E08, s4;
	[dreg:$0xf] =	wrdreg s21  }
0x14: {  	s23 =	sadd.s32 $0xA8E00, s4;
	[dreg:$0x10] =	wrdreg s22  }
0x15: {  	s24 =	sadd.s32 $0xA8E08, s4;
	[dreg:$0x11] =	wrdreg s23  }
0x16: {  	s25 =	sadd.s32 $0xB8E00, s4;
	[dreg:$0x12] =	wrdreg s24  }
0x17: {  	s26 =	sadd.s32 $0xB8E08, s4;
	[dreg:$0x13] =	wrdreg s25  }
0x18: {  	s28 =	simm.s32 $0xA80;
	s0 =	sadd.s32 $0xC8E00, s4;
	[dreg:$0x14] =	wrdreg s26  }
0x19: {  	s29 =	simm.s32 $0xB00;
	s6 =	sadd.s32 $0xC8E08, s4;
	[dreg:$0x15] =	wrdreg s0  }
0x1a: {  	s30 =	simm.s32 $0xB80;
	s7 =	sadd.s32 $0xD8E00, s4;
	[dreg:$0x16] =	wrdreg s6  }
0x1b: {  	s5 =	sadd.s32 s5, s1;
	s8 =	sadd.s32 $0xD8E08, s4;
	[dreg:$0x17] =	wrdreg s7  }
0x1c: {  	s31 =	simm.s32 $0xC00;
	s5 =	sadd.s32 $0x35A00, s5;
	[dreg:$0x18] =	wrdreg s8  }
0x1d: {  	s3 =	ssub.s32 $0x2, s3;
	s9 =	sadd.s32 $0xE8E00, s4;
	[dreg:$0x2] =	wrdreg s5  }
0x1e: {  	s10 =	sadd.s32 $0xE8E08, s4;
	s6 =	sshrl.u32 s3, $0x1;
	[dreg:$0x19] =	wrdreg s9  }
0x1f: {  	s11 =	sadd.s32 $0xF8E00, s4;
	s4 =	sadd.s32 $0xF8E08, s4;
	[dreg:$0x1a] =	wrdreg s10  }
0x20: {  	s12 =	simm.s32 $0x100;
	s7 =	simm.s32 $0xD00;
	[dreg:$0x1b] =	wrdreg s11  }
0x21: {  	s13 =	simm.s32 $0x180;
	s8 =	simm.s32 $0x2D00;
	[dreg:$0x1c] =	wrdreg s4  }
0x22: {  	s14 =	simm.s32 $0x200;
	s15 =	simm.s32 $0x280;
	[dreg:$0x1d] =	wrdreg s12  }
0x23: {  	s16 =	simm.s32 $0x300;
	s17 =	simm.s32 $0x380;
	[dreg:$0x1e] =	wrdreg s13  }
0x24: {  	s18 =	simm.s32 $0x400;
	s19 =	simm.s32 $0x480;
	[dreg:$0x1f] =	wrdreg s14  }
0x25: {  	s20 =	simm.s32 $0x500;
	s21 =	simm.s32 $0x580;
	[smem:$0x7F2] =	sst s15  }
0x26: {  	s22 =	simm.s32 $0x600;
	s23 =	simm.s32 $0x680;
	[smem:$0x7F3] =	sst s16  }
0x27: {  	s24 =	simm.s32 $0x700;
	s25 =	simm.s32 $0x780;
	[smem:$0x7F4] =	sst s17  }
0x28: {  	s26 =	simm.s32 $0x800;
	s6 =	ssub.s32 s3, s6;
	[smem:$0x7F5] =	sst s18  }
0x29: {  	s3 =	sadd.s32 $0x2C00, s1;
	s5 =	simm.s32 $0x3;
	[smem:$0x7F6] =	sst s19  }
0x2a: {  	s9 =	simm.s32 $0x4D00;
	s10 =	simm.s32 $0x6D00;
	[smem:$0x7F7] =	sst s20  }
0x2b: {  	s11 =	simm.s32 $0x8D00;
	s12 =	simm.s32 $0xAD00;
	[smem:$0x7F8] =	sst s21  }
0x2c: {  	s13 =	simm.s32 $0xCD00;
	s14 =	simm.s32 $0xED00;
	[smem:$0x7F9] =	sst s22  }
0x2d: {  	s15 =	simm.s32 $0x10D00;
	s16 =	simm.s32 $0x12D00;
	[smem:$0x7FA] =	sst s23  }
0x2e: {  	s17 =	simm.s32 $0x14D00;
	s18 =	simm.s32 $0x16D00;
	[smem:$0x7FB] =	sst s24  }
0x2f: {  	s19 =	simm.s32 $0x18D00;
	s20 =	simm.s32 $0x1;
	[smem:$0x7FC] =	sst s25  }
0x30: {  	s21 =	simm.s32 $0x40;
	s22 =	simm.s32 $0x2;
	[smem:$0x7FD] =	sst s26  }
0x31: {  	s24 =	simm.s32 $0x900;
	s25 =	simm.s32 $0x980;
	s26 =	simm.s32 $0xA00  }
0x32: {  	s1 =	simm.s32 $0xC80;
	s4 =	smax.u32 s6, $0x1;
	s6 =	simm.s32 $0x80  }
.LBB2_1:
0x33: {  	s0 =	rddreg [dreg:$0x2]  }
0x34: {  	[tilespmem:s2], [sflag:$0x3] =	stream.linear.gather [hbm4b:s0+s2], $0xD00, $0x38;
	[tilespmem:$0x1AD00] =	vst v63  }
0x35: {  	_ =	swait.ge [sflag:s5], $0xD00  }
0x36: {  	[sflag:s5] =	ssyncset.done $0x0  }
0x37: {  	[sflag:s5] =	ssyncadd.s32 $0xFFFFF300  }
0x38: {  	v0 =	vld [tilespmem:$0x80]  }
0x39: {  	v1 =	vld [tilespmem:$0x90]  }
0x3a: {  	v2 =	vld [tilespmem:$0xA0]  }
0x3b: {  	v3 =	vld [tilespmem:$0xB0]  }
0x3c: {  	v4 =	vld [tilespmem:$0xC0]  }
0x3d: {  	v5 =	vld [tilespmem:$0xD0];
	v0 =	vadd.s32 $0x3E8, v0  }
0x3e: {  	v11 =	vld [tilespmem:$0xE0];
	v10 =	vadd.s32 $0x3E8, v1;
	[tilespmem:$0x80] =	vst v0  }
0x3f: {  	v13 =	vld [tilespmem:$0xF0];
	v12 =	vadd.s32 $0x3E8, v2;
	[tilespmem:$0x90] =	vst v10  }
0x40: {  	v15 =	vld [tilespmem:$0x100];
	v14 =	vadd.s32 $0x3E8, v3;
	[tilespmem:$0xA0] =	vst v12  }
0x41: {  	v17 =	vld [tilespmem:$0x110];
	v16 =	vadd.s32 $0x3E8, v4;
	[tilespmem:$0xB0] =	vst v14  }
0x42: {  	v19 =	vld [tilespmem:$0x120];
	v18 =	vadd.s32 $0x3E8, v5;
	[tilespmem:$0xC0] =	vst v16  }
0x43: {  	v21 =	vld [tilespmem:$0x130];
	v20 =	vadd.s32 $0x3E8, v11;
	[tilespmem:$0xD0] =	vst v18  }
0x44: {  	v23 =	vld [tilespmem:$0x140];
	v22 =	vadd.s32 $0x3E8, v13;
	[tilespmem:$0xE0] =	vst v20  }
0x45: {  	v25 =	vld [tilespmem:$0x150];
	v24 =	vadd.s32 $0x7D0, v15;
	[tilespmem:$0xF0] =	vst v22  }
0x46: {  	v27 =	vld [tilespmem:$0x160];
	v26 =	vadd.s32 $0x7D0, v17;
	[tilespmem:$0x100] =	vst v24  }
0x47: {  	v29 =	vld [tilespmem:$0x170];
	v28 =	vadd.s32 $0x7D0, v19;
	[tilespmem:$0x110] =	vst v26  }
0x48: {  	v31 =	vld [tilespmem:$0x180];
	v30 =	vadd.s32 $0x7D0, v21;
	[tilespmem:$0x120] =	vst v28  }
0x49: {  	v33 =	vld [tilespmem:$0x190];
	v32 =	vadd.s32 $0x7D0, v23;
	[tilespmem:$0x130] =	vst v30  }
0x4a: {  	v35 =	vld [tilespmem:$0x1A0];
	v34 =	vadd.s32 $0x7D0, v25;
	[tilespmem:$0x140] =	vst v32  }
0x4b: {  	v37 =	vld [tilespmem:$0x1B0];
	v36 =	vadd.s32 $0x7D0, v27;
	[tilespmem:$0x150] =	vst v34  }
0x4c: {  	v39 =	vld [tilespmem:$0x1C0];
	v38 =	vadd.s32 $0x7D0, v29;
	[tilespmem:$0x160] =	vst v36  }
0x4d: {  	v41 =	vld [tilespmem:$0x1D0];
	v40 =	vadd.s32 $0xBB8, v31;
	[tilespmem:$0x170] =	vst v38  }
0x4e: {  	v43 =	vld [tilespmem:$0x1E0];
	v42 =	vadd.s32 $0xBB8, v33;
	[tilespmem:$0x180] =	vst v40  }
0x4f: {  	v45 =	vld [tilespmem:$0x1F0];
	v44 =	vadd.s32 $0xBB8, v35;
	[tilespmem:$0x190] =	vst v42  }
0x50: {  	v47 =	vld [tilespmem:$0x200];
	v46 =	vadd.s32 $0xBB8, v37;
	[tilespmem:$0x1A0] =	vst v44  }
0x51: {  	v49 =	vld [tilespmem:$0x210];
	v48 =	vadd.s32 $0xBB8, v39;
	[tilespmem:$0x1B0] =	vst v46  }
0x52: {  	v51 =	vld [tilespmem:$0x220];
	v50 =	vadd.s32 $0xBB8, v41;
	[tilespmem:$0x1C0] =	vst v48  }
0x53: {  	v53 =	vld [tilespmem:$0x230];
	v52 =	vadd.s32 $0xBB8, v43;
	[tilespmem:$0x1D0] =	vst v50  }
0x54: {  	v55 =	vld [tilespmem:$0x240];
	v54 =	vadd.s32 $0xBB8, v45;
	[tilespmem:$0x1E0] =	vst v52  }
0x55: {  	v57 =	vld [tilespmem:$0x250];
	v56 =	vadd.s32 $0xFA0, v47;
	[tilespmem:$0x1F0] =	vst v54  }
0x56: {  	v59 =	vld [tilespmem:$0x260];
	v58 =	vadd.s32 $0xFA0, v49;
	[tilespmem:$0x200] =	vst v56  }
0x57: {  	v61 =	vld [tilespmem:$0x270];
	v60 =	vadd.s32 $0xFA0, v51;
	[tilespmem:$0x210] =	vst v58  }
0x58: {  	v63 =	vld [tilespmem:$0x280];
	v62 =	vadd.s32 $0xFA0, v53;
	[tilespmem:$0x220] =	vst v60  }
0x59: {  	v9 =	vld [tilespmem:$0x290];
	v8 =	vadd.s32 $0xFA0, v55;
	[tilespmem:$0x230] =	vst v62  }
0x5a: {  	v11 =	vld [tilespmem:$0x2A0];
	[tilespmem:$0x240] =	vst v8;
	v10 =	vadd.s32 $0xFA0, v57  }
0x5b: {  	v13 =	vld [tilespmem:$0x2B0];
	v12 =	vadd.s32 $0xFA0, v59;
	[tilespmem:$0x250] =	vst v10  }
0x5c: {  	v15 =	vld [tilespmem:$0x2C0];
	v14 =	vadd.s32 $0xFA0, v61;
	[tilespmem:$0x260] =	vst v12  }
0x5d: {  	v17 =	vld [tilespmem:$0x2D0];
	v16 =	vadd.s32 $0x1388, v63;
	[tilespmem:$0x270] =	vst v14  }
0x5e: {  	v19 =	vld [tilespmem:$0x2E0];
	v18 =	vadd.s32 $0x1388, v9;
	[tilespmem:$0x280] =	vst v16  }
0x5f: {  	v21 =	vld [tilespmem:$0x2F0];
	[tilespmem:$0x290] =	vst v18;
	v20 =	vadd.s32 $0x1388, v11  }
0x60: {  	v23 =	vld [tilespmem:$0x300];
	v22 =	vadd.s32 $0x1388, v13;
	[tilespmem:$0x2A0] =	vst v20  }
0x61: {  	v25 =	vld [tilespmem:$0x310];
	v24 =	vadd.s32 $0x1388, v15;
	[tilespmem:$0x2B0] =	vst v22  }
0x62: {  	v27 =	vld [tilespmem:$0x320];
	v26 =	vadd.s32 $0x1388, v17;
	[tilespmem:$0x2C0] =	vst v24  }
0x63: {  	v29 =	vld [tilespmem:$0x330];
	v28 =	vadd.s32 $0x1388, v19;
	[tilespmem:$0x2D0] =	vst v26  }
0x64: {  	v31 =	vld [tilespmem:$0x340];
	v30 =	vadd.s32 $0x1388, v21;
	[tilespmem:$0x2E0] =	vst v28  }
0x65: {  	v33 =	vld [tilespmem:$0x350];
	v32 =	vadd.s32 $0x1770, v23;
	[tilespmem:$0x2F0] =	vst v30  }
0x66: {  	v35 =	vld [tilespmem:$0x360];
	v34 =	vadd.s32 $0x1770, v25;
	[tilespmem:$0x300] =	vst v32  }
0x67: {  	v37 =	vld [tilespmem:$0x370];
	v36 =	vadd.s32 $0x1770, v27;
	[tilespmem:$0x310] =	vst v34  }
0x68: {  	v39 =	vld [tilespmem:$0x380];
	v38 =	vadd.s32 $0x1770, v29;
	[tilespmem:$0x320] =	vst v36  }
0x69: {  	v40 =	vadd.s32 $0x1770, v31;
	[tilespmem:$0x330] =	vst v38  }
0x6a: {  	v41 =	vadd.s32 $0x1770, v33;
	[tilespmem:$0x340] =	vst v40  }
0x6b: {  	v42 =	vadd.s32 $0x1770, v35;
	[tilespmem:$0x350] =	vst v41  }
0x6c: {  	v43 =	vadd.s32 $0x1770, v37;
	[tilespmem:$0x360] =	vst v42  }
0x6d: {  	v44 =	vadd.s32 $0x1B58, v39;
	[tilespmem:$0x370] =	vst v43  }
0x6e: {  	[tilespmem:$0x380] =	vst v44  }
0x6f: {  	v0 =	vld [tilespmem:$0x390]  }
0x70: {  	v45 =	vld [tilespmem:$0x3A0]  }
0x71: {  	v46 =	vld [tilespmem:$0x3B0]  }
0x72: {  	v47 =	vld [tilespmem:$0x3C0]  }
0x73: {  	v48 =	vld [tilespmem:$0x3D0]  }
0x74: {  	v49 =	vld [tilespmem:$0x3E0];
	v0 =	vadd.s32 $0x1B58, v0  }
0x75: {  	v51 =	vld [tilespmem:$0x3F0];
	v50 =	vadd.s32 $0x1B58, v45;
	[tilespmem:$0x390] =	vst v0  }
0x76: {  	v53 =	vld [tilespmem:$0x400];
	v52 =	vadd.s32 $0x1B58, v46;
	[tilespmem:$0x3A0] =	vst v50  }
0x77: {  	v55 =	vld [tilespmem:$0x410];
	v54 =	vadd.s32 $0x1B58, v47;
	[tilespmem:$0x3B0] =	vst v52  }
0x78: {  	v57 =	vld [tilespmem:$0x420];
	v56 =	vadd.s32 $0x1B58, v48;
	[tilespmem:$0x3C0] =	vst v54  }
0x79: {  	v59 =	vld [tilespmem:$0x430];
	v58 =	vadd.s32 $0x1B58, v49;
	[tilespmem:$0x3D0] =	vst v56  }
0x7a: {  	v61 =	vld [tilespmem:$0x440];
	v60 =	vadd.s32 $0x1B58, v51;
	[tilespmem:$0x3E0] =	vst v58  }
0x7b: {  	v63 =	vld [tilespmem:$0x450];
	v62 =	vadd.s32 $0x1F40, v53;
	[tilespmem:$0x3F0] =	vst v60  }
0x7c: {  	v9 =	vld [tilespmem:$0x460];
	v8 =	vadd.s32 $0x1F40, v55;
	[tilespmem:$0x400] =	vst v62  }
0x7d: {  	v11 =	vld [tilespmem:$0x470];
	v10 =	vadd.s32 $0x1F40, v57;
	[tilespmem:$0x410] =	vst v8  }
0x7e: {  	v13 =	vld [tilespmem:$0x480];
	v12 =	vadd.s32 $0x1F40, v59;
	[tilespmem:$0x420] =	vst v10  }
0x7f: {  	v15 =	vld [tilespmem:$0x490];
	v14 =	vadd.s32 $0x1F40, v61;
	[tilespmem:$0x430] =	vst v12  }
0x80: {  	v17 =	vld [tilespmem:$0x4A0];
	v16 =	vadd.s32 $0x1F40, v63;
	[tilespmem:$0x440] =	vst v14  }
0x81: {  	v19 =	vld [tilespmem:$0x4B0];
	v18 =	vadd.s32 $0x1F40, v9;
	[tilespmem:$0x450] =	vst v16  }
0x82: {  	v21 =	vld [tilespmem:$0x4C0];
	v20 =	vadd.s32 $0x1F40, v11;
	[tilespmem:$0x460] =	vst v18  }
0x83: {  	v23 =	vld [tilespmem:$0x4D0];
	v22 =	vadd.s32 $0x2328, v13;
	[tilespmem:$0x470] =	vst v20  }
0x84: {  	v25 =	vld [tilespmem:$0x4E0];
	v24 =	vadd.s32 $0x2328, v15;
	[tilespmem:$0x480] =	vst v22  }
0x85: {  	v27 =	vld [tilespmem:$0x4F0];
	v26 =	vadd.s32 $0x2328, v17;
	[tilespmem:$0x490] =	vst v24  }
0x86: {  	v29 =	vld [tilespmem:$0x500];
	v28 =	vadd.s32 $0x2328, v19;
	[tilespmem:$0x4A0] =	vst v26  }
0x87: {  	v31 =	vld [tilespmem:$0x510];
	v30 =	vadd.s32 $0x2328, v21;
	[tilespmem:$0x4B0] =	vst v28  }
0x88: {  	v33 =	vld [tilespmem:$0x520];
	v32 =	vadd.s32 $0x2328, v23;
	[tilespmem:$0x4C0] =	vst v30  }
0x89: {  	v35 =	vld [tilespmem:$0x530];
	v34 =	vadd.s32 $0x2328, v25;
	[tilespmem:$0x4D0] =	vst v32  }
0x8a: {  	v37 =	vld [tilespmem:$0x540];
	v36 =	vadd.s32 $0x2328, v27;
	[tilespmem:$0x4E0] =	vst v34  }
0x8b: {  	v39 =	vld [tilespmem:$0x550];
	v38 =	vadd.s32 $0x2710, v29;
	[tilespmem:$0x4F0] =	vst v36  }
0x8c: {  	v41 =	vld [tilespmem:$0x560];
	v40 =	vadd.s32 $0x2710, v31;
	[tilespmem:$0x500] =	vst v38  }
0x8d: {  	v43 =	vld [tilespmem:$0x570];
	v42 =	vadd.s32 $0x2710, v33;
	[tilespmem:$0x510] =	vst v40  }
0x8e: {  	v44 =	vadd.s32 $0x2710, v35;
	v45 =	vld [tilespmem:$0x580];
	[tilespmem:$0x520] =	vst v42  }
0x8f: {  	v46 =	vadd.s32 $0x2710, v37;
	v47 =	vld [tilespmem:$0x590];
	[tilespmem:$0x530] =	vst v44  }
0x90: {  	v48 =	vadd.s32 $0x2710, v39;
	v49 =	vld [tilespmem:$0x5A0];
	[tilespmem:$0x540] =	vst v46  }
0x91: {  	v51 =	vld [tilespmem:$0x5B0];
	[tilespmem:$0x550] =	vst v48;
	v50 =	vadd.s32 $0x2710, v41  }
0x92: {  	v53 =	vld [tilespmem:$0x5C0];
	v52 =	vadd.s32 $0x2710, v43;
	[tilespmem:$0x560] =	vst v50  }
0x93: {  	v55 =	vld [tilespmem:$0x5D0];
	[tilespmem:$0x570] =	vst v52;
	v54 =	vadd.s32 $0x2AF8, v45  }
0x94: {  	v57 =	vld [tilespmem:$0x5E0];
	v56 =	vadd.s32 $0x2AF8, v47;
	[tilespmem:$0x580] =	vst v54  }
0x95: {  	v59 =	vld [tilespmem:$0x5F0];
	v58 =	vadd.s32 $0x2AF8, v49;
	[tilespmem:$0x590] =	vst v56  }
0x96: {  	v61 =	vld [tilespmem:$0x600];
	v60 =	vadd.s32 $0x2AF8, v51;
	[tilespmem:$0x5A0] =	vst v58  }
0x97: {  	v63 =	vld [tilespmem:$0x610];
	v62 =	vadd.s32 $0x2AF8, v53;
	[tilespmem:$0x5B0] =	vst v60  }
0x98: {  	v9 =	vld [tilespmem:$0x620];
	v8 =	vadd.s32 $0x2AF8, v55;
	[tilespmem:$0x5C0] =	vst v62  }
0x99: {  	v11 =	vld [tilespmem:$0x630];
	v10 =	vadd.s32 $0x2AF8, v57;
	[tilespmem:$0x5D0] =	vst v8  }
0x9a: {  	v13 =	vld [tilespmem:$0x640];
	v12 =	vadd.s32 $0x2AF8, v59;
	[tilespmem:$0x5E0] =	vst v10  }
0x9b: {  	v15 =	vld [tilespmem:$0x650];
	v14 =	vadd.s32 $0x2EE0, v61;
	[tilespmem:$0x5F0] =	vst v12  }
0x9c: {  	v17 =	vld [tilespmem:$0x660];
	v16 =	vadd.s32 $0x2EE0, v63;
	[tilespmem:$0x600] =	vst v14  }
0x9d: {  	v19 =	vld [tilespmem:$0x670];
	v18 =	vadd.s32 $0x2EE0, v9;
	[tilespmem:$0x610] =	vst v16  }
0x9e: {  	v21 =	vld [tilespmem:$0x680];
	v20 =	vadd.s32 $0x2EE0, v11;
	[tilespmem:$0x620] =	vst v18  }
0x9f: {  	v23 =	vld [tilespmem:$0x690];
	v22 =	vadd.s32 $0x2EE0, v13;
	[tilespmem:$0x630] =	vst v20  }
0xa0: {  	v25 =	vld [tilespmem:$0x6A0];
	v24 =	vadd.s32 $0x2EE0, v15;
	[tilespmem:$0x640] =	vst v22  }
0xa1: {  	v27 =	vld [tilespmem:$0x6B0];
	v26 =	vadd.s32 $0x2EE0, v17;
	[tilespmem:$0x650] =	vst v24  }
0xa2: {  	v29 =	vld [tilespmem:$0x6C0];
	v28 =	vadd.s32 $0x2EE0, v19;
	[tilespmem:$0x660] =	vst v26  }
0xa3: {  	v31 =	vld [tilespmem:$0x6D0];
	v30 =	vadd.s32 $0x32C8, v21;
	[tilespmem:$0x670] =	vst v28  }
0xa4: {  	v33 =	vld [tilespmem:$0x6E0];
	v32 =	vadd.s32 $0x32C8, v23;
	[tilespmem:$0x680] =	vst v30  }
0xa5: {  	v35 =	vld [tilespmem:$0x6F0];
	v34 =	vadd.s32 $0x32C8, v25;
	[tilespmem:$0x690] =	vst v32  }
0xa6: {  	v37 =	vld [tilespmem:$0x700];
	v36 =	vadd.s32 $0x32C8, v27;
	[tilespmem:$0x6A0] =	vst v34  }
0xa7: {  	v39 =	vld [tilespmem:$0x710];
	v38 =	vadd.s32 $0x32C8, v29;
	[tilespmem:$0x6B0] =	vst v36  }
0xa8: {  	v41 =	vld [tilespmem:$0x720];
	v40 =	vadd.s32 $0x32C8, v31;
	[tilespmem:$0x6C0] =	vst v38  }
0xa9: {  	v43 =	vld [tilespmem:$0x730];
	v42 =	vadd.s32 $0x32C8, v33;
	[tilespmem:$0x6D0] =	vst v40  }
0xaa: {  	v44 =	vadd.s32 $0x32C8, v35;
	v45 =	vld [tilespmem:$0x740];
	[tilespmem:$0x6E0] =	vst v42  }
0xab: {  	v46 =	vadd.s32 $0x36B0, v37;
	v47 =	vld [tilespmem:$0x750];
	[tilespmem:$0x6F0] =	vst v44  }
0xac: {  	v48 =	vadd.s32 $0x36B0, v39;
	v49 =	vld [tilespmem:$0x760];
	[tilespmem:$0x700] =	vst v46  }
0xad: {  	v51 =	vld [tilespmem:$0x770];
	[tilespmem:$0x710] =	vst v48;
	v50 =	vadd.s32 $0x36B0, v41  }
0xae: {  	v53 =	vld [tilespmem:$0x780];
	v52 =	vadd.s32 $0x36B0, v43;
	[tilespmem:$0x720] =	vst v50  }
0xaf: {  	v55 =	vld [tilespmem:$0x790];
	[tilespmem:$0x730] =	vst v52;
	v54 =	vadd.s32 $0x36B0, v45  }
0xb0: {  	v57 =	vld [tilespmem:$0x7A0];
	v56 =	vadd.s32 $0x36B0, v47;
	[tilespmem:$0x740] =	vst v54  }
0xb1: {  	v59 =	vld [tilespmem:$0x7B0];
	v58 =	vadd.s32 $0x36B0, v49;
	[tilespmem:$0x750] =	vst v56  }
0xb2: {  	v61 =	vld [tilespmem:$0x7C0];
	v60 =	vadd.s32 $0x36B0, v51;
	[tilespmem:$0x760] =	vst v58  }
0xb3: {  	v63 =	vld [tilespmem:$0x7D0];
	v62 =	vadd.s32 $0x3A98, v53;
	[tilespmem:$0x770] =	vst v60  }
0xb4: {  	v9 =	vld [tilespmem:$0x7E0];
	v8 =	vadd.s32 $0x3A98, v55;
	[tilespmem:$0x780] =	vst v62  }
0xb5: {  	v11 =	vld [tilespmem:$0x7F0];
	v10 =	vadd.s32 $0x3A98, v57;
	[tilespmem:$0x790] =	vst v8  }
0xb6: {  	v13 =	vld [tilespmem:$0x800];
	v12 =	vadd.s32 $0x3A98, v59;
	[tilespmem:$0x7A0] =	vst v10  }
0xb7: {  	v15 =	vld [tilespmem:$0x810];
	v14 =	vadd.s32 $0x3A98, v61;
	[tilespmem:$0x7B0] =	vst v12  }
0xb8: {  	v17 =	vld [tilespmem:$0x820];
	v16 =	vadd.s32 $0x3A98, v63;
	[tilespmem:$0x7C0] =	vst v14  }
0xb9: {  	v19 =	vld [tilespmem:$0x830];
	v18 =	vadd.s32 $0x3A98, v9;
	[tilespmem:$0x7D0] =	vst v16  }
0xba: {  	v21 =	vld [tilespmem:$0x840];
	v20 =	vadd.s32 $0x3A98, v11;
	[tilespmem:$0x7E0] =	vst v18  }
0xbb: {  	v23 =	vld [tilespmem:$0x850];
	v22 =	vadd.s32 $0x3E80, v13;
	[tilespmem:$0x7F0] =	vst v20  }
0xbc: {  	v25 =	vld [tilespmem:$0x860];
	v24 =	vadd.s32 $0x3E80, v15;
	[tilespmem:$0x800] =	vst v22  }
0xbd: {  	v27 =	vld [tilespmem:$0x870];
	v26 =	vadd.s32 $0x3E80, v17;
	[tilespmem:$0x810] =	vst v24  }
0xbe: {  	v29 =	vld [tilespmem:$0x880];
	v28 =	vadd.s32 $0x3E80, v19;
	[tilespmem:$0x820] =	vst v26  }
0xbf: {  	v31 =	vld [tilespmem:$0x890];
	v30 =	vadd.s32 $0x3E80, v21;
	[tilespmem:$0x830] =	vst v28  }
0xc0: {  	v33 =	vld [tilespmem:$0x8A0];
	v32 =	vadd.s32 $0x3E80, v23;
	[tilespmem:$0x840] =	vst v30  }
0xc1: {  	v35 =	vld [tilespmem:$0x8B0];
	v34 =	vadd.s32 $0x3E80, v25;
	[tilespmem:$0x850] =	vst v32  }
0xc2: {  	v37 =	vld [tilespmem:$0x8C0];
	v36 =	vadd.s32 $0x3E80, v27;
	[tilespmem:$0x860] =	vst v34  }
0xc3: {  	v39 =	vld [tilespmem:$0x8D0];
	v38 =	vadd.s32 $0x4268, v29;
	[tilespmem:$0x870] =	vst v36  }
0xc4: {  	v41 =	vld [tilespmem:$0x8E0];
	v40 =	vadd.s32 $0x4268, v31;
	[tilespmem:$0x880] =	vst v38  }
0xc5: {  	v43 =	vld [tilespmem:$0x8F0];
	v42 =	vadd.s32 $0x4268, v33;
	[tilespmem:$0x890] =	vst v40  }
0xc6: {  	v44 =	vadd.s32 $0x4268, v35;
	v45 =	vld [tilespmem:$0x900];
	[tilespmem:$0x8A0] =	vst v42  }
0xc7: {  	v46 =	vadd.s32 $0x4268, v37;
	v47 =	vld [tilespmem:$0x910];
	[tilespmem:$0x8B0] =	vst v44  }
0xc8: {  	v48 =	vadd.s32 $0x4268, v39;
	v49 =	vld [tilespmem:$0x920];
	[tilespmem:$0x8C0] =	vst v46  }
0xc9: {  	v51 =	vld [tilespmem:$0x930];
	[tilespmem:$0x8D0] =	vst v48;
	v50 =	vadd.s32 $0x4268, v41  }
0xca: {  	v53 =	vld [tilespmem:$0x940];
	v52 =	vadd.s32 $0x4268, v43;
	[tilespmem:$0x8E0] =	vst v50  }
0xcb: {  	v55 =	vld [tilespmem:$0x950];
	[tilespmem:$0x8F0] =	vst v52;
	v54 =	vadd.s32 $0x4650, v45  }
0xcc: {  	v57 =	vld [tilespmem:$0x960];
	v56 =	vadd.s32 $0x4650, v47;
	[tilespmem:$0x900] =	vst v54  }
0xcd: {  	v59 =	vld [tilespmem:$0x970];
	v58 =	vadd.s32 $0x4650, v49;
	[tilespmem:$0x910] =	vst v56  }
0xce: {  	v61 =	vld [tilespmem:$0x980];
	v60 =	vadd.s32 $0x4650, v51;
	[tilespmem:$0x920] =	vst v58  }
0xcf: {  	v63 =	vld [tilespmem:$0x990];
	v62 =	vadd.s32 $0x4650, v53;
	[tilespmem:$0x930] =	vst v60  }
0xd0: {  	v8 =	vld [tilespmem:$0x9A0];
	v7 =	vadd.s32 $0x4650, v55;
	[tilespmem:$0x940] =	vst v62  }
0xd1: {  	v10 =	vld [tilespmem:$0x9B0];
	v9 =	vadd.s32 $0x4650, v57;
	[tilespmem:$0x950] =	vst v7  }
0xd2: {  	v12 =	vld [tilespmem:$0x9C0];
	v11 =	vadd.s32 $0x4650, v59;
	[tilespmem:$0x960] =	vst v9  }
0xd3: {  	v14 =	vld [tilespmem:$0x9D0];
	v13 =	vadd.s32 $0x4A38, v61;
	[tilespmem:$0x970] =	vst v11  }
0xd4: {  	v16 =	vld [tilespmem:$0x9E0];
	v15 =	vadd.s32 $0x4A38, v63;
	[tilespmem:$0x980] =	vst v13  }
0xd5: {  	v18 =	vld [tilespmem:$0x9F0];
	[tilespmem:$0x990] =	vst v15;
	v17 =	vadd.s32 $0x4A38, v8  }
0xd6: {  	v20 =	vld [tilespmem:$0xA00];
	v19 =	vadd.s32 $0x4A38, v10;
	[tilespmem:$0x9A0] =	vst v17  }
0xd7: {  	v22 =	vld [tilespmem:$0xA10];
	v21 =	vadd.s32 $0x4A38, v12;
	[tilespmem:$0x9B0] =	vst v19  }
0xd8: {  	v24 =	vld [tilespmem:$0xA20];
	v23 =	vadd.s32 $0x4A38, v14;
	[tilespmem:$0x9C0] =	vst v21  }
0xd9: {  	v26 =	vld [tilespmem:$0xA30];
	v25 =	vadd.s32 $0x4A38, v16;
	[tilespmem:$0x9D0] =	vst v23  }
0xda: {  	v28 =	vld [tilespmem:$0xA40];
	v27 =	vadd.s32 $0x4A38, v18;
	[tilespmem:$0x9E0] =	vst v25  }
0xdb: {  	v30 =	vld [tilespmem:$0xA50];
	v29 =	vadd.s32 $0x4E20, v20;
	[tilespmem:$0x9F0] =	vst v27  }
0xdc: {  	v32 =	vld [tilespmem:$0xA60];
	v31 =	vadd.s32 $0x4E20, v22;
	[tilespmem:$0xA00] =	vst v29  }
0xdd: {  	v34 =	vld [tilespmem:$0xA70];
	v33 =	vadd.s32 $0x4E20, v24;
	[tilespmem:$0xA10] =	vst v31  }
0xde: {  	v36 =	vld [tilespmem:$0xA80];
	v35 =	vadd.s32 $0x4E20, v26;
	[tilespmem:$0xA20] =	vst v33  }
0xdf: {  	v38 =	vld [tilespmem:$0xA90];
	v37 =	vadd.s32 $0x4E20, v28;
	[tilespmem:$0xA30] =	vst v35  }
0xe0: {  	v40 =	vld [tilespmem:$0xAA0];
	v39 =	vadd.s32 $0x4E20, v30;
	[tilespmem:$0xA40] =	vst v37  }
0xe1: {  	v42 =	vld [tilespmem:$0xAB0];
	v41 =	vadd.s32 $0x4E20, v32;
	[tilespmem:$0xA50] =	vst v39  }
0xe2: {  	v44 =	vld [tilespmem:$0xAC0];
	v43 =	vadd.s32 $0x4E20, v34;
	[tilespmem:$0xA60] =	vst v41  }
0xe3: {  	v46 =	vld [tilespmem:$0xAD0];
	v45 =	vadd.s32 $0x5208, v36;
	[tilespmem:$0xA70] =	vst v43  }
0xe4: {  	v48 =	vld [tilespmem:$0xAE0];
	v47 =	vadd.s32 $0x5208, v38;
	[tilespmem:$0xA80] =	vst v45  }
0xe5: {  	v50 =	vld [tilespmem:$0xAF0];
	v49 =	vadd.s32 $0x5208, v40;
	[tilespmem:$0xA90] =	vst v47  }
0xe6: {  	v52 =	vld [tilespmem:$0xB00];
	v51 =	vadd.s32 $0x5208, v42;
	[tilespmem:$0xAA0] =	vst v49  }
0xe7: {  	v53 =	vadd.s32 $0x5208, v44;
	v54 =	vld [tilespmem:$0xB10];
	[tilespmem:$0xAB0] =	vst v51  }
0xe8: {  	v55 =	vadd.s32 $0x5208, v46;
	v56 =	vld [tilespmem:$0xB20];
	[tilespmem:$0xAC0] =	vst v53  }
0xe9: {  	v57 =	vadd.s32 $0x5208, v48;
	v58 =	vld [tilespmem:$0xB30];
	[tilespmem:$0xAD0] =	vst v55  }
0xea: {  	v60 =	vld [tilespmem:$0xB40];
	[tilespmem:$0xAE0] =	vst v57;
	v59 =	vadd.s32 $0x5208, v50  }
0xeb: {  	v62 =	vld [tilespmem:$0xB50];
	v61 =	vadd.s32 $0x55F0, v52;
	[tilespmem:$0xAF0] =	vst v59  }
0xec: {  	v8 =	vld [tilespmem:$0xB60];
	[tilespmem:$0xB00] =	vst v61;
	v63 =	vadd.s32 $0x55F0, v54  }
0xed: {  	v10 =	vld [tilespmem:$0xB70];
	v9 =	vadd.s32 $0x55F0, v56;
	[tilespmem:$0xB10] =	vst v63  }
0xee: {  	v12 =	vld [tilespmem:$0xB80];
	v11 =	vadd.s32 $0x55F0, v58;
	[tilespmem:$0xB20] =	vst v9  }
0xef: {  	v14 =	vld [tilespmem:$0xB90];
	v13 =	vadd.s32 $0x55F0, v60;
	[tilespmem:$0xB30] =	vst v11  }
0xf0: {  	v16 =	vld [tilespmem:$0xBA0];
	v15 =	vadd.s32 $0x55F0, v62;
	[tilespmem:$0xB40] =	vst v13  }
0xf1: {  	v18 =	vld [tilespmem:$0xBB0];
	v17 =	vadd.s32 $0x55F0, v8;
	[tilespmem:$0xB50] =	vst v15  }
0xf2: {  	v20 =	vld [tilespmem:$0xBC0];
	v19 =	vadd.s32 $0x55F0, v10;
	[tilespmem:$0xB60] =	vst v17  }
0xf3: {  	v22 =	vld [tilespmem:$0xBD0];
	v21 =	vadd.s32 $0x59D8, v12;
	[tilespmem:$0xB70] =	vst v19  }
0xf4: {  	v24 =	vld [tilespmem:$0xBE0];
	v23 =	vadd.s32 $0x59D8, v14;
	[tilespmem:$0xB80] =	vst v21  }
0xf5: {  	v26 =	vld [tilespmem:$0xBF0];
	v25 =	vadd.s32 $0x59D8, v16;
	[tilespmem:$0xB90] =	vst v23  }
0xf6: {  	v28 =	vld [tilespmem:$0xC00];
	v27 =	vadd.s32 $0x59D8, v18;
	[tilespmem:$0xBA0] =	vst v25  }
0xf7: {  	v30 =	vld [tilespmem:$0xC10];
	v29 =	vadd.s32 $0x59D8, v20;
	[tilespmem:$0xBB0] =	vst v27  }
0xf8: {  	v32 =	vld [tilespmem:$0xC20];
	v31 =	vadd.s32 $0x59D8, v22;
	[tilespmem:$0xBC0] =	vst v29  }
0xf9: {  	v34 =	vld [tilespmem:$0xC30];
	v33 =	vadd.s32 $0x59D8, v24;
	[tilespmem:$0xBD0] =	vst v31  }
0xfa: {  	v36 =	vld [tilespmem:$0xC40];
	v35 =	vadd.s32 $0x59D8, v26;
	[tilespmem:$0xBE0] =	vst v33  }
0xfb: {  	v38 =	vld [tilespmem:$0xC50];
	v37 =	vadd.s32 $0x5DC0, v28;
	[tilespmem:$0xBF0] =	vst v35  }
0xfc: {  	v40 =	vld [tilespmem:$0xC60];
	v39 =	vadd.s32 $0x5DC0, v30;
	[tilespmem:$0xC00] =	vst v37  }
0xfd: {  	v42 =	vld [tilespmem:$0xC70];
	v41 =	vadd.s32 $0x5DC0, v32;
	[tilespmem:$0xC10] =	vst v39  }
0xfe: {  	v44 =	vld [tilespmem:$0xC80];
	v43 =	vadd.s32 $0x5DC0, v34;
	[tilespmem:$0xC20] =	vst v41  }
0xff: {  	v46 =	vld [tilespmem:$0xC90];
	v45 =	vadd.s32 $0x5DC0, v36;
	[tilespmem:$0xC30] =	vst v43  }
0x100: {  	v48 =	vld [tilespmem:$0xCA0];
	v47 =	vadd.s32 $0x5DC0, v38;
	[tilespmem:$0xC40] =	vst v45  }
0x101: {  	v50 =	vld [tilespmem:$0xCB0];
	v49 =	vadd.s32 $0x5DC0, v40;
	[tilespmem:$0xC50] =	vst v47  }
0x102: {  	v52 =	vld [tilespmem:$0xCC0];
	v51 =	vadd.s32 $0x5DC0, v42;
	[tilespmem:$0xC60] =	vst v49  }
0x103: {  	v53 =	vadd.s32 $0x61A8, v44;
	v54 =	vld [tilespmem:$0xCD0];
	[tilespmem:$0xC70] =	vst v51  }
0x104: {  	v55 =	vadd.s32 $0x61A8, v46;
	v56 =	vld [tilespmem:$0xCE0];
	[tilespmem:$0xC80] =	vst v53  }
0x105: {  	v57 =	vadd.s32 $0x61A8, v48;
	v58 =	vld [tilespmem:$0xCF0];
	[tilespmem:$0xC90] =	vst v55  }
0x106: {  	[tilespmem:$0xCA0] =	vst v57;
	v59 =	vadd.s32 $0x61A8, v50  }
0x107: {  	v60 =	vadd.s32 $0x61A8, v52;
	[tilespmem:$0xCB0] =	vst v59  }
0x108: {  	[tilespmem:$0xCC0] =	vst v60;
	v61 =	vadd.s32 $0x61A8, v54  }
0x109: {  	v62 =	vadd.s32 $0x61A8, v56;
	[tilespmem:$0xCD0] =	vst v61  }
0x10a: {  	v63 =	vadd.s32 $0x61A8, v58;
	[tilespmem:$0xCE0] =	vst v62  }
0x10b: {  	[tilespmem:$0xCF0] =	vst v63  }
0x10c: {  	[tilespmem:s7], [sflag:$0x1] =	stream.indirect.gather [hbm4b:s3+s6], $0x40, s2, s6, $0xb8;
	[tilespmem:$0x1AD00] =	vst v63  }
0x10d: {  	s0 =	rddreg [dreg:$0x1d]  }
0x10e: {  	[tilespmem:s8], [sflag:$0x1] =	stream.indirect.gather [hbm4b:s3+s6], $0x40, s6, s6, $0xb8;
	[tilespmem:$0x1AD00] =	vst v63  }
0x10f: {  	s23 =	rddreg [dreg:$0x1e]  }
0x110: {  	[tilespmem:s9], [sflag:$0x1] =	stream.indirect.gather [hbm4b:s3+s6], $0x40, s0, s6, $0xb8;
	[tilespmem:$0x1AD00] =	vst v63  }
0x111: {  	s0 =	rddreg [dreg:$0x1f]  }
0x112: {  	[tilespmem:s10], [sflag:$0x1] =	stream.indirect.gather [hbm4b:s3+s6], $0x40, s23, s6, $0xb8;
	[tilespmem:$0x1AD00] =	vst v63  }
0x113: {  	s23 =	sld [smem:$0x7F2]  }
0x114: {  	[tilespmem:s11], [sflag:$0x1] =	stream.indirect.gather [hbm4b:s3+s6], $0x40, s0, s6, $0xb8;
	[tilespmem:$0x1AD00] =	vst v63  }
0x115: {  	s0 =	sld [smem:$0x7F3]  }
0x116: {  	[tilespmem:s12], [sflag:$0x1] =	stream.indirect.gather [hbm4b:s3+s6], $0x40, s23, s6, $0xb8;
	[tilespmem:$0x1AD00] =	vst v63  }
0x117: {  	s23 =	sld [smem:$0x7F4]  }
0x118: {  	[tilespmem:s13], [sflag:$0x1] =	stream.indirect.gather [hbm4b:s3+s6], $0x40, s0, s6, $0xb8;
	[tilespmem:$0x1AD00] =	vst v63  }
0x119: {  	s0 =	sld [smem:$0x7F5]  }
0x11a: {  	[tilespmem:s14], [sflag:$0x1] =	stream.indirect.gather [hbm4b:s3+s6], $0x40, s23, s6, $0xb8;
	[tilespmem:$0x1AD00] =	vst v63  }
0x11b: {  	s23 =	sld [smem:$0x7F6]  }
0x11c: {  	[tilespmem:s15], [sflag:$0x1] =	stream.indirect.gather [hbm4b:s3+s6], $0x40, s0, s6, $0xb8;
	[tilespmem:$0x1AD00] =	vst v63  }
0x11d: {  	s0 =	sld [smem:$0x7F7]  }
0x11e: {  	[tilespmem:s16], [sflag:$0x1] =	stream.indirect.gather [hbm4b:s3+s6], $0x40, s23, s6, $0xb8;
	[tilespmem:$0x1AD00] =	vst v63  }
0x11f: {  	s23 =	sld [smem:$0x7F8]  }
0x120: {  	[tilespmem:s17], [sflag:$0x1] =	stream.indirect.gather [hbm4b:s3+s6], $0x40, s0, s6, $0xb8;
	[tilespmem:$0x1AD00] =	vst v63  }
0x121: {  	s0 =	sld [smem:$0x7F9]  }
0x122: {  	[tilespmem:s18], [sflag:$0x1] =	stream.indirect.gather [hbm4b:s3+s6], $0x40, s23, s6, $0xb8;
	[tilespmem:$0x1AD00] =	vst v63  }
0x123: {  	_ = 	snop  }
0x124: {  	[tilespmem:s19], [sflag:$0x1] =	stream.indirect.gather [hbm4b:s3+s6], $0x40, s0, s6, $0xb8;
	[tilespmem:$0x1AD00] =	vst v63  }
0x125: {  	_ =	swait.ge [sflag:s20], $0x2000  }
0x126: {  	[sflag:s20] =	ssyncset.done $0x0  }
0x127: {  	s23 =	rddreg [dreg:$0x3];
	[sflag:s20] =	ssyncadd.s32 $0xFFFFE000  }
0x128: {  	[hbm4b:s23+s21] =	stream.strided.scatter [tilespmem:s7], [sflag:$0x2], $0x2000, s6, s21, $0x38;
	[tilespmem:$0x1AD00] =	vst v63  }
0x129: {  	_ =	swait.ge [sflag:s20], $0x2000  }
0x12a: {  	[sflag:s20] =	ssyncset.done $0x0  }
0x12b: {  	s23 =	rddreg [dreg:$0x4];
	[sflag:s20] =	ssyncadd.s32 $0xFFFFE000  }
0x12c: {  	[hbm4b:s23+s21] =	stream.strided.scatter [tilespmem:s8], [sflag:$0x2], $0x2000, s6, s21, $0x38;
	[tilespmem:$0x1AD00] =	vst v63  }
0x12d: {  	_ =	swait.ge [sflag:s20], $0x2000  }
0x12e: {  	[sflag:s20] =	ssyncset.done $0x0  }
0x12f: {  	s23 =	rddreg [dreg:$0x5];
	[sflag:s20] =	ssyncadd.s32 $0xFFFFE000  }
0x130: {  	[hbm4b:s23+s21] =	stream.strided.scatter [tilespmem:s9], [sflag:$0x2], $0x2000, s6, s21, $0x38;
	[tilespmem:$0x1AD00] =	vst v63  }
0x131: {  	_ =	swait.ge [sflag:s20], $0x2000  }
0x132: {  	[sflag:s20] =	ssyncset.done $0x0  }
0x133: {  	s23 =	rddreg [dreg:$0x6];
	[sflag:s20] =	ssyncadd.s32 $0xFFFFE000  }
0x134: {  	[hbm4b:s23+s21] =	stream.strided.scatter [tilespmem:s10], [sflag:$0x2], $0x2000, s6, s21, $0x38;
	[tilespmem:$0x1AD00] =	vst v63  }
0x135: {  	_ =	swait.ge [sflag:s20], $0x2000  }
0x136: {  	[sflag:s20] =	ssyncset.done $0x0  }
0x137: {  	s23 =	rddreg [dreg:$0x7];
	[sflag:s20] =	ssyncadd.s32 $0xFFFFE000  }
0x138: {  	[hbm4b:s23+s21] =	stream.strided.scatter [tilespmem:s11], [sflag:$0x2], $0x2000, s6, s21, $0x38;
	[tilespmem:$0x1AD00] =	vst v63  }
0x139: {  	_ =	swait.ge [sflag:s20], $0x2000  }
0x13a: {  	[sflag:s20] =	ssyncset.done $0x0  }
0x13b: {  	s23 =	rddreg [dreg:$0x8];
	[sflag:s20] =	ssyncadd.s32 $0xFFFFE000  }
0x13c: {  	[hbm4b:s23+s21] =	stream.strided.scatter [tilespmem:s12], [sflag:$0x2], $0x2000, s6, s21, $0x38;
	[tilespmem:$0x1AD00] =	vst v63  }
0x13d: {  	_ =	swait.ge [sflag:s20], $0x2000  }
0x13e: {  	[sflag:s20] =	ssyncset.done $0x0  }
0x13f: {  	s23 =	rddreg [dreg:$0x9];
	[sflag:s20] =	ssyncadd.s32 $0xFFFFE000  }
0x140: {  	[hbm4b:s23+s21] =	stream.strided.scatter [tilespmem:s13], [sflag:$0x2], $0x2000, s6, s21, $0x38;
	[tilespmem:$0x1AD00] =	vst v63  }
0x141: {  	_ =	swait.ge [sflag:s20], $0x2000  }
0x142: {  	[sflag:s20] =	ssyncset.done $0x0  }
0x143: {  	s23 =	rddreg [dreg:$0xa];
	[sflag:s20] =	ssyncadd.s32 $0xFFFFE000  }
0x144: {  	[hbm4b:s23+s21] =	stream.strided.scatter [tilespmem:s14], [sflag:$0x2], $0x2000, s6, s21, $0x38;
	[tilespmem:$0x1AD00] =	vst v63  }
0x145: {  	_ =	swait.ge [sflag:s20], $0x2000  }
0x146: {  	[sflag:s20] =	ssyncset.done $0x0  }
0x147: {  	s23 =	rddreg [dreg:$0xb];
	[sflag:s20] =	ssyncadd.s32 $0xFFFFE000  }
0x148: {  	[hbm4b:s23+s21] =	stream.strided.scatter [tilespmem:s15], [sflag:$0x2], $0x2000, s6, s21, $0x38;
	[tilespmem:$0x1AD00] =	vst v63  }
0x149: {  	_ =	swait.ge [sflag:s20], $0x2000  }
0x14a: {  	[sflag:s20] =	ssyncset.done $0x0  }
0x14b: {  	s23 =	rddreg [dreg:$0xc];
	[sflag:s20] =	ssyncadd.s32 $0xFFFFE000  }
0x14c: {  	[hbm4b:s23+s21] =	stream.strided.scatter [tilespmem:s16], [sflag:$0x2], $0x2000, s6, s21, $0x38;
	[tilespmem:$0x1AD00] =	vst v63  }
0x14d: {  	_ =	swait.ge [sflag:s20], $0x2000  }
0x14e: {  	[sflag:s20] =	ssyncset.done $0x0  }
0x14f: {  	s23 =	rddreg [dreg:$0xd];
	[sflag:s20] =	ssyncadd.s32 $0xFFFFE000  }
0x150: {  	[hbm4b:s23+s21] =	stream.strided.scatter [tilespmem:s17], [sflag:$0x2], $0x2000, s6, s21, $0x38;
	[tilespmem:$0x1AD00] =	vst v63  }
0x151: {  	_ =	swait.ge [sflag:s20], $0x2000  }
0x152: {  	[sflag:s20] =	ssyncset.done $0x0  }
0x153: {  	s23 =	rddreg [dreg:$0xe];
	[sflag:s20] =	ssyncadd.s32 $0xFFFFE000  }
0x154: {  	[hbm4b:s23+s21] =	stream.strided.scatter [tilespmem:s18], [sflag:$0x2], $0x2000, s6, s21, $0x38;
	[tilespmem:$0x1AD00] =	vst v63  }
0x155: {  	_ =	swait.ge [sflag:s20], $0x2000  }
0x156: {  	[sflag:s20] =	ssyncset.done $0x0  }
0x157: {  	s23 =	rddreg [dreg:$0xf];
	[sflag:s20] =	ssyncadd.s32 $0xFFFFE000  }
0x158: {  	[hbm4b:s23+s21] =	stream.strided.scatter [tilespmem:s19], [sflag:$0x2], $0x2000, s6, s21, $0x38;
	[tilespmem:$0x1AD00] =	vst v63  }
0x159: {  	_ =	swait.ge [sflag:s22], $0x2000  }
0x15a: {  	[sflag:s22] =	ssyncset.done $0x0  }
0x15b: {  	[sflag:s22] =	ssyncadd.s32 $0xFFFFE000  }
0x15c: {  	_ =	swait.ge [sflag:s22], $0x2000  }
0x15d: {  	[sflag:s22] =	ssyncset.done $0x0  }
0x15e: {  	[sflag:s22] =	ssyncadd.s32 $0xFFFFE000  }
0x15f: {  	_ =	swait.ge [sflag:s22], $0x2000  }
0x160: {  	[sflag:s22] =	ssyncset.done $0x0  }
0x161: {  	[sflag:s22] =	ssyncadd.s32 $0xFFFFE000  }
0x162: {  	_ =	swait.ge [sflag:s22], $0x2000  }
0x163: {  	[sflag:s22] =	ssyncset.done $0x0  }
0x164: {  	[sflag:s22] =	ssyncadd.s32 $0xFFFFE000  }
0x165: {  	_ =	swait.ge [sflag:s22], $0x2000  }
0x166: {  	[sflag:s22] =	ssyncset.done $0x0  }
0x167: {  	[sflag:s22] =	ssyncadd.s32 $0xFFFFE000  }
0x168: {  	_ =	swait.ge [sflag:s22], $0x2000  }
0x169: {  	[sflag:s22] =	ssyncset.done $0x0  }
0x16a: {  	[sflag:s22] =	ssyncadd.s32 $0xFFFFE000  }
0x16b: {  	_ =	swait.ge [sflag:s22], $0x2000  }
0x16c: {  	[sflag:s22] =	ssyncset.done $0x0  }
0x16d: {  	[sflag:s22] =	ssyncadd.s32 $0xFFFFE000  }
0x16e: {  	_ =	swait.ge [sflag:s22], $0x2000  }
0x16f: {  	[sflag:s22] =	ssyncset.done $0x0  }
0x170: {  	[sflag:s22] =	ssyncadd.s32 $0xFFFFE000  }
0x171: {  	_ =	swait.ge [sflag:s22], $0x2000  }
0x172: {  	[sflag:s22] =	ssyncset.done $0x0  }
0x173: {  	[sflag:s22] =	ssyncadd.s32 $0xFFFFE000  }
0x174: {  	_ =	swait.ge [sflag:s22], $0x2000  }
0x175: {  	[sflag:s22] =	ssyncset.done $0x0  }
0x176: {  	[sflag:s22] =	ssyncadd.s32 $0xFFFFE000  }
0x177: {  	_ =	swait.ge [sflag:s22], $0x2000  }
0x178: {  	[sflag:s22] =	ssyncset.done $0x0  }
0x179: {  	[sflag:s22] =	ssyncadd.s32 $0xFFFFE000  }
0x17a: {  	_ =	swait.ge [sflag:s22], $0x2000  }
0x17b: {  	[sflag:s22] =	ssyncset.done $0x0  }
0x17c: {  	[sflag:s22] =	ssyncadd.s32 $0xFFFFE000  }
0x17d: {  	_ =	swait.ge [sflag:s22], $0x2000  }
0x17e: {  	s0 =	sld [smem:$0x7FA]  }
0x17f: {  	[sflag:s22] =	ssyncset.done $0x0  }
0x180: {  	s23 =	sld [smem:$0x7FB];
	[sflag:s22] =	ssyncadd.s32 $0xFFFFE000  }
0x181: {  	[tilespmem:s7], [sflag:$0x1] =	stream.indirect.gather [hbm4b:s3+s6], $0x40, s0, s6, $0xb8;
	[tilespmem:$0x1AD00] =	vst v63  }
0x182: {  	s0 =	sld [smem:$0x7FC]  }
0x183: {  	[tilespmem:s8], [sflag:$0x1] =	stream.indirect.gather [hbm4b:s3+s6], $0x40, s23, s6, $0xb8;
	[tilespmem:$0x1AD00] =	vst v63  }
0x184: {  	s23 =	sld [smem:$0x7FD]  }
0x185: {  	[tilespmem:s9], [sflag:$0x1] =	stream.indirect.gather [hbm4b:s3+s6], $0x40, s0, s6, $0xb8;
	[tilespmem:$0x1AD00] =	vst v63  }
0x186: {  	_ = 	snop  }
0x187: {  	[tilespmem:s10], [sflag:$0x1] =	stream.indirect.gather [hbm4b:s3+s6], $0x40, s23, s6, $0xb8;
	[tilespmem:$0x1AD00] =	vst v63  }
0x188: {  	s23 =	simm.s32 $0x880  }
0x189: {  	[tilespmem:s11], [sflag:$0x1] =	stream.indirect.gather [hbm4b:s3+s6], $0x40, s23, s6, $0xb8;
	[tilespmem:$0x1AD00] =	vst v63  }
0x18a: {  	_ = 	snop  }
0x18b: {  	[tilespmem:s12], [sflag:$0x1] =	stream.indirect.gather [hbm4b:s3+s6], $0x40, s24, s6, $0xb8;
	[tilespmem:$0x1AD00] =	vst v63  }
0x18c: {  	_ = 	snop  }
0x18d: {  	[tilespmem:s13], [sflag:$0x1] =	stream.indirect.gather [hbm4b:s3+s6], $0x40, s25, s6, $0xb8;
	[tilespmem:$0x1AD00] =	vst v63  }
0x18e: {  	_ = 	snop  }
0x18f: {  	[tilespmem:s14], [sflag:$0x1] =	stream.indirect.gather [hbm4b:s3+s6], $0x40, s26, s6, $0xb8;
	[tilespmem:$0x1AD00] =	vst v63  }
0x190: {  	_ = 	snop  }
0x191: {  	[tilespmem:s15], [sflag:$0x1] =	stream.indirect.gather [hbm4b:s3+s6], $0x40, s28, s6, $0xb8;
	[tilespmem:$0x1AD00] =	vst v63  }
0x192: {  	_ = 	snop  }
0x193: {  	[tilespmem:s16], [sflag:$0x1] =	stream.indirect.gather [hbm4b:s3+s6], $0x40, s29, s6, $0xb8;
	[tilespmem:$0x1AD00] =	vst v63  }
0x194: {  	_ = 	snop  }
0x195: {  	[tilespmem:s17], [sflag:$0x1] =	stream.indirect.gather [hbm4b:s3+s6], $0x40, s30, s6, $0xb8;
	[tilespmem:$0x1AD00] =	vst v63  }
0x196: {  	_ = 	snop  }
0x197: {  	[tilespmem:s18], [sflag:$0x1] =	stream.indirect.gather [hbm4b:s3+s6], $0x40, s31, s6, $0xb8;
	[tilespmem:$0x1AD00] =	vst v63  }
0x198: {  	_ = 	snop  }
0x199: {  	[tilespmem:s19], [sflag:$0x1] =	stream.indirect.gather [hbm4b:s3+s6], $0x40, s1, s6, $0xb8;
	[tilespmem:$0x1AD00] =	vst v63  }
0x19a: {  	_ =	swait.ge [sflag:s20], $0x2000  }
0x19b: {  	[sflag:s20] =	ssyncset.done $0x0  }
0x19c: {  	s23 =	rddreg [dreg:$0x10];
	[sflag:s20] =	ssyncadd.s32 $0xFFFFE000  }
0x19d: {  	[hbm4b:s23+s21] =	stream.strided.scatter [tilespmem:s7], [sflag:$0x2], $0x2000, s6, s21, $0x38;
	[tilespmem:$0x1AD00] =	vst v63  }
0x19e: {  	_ =	swait.ge [sflag:s20], $0x2000  }
0x19f: {  	[sflag:s20] =	ssyncset.done $0x0  }
0x1a0: {  	s23 =	rddreg [dreg:$0x11];
	[sflag:s20] =	ssyncadd.s32 $0xFFFFE000  }
0x1a1: {  	[hbm4b:s23+s21] =	stream.strided.scatter [tilespmem:s8], [sflag:$0x2], $0x2000, s6, s21, $0x38;
	[tilespmem:$0x1AD00] =	vst v63  }
0x1a2: {  	_ =	swait.ge [sflag:s20], $0x2000  }
0x1a3: {  	[sflag:s20] =	ssyncset.done $0x0  }
0x1a4: {  	s23 =	rddreg [dreg:$0x12];
	[sflag:s20] =	ssyncadd.s32 $0xFFFFE000  }
0x1a5: {  	[hbm4b:s23+s21] =	stream.strided.scatter [tilespmem:s9], [sflag:$0x2], $0x2000, s6, s21, $0x38;
	[tilespmem:$0x1AD00] =	vst v63  }
0x1a6: {  	_ =	swait.ge [sflag:s20], $0x2000  }
0x1a7: {  	[sflag:s20] =	ssyncset.done $0x0  }
0x1a8: {  	s23 =	rddreg [dreg:$0x13];
	[sflag:s20] =	ssyncadd.s32 $0xFFFFE000  }
0x1a9: {  	[hbm4b:s23+s21] =	stream.strided.scatter [tilespmem:s10], [sflag:$0x2], $0x2000, s6, s21, $0x38;
	[tilespmem:$0x1AD00] =	vst v63  }
0x1aa: {  	_ =	swait.ge [sflag:s20], $0x2000  }
0x1ab: {  	[sflag:s20] =	ssyncset.done $0x0  }
0x1ac: {  	s23 =	rddreg [dreg:$0x14];
	[sflag:s20] =	ssyncadd.s32 $0xFFFFE000  }
0x1ad: {  	[hbm4b:s23+s21] =	stream.strided.scatter [tilespmem:s11], [sflag:$0x2], $0x2000, s6, s21, $0x38;
	[tilespmem:$0x1AD00] =	vst v63  }
0x1ae: {  	_ =	swait.ge [sflag:s20], $0x2000  }
0x1af: {  	[sflag:s20] =	ssyncset.done $0x0  }
0x1b0: {  	s23 =	rddreg [dreg:$0x15];
	[sflag:s20] =	ssyncadd.s32 $0xFFFFE000  }
0x1b1: {  	[hbm4b:s23+s21] =	stream.strided.scatter [tilespmem:s12], [sflag:$0x2], $0x2000, s6, s21, $0x38;
	[tilespmem:$0x1AD00] =	vst v63  }
0x1b2: {  	_ =	swait.ge [sflag:s20], $0x2000  }
0x1b3: {  	[sflag:s20] =	ssyncset.done $0x0  }
0x1b4: {  	s23 =	rddreg [dreg:$0x16];
	[sflag:s20] =	ssyncadd.s32 $0xFFFFE000  }
0x1b5: {  	[hbm4b:s23+s21] =	stream.strided.scatter [tilespmem:s13], [sflag:$0x2], $0x2000, s6, s21, $0x38;
	[tilespmem:$0x1AD00] =	vst v63  }
0x1b6: {  	_ =	swait.ge [sflag:s20], $0x2000  }
0x1b7: {  	[sflag:s20] =	ssyncset.done $0x0  }
0x1b8: {  	s23 =	rddreg [dreg:$0x17];
	[sflag:s20] =	ssyncadd.s32 $0xFFFFE000  }
0x1b9: {  	[hbm4b:s23+s21] =	stream.strided.scatter [tilespmem:s14], [sflag:$0x2], $0x2000, s6, s21, $0x38;
	[tilespmem:$0x1AD00] =	vst v63  }
0x1ba: {  	_ =	swait.ge [sflag:s20], $0x2000  }
0x1bb: {  	[sflag:s20] =	ssyncset.done $0x0  }
0x1bc: {  	s23 =	rddreg [dreg:$0x18];
	[sflag:s20] =	ssyncadd.s32 $0xFFFFE000  }
0x1bd: {  	[hbm4b:s23+s21] =	stream.strided.scatter [tilespmem:s15], [sflag:$0x2], $0x2000, s6, s21, $0x38;
	[tilespmem:$0x1AD00] =	vst v63  }
0x1be: {  	_ =	swait.ge [sflag:s20], $0x2000  }
0x1bf: {  	[sflag:s20] =	ssyncset.done $0x0  }
0x1c0: {  	s23 =	rddreg [dreg:$0x19];
	[sflag:s20] =	ssyncadd.s32 $0xFFFFE000  }
0x1c1: {  	[hbm4b:s23+s21] =	stream.strided.scatter [tilespmem:s16], [sflag:$0x2], $0x2000, s6, s21, $0x38;
	[tilespmem:$0x1AD00] =	vst v63  }
0x1c2: {  	_ =	swait.ge [sflag:s20], $0x2000  }
0x1c3: {  	[sflag:s20] =	ssyncset.done $0x0  }
0x1c4: {  	s23 =	rddreg [dreg:$0x1a];
	[sflag:s20] =	ssyncadd.s32 $0xFFFFE000  }
0x1c5: {  	[hbm4b:s23+s21] =	stream.strided.scatter [tilespmem:s17], [sflag:$0x2], $0x2000, s6, s21, $0x38;
	[tilespmem:$0x1AD00] =	vst v63  }
0x1c6: {  	_ =	swait.ge [sflag:s20], $0x2000  }
0x1c7: {  	[sflag:s20] =	ssyncset.done $0x0  }
0x1c8: {  	s23 =	rddreg [dreg:$0x1b];
	[sflag:s20] =	ssyncadd.s32 $0xFFFFE000  }
0x1c9: {  	[hbm4b:s23+s21] =	stream.strided.scatter [tilespmem:s18], [sflag:$0x2], $0x2000, s6, s21, $0x38;
	[tilespmem:$0x1AD00] =	vst v63  }
0x1ca: {  	_ =	swait.ge [sflag:s20], $0x2000  }
0x1cb: {  	[sflag:s20] =	ssyncset.done $0x0  }
0x1cc: {  	s23 =	rddreg [dreg:$0x1c];
	[sflag:s20] =	ssyncadd.s32 $0xFFFFE000  }
0x1cd: {  	[hbm4b:s23+s21] =	stream.strided.scatter [tilespmem:s19], [sflag:$0x2], $0x2000, s6, s21, $0x38;
	[tilespmem:$0x1AD00] =	vst v63  }
0x1ce: {  	_ =	swait.ge [sflag:s22], $0x2000  }
0x1cf: {  	[sflag:s22] =	ssyncset.done $0x0  }
0x1d0: {  	[sflag:s22] =	ssyncadd.s32 $0xFFFFE000  }
0x1d1: {  	_ =	swait.ge [sflag:s22], $0x2000  }
0x1d2: {  	[sflag:s22] =	ssyncset.done $0x0  }
0x1d3: {  	[sflag:s22] =	ssyncadd.s32 $0xFFFFE000  }
0x1d4: {  	_ =	swait.ge [sflag:s22], $0x2000  }
0x1d5: {  	[sflag:s22] =	ssyncset.done $0x0  }
0x1d6: {  	[sflag:s22] =	ssyncadd.s32 $0xFFFFE000  }
0x1d7: {  	_ =	swait.ge [sflag:s22], $0x2000  }
0x1d8: {  	[sflag:s22] =	ssyncset.done $0x0  }
0x1d9: {  	[sflag:s22] =	ssyncadd.s32 $0xFFFFE000  }
0x1da: {  	_ =	swait.ge [sflag:s22], $0x2000  }
0x1db: {  	[sflag:s22] =	ssyncset.done $0x0  }
0x1dc: {  	[sflag:s22] =	ssyncadd.s32 $0xFFFFE000  }
0x1dd: {  	_ =	swait.ge [sflag:s22], $0x2000  }
0x1de: {  	[sflag:s22] =	ssyncset.done $0x0  }
0x1df: {  	[sflag:s22] =	ssyncadd.s32 $0xFFFFE000  }
0x1e0: {  	_ =	swait.ge [sflag:s22], $0x2000  }
0x1e1: {  	[sflag:s22] =	ssyncset.done $0x0  }
0x1e2: {  	[sflag:s22] =	ssyncadd.s32 $0xFFFFE000  }
0x1e3: {  	_ =	swait.ge [sflag:s22], $0x2000  }
0x1e4: {  	[sflag:s22] =	ssyncset.done $0x0  }
0x1e5: {  	[sflag:s22] =	ssyncadd.s32 $0xFFFFE000  }
0x1e6: {  	_ =	swait.ge [sflag:s22], $0x2000  }
0x1e7: {  	[sflag:s22] =	ssyncset.done $0x0  }
0x1e8: {  	[sflag:s22] =	ssyncadd.s32 $0xFFFFE000  }
0x1e9: {  	_ =	swait.ge [sflag:s22], $0x2000  }
0x1ea: {  	[sflag:s22] =	ssyncset.done $0x0  }
0x1eb: {  	[sflag:s22] =	ssyncadd.s32 $0xFFFFE000  }
0x1ec: {  	_ =	swait.ge [sflag:s22], $0x2000  }
0x1ed: {  	[sflag:s22] =	ssyncset.done $0x0  }
0x1ee: {  	[sflag:s22] =	ssyncadd.s32 $0xFFFFE000  }
0x1ef: {  	p0 =	sne.s32 s4, $0x1;
	_ =	swait.ge [sflag:s22], $0x2000  }
.Ltmp0:
0x1f0: {  	[sflag:s22] =	ssyncset.done $0x0;
	(pc) =	sbr.rel @p0 .LBB2_1-.Ltmp0, $4  }
0x1f1: {  	[sflag:s22] =	ssyncadd.s32 $0xFFFFE000  }
0x1f2: {  	_ =	swait.ge [sflag:s22], $0x2000  }
0x1f3: {  	[sflag:s22] =	ssyncset.done $0x0  }
0x1f4: {  	s4 =	sadd.s32 $0xFFFFFFFF, s4;
	[sflag:s22] =	ssyncadd.s32 $0xFFFFE000  }
0x1f5: {  	_ =	sfence.sel $0x180000  }
0x1f6: {  	[bflag:$0x0] =	sbarrier.arrive $0xFFFF  }
0x1f7: {  	_ =	strace $0x90000047  }
0x1f8: {  	s0 =	stileid.u32;
	[bflag:$0x2] =	sbarrier.arrive $0xFFFF  }
0x1f9: {  	p0 =	sne.s32 s0, $0x0;
	s0 =	rddreg [dreg:$0x1]  }
0x1fa: {  	s0 =	sadd.s32 @!p0 $0x100000, s0  }
0x1fb: {  	[sflag:s0] =	ssyncadd.tile.s32 @!p0 $0x1;
	_ =	shalt  }
.Lfunc_end2:
_tile_overlayer_lowered:
.L_overlay_start_2:
0x1fc: {  	(tag) =	ssettag $0x2  }
0x1fd: {  	s0 =	rddreg [dreg:$0x0];
	s2 =	stileid.u32  }
0x1fe: {  	s1 =	rddreg [dreg:$0x1];
	p0 =	sne.s32 s2, $0x0  }
0x1ff: {  	s3 =	rddreg [dreg:$0x2];
	[bflag:$0x3] =	sbarrier.arrive $0xFFFF;
	s2 =	simm.s32 @!p0 $0x1C03  }
0x200: {  	[timem:s3], [sflag:s2] =	dma.local @!p0 [hbm:s0], s1  }
0x201: {  	s0 =	simm.s32 @!p0 $0x3  }
0x202: {  	_ =	swait.ge @!p0 [sflag:s0], s1  }
0x203: {  	s1 =	ssub.s32 @!p0 $0x0, s1;
	[sflag:s0] =	ssyncset.done @!p0 $0x0  }
0x204: {  	[sflag:s0] =	ssyncadd.s32 @!p0 s1  }
0x205: {  	[bflag:$0x3] =	sbarrier.arrive $0xFFFF  }
0x206: {  	_ =	shalt  }

</sc_bundles>
